<compile_context>
chip_gen: v7x
topology: tpu7x:2x2x1
jax: 0.10.2.dev20260603
libtpu: 0.0.44.dev20260713+nightly
codegen_flags: <defaults>
</compile_context>

<pallas_src>
import functools

import jax
import jax.numpy as jnp
from jax import lax
from jax.experimental import pallas as pl
from jax.experimental.pallas import tpu as pltpu
from jax.experimental.pallas import tpu_sc as plsc

N = 10000
E = 320000
D = 128
H = 128
C = 10
G = 64

NC = 2
NS = 16

KC = 128
NG = 80
NG0 = 144
NG1 = 2 * NG - NG0
E_PAD = (NG0 + NG1) * KC * NS
NP = 10240
RPT = NP // NS
ZR = 128
NZ = RPT // ZR
NB = 8

BN = 2000


def _sc_mesh():
    return plsc.VectorSubcoreMesh(core_axis_name="c", subcore_axis_name="s",
                                  num_cores=NC, num_subcores=NS)



def _edge_loop(srcm, dstm, tbl, srcv, dstv, rows, sems, acc_sh,
               base_row, ng, deg_sh=None, degv=None):
    def blk(b, carry):
        pltpu.sync_copy(srcm.at[pl.ds(base_row + b * NB, NB)], srcv)
        pltpu.sync_copy(dstm.at[pl.ds(base_row + b * NB, NB)], dstv)
        desc = pltpu.async_copy(tbl.at[srcv.at[0]], rows[0], sems[0])
        for gg in range(NB):
            desc.wait()
            if gg + 1 < NB:
                desc = pltpu.async_copy(tbl.at[srcv.at[gg + 1]],
                                        rows[(gg + 1) % 2], sems[(gg + 1) % 2])
            pltpu.sync_copy(rows[gg % 2], acc_sh.at[dstv.at[gg]], add=True)
            if deg_sh is not None:
                pltpu.sync_copy(degv, deg_sh.at[dstv.at[gg]], add=True)
        return carry

    lax.fori_loop(0, ng // NB, blk, 0)


def _sc_agg_deg_body(tbl, srcm, dstm, zrow, zd1, on1, agg_out, deg_out,
                     srcv, dstv, rows0, rows1, degv, sem0, sem1,
                     acc_sh, deg_sh):
    c = lax.axis_index("c")
    s = lax.axis_index("s")
    rows = (rows0, rows1)
    sems = (sem0, sem1)
    pltpu.sync_copy(zrow, rows0)
    pltpu.sync_copy(zd1, degv)
    for z in range(NZ):
        pltpu.sync_copy(rows0, acc_sh.at[pl.ds(s * RPT + z * ZR, ZR)])
        pltpu.sync_copy(degv, deg_sh.at[pl.ds(s * RPT + z * ZR, ZR)])
    pltpu.sync_copy(on1, degv)
    plsc.subcore_barrier()

    @pl.when(c == 0)
    def _():
        _edge_loop(srcm, dstm, tbl, srcv, dstv, rows, sems, acc_sh,
                   s * NG0, NG0, deg_sh, degv)

    @pl.when(c == 1)
    def _():
        _edge_loop(srcm, dstm, tbl, srcv, dstv, rows, sems, acc_sh,
                   NS * NG0 + s * NG1, NG1, deg_sh, degv)

    plsc.subcore_barrier()
    for z in range(NZ):
        pltpu.sync_copy(acc_sh.at[pl.ds(s * RPT + z * ZR, ZR)], rows0)
        pltpu.sync_copy(rows0, agg_out.at[c, pl.ds(s * RPT + z * ZR, ZR)])
        pltpu.sync_copy(deg_sh.at[pl.ds(s * RPT + z * ZR, ZR)], degv)
        pltpu.sync_copy(degv, deg_out.at[c, pl.ds(s * RPT + z * ZR, ZR)])


def _sc_agg_body(tbl, srcm, dstm, zrow, agg_out,
                 srcv, dstv, rows0, rows1, sem0, sem1, acc_sh):
    c = lax.axis_index("c")
    s = lax.axis_index("s")
    rows = (rows0, rows1)
    sems = (sem0, sem1)
    pltpu.sync_copy(zrow, rows0)
    for z in range(NZ):
        pltpu.sync_copy(rows0, acc_sh.at[pl.ds(s * RPT + z * ZR, ZR)])
    plsc.subcore_barrier()

    @pl.when(c == 0)
    def _():
        _edge_loop(srcm, dstm, tbl, srcv, dstv, rows, sems, acc_sh,
                   s * NG0, NG0)

    @pl.when(c == 1)
    def _():
        _edge_loop(srcm, dstm, tbl, srcv, dstv, rows, sems, acc_sh,
                   NS * NG0 + s * NG1, NG1)

    plsc.subcore_barrier()
    for z in range(NZ):
        pltpu.sync_copy(acc_sh.at[pl.ds(s * RPT + z * ZR, ZR)], rows0)
        pltpu.sync_copy(rows0, agg_out.at[c, pl.ds(s * RPT + z * ZR, ZR)])


@functools.lru_cache(maxsize=None)
def _make_sc_kernels():
    base = [
        pltpu.VMEM((NB, KC), jnp.int32),
        pltpu.VMEM((NB, KC), jnp.int32),
        pltpu.VMEM((KC, H), jnp.float32),
        pltpu.VMEM((KC, H), jnp.float32),
    ]
    agg_deg = pl.kernel(
        _sc_agg_deg_body,
        out_type=[jax.ShapeDtypeStruct((NC, NP, H), jnp.float32),
                  jax.ShapeDtypeStruct((NC, NP), jnp.float32)],
        mesh=_sc_mesh(),
        scratch_types=base + [
            pltpu.VMEM((KC,), jnp.float32),
            pltpu.SemaphoreType.DMA,
            pltpu.SemaphoreType.DMA,
            pltpu.VMEM_SHARED((NP, H), jnp.float32),
            pltpu.VMEM_SHARED((NP,), jnp.float32),
        ],
    )
    agg = pl.kernel(
        _sc_agg_body,
        out_type=[jax.ShapeDtypeStruct((NC, NP, H), jnp.float32)],
        mesh=_sc_mesh(),
        scratch_types=base + [
            pltpu.SemaphoreType.DMA,
            pltpu.SemaphoreType.DMA,
            pltpu.VMEM_SHARED((NP, H), jnp.float32),
        ],
    )
    return agg_deg, agg



def _mm_body(x_ref, w_ref, out_ref):
    out_ref[...] = lax.dot_general(
        x_ref[...], w_ref[...], (((1,), (1,)), ((), ())),
        preferred_element_type=jnp.float32)


def _mm(x, w):
    return pl.pallas_call(
        _mm_body,
        grid=(N // BN,),
        in_specs=[pl.BlockSpec((BN, D), lambda i: (i, 0)),
                  pl.BlockSpec((H, D), lambda i: (0, 0))],
        out_specs=pl.BlockSpec((BN, H), lambda i: (i, 0)),
        out_shape=jax.ShapeDtypeStruct((N, H), jnp.float32),
    )(x, w)


def _combine_body(agg_ref, deg_ref, x_ref, wr_ref, bl_ref, wl2_ref,
                  h_ref, tbl2_ref):
    aggc = agg_ref[0] + agg_ref[1]
    degc = jnp.maximum(deg_ref[0] + deg_ref[1], 1.0)
    root = lax.dot_general(x_ref[...], wr_ref[...], (((1,), (1,)), ((), ())),
                           preferred_element_type=jnp.float32)
    h = jnp.maximum(aggc / degc + bl_ref[...] + root, 0.0)
    h_ref[...] = h
    tbl2_ref[...] = lax.dot_general(h, wl2_ref[...], (((1,), (1,)), ((), ())),
                                    preferred_element_type=jnp.float32)


def _combine1(agg, deg, x, wr, bl, wl2):
    return pl.pallas_call(
        _combine_body,
        grid=(N // BN,),
        in_specs=[pl.BlockSpec((NC, BN, H), lambda i: (0, i, 0)),
                  pl.BlockSpec((NC, BN, 1), lambda i: (0, i, 0)),
                  pl.BlockSpec((BN, D), lambda i: (i, 0)),
                  pl.BlockSpec((H, D), lambda i: (0, 0)),
                  pl.BlockSpec((1, H), lambda i: (0, 0)),
                  pl.BlockSpec((H, H), lambda i: (0, 0))],
        out_specs=[pl.BlockSpec((BN, H), lambda i: (i, 0)),
                   pl.BlockSpec((BN, H), lambda i: (i, 0))],
        out_shape=[jax.ShapeDtypeStruct((N, H), jnp.float32),
                   jax.ShapeDtypeStruct((N, H), jnp.float32)],
    )(agg, deg, x, wr, bl, wl2)


def _pool_body(agg_ref, deg_ref, h1_ref, wr2_ref, bl2_ref, batch_ref,
               pooled_ref):
    aggc = agg_ref[0] + agg_ref[1]
    degc = jnp.maximum(deg_ref[0] + deg_ref[1], 1.0)
    root = lax.dot_general(h1_ref[...], wr2_ref[...], (((1,), (1,)), ((), ())),
                           preferred_element_type=jnp.float32)
    h2 = jnp.maximum(aggc / degc + bl2_ref[...] + root, 0.0)
    gi = lax.broadcasted_iota(jnp.int32, (BN, G), 1)
    mask = (gi == batch_ref[...]).astype(jnp.float32)
    contrib = lax.dot_general(mask, h2, (((0,), (0,)), ((), ())),
                              preferred_element_type=jnp.float32)

    @pl.when(pl.program_id(0) == 0)
    def _():
        pooled_ref[...] = jnp.zeros_like(pooled_ref)

    pooled_ref[...] += contrib


def _pool(agg, deg, h1, wr2, bl2, batch_col):
    return pl.pallas_call(
        _pool_body,
        grid=(N // BN,),
        in_specs=[pl.BlockSpec((NC, BN, H), lambda i: (0, i, 0)),
                  pl.BlockSpec((NC, BN, 1), lambda i: (0, i, 0)),
                  pl.BlockSpec((BN, H), lambda i: (i, 0)),
                  pl.BlockSpec((H, H), lambda i: (0, 0)),
                  pl.BlockSpec((1, H), lambda i: (0, 0)),
                  pl.BlockSpec((BN, 1), lambda i: (i, 0))],
        out_specs=pl.BlockSpec((G, H), lambda i: (0, 0)),
        out_shape=jax.ShapeDtypeStruct((G, H), jnp.float32),
    )(agg, deg, h1, wr2, bl2, batch_col)


def _classify_body(pooled_ref, wc_ref, bc_ref, out_ref):
    z = lax.dot_general(pooled_ref[...], wc_ref[...], (((1,), (1,)), ((), ())),
                        preferred_element_type=jnp.float32)
    out_ref[...] = jax.nn.sigmoid(z + bc_ref[...])


def _classify(pooled, wc, bc):
    return pl.pallas_call(
        _classify_body,
        out_shape=jax.ShapeDtypeStruct((G, C), jnp.float32),
    )(pooled, wc, bc)



def kernel(x, edge_index, batch, Wl1, bl1, Wr1, Wl2, bl2, Wr2, Wc, bc):
    src = edge_index[0]
    dst = edge_index[1]
    pad = E_PAD - E
    srcp = jnp.concatenate([src, jnp.zeros((pad,), jnp.int32)])
    dstp = jnp.concatenate([dst, jnp.full((pad,), N, dtype=jnp.int32)])
    srcm = srcp.reshape(E_PAD // KC, KC)
    dstm = dstp.reshape(E_PAD // KC, KC)
    zrow = jnp.zeros((ZR, H), jnp.float32)
    zd1 = jnp.zeros((ZR,), jnp.float32)
    on1 = jnp.ones((KC,), jnp.float32)

    sc_agg_deg, sc_agg = _make_sc_kernels()
    tbl1 = _mm(x, Wl1)
    agg1, deg = sc_agg_deg(tbl1, srcm, dstm, zrow, zd1, on1)
    deg = deg.reshape(NC, NP, 1)
    h1, tbl2 = _combine1(agg1, deg, x, Wr1, bl1.reshape(1, H), Wl2)
    agg2 = sc_agg(tbl2, srcm, dstm, zrow)
    if isinstance(agg2, (list, tuple)):
        agg2 = agg2[0]
    pooled = _pool(agg2, deg, h1, Wr2, bl2.reshape(1, H),
                   batch.reshape(N, 1))
    return _classify(pooled, Wc, bc.reshape(1, C))

# --- scband reference (transcript-rebuilt; emitter-appended) ---
"""Pipeline reference for scband-gcn-30803505447557 (READ-ONLY COPY).

The authoritative reference and input builder live on the scoring server;
editing this copy changes nothing except your own understanding.
"""

import jax, jax.numpy as jnp
import numpy as np

N = 10000   # n_nodes
E = 320000  # n_edges
D = 128     # in_channels
H = 128     # hidden_channels
C = 10      # out_channels
G = 64      # num graphs in batch


def setup_inputs(seed: int = 0) -> dict:
    key = jax.random.key(seed)
    ks = jax.random.split(key, 12)
    x = jax.random.normal(ks[0], (N, D), dtype=jnp.float32)
    edge_index = jax.random.randint(ks[1], (2, E), 0, N, dtype=jnp.int32)
    batch = jnp.sort(jax.random.randint(ks[2], (N,), 0, G, dtype=jnp.int32))
    # SAGEConv params: lin_l (neighbor aggregate, with bias), lin_r (root, no bias)
    Wl1 = jax.random.normal(ks[3], (H, D), dtype=jnp.float32) * (1.0 / np.sqrt(D))
    bl1 = jnp.zeros((H,), dtype=jnp.float32)
    Wr1 = jax.random.normal(ks[4], (H, D), dtype=jnp.float32) * (1.0 / np.sqrt(D))
    Wl2 = jax.random.normal(ks[5], (H, H), dtype=jnp.float32) * (1.0 / np.sqrt(H))
    bl2 = jnp.zeros((H,), dtype=jnp.float32)
    Wr2 = jax.random.normal(ks[6], (H, H), dtype=jnp.float32) * (1.0 / np.sqrt(H))
    Wc = jax.random.normal(ks[7], (C, H), dtype=jnp.float32) * (1.0 / np.sqrt(H))
    bc = jnp.zeros((C,), dtype=jnp.float32)
    return {"x": x, "edge_index": edge_index, "batch": batch,
            "Wl1": Wl1, "bl1": bl1, "Wr1": Wr1,
            "Wl2": Wl2, "bl2": bl2, "Wr2": Wr2,
            "Wc": Wc, "bc": bc}


def _sage_conv(x, src, dst, Wl, bl, Wr, num_nodes):
    # message = x[src]; mean-aggregate at dst; out = lin_l(mean) + lin_r(x)
    msg = jnp.take(x, src, axis=0)
    agg = jax.ops.segment_sum(msg, dst, num_segments=num_nodes)
    deg = jax.ops.segment_sum(jnp.ones((msg.shape[0],), dtype=x.dtype), dst,
                              num_segments=num_nodes)
    mean = agg / jnp.clip(deg, 1.0, None)[:, None]
    return mean @ Wl.T + bl + x @ Wr.T


def reference(x, edge_index, batch, Wl1, bl1, Wr1, Wl2, bl2, Wr2, Wc, bc):
    src, dst = edge_index[0], edge_index[1]
    h = jax.nn.relu(_sage_conv(x, src, dst, Wl1, bl1, Wr1, N))
    h = jax.nn.relu(_sage_conv(h, src, dst, Wl2, bl2, Wr2, N))
    pooled = jax.ops.segment_sum(h, batch, num_segments=G)  # global_add_pool
    out = jax.nn.sigmoid(pooled @ Wc.T + bc)
    return out

if __name__ == "__main__":
    import jax
    _d = setup_inputs()
    print(jax.jit(kernel)(*tuple(_d.values())))

</pallas_src>

<mosaic_0001>
#map = affine_map<(d0, d1) -> (0, 0)>
#map1 = affine_map<(d0, d1) -> (0)>
#map2 = affine_map<(d0, d1) -> (0, 0, 0)>
module attributes {stable_mosaic.version = 14 : i64} {
  func.func @_sc_agg_deg_body(%arg0: i32, %arg1: i32, %arg2: memref<10000x128xf32, #tpu.memory_space<hbm>>, %arg3: memref<2560x128xi32, #tpu.memory_space<hbm>>, %arg4: memref<2560x128xi32, #tpu.memory_space<hbm>>, %arg5: memref<128x128xf32, #tpu.memory_space<hbm>>, %arg6: memref<128xf32, #tpu.memory_space<hbm>>, %arg7: memref<128xf32, #tpu.memory_space<hbm>>, %arg8: memref<2x10240x128xf32, #tpu.memory_space<hbm>>, %arg9: memref<2x10240xf32, #tpu.memory_space<hbm>>, %arg10: memref<8x128xi32, #tpu.memory_space<vmem>>, %arg11: memref<8x128xi32, #tpu.memory_space<vmem>>, %arg12: memref<128x128xf32, #tpu.memory_space<vmem>>, %arg13: memref<128x128xf32, #tpu.memory_space<vmem>>, %arg14: memref<128xf32, #tpu.memory_space<vmem>>, %arg15: memref<!tpu.dma_semaphore, #tpu.memory_space<semaphore_mem>>, %arg16: memref<!tpu.dma_semaphore, #tpu.memory_space<semaphore_mem>>, %arg17: memref<10240x128xf32, #tpu.memory_space<vmem_shared>>, %arg18: memref<10240xf32, #tpu.memory_space<vmem_shared>>) attributes {dimension_semantics = [#tpu.dimension_semantics<core_parallel>, #tpu.dimension_semantics<subcore_parallel>], iteration_bounds = array<i64: 2, 16>, scalar_prefetch = 0 : i64, scratch_operands = 9 : i64, tpu.core_type = #tpu.core_type<sc_vector_subcore>, window_params = [{transform_indices = #map}, {transform_indices = #map}, {transform_indices = #map}, {transform_indices = #map}, {transform_indices = #map1}, {transform_indices = #map1}, {transform_indices = #map2}, {transform_indices = #map}]} {
    "tpu.region"() ({
      %run_scoped3A = tpu.sem_alloc : memref<!tpu.dma_semaphore, #tpu.memory_space<semaphore_mem>>
      tpu.enqueue_dma source(%arg5 : memref<128x128xf32, #tpu.memory_space<hbm>>) target(%arg12 : memref<128x128xf32, #tpu.memory_space<vmem>>) target_semaphore(%run_scoped3A : memref<!tpu.dma_semaphore, #tpu.memory_space<semaphore_mem>>)
      tpu.wait_dma2 semaphore(%run_scoped3A : memref<!tpu.dma_semaphore, #tpu.memory_space<semaphore_mem>>) src(%arg5 : memref<128x128xf32, #tpu.memory_space<hbm>>) dst(%arg12 : memref<128x128xf32, #tpu.memory_space<vmem>>)
      tpu.yield
    }) : () -> ()
    "tpu.region"() ({
      %run_scoped3A = tpu.sem_alloc : memref<!tpu.dma_semaphore, #tpu.memory_space<semaphore_mem>>
      tpu.enqueue_dma source(%arg6 : memref<128xf32, #tpu.memory_space<hbm>>) target(%arg14 : memref<128xf32, #tpu.memory_space<vmem>>) target_semaphore(%run_scoped3A : memref<!tpu.dma_semaphore, #tpu.memory_space<semaphore_mem>>)
      tpu.wait_dma2 semaphore(%run_scoped3A : memref<!tpu.dma_semaphore, #tpu.memory_space<semaphore_mem>>) src(%arg6 : memref<128xf32, #tpu.memory_space<hbm>>) dst(%arg14 : memref<128xf32, #tpu.memory_space<vmem>>)
      tpu.yield
    }) : () -> ()
    %mul3A = arith.constant 640 : i32
    %mul3A_0 = arith.muli %arg1, %mul3A : i32
    %add3A = arith.constant 0 : i32
    %add3A_1 = arith.addi %mul3A_0, %add3A : i32
    "tpu.region"() ({
      %run_scoped3A = tpu.sem_alloc : memref<!tpu.dma_semaphore, #tpu.memory_space<semaphore_mem>>
      %dma_start3A = arith.constant 0 : i32
      %dma_start3A_126 = tpu.memref_slice %arg17[%add3A_1, %dma_start3A] : memref<10240x128xf32, #tpu.memory_space<vmem_shared>> -> memref<128x128xf32, #tpu.memory_space<vmem_shared>>
      %dma_start3A_127 = arith.constant 0 : i32
      %dma_start3A_128 = tpu.memref_slice %arg17[%add3A_1, %dma_start3A_127] : memref<10240x128xf32, #tpu.memory_space<vmem_shared>> -> memref<128x128xf32, #tpu.memory_space<vmem_shared>>
      tpu.enqueue_dma source(%arg12 : memref<128x128xf32, #tpu.memory_space<vmem>>) target(%dma_start3A_128 : memref<128x128xf32, #tpu.memory_space<vmem_shared>>) target_semaphore(%run_scoped3A : memref<!tpu.dma_semaphore, #tpu.memory_space<semaphore_mem>>)
      %dma_wait3A = arith.constant 0 : i32
      %dma_wait3A_129 = tpu.memref_slice %arg17[%add3A_1, %dma_wait3A] : memref<10240x128xf32, #tpu.memory_space<vmem_shared>> -> memref<128x128xf32, #tpu.memory_space<vmem_shared>>
      %dma_wait3A_130 = arith.constant 0 : i32
      %dma_wait3A_131 = tpu.memref_slice %arg17[%add3A_1, %dma_wait3A_130] : memref<10240x128xf32, #tpu.memory_space<vmem_shared>> -> memref<128x128xf32, #tpu.memory_space<vmem_shared>>
      tpu.wait_dma2 semaphore(%run_scoped3A : memref<!tpu.dma_semaphore, #tpu.memory_space<semaphore_mem>>) src(%arg12 : memref<128x128xf32, #tpu.memory_space<vmem>>) dst(%dma_wait3A_131 : memref<128x128xf32, #tpu.memory_space<vmem_shared>>)
      tpu.yield
    }) : () -> ()
    %mul3A_2 = arith.constant 640 : i32
    %mul3A_3 = arith.muli %arg1, %mul3A_2 : i32
    %add3A_4 = arith.constant 0 : i32
    %add3A_5 = arith.addi %mul3A_3, %add3A_4 : i32
    "tpu.region"() ({
      %run_scoped3A = tpu.sem_alloc : memref<!tpu.dma_semaphore, #tpu.memory_space<semaphore_mem>>
      %dma_start3A = tpu.memref_slice %arg18[%add3A_5] : memref<10240xf32, #tpu.memory_space<vmem_shared>> -> memref<128xf32, #tpu.memory_space<vmem_shared>>
      %dma_start3A_126 = tpu.memref_slice %arg18[%add3A_5] : memref<10240xf32, #tpu.memory_space<vmem_shared>> -> memref<128xf32, #tpu.memory_space<vmem_shared>>
      tpu.enqueue_dma source(%arg14 : memref<128xf32, #tpu.memory_space<vmem>>) target(%dma_start3A_126 : memref<128xf32, #tpu.memory_space<vmem_shared>>) target_semaphore(%run_scoped3A : memref<!tpu.dma_semaphore, #tpu.memory_space<semaphore_mem>>)
      %dma_wait3A = tpu.memref_slice %arg18[%add3A_5] : memref<10240xf32, #tpu.memory_space<vmem_shared>> -> memref<128xf32, #tpu.memory_space<vmem_shared>>
      %dma_wait3A_127 = tpu.memref_slice %arg18[%add3A_5] : memref<10240xf32, #tpu.memory_space<vmem_shared>> -> memref<128xf32, #tpu.memory_space<vmem_shared>>
      tpu.wait_dma2 semaphore(%run_scoped3A : memref<!tpu.dma_semaphore, #tpu.memory_space<semaphore_mem>>) src(%arg14 : memref<128xf32, #tpu.memory_space<vmem>>) dst(%dma_wait3A_127 : memref<128xf32, #tpu.memory_space<vmem_shared>>)
      tpu.yield
    }) : () -> ()
    %mul3A_6 = arith.constant 640 : i32
    %mul3A_7 = arith.muli %arg1, %mul3A_6 : i32
    %add3A_8 = arith.constant 128 : i32
    %add3A_9 = arith.addi %mul3A_7, %add3A_8 : i32
    "tpu.region"() ({
      %run_scoped3A = tpu.sem_alloc : memref<!tpu.dma_semaphore, #tpu.memory_space<semaphore_mem>>
      %dma_start3A = arith.constant 0 : i32
      %dma_start3A_126 = tpu.memref_slice %arg17[%add3A_9, %dma_start3A] : memref<10240x128xf32, #tpu.memory_space<vmem_shared>> -> memref<128x128xf32, #tpu.memory_space<vmem_shared>>
      %dma_start3A_127 = arith.constant 0 : i32
      %dma_start3A_128 = tpu.memref_slice %arg17[%add3A_9, %dma_start3A_127] : memref<10240x128xf32, #tpu.memory_space<vmem_shared>> -> memref<128x128xf32, #tpu.memory_space<vmem_shared>>
      tpu.enqueue_dma source(%arg12 : memref<128x128xf32, #tpu.memory_space<vmem>>) target(%dma_start3A_128 : memref<128x128xf32, #tpu.memory_space<vmem_shared>>) target_semaphore(%run_scoped3A : memref<!tpu.dma_semaphore, #tpu.memory_space<semaphore_mem>>)
      %dma_wait3A = arith.constant 0 : i32
      %dma_wait3A_129 = tpu.memref_slice %arg17[%add3A_9, %dma_wait3A] : memref<10240x128xf32, #tpu.memory_space<vmem_shared>> -> memref<128x128xf32, #tpu.memory_space<vmem_shared>>
      %dma_wait3A_130 = arith.constant 0 : i32
      %dma_wait3A_131 = tpu.memref_slice %arg17[%add3A_9, %dma_wait3A_130] : memref<10240x128xf32, #tpu.memory_space<vmem_shared>> -> memref<128x128xf32, #tpu.memory_space<vmem_shared>>
      tpu.wait_dma2 semaphore(%run_scoped3A : memref<!tpu.dma_semaphore, #tpu.memory_space<semaphore_mem>>) src(%arg12 : memref<128x128xf32, #tpu.memory_space<vmem>>) dst(%dma_wait3A_131 : memref<128x128xf32, #tpu.memory_space<vmem_shared>>)
      tpu.yield
    }) : () -> ()
    %mul3A_10 = arith.constant 640 : i32
    %mul3A_11 = arith.muli %arg1, %mul3A_10 : i32
    %add3A_12 = arith.constant 128 : i32
    %add3A_13 = arith.addi %mul3A_11, %add3A_12 : i32
    "tpu.region"() ({
      %run_scoped3A = tpu.sem_alloc : memref<!tpu.dma_semaphore, #tpu.memory_space<semaphore_mem>>
      %dma_start3A = tpu.memref_slice %arg18[%add3A_13] : memref<10240xf32, #tpu.memory_space<vmem_shared>> -> memref<128xf32, #tpu.memory_space<vmem_shared>>
      %dma_start3A_126 = tpu.memref_slice %arg18[%add3A_13] : memref<10240xf32, #tpu.memory_space<vmem_shared>> -> memref<128xf32, #tpu.memory_space<vmem_shared>>
      tpu.enqueue_dma source(%arg14 : memref<128xf32, #tpu.memory_space<vmem>>) target(%dma_start3A_126 : memref<128xf32, #tpu.memory_space<vmem_shared>>) target_semaphore(%run_scoped3A : memref<!tpu.dma_semaphore, #tpu.memory_space<semaphore_mem>>)
      %dma_wait3A = tpu.memref_slice %arg18[%add3A_13] : memref<10240xf32, #tpu.memory_space<vmem_shared>> -> memref<128xf32, #tpu.memory_space<vmem_shared>>
      %dma_wait3A_127 = tpu.memref_slice %arg18[%add3A_13] : memref<10240xf32, #tpu.memory_space<vmem_shared>> -> memref<128xf32, #tpu.memory_space<vmem_shared>>
      tpu.wait_dma2 semaphore(%run_scoped3A : memref<!tpu.dma_semaphore, #tpu.memory_space<semaphore_mem>>) src(%arg14 : memref<128xf32, #tpu.memory_space<vmem>>) dst(%dma_wait3A_127 : memref<128xf32, #tpu.memory_space<vmem_shared>>)
      tpu.yield
    }) : () -> ()
    %mul3A_14 = arith.constant 640 : i32
    %mul3A_15 = arith.muli %arg1, %mul3A_14 : i32
    %add3A_16 = arith.constant 256 : i32
    %add3A_17 = arith.addi %mul3A_15, %add3A_16 : i32
    "tpu.region"() ({
      %run_scoped3A = tpu.sem_alloc : memref<!tpu.dma_semaphore, #tpu.memory_space<semaphore_mem>>
      %dma_start3A = arith.constant 0 : i32
      %dma_start3A_126 = tpu.memref_slice %arg17[%add3A_17, %dma_start3A] : memref<10240x128xf32, #tpu.memory_space<vmem_shared>> -> memref<128x128xf32, #tpu.memory_space<vmem_shared>>
      %dma_start3A_127 = arith.constant 0 : i32
      %dma_start3A_128 = tpu.memref_slice %arg17[%add3A_17, %dma_start3A_127] : memref<10240x128xf32, #tpu.memory_space<vmem_shared>> -> memref<128x128xf32, #tpu.memory_space<vmem_shared>>
      tpu.enqueue_dma source(%arg12 : memref<128x128xf32, #tpu.memory_space<vmem>>) target(%dma_start3A_128 : memref<128x128xf32, #tpu.memory_space<vmem_shared>>) target_semaphore(%run_scoped3A : memref<!tpu.dma_semaphore, #tpu.memory_space<semaphore_mem>>)
      %dma_wait3A = arith.constant 0 : i32
      %dma_wait3A_129 = tpu.memref_slice %arg17[%add3A_17, %dma_wait3A] : memref<10240x128xf32, #tpu.memory_space<vmem_shared>> -> memref<128x128xf32, #tpu.memory_space<vmem_shared>>
      %dma_wait3A_130 = arith.constant 0 : i32
      %dma_wait3A_131 = tpu.memref_slice %arg17[%add3A_17, %dma_wait3A_130] : memref<10240x128xf32, #tpu.memory_space<vmem_shared>> -> memref<128x128xf32, #tpu.memory_space<vmem_shared>>
      tpu.wait_dma2 semaphore(%run_scoped3A : memref<!tpu.dma_semaphore, #tpu.memory_space<semaphore_mem>>) src(%arg12 : memref<128x128xf32, #tpu.memory_space<vmem>>) dst(%dma_wait3A_131 : memref<128x128xf32, #tpu.memory_space<vmem_shared>>)
      tpu.yield
    }) : () -> ()
    %mul3A_18 = arith.constant 640 : i32
    %mul3A_19 = arith.muli %arg1, %mul3A_18 : i32
    %add3A_20 = arith.constant 256 : i32
    %add3A_21 = arith.addi %mul3A_19, %add3A_20 : i32
    "tpu.region"() ({
      %run_scoped3A = tpu.sem_alloc : memref<!tpu.dma_semaphore, #tpu.memory_space<semaphore_mem>>
      %dma_start3A = tpu.memref_slice %arg18[%add3A_21] : memref<10240xf32, #tpu.memory_space<vmem_shared>> -> memref<128xf32, #tpu.memory_space<vmem_shared>>
      %dma_start3A_126 = tpu.memref_slice %arg18[%add3A_21] : memref<10240xf32, #tpu.memory_space<vmem_shared>> -> memref<128xf32, #tpu.memory_space<vmem_shared>>
      tpu.enqueue_dma source(%arg14 : memref<128xf32, #tpu.memory_space<vmem>>) target(%dma_start3A_126 : memref<128xf32, #tpu.memory_space<vmem_shared>>) target_semaphore(%run_scoped3A : memref<!tpu.dma_semaphore, #tpu.memory_space<semaphore_mem>>)
      %dma_wait3A = tpu.memref_slice %arg18[%add3A_21] : memref<10240xf32, #tpu.memory_space<vmem_shared>> -> memref<128xf32, #tpu.memory_space<vmem_shared>>
      %dma_wait3A_127 = tpu.memref_slice %arg18[%add3A_21] : memref<10240xf32, #tpu.memory_space<vmem_shared>> -> memref<128xf32, #tpu.memory_space<vmem_shared>>
      tpu.wait_dma2 semaphore(%run_scoped3A : memref<!tpu.dma_semaphore, #tpu.memory_space<semaphore_mem>>) src(%arg14 : memref<128xf32, #tpu.memory_space<vmem>>) dst(%dma_wait3A_127 : memref<128xf32, #tpu.memory_space<vmem_shared>>)
      tpu.yield
    }) : () -> ()
    %mul3A_22 = arith.constant 640 : i32
    %mul3A_23 = arith.muli %arg1, %mul3A_22 : i32
    %add3A_24 = arith.constant 384 : i32
    %add3A_25 = arith.addi %mul3A_23, %add3A_24 : i32
    "tpu.region"() ({
      %run_scoped3A = tpu.sem_alloc : memref<!tpu.dma_semaphore, #tpu.memory_space<semaphore_mem>>
      %dma_start3A = arith.constant 0 : i32
      %dma_start3A_126 = tpu.memref_slice %arg17[%add3A_25, %dma_start3A] : memref<10240x128xf32, #tpu.memory_space<vmem_shared>> -> memref<128x128xf32, #tpu.memory_space<vmem_shared>>
      %dma_start3A_127 = arith.constant 0 : i32
      %dma_start3A_128 = tpu.memref_slice %arg17[%add3A_25, %dma_start3A_127] : memref<10240x128xf32, #tpu.memory_space<vmem_shared>> -> memref<128x128xf32, #tpu.memory_space<vmem_shared>>
      tpu.enqueue_dma source(%arg12 : memref<128x128xf32, #tpu.memory_space<vmem>>) target(%dma_start3A_128 : memref<128x128xf32, #tpu.memory_space<vmem_shared>>) target_semaphore(%run_scoped3A : memref<!tpu.dma_semaphore, #tpu.memory_space<semaphore_mem>>)
      %dma_wait3A = arith.constant 0 : i32
      %dma_wait3A_129 = tpu.memref_slice %arg17[%add3A_25, %dma_wait3A] : memref<10240x128xf32, #tpu.memory_space<vmem_shared>> -> memref<128x128xf32, #tpu.memory_space<vmem_shared>>
      %dma_wait3A_130 = arith.constant 0 : i32
      %dma_wait3A_131 = tpu.memref_slice %arg17[%add3A_25, %dma_wait3A_130] : memref<10240x128xf32, #tpu.memory_space<vmem_shared>> -> memref<128x128xf32, #tpu.memory_space<vmem_shared>>
      tpu.wait_dma2 semaphore(%run_scoped3A : memref<!tpu.dma_semaphore, #tpu.memory_space<semaphore_mem>>) src(%arg12 : memref<128x128xf32, #tpu.memory_space<vmem>>) dst(%dma_wait3A_131 : memref<128x128xf32, #tpu.memory_space<vmem_shared>>)
      tpu.yield
    }) : () -> ()
    %mul3A_26 = arith.constant 640 : i32
    %mul3A_27 = arith.muli %arg1, %mul3A_26 : i32
    %add3A_28 = arith.constant 384 : i32
    %add3A_29 = arith.addi %mul3A_27, %add3A_28 : i32
    "tpu.region"() ({
      %run_scoped3A = tpu.sem_alloc : memref<!tpu.dma_semaphore, #tpu.memory_space<semaphore_mem>>
      %dma_start3A = tpu.memref_slice %arg18[%add3A_29] : memref<10240xf32, #tpu.memory_space<vmem_shared>> -> memref<128xf32, #tpu.memory_space<vmem_shared>>
      %dma_start3A_126 = tpu.memref_slice %arg18[%add3A_29] : memref<10240xf32, #tpu.memory_space<vmem_shared>> -> memref<128xf32, #tpu.memory_space<vmem_shared>>
      tpu.enqueue_dma source(%arg14 : memref<128xf32, #tpu.memory_space<vmem>>) target(%dma_start3A_126 : memref<128xf32, #tpu.memory_space<vmem_shared>>) target_semaphore(%run_scoped3A : memref<!tpu.dma_semaphore, #tpu.memory_space<semaphore_mem>>)
      %dma_wait3A = tpu.memref_slice %arg18[%add3A_29] : memref<10240xf32, #tpu.memory_space<vmem_shared>> -> memref<128xf32, #tpu.memory_space<vmem_shared>>
      %dma_wait3A_127 = tpu.memref_slice %arg18[%add3A_29] : memref<10240xf32, #tpu.memory_space<vmem_shared>> -> memref<128xf32, #tpu.memory_space<vmem_shared>>
      tpu.wait_dma2 semaphore(%run_scoped3A : memref<!tpu.dma_semaphore, #tpu.memory_space<semaphore_mem>>) src(%arg14 : memref<128xf32, #tpu.memory_space<vmem>>) dst(%dma_wait3A_127 : memref<128xf32, #tpu.memory_space<vmem_shared>>)
      tpu.yield
    }) : () -> ()
    %mul3A_30 = arith.constant 640 : i32
    %mul3A_31 = arith.muli %arg1, %mul3A_30 : i32
    %add3A_32 = arith.constant 512 : i32
    %add3A_33 = arith.addi %mul3A_31, %add3A_32 : i32
    "tpu.region"() ({
      %run_scoped3A = tpu.sem_alloc : memref<!tpu.dma_semaphore, #tpu.memory_space<semaphore_mem>>
      %dma_start3A = arith.constant 0 : i32
      %dma_start3A_126 = tpu.memref_slice %arg17[%add3A_33, %dma_start3A] : memref<10240x128xf32, #tpu.memory_space<vmem_shared>> -> memref<128x128xf32, #tpu.memory_space<vmem_shared>>
      %dma_start3A_127 = arith.constant 0 : i32
      %dma_start3A_128 = tpu.memref_slice %arg17[%add3A_33, %dma_start3A_127] : memref<10240x128xf32, #tpu.memory_space<vmem_shared>> -> memref<128x128xf32, #tpu.memory_space<vmem_shared>>
      tpu.enqueue_dma source(%arg12 : memref<128x128xf32, #tpu.memory_space<vmem>>) target(%dma_start3A_128 : memref<128x128xf32, #tpu.memory_space<vmem_shared>>) target_semaphore(%run_scoped3A : memref<!tpu.dma_semaphore, #tpu.memory_space<semaphore_mem>>)
      %dma_wait3A = arith.constant 0 : i32
      %dma_wait3A_129 = tpu.memref_slice %arg17[%add3A_33, %dma_wait3A] : memref<10240x128xf32, #tpu.memory_space<vmem_shared>> -> memref<128x128xf32, #tpu.memory_space<vmem_shared>>
      %dma_wait3A_130 = arith.constant 0 : i32
      %dma_wait3A_131 = tpu.memref_slice %arg17[%add3A_33, %dma_wait3A_130] : memref<10240x128xf32, #tpu.memory_space<vmem_shared>> -> memref<128x128xf32, #tpu.memory_space<vmem_shared>>
      tpu.wait_dma2 semaphore(%run_scoped3A : memref<!tpu.dma_semaphore, #tpu.memory_space<semaphore_mem>>) src(%arg12 : memref<128x128xf32, #tpu.memory_space<vmem>>) dst(%dma_wait3A_131 : memref<128x128xf32, #tpu.memory_space<vmem_shared>>)
      tpu.yield
    }) : () -> ()
    %mul3A_34 = arith.constant 640 : i32
    %mul3A_35 = arith.muli %arg1, %mul3A_34 : i32
    %add3A_36 = arith.constant 512 : i32
    %add3A_37 = arith.addi %mul3A_35, %add3A_36 : i32
    "tpu.region"() ({
      %run_scoped3A = tpu.sem_alloc : memref<!tpu.dma_semaphore, #tpu.memory_space<semaphore_mem>>
      %dma_start3A = tpu.memref_slice %arg18[%add3A_37] : memref<10240xf32, #tpu.memory_space<vmem_shared>> -> memref<128xf32, #tpu.memory_space<vmem_shared>>
      %dma_start3A_126 = tpu.memref_slice %arg18[%add3A_37] : memref<10240xf32, #tpu.memory_space<vmem_shared>> -> memref<128xf32, #tpu.memory_space<vmem_shared>>
      tpu.enqueue_dma source(%arg14 : memref<128xf32, #tpu.memory_space<vmem>>) target(%dma_start3A_126 : memref<128xf32, #tpu.memory_space<vmem_shared>>) target_semaphore(%run_scoped3A : memref<!tpu.dma_semaphore, #tpu.memory_space<semaphore_mem>>)
      %dma_wait3A = tpu.memref_slice %arg18[%add3A_37] : memref<10240xf32, #tpu.memory_space<vmem_shared>> -> memref<128xf32, #tpu.memory_space<vmem_shared>>
      %dma_wait3A_127 = tpu.memref_slice %arg18[%add3A_37] : memref<10240xf32, #tpu.memory_space<vmem_shared>> -> memref<128xf32, #tpu.memory_space<vmem_shared>>
      tpu.wait_dma2 semaphore(%run_scoped3A : memref<!tpu.dma_semaphore, #tpu.memory_space<semaphore_mem>>) src(%arg14 : memref<128xf32, #tpu.memory_space<vmem>>) dst(%dma_wait3A_127 : memref<128xf32, #tpu.memory_space<vmem_shared>>)
      tpu.yield
    }) : () -> ()
    "tpu.region"() ({
      %run_scoped3A = tpu.sem_alloc : memref<!tpu.dma_semaphore, #tpu.memory_space<semaphore_mem>>
      tpu.enqueue_dma source(%arg7 : memref<128xf32, #tpu.memory_space<hbm>>) target(%arg14 : memref<128xf32, #tpu.memory_space<vmem>>) target_semaphore(%run_scoped3A : memref<!tpu.dma_semaphore, #tpu.memory_space<semaphore_mem>>)
      tpu.wait_dma2 semaphore(%run_scoped3A : memref<!tpu.dma_semaphore, #tpu.memory_space<semaphore_mem>>) src(%arg7 : memref<128xf32, #tpu.memory_space<hbm>>) dst(%arg14 : memref<128xf32, #tpu.memory_space<vmem>>)
      tpu.yield
    }) : () -> ()
    %barrier3A = arith.constant 0 : index
    tpu.barrier barrier_id(%barrier3A)
    %eq3A = arith.constant 0 : i32
    %eq3A_38 = arith.cmpi eq, %arg0, %eq3A : i32
    %convert_element_type3A = arith.extui %eq3A_38 : i1 to i32
    %cond3A = arith.constant 0 : i32
    %cond3A_39 = arith.cmpi ne, %convert_element_type3A, %cond3A : i32
    scf.if %cond3A_39 {
      %mul3A_126 = arith.constant 144 : i32
      %mul3A_127 = arith.muli %arg1, %mul3A_126 : i32
      %scan3A = arith.constant 0 : i32
      %scan3A_128 = arith.constant 0 : i32
      %scan3A_129 = arith.constant 18 : i32
      %scan3A_130 = arith.addi %scan3A_128, %scan3A_129 : i32
      %scan3A_131 = arith.constant 1 : i32
      scf.for %scan3A_133 = %scan3A_128 to %scan3A_130 step %scan3A_131  : i32 {
        %mul3A_134 = arith.constant 8 : i32
        %mul3A_135 = arith.muli %scan3A_133, %mul3A_134 : i32
        %add3A_136 = arith.addi %mul3A_127, %mul3A_135 : i32
        "tpu.region"() ({
          %run_scoped3A_265 = tpu.sem_alloc : memref<!tpu.dma_semaphore, #tpu.memory_space<semaphore_mem>>
          %dma_start3A_266 = arith.constant 0 : i32
          %dma_start3A_267 = tpu.memref_slice %arg3[%add3A_136, %dma_start3A_266] : memref<2560x128xi32, #tpu.memory_space<hbm>> -> memref<8x128xi32, #tpu.memory_space<hbm>>
          %dma_start3A_268 = arith.constant 0 : i32
          %dma_start3A_269 = tpu.memref_slice %arg3[%add3A_136, %dma_start3A_268] : memref<2560x128xi32, #tpu.memory_space<hbm>> -> memref<8x128xi32, #tpu.memory_space<hbm>>
          tpu.enqueue_dma source(%dma_start3A_269 : memref<8x128xi32, #tpu.memory_space<hbm>>) target(%arg10 : memref<8x128xi32, #tpu.memory_space<vmem>>) target_semaphore(%run_scoped3A_265 : memref<!tpu.dma_semaphore, #tpu.memory_space<semaphore_mem>>)
          %dma_wait3A_270 = arith.constant 0 : i32
          %dma_wait3A_271 = tpu.memref_slice %arg3[%add3A_136, %dma_wait3A_270] : memref<2560x128xi32, #tpu.memory_space<hbm>> -> memref<8x128xi32, #tpu.memory_space<hbm>>
          %dma_wait3A_272 = arith.constant 0 : i32
          %dma_wait3A_273 = tpu.memref_slice %arg3[%add3A_136, %dma_wait3A_272] : memref<2560x128xi32, #tpu.memory_space<hbm>> -> memref<8x128xi32, #tpu.memory_space<hbm>>
          tpu.wait_dma2 semaphore(%run_scoped3A_265 : memref<!tpu.dma_semaphore, #tpu.memory_space<semaphore_mem>>) src(%dma_wait3A_273 : memref<8x128xi32, #tpu.memory_space<hbm>>) dst(%arg10 : memref<8x128xi32, #tpu.memory_space<vmem>>)
          tpu.yield
        }) : () -> ()
        %mul3A_137 = arith.constant 8 : i32
        %mul3A_138 = arith.muli %scan3A_133, %mul3A_137 : i32
        %add3A_139 = arith.addi %mul3A_127, %mul3A_138 : i32
        "tpu.region"() ({
          %run_scoped3A_265 = tpu.sem_alloc : memref<!tpu.dma_semaphore, #tpu.memory_space<semaphore_mem>>
          %dma_start3A_266 = arith.constant 0 : i32
          %dma_start3A_267 = tpu.memref_slice %arg4[%add3A_139, %dma_start3A_266] : memref<2560x128xi32, #tpu.memory_space<hbm>> -> memref<8x128xi32, #tpu.memory_space<hbm>>
          %dma_start3A_268 = arith.constant 0 : i32
          %dma_start3A_269 = tpu.memref_slice %arg4[%add3A_139, %dma_start3A_268] : memref<2560x128xi32, #tpu.memory_space<hbm>> -> memref<8x128xi32, #tpu.memory_space<hbm>>
          tpu.enqueue_dma source(%dma_start3A_269 : memref<8x128xi32, #tpu.memory_space<hbm>>) target(%arg11 : memref<8x128xi32, #tpu.memory_space<vmem>>) target_semaphore(%run_scoped3A_265 : memref<!tpu.dma_semaphore, #tpu.memory_space<semaphore_mem>>)
          %dma_wait3A_270 = arith.constant 0 : i32
          %dma_wait3A_271 = tpu.memref_slice %arg4[%add3A_139, %dma_wait3A_270] : memref<2560x128xi32, #tpu.memory_space<hbm>> -> memref<8x128xi32, #tpu.memory_space<hbm>>
          %dma_wait3A_272 = arith.constant 0 : i32
          %dma_wait3A_273 = tpu.memref_slice %arg4[%add3A_139, %dma_wait3A_272] : memref<2560x128xi32, #tpu.memory_space<hbm>> -> memref<8x128xi32, #tpu.memory_space<hbm>>
          tpu.wait_dma2 semaphore(%run_scoped3A_265 : memref<!tpu.dma_semaphore, #tpu.memory_space<semaphore_mem>>) src(%dma_wait3A_273 : memref<8x128xi32, #tpu.memory_space<hbm>>) dst(%arg11 : memref<8x128xi32, #tpu.memory_space<vmem>>)
          tpu.yield
        }) : () -> ()
        %dma_start3A = arith.constant 0 : i32
        %dma_start3A_140 = arith.constant 0 : i32
        %dma_start3A_141 = tpu.memref_slice %arg10[%dma_start3A, %dma_start3A_140] : memref<8x128xi32, #tpu.memory_space<vmem>> -> memref<1x128xi32, #tpu.memory_space<vmem>>
        %dma_start3A_142 = tpu.memref_squeeze %dma_start3A_141 : memref<1x128xi32, #tpu.memory_space<vmem>> -> memref<128xi32, #tpu.memory_space<vmem>>
        %dma_start3A_143 = arith.constant 0 : i32
        %dma_start3A_144 = arith.constant 0 : i32
        %dma_start3A_145 = tpu.memref_slice %arg2[%dma_start3A_143, %dma_start3A_144] : memref<10000x128xf32, #tpu.memory_space<hbm>> -> memref<10000x128xf32, #tpu.memory_space<hbm>>
        tpu.enqueue_indirect_dma source(%dma_start3A_145 : memref<10000x128xf32, #tpu.memory_space<hbm>>) target(%arg12 : memref<128x128xf32, #tpu.memory_space<vmem>>) offsets(%dma_start3A_142 : memref<128xi32, #tpu.memory_space<vmem>>) semaphore(%arg15 : memref<!tpu.dma_semaphore, #tpu.memory_space<semaphore_mem>>)
        %dma_wait3A = arith.constant 0 : i32
        %dma_wait3A_146 = arith.constant 0 : i32
        %dma_wait3A_147 = tpu.memref_slice %arg10[%dma_wait3A, %dma_wait3A_146] : memref<8x128xi32, #tpu.memory_space<vmem>> -> memref<1x128xi32, #tpu.memory_space<vmem>>
        %dma_wait3A_148 = tpu.memref_squeeze %dma_wait3A_147 : memref<1x128xi32, #tpu.memory_space<vmem>> -> memref<128xi32, #tpu.memory_space<vmem>>
        %dma_wait3A_149 = arith.constant 0 : i32
        %dma_wait3A_150 = arith.constant 0 : i32
        %dma_wait3A_151 = tpu.memref_slice %arg2[%dma_wait3A_149, %dma_wait3A_150] : memref<10000x128xf32, #tpu.memory_space<hbm>> -> memref<10000x128xf32, #tpu.memory_space<hbm>>
        tpu.wait_indirect_dma semaphore(%arg15 : memref<!tpu.dma_semaphore, #tpu.memory_space<semaphore_mem>>) src(%dma_wait3A_151 : memref<10000x128xf32, #tpu.memory_space<hbm>>) dst(%arg12 : memref<128x128xf32, #tpu.memory_space<vmem>>)
        %dma_start3A_152 = arith.constant 1 : i32
        %dma_start3A_153 = arith.constant 0 : i32
        %dma_start3A_154 = tpu.memref_slice %arg10[%dma_start3A_152, %dma_start3A_153] : memref<8x128xi32, #tpu.memory_space<vmem>> -> memref<1x128xi32, #tpu.memory_space<vmem>>
        %dma_start3A_155 = tpu.memref_squeeze %dma_start3A_154 : memref<1x128xi32, #tpu.memory_space<vmem>> -> memref<128xi32, #tpu.memory_space<vmem>>
        %dma_start3A_156 = arith.constant 0 : i32
        %dma_start3A_157 = arith.constant 0 : i32
        %dma_start3A_158 = tpu.memref_slice %arg2[%dma_start3A_156, %dma_start3A_157] : memref<10000x128xf32, #tpu.memory_space<hbm>> -> memref<10000x128xf32, #tpu.memory_space<hbm>>
        tpu.enqueue_indirect_dma source(%dma_start3A_158 : memref<10000x128xf32, #tpu.memory_space<hbm>>) target(%arg13 : memref<128x128xf32, #tpu.memory_space<vmem>>) offsets(%dma_start3A_155 : memref<128xi32, #tpu.memory_space<vmem>>) semaphore(%arg16 : memref<!tpu.dma_semaphore, #tpu.memory_space<semaphore_mem>>)
        %run_scoped3A = arith.constant 0 : i32
        "tpu.region"() ({
          %run_scoped3A_265 = tpu.sem_alloc : memref<!tpu.dma_semaphore, #tpu.memory_space<semaphore_mem>>
          %dma_start3A_266 = arith.constant 0 : i32
          %dma_start3A_267 = tpu.memref_slice %arg11[%run_scoped3A, %dma_start3A_266] : memref<8x128xi32, #tpu.memory_space<vmem>> -> memref<1x128xi32, #tpu.memory_space<vmem>>
          %dma_start3A_268 = tpu.memref_squeeze %dma_start3A_267 : memref<1x128xi32, #tpu.memory_space<vmem>> -> memref<128xi32, #tpu.memory_space<vmem>>
          %dma_start3A_269 = arith.constant 0 : i32
          %dma_start3A_270 = arith.constant 0 : i32
          %dma_start3A_271 = tpu.memref_slice %arg17[%dma_start3A_269, %dma_start3A_270] : memref<10240x128xf32, #tpu.memory_space<vmem_shared>> -> memref<10240x128xf32, #tpu.memory_space<vmem_shared>>
          tpu.enqueue_indirect_dma source(%arg12 : memref<128x128xf32, #tpu.memory_space<vmem>>) target(%dma_start3A_271 : memref<10240x128xf32, #tpu.memory_space<vmem_shared>>) offsets(%dma_start3A_268 : memref<128xi32, #tpu.memory_space<vmem>>) semaphore(%run_scoped3A_265 : memref<!tpu.dma_semaphore, #tpu.memory_space<semaphore_mem>>) {add = true}
          %dma_wait3A_272 = arith.constant 0 : i32
          %dma_wait3A_273 = tpu.memref_slice %arg11[%run_scoped3A, %dma_wait3A_272] : memref<8x128xi32, #tpu.memory_space<vmem>> -> memref<1x128xi32, #tpu.memory_space<vmem>>
          %dma_wait3A_274 = tpu.memref_squeeze %dma_wait3A_273 : memref<1x128xi32, #tpu.memory_space<vmem>> -> memref<128xi32, #tpu.memory_space<vmem>>
          %dma_wait3A_275 = arith.constant 0 : i32
          %dma_wait3A_276 = arith.constant 0 : i32
          %dma_wait3A_277 = tpu.memref_slice %arg17[%dma_wait3A_275, %dma_wait3A_276] : memref<10240x128xf32, #tpu.memory_space<vmem_shared>> -> memref<10240x128xf32, #tpu.memory_space<vmem_shared>>
          tpu.wait_indirect_dma semaphore(%run_scoped3A_265 : memref<!tpu.dma_semaphore, #tpu.memory_space<semaphore_mem>>) src(%arg12 : memref<128x128xf32, #tpu.memory_space<vmem>>) dst(%dma_wait3A_277 : memref<10240x128xf32, #tpu.memory_space<vmem_shared>>)
          tpu.yield
        }) : () -> ()
        %run_scoped3A_159 = arith.constant 0 : i32
        "tpu.region"() ({
          %run_scoped3A_265 = tpu.sem_alloc : memref<!tpu.dma_semaphore, #tpu.memory_space<semaphore_mem>>
          %dma_start3A_266 = arith.constant 0 : i32
          %dma_start3A_267 = tpu.memref_slice %arg11[%run_scoped3A_159, %dma_start3A_266] : memref<8x128xi32, #tpu.memory_space<vmem>> -> memref<1x128xi32, #tpu.memory_space<vmem>>
          %dma_start3A_268 = tpu.memref_squeeze %dma_start3A_267 : memref<1x128xi32, #tpu.memory_space<vmem>> -> memref<128xi32, #tpu.memory_space<vmem>>
          %dma_start3A_269 = arith.constant 0 : i32
          %dma_start3A_270 = tpu.memref_slice %arg18[%dma_start3A_269] : memref<10240xf32, #tpu.memory_space<vmem_shared>> -> memref<10240xf32, #tpu.memory_space<vmem_shared>>
          tpu.enqueue_indirect_dma source(%arg14 : memref<128xf32, #tpu.memory_space<vmem>>) target(%dma_start3A_270 : memref<10240xf32, #tpu.memory_space<vmem_shared>>) offsets(%dma_start3A_268 : memref<128xi32, #tpu.memory_space<vmem>>) semaphore(%run_scoped3A_265 : memref<!tpu.dma_semaphore, #tpu.memory_space<semaphore_mem>>) {add = true}
          %dma_wait3A_271 = arith.constant 0 : i32
          %dma_wait3A_272 = tpu.memref_slice %arg11[%run_scoped3A_159, %dma_wait3A_271] : memref<8x128xi32, #tpu.memory_space<vmem>> -> memref<1x128xi32, #tpu.memory_space<vmem>>
          %dma_wait3A_273 = tpu.memref_squeeze %dma_wait3A_272 : memref<1x128xi32, #tpu.memory_space<vmem>> -> memref<128xi32, #tpu.memory_space<vmem>>
          %dma_wait3A_274 = arith.constant 0 : i32
          %dma_wait3A_275 = tpu.memref_slice %arg18[%dma_wait3A_274] : memref<10240xf32, #tpu.memory_space<vmem_shared>> -> memref<10240xf32, #tpu.memory_space<vmem_shared>>
          tpu.wait_indirect_dma semaphore(%run_scoped3A_265 : memref<!tpu.dma_semaphore, #tpu.memory_space<semaphore_mem>>) src(%arg14 : memref<128xf32, #tpu.memory_space<vmem>>) dst(%dma_wait3A_275 : memref<10240xf32, #tpu.memory_space<vmem_shared>>)
          tpu.yield
        }) : () -> ()
        %dma_wait3A_160 = arith.constant 1 : i32
        %dma_wait3A_161 = arith.constant 0 : i32
        %dma_wait3A_162 = tpu.memref_slice %arg10[%dma_wait3A_160, %dma_wait3A_161] : memref<8x128xi32, #tpu.memory_space<vmem>> -> memref<1x128xi32, #tpu.memory_space<vmem>>
        %dma_wait3A_163 = tpu.memref_squeeze %dma_wait3A_162 : memref<1x128xi32, #tpu.memory_space<vmem>> -> memref<128xi32, #tpu.memory_space<vmem>>
        %dma_wait3A_164 = arith.constant 0 : i32
        %dma_wait3A_165 = arith.constant 0 : i32
        %dma_wait3A_166 = tpu.memref_slice %arg2[%dma_wait3A_164, %dma_wait3A_165] : memref<10000x128xf32, #tpu.memory_space<hbm>> -> memref<10000x128xf32, #tpu.memory_space<hbm>>
        tpu.wait_indirect_dma semaphore(%arg16 : memref<!tpu.dma_semaphore, #tpu.memory_space<semaphore_mem>>) src(%dma_wait3A_166 : memref<10000x128xf32, #tpu.memory_space<hbm>>) dst(%arg13 : memref<128x128xf32, #tpu.memory_space<vmem>>)
        %dma_start3A_167 = arith.constant 2 : i32
        %dma_start3A_168 = arith.constant 0 : i32
        %dma_start3A_169 = tpu.memref_slice %arg10[%dma_start3A_167, %dma_start3A_168] : memref<8x128xi32, #tpu.memory_space<vmem>> -> memref<1x128xi32, #tpu.memory_space<vmem>>
        %dma_start3A_170 = tpu.memref_squeeze %dma_start3A_169 : memref<1x128xi32, #tpu.memory_space<vmem>> -> memref<128xi32, #tpu.memory_space<vmem>>
        %dma_start3A_171 = arith.constant 0 : i32
        %dma_start3A_172 = arith.constant 0 : i32
        %dma_start3A_173 = tpu.memref_slice %arg2[%dma_start3A_171, %dma_start3A_172] : memref<10000x128xf32, #tpu.memory_space<hbm>> -> memref<10000x128xf32, #tpu.memory_space<hbm>>
        tpu.enqueue_indirect_dma source(%dma_start3A_173 : memref<10000x128xf32, #tpu.memory_space<hbm>>) target(%arg12 : memref<128x128xf32, #tpu.memory_space<vmem>>) offsets(%dma_start3A_170 : memref<128xi32, #tpu.memory_space<vmem>>) semaphore(%arg15 : memref<!tpu.dma_semaphore, #tpu.memory_space<semaphore_mem>>)
        %run_scoped3A_174 = arith.constant 1 : i32
        "tpu.region"() ({
          %run_scoped3A_265 = tpu.sem_alloc : memref<!tpu.dma_semaphore, #tpu.memory_space<semaphore_mem>>
          %dma_start3A_266 = arith.constant 0 : i32
          %dma_start3A_267 = tpu.memref_slice %arg11[%run_scoped3A_174, %dma_start3A_266] : memref<8x128xi32, #tpu.memory_space<vmem>> -> memref<1x128xi32, #tpu.memory_space<vmem>>
          %dma_start3A_268 = tpu.memref_squeeze %dma_start3A_267 : memref<1x128xi32, #tpu.memory_space<vmem>> -> memref<128xi32, #tpu.memory_space<vmem>>
          %dma_start3A_269 = arith.constant 0 : i32
          %dma_start3A_270 = arith.constant 0 : i32
          %dma_start3A_271 = tpu.memref_slice %arg17[%dma_start3A_269, %dma_start3A_270] : memref<10240x128xf32, #tpu.memory_space<vmem_shared>> -> memref<10240x128xf32, #tpu.memory_space<vmem_shared>>
          tpu.enqueue_indirect_dma source(%arg13 : memref<128x128xf32, #tpu.memory_space<vmem>>) target(%dma_start3A_271 : memref<10240x128xf32, #tpu.memory_space<vmem_shared>>) offsets(%dma_start3A_268 : memref<128xi32, #tpu.memory_space<vmem>>) semaphore(%run_scoped3A_265 : memref<!tpu.dma_semaphore, #tpu.memory_space<semaphore_mem>>) {add = true}
          %dma_wait3A_272 = arith.constant 0 : i32
          %dma_wait3A_273 = tpu.memref_slice %arg11[%run_scoped3A_174, %dma_wait3A_272] : memref<8x128xi32, #tpu.memory_space<vmem>> -> memref<1x128xi32, #tpu.memory_space<vmem>>
          %dma_wait3A_274 = tpu.memref_squeeze %dma_wait3A_273 : memref<1x128xi32, #tpu.memory_space<vmem>> -> memref<128xi32, #tpu.memory_space<vmem>>
          %dma_wait3A_275 = arith.constant 0 : i32
          %dma_wait3A_276 = arith.constant 0 : i32
          %dma_wait3A_277 = tpu.memref_slice %arg17[%dma_wait3A_275, %dma_wait3A_276] : memref<10240x128xf32, #tpu.memory_space<vmem_shared>> -> memref<10240x128xf32, #tpu.memory_space<vmem_shared>>
          tpu.wait_indirect_dma semaphore(%run_scoped3A_265 : memref<!tpu.dma_semaphore, #tpu.memory_space<semaphore_mem>>) src(%arg13 : memref<128x128xf32, #tpu.memory_space<vmem>>) dst(%dma_wait3A_277 : memref<10240x128xf32, #tpu.memory_space<vmem_shared>>)
          tpu.yield
        }) : () -> ()
        %run_scoped3A_175 = arith.constant 1 : i32
        "tpu.region"() ({
          %run_scoped3A_265 = tpu.sem_alloc : memref<!tpu.dma_semaphore, #tpu.memory_space<semaphore_mem>>
          %dma_start3A_266 = arith.constant 0 : i32
          %dma_start3A_267 = tpu.memref_slice %arg11[%run_scoped3A_175, %dma_start3A_266] : memref<8x128xi32, #tpu.memory_space<vmem>> -> memref<1x128xi32, #tpu.memory_space<vmem>>
          %dma_start3A_268 = tpu.memref_squeeze %dma_start3A_267 : memref<1x128xi32, #tpu.memory_space<vmem>> -> memref<128xi32, #tpu.memory_space<vmem>>
          %dma_start3A_269 = arith.constant 0 : i32
          %dma_start3A_270 = tpu.memref_slice %arg18[%dma_start3A_269] : memref<10240xf32, #tpu.memory_space<vmem_shared>> -> memref<10240xf32, #tpu.memory_space<vmem_shared>>
          tpu.enqueue_indirect_dma source(%arg14 : memref<128xf32, #tpu.memory_space<vmem>>) target(%dma_start3A_270 : memref<10240xf32, #tpu.memory_space<vmem_shared>>) offsets(%dma_start3A_268 : memref<128xi32, #tpu.memory_space<vmem>>) semaphore(%run_scoped3A_265 : memref<!tpu.dma_semaphore, #tpu.memory_space<semaphore_mem>>) {add = true}
          %dma_wait3A_271 = arith.constant 0 : i32
          %dma_wait3A_272 = tpu.memref_slice %arg11[%run_scoped3A_175, %dma_wait3A_271] : memref<8x128xi32, #tpu.memory_space<vmem>> -> memref<1x128xi32, #tpu.memory_space<vmem>>
          %dma_wait3A_273 = tpu.memref_squeeze %dma_wait3A_272 : memref<1x128xi32, #tpu.memory_space<vmem>> -> memref<128xi32, #tpu.memory_space<vmem>>
          %dma_wait3A_274 = arith.constant 0 : i32
          %dma_wait3A_275 = tpu.memref_slice %arg18[%dma_wait3A_274] : memref<10240xf32, #tpu.memory_space<vmem_shared>> -> memref<10240xf32, #tpu.memory_space<vmem_shared>>
          tpu.wait_indirect_dma semaphore(%run_scoped3A_265 : memref<!tpu.dma_semaphore, #tpu.memory_space<semaphore_mem>>) src(%arg14 : memref<128xf32, #tpu.memory_space<vmem>>) dst(%dma_wait3A_275 : memref<10240xf32, #tpu.memory_space<vmem_shared>>)
          tpu.yield
        }) : () -> ()
        %dma_wait3A_176 = arith.constant 2 : i32
        %dma_wait3A_177 = arith.constant 0 : i32
        %dma_wait3A_178 = tpu.memref_slice %arg10[%dma_wait3A_176, %dma_wait3A_177] : memref<8x128xi32, #tpu.memory_space<vmem>> -> memref<1x128xi32, #tpu.memory_space<vmem>>
        %dma_wait3A_179 = tpu.memref_squeeze %dma_wait3A_178 : memref<1x128xi32, #tpu.memory_space<vmem>> -> memref<128xi32, #tpu.memory_space<vmem>>
        %dma_wait3A_180 = arith.constant 0 : i32
        %dma_wait3A_181 = arith.constant 0 : i32
        %dma_wait3A_182 = tpu.memref_slice %arg2[%dma_wait3A_180, %dma_wait3A_181] : memref<10000x128xf32, #tpu.memory_space<hbm>> -> memref<10000x128xf32, #tpu.memory_space<hbm>>
        tpu.wait_indirect_dma semaphore(%arg15 : memref<!tpu.dma_semaphore, #tpu.memory_space<semaphore_mem>>) src(%dma_wait3A_182 : memref<10000x128xf32, #tpu.memory_space<hbm>>) dst(%arg12 : memref<128x128xf32, #tpu.memory_space<vmem>>)
        %dma_start3A_183 = arith.constant 3 : i32
        %dma_start3A_184 = arith.constant 0 : i32
        %dma_start3A_185 = tpu.memref_slice %arg10[%dma_start3A_183, %dma_start3A_184] : memref<8x128xi32, #tpu.memory_space<vmem>> -> memref<1x128xi32, #tpu.memory_space<vmem>>
        %dma_start3A_186 = tpu.memref_squeeze %dma_start3A_185 : memref<1x128xi32, #tpu.memory_space<vmem>> -> memref<128xi32, #tpu.memory_space<vmem>>
        %dma_start3A_187 = arith.constant 0 : i32
        %dma_start3A_188 = arith.constant 0 : i32
        %dma_start3A_189 = tpu.memref_slice %arg2[%dma_start3A_187, %dma_start3A_188] : memref<10000x128xf32, #tpu.memory_space<hbm>> -> memref<10000x128xf32, #tpu.memory_space<hbm>>
        tpu.enqueue_indirect_dma source(%dma_start3A_189 : memref<10000x128xf32, #tpu.memory_space<hbm>>) target(%arg13 : memref<128x128xf32, #tpu.memory_space<vmem>>) offsets(%dma_start3A_186 : memref<128xi32, #tpu.memory_space<vmem>>) semaphore(%arg16 : memref<!tpu.dma_semaphore, #tpu.memory_space<semaphore_mem>>)
        %run_scoped3A_190 = arith.constant 2 : i32
        "tpu.region"() ({
          %run_scoped3A_265 = tpu.sem_alloc : memref<!tpu.dma_semaphore, #tpu.memory_space<semaphore_mem>>
          %dma_start3A_266 = arith.constant 0 : i32
          %dma_start3A_267 = tpu.memref_slice %arg11[%run_scoped3A_190, %dma_start3A_266] : memref<8x128xi32, #tpu.memory_space<vmem>> -> memref<1x128xi32, #tpu.memory_space<vmem>>
          %dma_start3A_268 = tpu.memref_squeeze %dma_start3A_267 : memref<1x128xi32, #tpu.memory_space<vmem>> -> memref<128xi32, #tpu.memory_space<vmem>>
          %dma_start3A_269 = arith.constant 0 : i32
          %dma_start3A_270 = arith.constant 0 : i32
          %dma_start3A_271 = tpu.memref_slice %arg17[%dma_start3A_269, %dma_start3A_270] : memref<10240x128xf32, #tpu.memory_space<vmem_shared>> -> memref<10240x128xf32, #tpu.memory_space<vmem_shared>>
          tpu.enqueue_indirect_dma source(%arg12 : memref<128x128xf32, #tpu.memory_space<vmem>>) target(%dma_start3A_271 : memref<10240x128xf32, #tpu.memory_space<vmem_shared>>) offsets(%dma_start3A_268 : memref<128xi32, #tpu.memory_space<vmem>>) semaphore(%run_scoped3A_265 : memref<!tpu.dma_semaphore, #tpu.memory_space<semaphore_mem>>) {add = true}
          %dma_wait3A_272 = arith.constant 0 : i32
          %dma_wait3A_273 = tpu.memref_slice %arg11[%run_scoped3A_190, %dma_wait3A_272] : memref<8x128xi32, #tpu.memory_space<vmem>> -> memref<1x128xi32, #tpu.memory_space<vmem>>
          %dma_wait3A_274 = tpu.memref_squeeze %dma_wait3A_273 : memref<1x128xi32, #tpu.memory_space<vmem>> -> memref<128xi32, #tpu.memory_space<vmem>>
          %dma_wait3A_275 = arith.constant 0 : i32
          %dma_wait3A_276 = arith.constant 0 : i32
          %dma_wait3A_277 = tpu.memref_slice %arg17[%dma_wait3A_275, %dma_wait3A_276] : memref<10240x128xf32, #tpu.memory_space<vmem_shared>> -> memref<10240x128xf32, #tpu.memory_space<vmem_shared>>
          tpu.wait_indirect_dma semaphore(%run_scoped3A_265 : memref<!tpu.dma_semaphore, #tpu.memory_space<semaphore_mem>>) src(%arg12 : memref<128x128xf32, #tpu.memory_space<vmem>>) dst(%dma_wait3A_277 : memref<10240x128xf32, #tpu.memory_space<vmem_shared>>)
          tpu.yield
        }) : () -> ()
        %run_scoped3A_191 = arith.constant 2 : i32
        "tpu.region"() ({
          %run_scoped3A_265 = tpu.sem_alloc : memref<!tpu.dma_semaphore, #tpu.memory_space<semaphore_mem>>
          %dma_start3A_266 = arith.constant 0 : i32
          %dma_start3A_267 = tpu.memref_slice %arg11[%run_scoped3A_191, %dma_start3A_266] : memref<8x128xi32, #tpu.memory_space<vmem>> -> memref<1x128xi32, #tpu.memory_space<vmem>>
          %dma_start3A_268 = tpu.memref_squeeze %dma_start3A_267 : memref<1x128xi32, #tpu.memory_space<vmem>> -> memref<128xi32, #tpu.memory_space<vmem>>
          %dma_start3A_269 = arith.constant 0 : i32
          %dma_start3A_270 = tpu.memref_slice %arg18[%dma_start3A_269] : memref<10240xf32, #tpu.memory_space<vmem_shared>> -> memref<10240xf32, #tpu.memory_space<vmem_shared>>
          tpu.enqueue_indirect_dma source(%arg14 : memref<128xf32, #tpu.memory_space<vmem>>) target(%dma_start3A_270 : memref<10240xf32, #tpu.memory_space<vmem_shared>>) offsets(%dma_start3A_268 : memref<128xi32, #tpu.memory_space<vmem>>) semaphore(%run_scoped3A_265 : memref<!tpu.dma_semaphore, #tpu.memory_space<semaphore_mem>>) {add = true}
          %dma_wait3A_271 = arith.constant 0 : i32
          %dma_wait3A_272 = tpu.memref_slice %arg11[%run_scoped3A_191, %dma_wait3A_271] : memref<8x128xi32, #tpu.memory_space<vmem>> -> memref<1x128xi32, #tpu.memory_space<vmem>>
          %dma_wait3A_273 = tpu.memref_squeeze %dma_wait3A_272 : memref<1x128xi32, #tpu.memory_space<vmem>> -> memref<128xi32, #tpu.memory_space<vmem>>
          %dma_wait3A_274 = arith.constant 0 : i32
          %dma_wait3A_275 = tpu.memref_slice %arg18[%dma_wait3A_274] : memref<10240xf32, #tpu.memory_space<vmem_shared>> -> memref<10240xf32, #tpu.memory_space<vmem_shared>>
          tpu.wait_indirect_dma semaphore(%run_scoped3A_265 : memref<!tpu.dma_semaphore, #tpu.memory_space<semaphore_mem>>) src(%arg14 : memref<128xf32, #tpu.memory_space<vmem>>) dst(%dma_wait3A_275 : memref<10240xf32, #tpu.memory_space<vmem_shared>>)
          tpu.yield
        }) : () -> ()
        %dma_wait3A_192 = arith.constant 3 : i32
        %dma_wait3A_193 = arith.constant 0 : i32
        %dma_wait3A_194 = tpu.memref_slice %arg10[%dma_wait3A_192, %dma_wait3A_193] : memref<8x128xi32, #tpu.memory_space<vmem>> -> memref<1x128xi32, #tpu.memory_space<vmem>>
        %dma_wait3A_195 = tpu.memref_squeeze %dma_wait3A_194 : memref<1x128xi32, #tpu.memory_space<vmem>> -> memref<128xi32, #tpu.memory_space<vmem>>
        %dma_wait3A_196 = arith.constant 0 : i32
        %dma_wait3A_197 = arith.constant 0 : i32
        %dma_wait3A_198 = tpu.memref_slice %arg2[%dma_wait3A_196, %dma_wait3A_197] : memref<10000x128xf32, #tpu.memory_space<hbm>> -> memref<10000x128xf32, #tpu.memory_space<hbm>>
        tpu.wait_indirect_dma semaphore(%arg16 : memref<!tpu.dma_semaphore, #tpu.memory_space<semaphore_mem>>) src(%dma_wait3A_198 : memref<10000x128xf32, #tpu.memory_space<hbm>>) dst(%arg13 : memref<128x128xf32, #tpu.memory_space<vmem>>)
        %dma_start3A_199 = arith.constant 4 : i32
        %dma_start3A_200 = arith.constant 0 : i32
        %dma_start3A_201 = tpu.memref_slice %arg10[%dma_start3A_199, %dma_start3A_200] : memref<8x128xi32, #tpu.memory_space<vmem>> -> memref<1x128xi32, #tpu.memory_space<vmem>>
        %dma_start3A_202 = tpu.memref_squeeze %dma_start3A_201 : memref<1x128xi32, #tpu.memory_space<vmem>> -> memref<128xi32, #tpu.memory_space<vmem>>
        %dma_start3A_203 = arith.constant 0 : i32
        %dma_start3A_204 = arith.constant 0 : i32
        %dma_start3A_205 = tpu.memref_slice %arg2[%dma_start3A_203, %dma_start3A_204] : memref<10000x128xf32, #tpu.memory_space<hbm>> -> memref<10000x128xf32, #tpu.memory_space<hbm>>
        tpu.enqueue_indirect_dma source(%dma_start3A_205 : memref<10000x128xf32, #tpu.memory_space<hbm>>) target(%arg12 : memref<128x128xf32, #tpu.memory_space<vmem>>) offsets(%dma_start3A_202 : memref<128xi32, #tpu.memory_space<vmem>>) semaphore(%arg15 : memref<!tpu.dma_semaphore, #tpu.memory_space<semaphore_mem>>)
        %run_scoped3A_206 = arith.constant 3 : i32
        "tpu.region"() ({
          %run_scoped3A_265 = tpu.sem_alloc : memref<!tpu.dma_semaphore, #tpu.memory_space<semaphore_mem>>
          %dma_start3A_266 = arith.constant 0 : i32
          %dma_start3A_267 = tpu.memref_slice %arg11[%run_scoped3A_206, %dma_start3A_266] : memref<8x128xi32, #tpu.memory_space<vmem>> -> memref<1x128xi32, #tpu.memory_space<vmem>>
          %dma_start3A_268 = tpu.memref_squeeze %dma_start3A_267 : memref<1x128xi32, #tpu.memory_space<vmem>> -> memref<128xi32, #tpu.memory_space<vmem>>
          %dma_start3A_269 = arith.constant 0 : i32
          %dma_start3A_270 = arith.constant 0 : i32
          %dma_start3A_271 = tpu.memref_slice %arg17[%dma_start3A_269, %dma_start3A_270] : memref<10240x128xf32, #tpu.memory_space<vmem_shared>> -> memref<10240x128xf32, #tpu.memory_space<vmem_shared>>
          tpu.enqueue_indirect_dma source(%arg13 : memref<128x128xf32, #tpu.memory_space<vmem>>) target(%dma_start3A_271 : memref<10240x128xf32, #tpu.memory_space<vmem_shared>>) offsets(%dma_start3A_268 : memref<128xi32, #tpu.memory_space<vmem>>) semaphore(%run_scoped3A_265 : memref<!tpu.dma_semaphore, #tpu.memory_space<semaphore_mem>>) {add = true}
          %dma_wait3A_272 = arith.constant 0 : i32
          %dma_wait3A_273 = tpu.memref_slice %arg11[%run_scoped3A_206, %dma_wait3A_272] : memref<8x128xi32, #tpu.memory_space<vmem>> -> memref<1x128xi32, #tpu.memory_space<vmem>>
          %dma_wait3A_274 = tpu.memref_squeeze %dma_wait3A_273 : memref<1x128xi32, #tpu.memory_space<vmem>> -> memref<128xi32, #tpu.memory_space<vmem>>
          %dma_wait3A_275 = arith.constant 0 : i32
          %dma_wait3A_276 = arith.constant 0 : i32
          %dma_wait3A_277 = tpu.memref_slice %arg17[%dma_wait3A_275, %dma_wait3A_276] : memref<10240x128xf32, #tpu.memory_space<vmem_shared>> -> memref<10240x128xf32, #tpu.memory_space<vmem_shared>>
          tpu.wait_indirect_dma semaphore(%run_scoped3A_265 : memref<!tpu.dma_semaphore, #tpu.memory_space<semaphore_mem>>) src(%arg13 : memref<128x128xf32, #tpu.memory_space<vmem>>) dst(%dma_wait3A_277 : memref<10240x128xf32, #tpu.memory_space<vmem_shared>>)
          tpu.yield
        }) : () -> ()
        %run_scoped3A_207 = arith.constant 3 : i32
        "tpu.region"() ({
          %run_scoped3A_265 = tpu.sem_alloc : memref<!tpu.dma_semaphore, #tpu.memory_space<semaphore_mem>>
          %dma_start3A_266 = arith.constant 0 : i32
          %dma_start3A_267 = tpu.memref_slice %arg11[%run_scoped3A_207, %dma_start3A_266] : memref<8x128xi32, #tpu.memory_space<vmem>> -> memref<1x128xi32, #tpu.memory_space<vmem>>
          %dma_start3A_268 = tpu.memref_squeeze %dma_start3A_267 : memref<1x128xi32, #tpu.memory_space<vmem>> -> memref<128xi32, #tpu.memory_space<vmem>>
          %dma_start3A_269 = arith.constant 0 : i32
          %dma_start3A_270 = tpu.memref_slice %arg18[%dma_start3A_269] : memref<10240xf32, #tpu.memory_space<vmem_shared>> -> memref<10240xf32, #tpu.memory_space<vmem_shared>>
          tpu.enqueue_indirect_dma source(%arg14 : memref<128xf32, #tpu.memory_space<vmem>>) target(%dma_start3A_270 : memref<10240xf32, #tpu.memory_space<vmem_shared>>) offsets(%dma_start3A_268 : memref<128xi32, #tpu.memory_space<vmem>>) semaphore(%run_scoped3A_265 : memref<!tpu.dma_semaphore, #tpu.memory_space<semaphore_mem>>) {add = true}
          %dma_wait3A_271 = arith.constant 0 : i32
          %dma_wait3A_272 = tpu.memref_slice %arg11[%run_scoped3A_207, %dma_wait3A_271] : memref<8x128xi32, #tpu.memory_space<vmem>> -> memref<1x128xi32, #tpu.memory_space<vmem>>
          %dma_wait3A_273 = tpu.memref_squeeze %dma_wait3A_272 : memref<1x128xi32, #tpu.memory_space<vmem>> -> memref<128xi32, #tpu.memory_space<vmem>>
          %dma_wait3A_274 = arith.constant 0 : i32
          %dma_wait3A_275 = tpu.memref_slice %arg18[%dma_wait3A_274] : memref<10240xf32, #tpu.memory_space<vmem_shared>> -> memref<10240xf32, #tpu.memory_space<vmem_shared>>
          tpu.wait_indirect_dma semaphore(%run_scoped3A_265 : memref<!tpu.dma_semaphore, #tpu.memory_space<semaphore_mem>>) src(%arg14 : memref<128xf32, #tpu.memory_space<vmem>>) dst(%dma_wait3A_275 : memref<10240xf32, #tpu.memory_space<vmem_shared>>)
          tpu.yield
        }) : () -> ()
        %dma_wait3A_208 = arith.constant 4 : i32
        %dma_wait3A_209 = arith.constant 0 : i32
        %dma_wait3A_210 = tpu.memref_slice %arg10[%dma_wait3A_208, %dma_wait3A_209] : memref<8x128xi32, #tpu.memory_space<vmem>> -> memref<1x128xi32, #tpu.memory_space<vmem>>
        %dma_wait3A_211 = tpu.memref_squeeze %dma_wait3A_210 : memref<1x128xi32, #tpu.memory_space<vmem>> -> memref<128xi32, #tpu.memory_space<vmem>>
        %dma_wait3A_212 = arith.constant 0 : i32
        %dma_wait3A_213 = arith.constant 0 : i32
        %dma_wait3A_214 = tpu.memref_slice %arg2[%dma_wait3A_212, %dma_wait3A_213] : memref<10000x128xf32, #tpu.memory_space<hbm>> -> memref<10000x128xf32, #tpu.memory_space<hbm>>
        tpu.wait_indirect_dma semaphore(%arg15 : memref<!tpu.dma_semaphore, #tpu.memory_space<semaphore_mem>>) src(%dma_wait3A_214 : memref<10000x128xf32, #tpu.memory_space<hbm>>) dst(%arg12 : memref<128x128xf32, #tpu.memory_space<vmem>>)
        %dma_start3A_215 = arith.constant 5 : i32
        %dma_start3A_216 = arith.constant 0 : i32
        %dma_start3A_217 = tpu.memref_slice %arg10[%dma_start3A_215, %dma_start3A_216] : memref<8x128xi32, #tpu.memory_space<vmem>> -> memref<1x128xi32, #tpu.memory_space<vmem>>
        %dma_start3A_218 = tpu.memref_squeeze %dma_start3A_217 : memref<1x128xi32, #tpu.memory_space<vmem>> -> memref<128xi32, #tpu.memory_space<vmem>>
        %dma_start3A_219 = arith.constant 0 : i32
        %dma_start3A_220 = arith.constant 0 : i32
        %dma_start3A_221 = tpu.memref_slice %arg2[%dma_start3A_219, %dma_start3A_220] : memref<10000x128xf32, #tpu.memory_space<hbm>> -> memref<10000x128xf32, #tpu.memory_space<hbm>>
        tpu.enqueue_indirect_dma source(%dma_start3A_221 : memref<10000x128xf32, #tpu.memory_space<hbm>>) target(%arg13 : memref<128x128xf32, #tpu.memory_space<vmem>>) offsets(%dma_start3A_218 : memref<128xi32, #tpu.memory_space<vmem>>) semaphore(%arg16 : memref<!tpu.dma_semaphore, #tpu.memory_space<semaphore_mem>>)
        %run_scoped3A_222 = arith.constant 4 : i32
        "tpu.region"() ({
          %run_scoped3A_265 = tpu.sem_alloc : memref<!tpu.dma_semaphore, #tpu.memory_space<semaphore_mem>>
          %dma_start3A_266 = arith.constant 0 : i32
          %dma_start3A_267 = tpu.memref_slice %arg11[%run_scoped3A_222, %dma_start3A_266] : memref<8x128xi32, #tpu.memory_space<vmem>> -> memref<1x128xi32, #tpu.memory_space<vmem>>
          %dma_start3A_268 = tpu.memref_squeeze %dma_start3A_267 : memref<1x128xi32, #tpu.memory_space<vmem>> -> memref<128xi32, #tpu.memory_space<vmem>>
          %dma_start3A_269 = arith.constant 0 : i32
          %dma_start3A_270 = arith.constant 0 : i32
          %dma_start3A_271 = tpu.memref_slice %arg17[%dma_start3A_269, %dma_start3A_270] : memref<10240x128xf32, #tpu.memory_space<vmem_shared>> -> memref<10240x128xf32, #tpu.memory_space<vmem_shared>>
          tpu.enqueue_indirect_dma source(%arg12 : memref<128x128xf32, #tpu.memory_space<vmem>>) target(%dma_start3A_271 : memref<10240x128xf32, #tpu.memory_space<vmem_shared>>) offsets(%dma_start3A_268 : memref<128xi32, #tpu.memory_space<vmem>>) semaphore(%run_scoped3A_265 : memref<!tpu.dma_semaphore, #tpu.memory_space<semaphore_mem>>) {add = true}
          %dma_wait3A_272 = arith.constant 0 : i32
          %dma_wait3A_273 = tpu.memref_slice %arg11[%run_scoped3A_222, %dma_wait3A_272] : memref<8x128xi32, #tpu.memory_space<vmem>> -> memref<1x128xi32, #tpu.memory_space<vmem>>
          %dma_wait3A_274 = tpu.memref_squeeze %dma_wait3A_273 : memref<1x128xi32, #tpu.memory_space<vmem>> -> memref<128xi32, #tpu.memory_space<vmem>>
          %dma_wait3A_275 = arith.constant 0 : i32
          %dma_wait3A_276 = arith.constant 0 : i32
          %dma_wait3A_277 = tpu.memref_slice %arg17[%dma_wait3A_275, %dma_wait3A_276] : memref<10240x128xf32, #tpu.memory_space<vmem_shared>> -> memref<10240x128xf32, #tpu.memory_space<vmem_shared>>
          tpu.wait_indirect_dma semaphore(%run_scoped3A_265 : memref<!tpu.dma_semaphore, #tpu.memory_space<semaphore_mem>>) src(%arg12 : memref<128x128xf32, #tpu.memory_space<vmem>>) dst(%dma_wait3A_277 : memref<10240x128xf32, #tpu.memory_space<vmem_shared>>)
          tpu.yield
        }) : () -> ()
        %run_scoped3A_223 = arith.constant 4 : i32
        "tpu.region"() ({
          %run_scoped3A_265 = tpu.sem_alloc : memref<!tpu.dma_semaphore, #tpu.memory_space<semaphore_mem>>
          %dma_start3A_266 = arith.constant 0 : i32
          %dma_start3A_267 = tpu.memref_slice %arg11[%run_scoped3A_223, %dma_start3A_266] : memref<8x128xi32, #tpu.memory_space<vmem>> -> memref<1x128xi32, #tpu.memory_space<vmem>>
          %dma_start3A_268 = tpu.memref_squeeze %dma_start3A_267 : memref<1x128xi32, #tpu.memory_space<vmem>> -> memref<128xi32, #tpu.memory_space<vmem>>
          %dma_start3A_269 = arith.constant 0 : i32
          %dma_start3A_270 = tpu.memref_slice %arg18[%dma_start3A_269] : memref<10240xf32, #tpu.memory_space<vmem_shared>> -> memref<10240xf32, #tpu.memory_space<vmem_shared>>
          tpu.enqueue_indirect_dma source(%arg14 : memref<128xf32, #tpu.memory_space<vmem>>) target(%dma_start3A_270 : memref<10240xf32, #tpu.memory_space<vmem_shared>>) offsets(%dma_start3A_268 : memref<128xi32, #tpu.memory_space<vmem>>) semaphore(%run_scoped3A_265 : memref<!tpu.dma_semaphore, #tpu.memory_space<semaphore_mem>>) {add = true}
          %dma_wait3A_271 = arith.constant 0 : i32
          %dma_wait3A_272 = tpu.memref_slice %arg11[%run_scoped3A_223, %dma_wait3A_271] : memref<8x128xi32, #tpu.memory_space<vmem>> -> memref<1x128xi32, #tpu.memory_space<vmem>>
          %dma_wait3A_273 = tpu.memref_squeeze %dma_wait3A_272 : memref<1x128xi32, #tpu.memory_space<vmem>> -> memref<128xi32, #tpu.memory_space<vmem>>
          %dma_wait3A_274 = arith.constant 0 : i32
          %dma_wait3A_275 = tpu.memref_slice %arg18[%dma_wait3A_274] : memref<10240xf32, #tpu.memory_space<vmem_shared>> -> memref<10240xf32, #tpu.memory_space<vmem_shared>>
          tpu.wait_indirect_dma semaphore(%run_scoped3A_265 : memref<!tpu.dma_semaphore, #tpu.memory_space<semaphore_mem>>) src(%arg14 : memref<128xf32, #tpu.memory_space<vmem>>) dst(%dma_wait3A_275 : memref<10240xf32, #tpu.memory_space<vmem_shared>>)
          tpu.yield
        }) : () -> ()
        %dma_wait3A_224 = arith.constant 5 : i32
        %dma_wait3A_225 = arith.constant 0 : i32
        %dma_wait3A_226 = tpu.memref_slice %arg10[%dma_wait3A_224, %dma_wait3A_225] : memref<8x128xi32, #tpu.memory_space<vmem>> -> memref<1x128xi32, #tpu.memory_space<vmem>>
        %dma_wait3A_227 = tpu.memref_squeeze %dma_wait3A_226 : memref<1x128xi32, #tpu.memory_space<vmem>> -> memref<128xi32, #tpu.memory_space<vmem>>
        %dma_wait3A_228 = arith.constant 0 : i32
        %dma_wait3A_229 = arith.constant 0 : i32
        %dma_wait3A_230 = tpu.memref_slice %arg2[%dma_wait3A_228, %dma_wait3A_229] : memref<10000x128xf32, #tpu.memory_space<hbm>> -> memref<10000x128xf32, #tpu.memory_space<hbm>>
        tpu.wait_indirect_dma semaphore(%arg16 : memref<!tpu.dma_semaphore, #tpu.memory_space<semaphore_mem>>) src(%dma_wait3A_230 : memref<10000x128xf32, #tpu.memory_space<hbm>>) dst(%arg13 : memref<128x128xf32, #tpu.memory_space<vmem>>)
        %dma_start3A_231 = arith.constant 6 : i32
        %dma_start3A_232 = arith.constant 0 : i32
        %dma_start3A_233 = tpu.memref_slice %arg10[%dma_start3A_231, %dma_start3A_232] : memref<8x128xi32, #tpu.memory_space<vmem>> -> memref<1x128xi32, #tpu.memory_space<vmem>>
        %dma_start3A_234 = tpu.memref_squeeze %dma_start3A_233 : memref<1x128xi32, #tpu.memory_space<vmem>> -> memref<128xi32, #tpu.memory_space<vmem>>
        %dma_start3A_235 = arith.constant 0 : i32
        %dma_start3A_236 = arith.constant 0 : i32
        %dma_start3A_237 = tpu.memref_slice %arg2[%dma_start3A_235, %dma_start3A_236] : memref<10000x128xf32, #tpu.memory_space<hbm>> -> memref<10000x128xf32, #tpu.memory_space<hbm>>
        tpu.enqueue_indirect_dma source(%dma_start3A_237 : memref<10000x128xf32, #tpu.memory_space<hbm>>) target(%arg12 : memref<128x128xf32, #tpu.memory_space<vmem>>) offsets(%dma_start3A_234 : memref<128xi32, #tpu.memory_space<vmem>>) semaphore(%arg15 : memref<!tpu.dma_semaphore, #tpu.memory_space<semaphore_mem>>)
        %run_scoped3A_238 = arith.constant 5 : i32
        "tpu.region"() ({
          %run_scoped3A_265 = tpu.sem_alloc : memref<!tpu.dma_semaphore, #tpu.memory_space<semaphore_mem>>
          %dma_start3A_266 = arith.constant 0 : i32
          %dma_start3A_267 = tpu.memref_slice %arg11[%run_scoped3A_238, %dma_start3A_266] : memref<8x128xi32, #tpu.memory_space<vmem>> -> memref<1x128xi32, #tpu.memory_space<vmem>>
          %dma_start3A_268 = tpu.memref_squeeze %dma_start3A_267 : memref<1x128xi32, #tpu.memory_space<vmem>> -> memref<128xi32, #tpu.memory_space<vmem>>
          %dma_start3A_269 = arith.constant 0 : i32
          %dma_start3A_270 = arith.constant 0 : i32
          %dma_start3A_271 = tpu.memref_slice %arg17[%dma_start3A_269, %dma_start3A_270] : memref<10240x128xf32, #tpu.memory_space<vmem_shared>> -> memref<10240x128xf32, #tpu.memory_space<vmem_shared>>
          tpu.enqueue_indirect_dma source(%arg13 : memref<128x128xf32, #tpu.memory_space<vmem>>) target(%dma_start3A_271 : memref<10240x128xf32, #tpu.memory_space<vmem_shared>>) offsets(%dma_start3A_268 : memref<128xi32, #tpu.memory_space<vmem>>) semaphore(%run_scoped3A_265 : memref<!tpu.dma_semaphore, #tpu.memory_space<semaphore_mem>>) {add = true}
          %dma_wait3A_272 = arith.constant 0 : i32
          %dma_wait3A_273 = tpu.memref_slice %arg11[%run_scoped3A_238, %dma_wait3A_272] : memref<8x128xi32, #tpu.memory_space<vmem>> -> memref<1x128xi32, #tpu.memory_space<vmem>>
          %dma_wait3A_274 = tpu.memref_squeeze %dma_wait3A_273 : memref<1x128xi32, #tpu.memory_space<vmem>> -> memref<128xi32, #tpu.memory_space<vmem>>
          %dma_wait3A_275 = arith.constant 0 : i32
          %dma_wait3A_276 = arith.constant 0 : i32
          %dma_wait3A_277 = tpu.memref_slice %arg17[%dma_wait3A_275, %dma_wait3A_276] : memref<10240x128xf32, #tpu.memory_space<vmem_shared>> -> memref<10240x128xf32, #tpu.memory_space<vmem_shared>>
          tpu.wait_indirect_dma semaphore(%run_scoped3A_265 : memref<!tpu.dma_semaphore, #tpu.memory_space<semaphore_mem>>) src(%arg13 : memref<128x128xf32, #tpu.memory_space<vmem>>) dst(%dma_wait3A_277 : memref<10240x128xf32, #tpu.memory_space<vmem_shared>>)
          tpu.yield
        }) : () -> ()
        %run_scoped3A_239 = arith.constant 5 : i32
        "tpu.region"() ({
          %run_scoped3A_265 = tpu.sem_alloc : memref<!tpu.dma_semaphore, #tpu.memory_space<semaphore_mem>>
          %dma_start3A_266 = arith.constant 0 : i32
          %dma_start3A_267 = tpu.memref_slice %arg11[%run_scoped3A_239, %dma_start3A_266] : memref<8x128xi32, #tpu.memory_space<vmem>> -> memref<1x128xi32, #tpu.memory_space<vmem>>
          %dma_start3A_268 = tpu.memref_squeeze %dma_start3A_267 : memref<1x128xi32, #tpu.memory_space<vmem>> -> memref<128xi32, #tpu.memory_space<vmem>>
          %dma_start3A_269 = arith.constant 0 : i32
          %dma_start3A_270 = tpu.memref_slice %arg18[%dma_start3A_269] : memref<10240xf32, #tpu.memory_space<vmem_shared>> -> memref<10240xf32, #tpu.memory_space<vmem_shared>>
          tpu.enqueue_indirect_dma source(%arg14 : memref<128xf32, #tpu.memory_space<vmem>>) target(%dma_start3A_270 : memref<10240xf32, #tpu.memory_space<vmem_shared>>) offsets(%dma_start3A_268 : memref<128xi32, #tpu.memory_space<vmem>>) semaphore(%run_scoped3A_265 : memref<!tpu.dma_semaphore, #tpu.memory_space<semaphore_mem>>) {add = true}
          %dma_wait3A_271 = arith.constant 0 : i32
          %dma_wait3A_272 = tpu.memref_slice %arg11[%run_scoped3A_239, %dma_wait3A_271] : memref<8x128xi32, #tpu.memory_space<vmem>> -> memref<1x128xi32, #tpu.memory_space<vmem>>
          %dma_wait3A_273 = tpu.memref_squeeze %dma_wait3A_272 : memref<1x128xi32, #tpu.memory_space<vmem>> -> memref<128xi32, #tpu.memory_space<vmem>>
          %dma_wait3A_274 = arith.constant 0 : i32
          %dma_wait3A_275 = tpu.memref_slice %arg18[%dma_wait3A_274] : memref<10240xf32, #tpu.memory_space<vmem_shared>> -> memref<10240xf32, #tpu.memory_space<vmem_shared>>
          tpu.wait_indirect_dma semaphore(%run_scoped3A_265 : memref<!tpu.dma_semaphore, #tpu.memory_space<semaphore_mem>>) src(%arg14 : memref<128xf32, #tpu.memory_space<vmem>>) dst(%dma_wait3A_275 : memref<10240xf32, #tpu.memory_space<vmem_shared>>)
          tpu.yield
        }) : () -> ()
        %dma_wait3A_240 = arith.constant 6 : i32
        %dma_wait3A_241 = arith.constant 0 : i32
        %dma_wait3A_242 = tpu.memref_slice %arg10[%dma_wait3A_240, %dma_wait3A_241] : memref<8x128xi32, #tpu.memory_space<vmem>> -> memref<1x128xi32, #tpu.memory_space<vmem>>
        %dma_wait3A_243 = tpu.memref_squeeze %dma_wait3A_242 : memref<1x128xi32, #tpu.memory_space<vmem>> -> memref<128xi32, #tpu.memory_space<vmem>>
        %dma_wait3A_244 = arith.constant 0 : i32
        %dma_wait3A_245 = arith.constant 0 : i32
        %dma_wait3A_246 = tpu.memref_slice %arg2[%dma_wait3A_244, %dma_wait3A_245] : memref<10000x128xf32, #tpu.memory_space<hbm>> -> memref<10000x128xf32, #tpu.memory_space<hbm>>
        tpu.wait_indirect_dma semaphore(%arg15 : memref<!tpu.dma_semaphore, #tpu.memory_space<semaphore_mem>>) src(%dma_wait3A_246 : memref<10000x128xf32, #tpu.memory_space<hbm>>) dst(%arg12 : memref<128x128xf32, #tpu.memory_space<vmem>>)
        %dma_start3A_247 = arith.constant 7 : i32
        %dma_start3A_248 = arith.constant 0 : i32
        %dma_start3A_249 = tpu.memref_slice %arg10[%dma_start3A_247, %dma_start3A_248] : memref<8x128xi32, #tpu.memory_space<vmem>> -> memref<1x128xi32, #tpu.memory_space<vmem>>
        %dma_start3A_250 = tpu.memref_squeeze %dma_start3A_249 : memref<1x128xi32, #tpu.memory_space<vmem>> -> memref<128xi32, #tpu.memory_space<vmem>>
        %dma_start3A_251 = arith.constant 0 : i32
        %dma_start3A_252 = arith.constant 0 : i32
        %dma_start3A_253 = tpu.memref_slice %arg2[%dma_start3A_251, %dma_start3A_252] : memref<10000x128xf32, #tpu.memory_space<hbm>> -> memref<10000x128xf32, #tpu.memory_space<hbm>>
        tpu.enqueue_indirect_dma source(%dma_start3A_253 : memref<10000x128xf32, #tpu.memory_space<hbm>>) target(%arg13 : memref<128x128xf32, #tpu.memory_space<vmem>>) offsets(%dma_start3A_250 : memref<128xi32, #tpu.memory_space<vmem>>) semaphore(%arg16 : memref<!tpu.dma_semaphore, #tpu.memory_space<semaphore_mem>>)
        %run_scoped3A_254 = arith.constant 6 : i32
        "tpu.region"() ({
          %run_scoped3A_265 = tpu.sem_alloc : memref<!tpu.dma_semaphore, #tpu.memory_space<semaphore_mem>>
          %dma_start3A_266 = arith.constant 0 : i32
          %dma_start3A_267 = tpu.memref_slice %arg11[%run_scoped3A_254, %dma_start3A_266] : memref<8x128xi32, #tpu.memory_space<vmem>> -> memref<1x128xi32, #tpu.memory_space<vmem>>
          %dma_start3A_268 = tpu.memref_squeeze %dma_start3A_267 : memref<1x128xi32, #tpu.memory_space<vmem>> -> memref<128xi32, #tpu.memory_space<vmem>>
          %dma_start3A_269 = arith.constant 0 : i32
          %dma_start3A_270 = arith.constant 0 : i32
          %dma_start3A_271 = tpu.memref_slice %arg17[%dma_start3A_269, %dma_start3A_270] : memref<10240x128xf32, #tpu.memory_space<vmem_shared>> -> memref<10240x128xf32, #tpu.memory_space<vmem_shared>>
          tpu.enqueue_indirect_dma source(%arg12 : memref<128x128xf32, #tpu.memory_space<vmem>>) target(%dma_start3A_271 : memref<10240x128xf32, #tpu.memory_space<vmem_shared>>) offsets(%dma_start3A_268 : memref<128xi32, #tpu.memory_space<vmem>>) semaphore(%run_scoped3A_265 : memref<!tpu.dma_semaphore, #tpu.memory_space<semaphore_mem>>) {add = true}
          %dma_wait3A_272 = arith.constant 0 : i32
          %dma_wait3A_273 = tpu.memref_slice %arg11[%run_scoped3A_254, %dma_wait3A_272] : memref<8x128xi32, #tpu.memory_space<vmem>> -> memref<1x128xi32, #tpu.memory_space<vmem>>
          %dma_wait3A_274 = tpu.memref_squeeze %dma_wait3A_273 : memref<1x128xi32, #tpu.memory_space<vmem>> -> memref<128xi32, #tpu.memory_space<vmem>>
          %dma_wait3A_275 = arith.constant 0 : i32
          %dma_wait3A_276 = arith.constant 0 : i32
          %dma_wait3A_277 = tpu.memref_slice %arg17[%dma_wait3A_275, %dma_wait3A_276] : memref<10240x128xf32, #tpu.memory_space<vmem_shared>> -> memref<10240x128xf32, #tpu.memory_space<vmem_shared>>
          tpu.wait_indirect_dma semaphore(%run_scoped3A_265 : memref<!tpu.dma_semaphore, #tpu.memory_space<semaphore_mem>>) src(%arg12 : memref<128x128xf32, #tpu.memory_space<vmem>>) dst(%dma_wait3A_277 : memref<10240x128xf32, #tpu.memory_space<vmem_shared>>)
          tpu.yield
        }) : () -> ()
        %run_scoped3A_255 = arith.constant 6 : i32
        "tpu.region"() ({
          %run_scoped3A_265 = tpu.sem_alloc : memref<!tpu.dma_semaphore, #tpu.memory_space<semaphore_mem>>
          %dma_start3A_266 = arith.constant 0 : i32
          %dma_start3A_267 = tpu.memref_slice %arg11[%run_scoped3A_255, %dma_start3A_266] : memref<8x128xi32, #tpu.memory_space<vmem>> -> memref<1x128xi32, #tpu.memory_space<vmem>>
          %dma_start3A_268 = tpu.memref_squeeze %dma_start3A_267 : memref<1x128xi32, #tpu.memory_space<vmem>> -> memref<128xi32, #tpu.memory_space<vmem>>
          %dma_start3A_269 = arith.constant 0 : i32
          %dma_start3A_270 = tpu.memref_slice %arg18[%dma_start3A_269] : memref<10240xf32, #tpu.memory_space<vmem_shared>> -> memref<10240xf32, #tpu.memory_space<vmem_shared>>
          tpu.enqueue_indirect_dma source(%arg14 : memref<128xf32, #tpu.memory_space<vmem>>) target(%dma_start3A_270 : memref<10240xf32, #tpu.memory_space<vmem_shared>>) offsets(%dma_start3A_268 : memref<128xi32, #tpu.memory_space<vmem>>) semaphore(%run_scoped3A_265 : memref<!tpu.dma_semaphore, #tpu.memory_space<semaphore_mem>>) {add = true}
          %dma_wait3A_271 = arith.constant 0 : i32
          %dma_wait3A_272 = tpu.memref_slice %arg11[%run_scoped3A_255, %dma_wait3A_271] : memref<8x128xi32, #tpu.memory_space<vmem>> -> memref<1x128xi32, #tpu.memory_space<vmem>>
          %dma_wait3A_273 = tpu.memref_squeeze %dma_wait3A_272 : memref<1x128xi32, #tpu.memory_space<vmem>> -> memref<128xi32, #tpu.memory_space<vmem>>
          %dma_wait3A_274 = arith.constant 0 : i32
          %dma_wait3A_275 = tpu.memref_slice %arg18[%dma_wait3A_274] : memref<10240xf32, #tpu.memory_space<vmem_shared>> -> memref<10240xf32, #tpu.memory_space<vmem_shared>>
          tpu.wait_indirect_dma semaphore(%run_scoped3A_265 : memref<!tpu.dma_semaphore, #tpu.memory_space<semaphore_mem>>) src(%arg14 : memref<128xf32, #tpu.memory_space<vmem>>) dst(%dma_wait3A_275 : memref<10240xf32, #tpu.memory_space<vmem_shared>>)
          tpu.yield
        }) : () -> ()
        %dma_wait3A_256 = arith.constant 7 : i32
        %dma_wait3A_257 = arith.constant 0 : i32
        %dma_wait3A_258 = tpu.memref_slice %arg10[%dma_wait3A_256, %dma_wait3A_257] : memref<8x128xi32, #tpu.memory_space<vmem>> -> memref<1x128xi32, #tpu.memory_space<vmem>>
        %dma_wait3A_259 = tpu.memref_squeeze %dma_wait3A_258 : memref<1x128xi32, #tpu.memory_space<vmem>> -> memref<128xi32, #tpu.memory_space<vmem>>
        %dma_wait3A_260 = arith.constant 0 : i32
        %dma_wait3A_261 = arith.constant 0 : i32
        %dma_wait3A_262 = tpu.memref_slice %arg2[%dma_wait3A_260, %dma_wait3A_261] : memref<10000x128xf32, #tpu.memory_space<hbm>> -> memref<10000x128xf32, #tpu.memory_space<hbm>>
        tpu.wait_indirect_dma semaphore(%arg16 : memref<!tpu.dma_semaphore, #tpu.memory_space<semaphore_mem>>) src(%dma_wait3A_262 : memref<10000x128xf32, #tpu.memory_space<hbm>>) dst(%arg13 : memref<128x128xf32, #tpu.memory_space<vmem>>)
        %run_scoped3A_263 = arith.constant 7 : i32
        "tpu.region"() ({
          %run_scoped3A_265 = tpu.sem_alloc : memref<!tpu.dma_semaphore, #tpu.memory_space<semaphore_mem>>
          %dma_start3A_266 = arith.constant 0 : i32
          %dma_start3A_267 = tpu.memref_slice %arg11[%run_scoped3A_263, %dma_start3A_266] : memref<8x128xi32, #tpu.memory_space<vmem>> -> memref<1x128xi32, #tpu.memory_space<vmem>>
          %dma_start3A_268 = tpu.memref_squeeze %dma_start3A_267 : memref<1x128xi32, #tpu.memory_space<vmem>> -> memref<128xi32, #tpu.memory_space<vmem>>
          %dma_start3A_269 = arith.constant 0 : i32
          %dma_start3A_270 = arith.constant 0 : i32
          %dma_start3A_271 = tpu.memref_slice %arg17[%dma_start3A_269, %dma_start3A_270] : memref<10240x128xf32, #tpu.memory_space<vmem_shared>> -> memref<10240x128xf32, #tpu.memory_space<vmem_shared>>
          tpu.enqueue_indirect_dma source(%arg13 : memref<128x128xf32, #tpu.memory_space<vmem>>) target(%dma_start3A_271 : memref<10240x128xf32, #tpu.memory_space<vmem_shared>>) offsets(%dma_start3A_268 : memref<128xi32, #tpu.memory_space<vmem>>) semaphore(%run_scoped3A_265 : memref<!tpu.dma_semaphore, #tpu.memory_space<semaphore_mem>>) {add = true}
          %dma_wait3A_272 = arith.constant 0 : i32
          %dma_wait3A_273 = tpu.memref_slice %arg11[%run_scoped3A_263, %dma_wait3A_272] : memref<8x128xi32, #tpu.memory_space<vmem>> -> memref<1x128xi32, #tpu.memory_space<vmem>>
          %dma_wait3A_274 = tpu.memref_squeeze %dma_wait3A_273 : memref<1x128xi32, #tpu.memory_space<vmem>> -> memref<128xi32, #tpu.memory_space<vmem>>
          %dma_wait3A_275 = arith.constant 0 : i32
          %dma_wait3A_276 = arith.constant 0 : i32
          %dma_wait3A_277 = tpu.memref_slice %arg17[%dma_wait3A_275, %dma_wait3A_276] : memref<10240x128xf32, #tpu.memory_space<vmem_shared>> -> memref<10240x128xf32, #tpu.memory_space<vmem_shared>>
          tpu.wait_indirect_dma semaphore(%run_scoped3A_265 : memref<!tpu.dma_semaphore, #tpu.memory_space<semaphore_mem>>) src(%arg13 : memref<128x128xf32, #tpu.memory_space<vmem>>) dst(%dma_wait3A_277 : memref<10240x128xf32, #tpu.memory_space<vmem_shared>>)
          tpu.yield
        }) : () -> ()
        %run_scoped3A_264 = arith.constant 7 : i32
        "tpu.region"() ({
          %run_scoped3A_265 = tpu.sem_alloc : memref<!tpu.dma_semaphore, #tpu.memory_space<semaphore_mem>>
          %dma_start3A_266 = arith.constant 0 : i32
          %dma_start3A_267 = tpu.memref_slice %arg11[%run_scoped3A_264, %dma_start3A_266] : memref<8x128xi32, #tpu.memory_space<vmem>> -> memref<1x128xi32, #tpu.memory_space<vmem>>
          %dma_start3A_268 = tpu.memref_squeeze %dma_start3A_267 : memref<1x128xi32, #tpu.memory_space<vmem>> -> memref<128xi32, #tpu.memory_space<vmem>>
          %dma_start3A_269 = arith.constant 0 : i32
          %dma_start3A_270 = tpu.memref_slice %arg18[%dma_start3A_269] : memref<10240xf32, #tpu.memory_space<vmem_shared>> -> memref<10240xf32, #tpu.memory_space<vmem_shared>>
          tpu.enqueue_indirect_dma source(%arg14 : memref<128xf32, #tpu.memory_space<vmem>>) target(%dma_start3A_270 : memref<10240xf32, #tpu.memory_space<vmem_shared>>) offsets(%dma_start3A_268 : memref<128xi32, #tpu.memory_space<vmem>>) semaphore(%run_scoped3A_265 : memref<!tpu.dma_semaphore, #tpu.memory_space<semaphore_mem>>) {add = true}
          %dma_wait3A_271 = arith.constant 0 : i32
          %dma_wait3A_272 = tpu.memref_slice %arg11[%run_scoped3A_264, %dma_wait3A_271] : memref<8x128xi32, #tpu.memory_space<vmem>> -> memref<1x128xi32, #tpu.memory_space<vmem>>
          %dma_wait3A_273 = tpu.memref_squeeze %dma_wait3A_272 : memref<1x128xi32, #tpu.memory_space<vmem>> -> memref<128xi32, #tpu.memory_space<vmem>>
          %dma_wait3A_274 = arith.constant 0 : i32
          %dma_wait3A_275 = tpu.memref_slice %arg18[%dma_wait3A_274] : memref<10240xf32, #tpu.memory_space<vmem_shared>> -> memref<10240xf32, #tpu.memory_space<vmem_shared>>
          tpu.wait_indirect_dma semaphore(%run_scoped3A_265 : memref<!tpu.dma_semaphore, #tpu.memory_space<semaphore_mem>>) src(%arg14 : memref<128xf32, #tpu.memory_space<vmem>>) dst(%dma_wait3A_275 : memref<10240xf32, #tpu.memory_space<vmem_shared>>)
          tpu.yield
        }) : () -> ()
      }
      %scan3A_132 = arith.constant 18 : i32
    } else {
    }
    %eq3A_40 = arith.constant 1 : i32
    %eq3A_41 = arith.cmpi eq, %arg0, %eq3A_40 : i32
    %convert_element_type3A_42 = arith.extui %eq3A_41 : i1 to i32
    %cond3A_43 = arith.constant 0 : i32
    %cond3A_44 = arith.cmpi ne, %convert_element_type3A_42, %cond3A_43 : i32
    scf.if %cond3A_44 {
      %mul3A_126 = arith.constant 16 : i32
      %mul3A_127 = arith.muli %arg1, %mul3A_126 : i32
      %add3A_128 = arith.constant 2304 : i32
      %add3A_129 = arith.addi %add3A_128, %mul3A_127 : i32
      %scan3A = arith.constant 0 : i32
      %scan3A_130 = arith.constant 0 : i32
      %scan3A_131 = arith.constant 2 : i32
      %scan3A_132 = arith.addi %scan3A_130, %scan3A_131 : i32
      %scan3A_133 = arith.constant 1 : i32
      scf.for %scan3A_135 = %scan3A_130 to %scan3A_132 step %scan3A_133  : i32 {
        %mul3A_136 = arith.constant 8 : i32
        %mul3A_137 = arith.muli %scan3A_135, %mul3A_136 : i32
        %add3A_138 = arith.addi %add3A_129, %mul3A_137 : i32
        "tpu.region"() ({
          %run_scoped3A_267 = tpu.sem_alloc : memref<!tpu.dma_semaphore, #tpu.memory_space<semaphore_mem>>
          %dma_start3A_268 = arith.constant 0 : i32
          %dma_start3A_269 = tpu.memref_slice %arg3[%add3A_138, %dma_start3A_268] : memref<2560x128xi32, #tpu.memory_space<hbm>> -> memref<8x128xi32, #tpu.memory_space<hbm>>
          %dma_start3A_270 = arith.constant 0 : i32
          %dma_start3A_271 = tpu.memref_slice %arg3[%add3A_138, %dma_start3A_270] : memref<2560x128xi32, #tpu.memory_space<hbm>> -> memref<8x128xi32, #tpu.memory_space<hbm>>
          tpu.enqueue_dma source(%dma_start3A_271 : memref<8x128xi32, #tpu.memory_space<hbm>>) target(%arg10 : memref<8x128xi32, #tpu.memory_space<vmem>>) target_semaphore(%run_scoped3A_267 : memref<!tpu.dma_semaphore, #tpu.memory_space<semaphore_mem>>)
          %dma_wait3A_272 = arith.constant 0 : i32
          %dma_wait3A_273 = tpu.memref_slice %arg3[%add3A_138, %dma_wait3A_272] : memref<2560x128xi32, #tpu.memory_space<hbm>> -> memref<8x128xi32, #tpu.memory_space<hbm>>
          %dma_wait3A_274 = arith.constant 0 : i32
          %dma_wait3A_275 = tpu.memref_slice %arg3[%add3A_138, %dma_wait3A_274] : memref<2560x128xi32, #tpu.memory_space<hbm>> -> memref<8x128xi32, #tpu.memory_space<hbm>>
          tpu.wait_dma2 semaphore(%run_scoped3A_267 : memref<!tpu.dma_semaphore, #tpu.memory_space<semaphore_mem>>) src(%dma_wait3A_275 : memref<8x128xi32, #tpu.memory_space<hbm>>) dst(%arg10 : memref<8x128xi32, #tpu.memory_space<vmem>>)
          tpu.yield
        }) : () -> ()
        %mul3A_139 = arith.constant 8 : i32
        %mul3A_140 = arith.muli %scan3A_135, %mul3A_139 : i32
        %add3A_141 = arith.addi %add3A_129, %mul3A_140 : i32
        "tpu.region"() ({
          %run_scoped3A_267 = tpu.sem_alloc : memref<!tpu.dma_semaphore, #tpu.memory_space<semaphore_mem>>
          %dma_start3A_268 = arith.constant 0 : i32
          %dma_start3A_269 = tpu.memref_slice %arg4[%add3A_141, %dma_start3A_268] : memref<2560x128xi32, #tpu.memory_space<hbm>> -> memref<8x128xi32, #tpu.memory_space<hbm>>
          %dma_start3A_270 = arith.constant 0 : i32
          %dma_start3A_271 = tpu.memref_slice %arg4[%add3A_141, %dma_start3A_270] : memref<2560x128xi32, #tpu.memory_space<hbm>> -> memref<8x128xi32, #tpu.memory_space<hbm>>
          tpu.enqueue_dma source(%dma_start3A_271 : memref<8x128xi32, #tpu.memory_space<hbm>>) target(%arg11 : memref<8x128xi32, #tpu.memory_space<vmem>>) target_semaphore(%run_scoped3A_267 : memref<!tpu.dma_semaphore, #tpu.memory_space<semaphore_mem>>)
          %dma_wait3A_272 = arith.constant 0 : i32
          %dma_wait3A_273 = tpu.memref_slice %arg4[%add3A_141, %dma_wait3A_272] : memref<2560x128xi32, #tpu.memory_space<hbm>> -> memref<8x128xi32, #tpu.memory_space<hbm>>
          %dma_wait3A_274 = arith.constant 0 : i32
          %dma_wait3A_275 = tpu.memref_slice %arg4[%add3A_141, %dma_wait3A_274] : memref<2560x128xi32, #tpu.memory_space<hbm>> -> memref<8x128xi32, #tpu.memory_space<hbm>>
          tpu.wait_dma2 semaphore(%run_scoped3A_267 : memref<!tpu.dma_semaphore, #tpu.memory_space<semaphore_mem>>) src(%dma_wait3A_275 : memref<8x128xi32, #tpu.memory_space<hbm>>) dst(%arg11 : memref<8x128xi32, #tpu.memory_space<vmem>>)
          tpu.yield
        }) : () -> ()
        %dma_start3A = arith.constant 0 : i32
        %dma_start3A_142 = arith.constant 0 : i32
        %dma_start3A_143 = tpu.memref_slice %arg10[%dma_start3A, %dma_start3A_142] : memref<8x128xi32, #tpu.memory_space<vmem>> -> memref<1x128xi32, #tpu.memory_space<vmem>>
        %dma_start3A_144 = tpu.memref_squeeze %dma_start3A_143 : memref<1x128xi32, #tpu.memory_space<vmem>> -> memref<128xi32, #tpu.memory_space<vmem>>
        %dma_start3A_145 = arith.constant 0 : i32
        %dma_start3A_146 = arith.constant 0 : i32
        %dma_start3A_147 = tpu.memref_slice %arg2[%dma_start3A_145, %dma_start3A_146] : memref<10000x128xf32, #tpu.memory_space<hbm>> -> memref<10000x128xf32, #tpu.memory_space<hbm>>
        tpu.enqueue_indirect_dma source(%dma_start3A_147 : memref<10000x128xf32, #tpu.memory_space<hbm>>) target(%arg12 : memref<128x128xf32, #tpu.memory_space<vmem>>) offsets(%dma_start3A_144 : memref<128xi32, #tpu.memory_space<vmem>>) semaphore(%arg15 : memref<!tpu.dma_semaphore, #tpu.memory_space<semaphore_mem>>)
        %dma_wait3A = arith.constant 0 : i32
        %dma_wait3A_148 = arith.constant 0 : i32
        %dma_wait3A_149 = tpu.memref_slice %arg10[%dma_wait3A, %dma_wait3A_148] : memref<8x128xi32, #tpu.memory_space<vmem>> -> memref<1x128xi32, #tpu.memory_space<vmem>>
        %dma_wait3A_150 = tpu.memref_squeeze %dma_wait3A_149 : memref<1x128xi32, #tpu.memory_space<vmem>> -> memref<128xi32, #tpu.memory_space<vmem>>
        %dma_wait3A_151 = arith.constant 0 : i32
        %dma_wait3A_152 = arith.constant 0 : i32
        %dma_wait3A_153 = tpu.memref_slice %arg2[%dma_wait3A_151, %dma_wait3A_152] : memref<10000x128xf32, #tpu.memory_space<hbm>> -> memref<10000x128xf32, #tpu.memory_space<hbm>>
        tpu.wait_indirect_dma semaphore(%arg15 : memref<!tpu.dma_semaphore, #tpu.memory_space<semaphore_mem>>) src(%dma_wait3A_153 : memref<10000x128xf32, #tpu.memory_space<hbm>>) dst(%arg12 : memref<128x128xf32, #tpu.memory_space<vmem>>)
        %dma_start3A_154 = arith.constant 1 : i32
        %dma_start3A_155 = arith.constant 0 : i32
        %dma_start3A_156 = tpu.memref_slice %arg10[%dma_start3A_154, %dma_start3A_155] : memref<8x128xi32, #tpu.memory_space<vmem>> -> memref<1x128xi32, #tpu.memory_space<vmem>>
        %dma_start3A_157 = tpu.memref_squeeze %dma_start3A_156 : memref<1x128xi32, #tpu.memory_space<vmem>> -> memref<128xi32, #tpu.memory_space<vmem>>
        %dma_start3A_158 = arith.constant 0 : i32
        %dma_start3A_159 = arith.constant 0 : i32
        %dma_start3A_160 = tpu.memref_slice %arg2[%dma_start3A_158, %dma_start3A_159] : memref<10000x128xf32, #tpu.memory_space<hbm>> -> memref<10000x128xf32, #tpu.memory_space<hbm>>
        tpu.enqueue_indirect_dma source(%dma_start3A_160 : memref<10000x128xf32, #tpu.memory_space<hbm>>) target(%arg13 : memref<128x128xf32, #tpu.memory_space<vmem>>) offsets(%dma_start3A_157 : memref<128xi32, #tpu.memory_space<vmem>>) semaphore(%arg16 : memref<!tpu.dma_semaphore, #tpu.memory_space<semaphore_mem>>)
        %run_scoped3A = arith.constant 0 : i32
        "tpu.region"() ({
          %run_scoped3A_267 = tpu.sem_alloc : memref<!tpu.dma_semaphore, #tpu.memory_space<semaphore_mem>>
          %dma_start3A_268 = arith.constant 0 : i32
          %dma_start3A_269 = tpu.memref_slice %arg11[%run_scoped3A, %dma_start3A_268] : memref<8x128xi32, #tpu.memory_space<vmem>> -> memref<1x128xi32, #tpu.memory_space<vmem>>
          %dma_start3A_270 = tpu.memref_squeeze %dma_start3A_269 : memref<1x128xi32, #tpu.memory_space<vmem>> -> memref<128xi32, #tpu.memory_space<vmem>>
          %dma_start3A_271 = arith.constant 0 : i32
          %dma_start3A_272 = arith.constant 0 : i32
          %dma_start3A_273 = tpu.memref_slice %arg17[%dma_start3A_271, %dma_start3A_272] : memref<10240x128xf32, #tpu.memory_space<vmem_shared>> -> memref<10240x128xf32, #tpu.memory_space<vmem_shared>>
          tpu.enqueue_indirect_dma source(%arg12 : memref<128x128xf32, #tpu.memory_space<vmem>>) target(%dma_start3A_273 : memref<10240x128xf32, #tpu.memory_space<vmem_shared>>) offsets(%dma_start3A_270 : memref<128xi32, #tpu.memory_space<vmem>>) semaphore(%run_scoped3A_267 : memref<!tpu.dma_semaphore, #tpu.memory_space<semaphore_mem>>) {add = true}
          %dma_wait3A_274 = arith.constant 0 : i32
          %dma_wait3A_275 = tpu.memref_slice %arg11[%run_scoped3A, %dma_wait3A_274] : memref<8x128xi32, #tpu.memory_space<vmem>> -> memref<1x128xi32, #tpu.memory_space<vmem>>
          %dma_wait3A_276 = tpu.memref_squeeze %dma_wait3A_275 : memref<1x128xi32, #tpu.memory_space<vmem>> -> memref<128xi32, #tpu.memory_space<vmem>>
          %dma_wait3A_277 = arith.constant 0 : i32
          %dma_wait3A_278 = arith.constant 0 : i32
          %dma_wait3A_279 = tpu.memref_slice %arg17[%dma_wait3A_277, %dma_wait3A_278] : memref<10240x128xf32, #tpu.memory_space<vmem_shared>> -> memref<10240x128xf32, #tpu.memory_space<vmem_shared>>
          tpu.wait_indirect_dma semaphore(%run_scoped3A_267 : memref<!tpu.dma_semaphore, #tpu.memory_space<semaphore_mem>>) src(%arg12 : memref<128x128xf32, #tpu.memory_space<vmem>>) dst(%dma_wait3A_279 : memref<10240x128xf32, #tpu.memory_space<vmem_shared>>)
          tpu.yield
        }) : () -> ()
        %run_scoped3A_161 = arith.constant 0 : i32
        "tpu.region"() ({
          %run_scoped3A_267 = tpu.sem_alloc : memref<!tpu.dma_semaphore, #tpu.memory_space<semaphore_mem>>
          %dma_start3A_268 = arith.constant 0 : i32
          %dma_start3A_269 = tpu.memref_slice %arg11[%run_scoped3A_161, %dma_start3A_268] : memref<8x128xi32, #tpu.memory_space<vmem>> -> memref<1x128xi32, #tpu.memory_space<vmem>>
          %dma_start3A_270 = tpu.memref_squeeze %dma_start3A_269 : memref<1x128xi32, #tpu.memory_space<vmem>> -> memref<128xi32, #tpu.memory_space<vmem>>
          %dma_start3A_271 = arith.constant 0 : i32
          %dma_start3A_272 = tpu.memref_slice %arg18[%dma_start3A_271] : memref<10240xf32, #tpu.memory_space<vmem_shared>> -> memref<10240xf32, #tpu.memory_space<vmem_shared>>
          tpu.enqueue_indirect_dma source(%arg14 : memref<128xf32, #tpu.memory_space<vmem>>) target(%dma_start3A_272 : memref<10240xf32, #tpu.memory_space<vmem_shared>>) offsets(%dma_start3A_270 : memref<128xi32, #tpu.memory_space<vmem>>) semaphore(%run_scoped3A_267 : memref<!tpu.dma_semaphore, #tpu.memory_space<semaphore_mem>>) {add = true}
          %dma_wait3A_273 = arith.constant 0 : i32
          %dma_wait3A_274 = tpu.memref_slice %arg11[%run_scoped3A_161, %dma_wait3A_273] : memref<8x128xi32, #tpu.memory_space<vmem>> -> memref<1x128xi32, #tpu.memory_space<vmem>>
          %dma_wait3A_275 = tpu.memref_squeeze %dma_wait3A_274 : memref<1x128xi32, #tpu.memory_space<vmem>> -> memref<128xi32, #tpu.memory_space<vmem>>
          %dma_wait3A_276 = arith.constant 0 : i32
          %dma_wait3A_277 = tpu.memref_slice %arg18[%dma_wait3A_276] : memref<10240xf32, #tpu.memory_space<vmem_shared>> -> memref<10240xf32, #tpu.memory_space<vmem_shared>>
          tpu.wait_indirect_dma semaphore(%run_scoped3A_267 : memref<!tpu.dma_semaphore, #tpu.memory_space<semaphore_mem>>) src(%arg14 : memref<128xf32, #tpu.memory_space<vmem>>) dst(%dma_wait3A_277 : memref<10240xf32, #tpu.memory_space<vmem_shared>>)
          tpu.yield
        }) : () -> ()
        %dma_wait3A_162 = arith.constant 1 : i32
        %dma_wait3A_163 = arith.constant 0 : i32
        %dma_wait3A_164 = tpu.memref_slice %arg10[%dma_wait3A_162, %dma_wait3A_163] : memref<8x128xi32, #tpu.memory_space<vmem>> -> memref<1x128xi32, #tpu.memory_space<vmem>>
        %dma_wait3A_165 = tpu.memref_squeeze %dma_wait3A_164 : memref<1x128xi32, #tpu.memory_space<vmem>> -> memref<128xi32, #tpu.memory_space<vmem>>
        %dma_wait3A_166 = arith.constant 0 : i32
        %dma_wait3A_167 = arith.constant 0 : i32
        %dma_wait3A_168 = tpu.memref_slice %arg2[%dma_wait3A_166, %dma_wait3A_167] : memref<10000x128xf32, #tpu.memory_space<hbm>> -> memref<10000x128xf32, #tpu.memory_space<hbm>>
        tpu.wait_indirect_dma semaphore(%arg16 : memref<!tpu.dma_semaphore, #tpu.memory_space<semaphore_mem>>) src(%dma_wait3A_168 : memref<10000x128xf32, #tpu.memory_space<hbm>>) dst(%arg13 : memref<128x128xf32, #tpu.memory_space<vmem>>)
        %dma_start3A_169 = arith.constant 2 : i32
        %dma_start3A_170 = arith.constant 0 : i32
        %dma_start3A_171 = tpu.memref_slice %arg10[%dma_start3A_169, %dma_start3A_170] : memref<8x128xi32, #tpu.memory_space<vmem>> -> memref<1x128xi32, #tpu.memory_space<vmem>>
        %dma_start3A_172 = tpu.memref_squeeze %dma_start3A_171 : memref<1x128xi32, #tpu.memory_space<vmem>> -> memref<128xi32, #tpu.memory_space<vmem>>
        %dma_start3A_173 = arith.constant 0 : i32
        %dma_start3A_174 = arith.constant 0 : i32
        %dma_start3A_175 = tpu.memref_slice %arg2[%dma_start3A_173, %dma_start3A_174] : memref<10000x128xf32, #tpu.memory_space<hbm>> -> memref<10000x128xf32, #tpu.memory_space<hbm>>
        tpu.enqueue_indirect_dma source(%dma_start3A_175 : memref<10000x128xf32, #tpu.memory_space<hbm>>) target(%arg12 : memref<128x128xf32, #tpu.memory_space<vmem>>) offsets(%dma_start3A_172 : memref<128xi32, #tpu.memory_space<vmem>>) semaphore(%arg15 : memref<!tpu.dma_semaphore, #tpu.memory_space<semaphore_mem>>)
        %run_scoped3A_176 = arith.constant 1 : i32
        "tpu.region"() ({
          %run_scoped3A_267 = tpu.sem_alloc : memref<!tpu.dma_semaphore, #tpu.memory_space<semaphore_mem>>
          %dma_start3A_268 = arith.constant 0 : i32
          %dma_start3A_269 = tpu.memref_slice %arg11[%run_scoped3A_176, %dma_start3A_268] : memref<8x128xi32, #tpu.memory_space<vmem>> -> memref<1x128xi32, #tpu.memory_space<vmem>>
          %dma_start3A_270 = tpu.memref_squeeze %dma_start3A_269 : memref<1x128xi32, #tpu.memory_space<vmem>> -> memref<128xi32, #tpu.memory_space<vmem>>
          %dma_start3A_271 = arith.constant 0 : i32
          %dma_start3A_272 = arith.constant 0 : i32
          %dma_start3A_273 = tpu.memref_slice %arg17[%dma_start3A_271, %dma_start3A_272] : memref<10240x128xf32, #tpu.memory_space<vmem_shared>> -> memref<10240x128xf32, #tpu.memory_space<vmem_shared>>
          tpu.enqueue_indirect_dma source(%arg13 : memref<128x128xf32, #tpu.memory_space<vmem>>) target(%dma_start3A_273 : memref<10240x128xf32, #tpu.memory_space<vmem_shared>>) offsets(%dma_start3A_270 : memref<128xi32, #tpu.memory_space<vmem>>) semaphore(%run_scoped3A_267 : memref<!tpu.dma_semaphore, #tpu.memory_space<semaphore_mem>>) {add = true}
          %dma_wait3A_274 = arith.constant 0 : i32
          %dma_wait3A_275 = tpu.memref_slice %arg11[%run_scoped3A_176, %dma_wait3A_274] : memref<8x128xi32, #tpu.memory_space<vmem>> -> memref<1x128xi32, #tpu.memory_space<vmem>>
          %dma_wait3A_276 = tpu.memref_squeeze %dma_wait3A_275 : memref<1x128xi32, #tpu.memory_space<vmem>> -> memref<128xi32, #tpu.memory_space<vmem>>
          %dma_wait3A_277 = arith.constant 0 : i32
          %dma_wait3A_278 = arith.constant 0 : i32
          %dma_wait3A_279 = tpu.memref_slice %arg17[%dma_wait3A_277, %dma_wait3A_278] : memref<10240x128xf32, #tpu.memory_space<vmem_shared>> -> memref<10240x128xf32, #tpu.memory_space<vmem_shared>>
          tpu.wait_indirect_dma semaphore(%run_scoped3A_267 : memref<!tpu.dma_semaphore, #tpu.memory_space<semaphore_mem>>) src(%arg13 : memref<128x128xf32, #tpu.memory_space<vmem>>) dst(%dma_wait3A_279 : memref<10240x128xf32, #tpu.memory_space<vmem_shared>>)
          tpu.yield
        }) : () -> ()
        %run_scoped3A_177 = arith.constant 1 : i32
        "tpu.region"() ({
          %run_scoped3A_267 = tpu.sem_alloc : memref<!tpu.dma_semaphore, #tpu.memory_space<semaphore_mem>>
          %dma_start3A_268 = arith.constant 0 : i32
          %dma_start3A_269 = tpu.memref_slice %arg11[%run_scoped3A_177, %dma_start3A_268] : memref<8x128xi32, #tpu.memory_space<vmem>> -> memref<1x128xi32, #tpu.memory_space<vmem>>
          %dma_start3A_270 = tpu.memref_squeeze %dma_start3A_269 : memref<1x128xi32, #tpu.memory_space<vmem>> -> memref<128xi32, #tpu.memory_space<vmem>>
          %dma_start3A_271 = arith.constant 0 : i32
          %dma_start3A_272 = tpu.memref_slice %arg18[%dma_start3A_271] : memref<10240xf32, #tpu.memory_space<vmem_shared>> -> memref<10240xf32, #tpu.memory_space<vmem_shared>>
          tpu.enqueue_indirect_dma source(%arg14 : memref<128xf32, #tpu.memory_space<vmem>>) target(%dma_start3A_272 : memref<10240xf32, #tpu.memory_space<vmem_shared>>) offsets(%dma_start3A_270 : memref<128xi32, #tpu.memory_space<vmem>>) semaphore(%run_scoped3A_267 : memref<!tpu.dma_semaphore, #tpu.memory_space<semaphore_mem>>) {add = true}
          %dma_wait3A_273 = arith.constant 0 : i32
          %dma_wait3A_274 = tpu.memref_slice %arg11[%run_scoped3A_177, %dma_wait3A_273] : memref<8x128xi32, #tpu.memory_space<vmem>> -> memref<1x128xi32, #tpu.memory_space<vmem>>
          %dma_wait3A_275 = tpu.memref_squeeze %dma_wait3A_274 : memref<1x128xi32, #tpu.memory_space<vmem>> -> memref<128xi32, #tpu.memory_space<vmem>>
          %dma_wait3A_276 = arith.constant 0 : i32
          %dma_wait3A_277 = tpu.memref_slice %arg18[%dma_wait3A_276] : memref<10240xf32, #tpu.memory_space<vmem_shared>> -> memref<10240xf32, #tpu.memory_space<vmem_shared>>
          tpu.wait_indirect_dma semaphore(%run_scoped3A_267 : memref<!tpu.dma_semaphore, #tpu.memory_space<semaphore_mem>>) src(%arg14 : memref<128xf32, #tpu.memory_space<vmem>>) dst(%dma_wait3A_277 : memref<10240xf32, #tpu.memory_space<vmem_shared>>)
          tpu.yield
        }) : () -> ()
        %dma_wait3A_178 = arith.constant 2 : i32
        %dma_wait3A_179 = arith.constant 0 : i32
        %dma_wait3A_180 = tpu.memref_slice %arg10[%dma_wait3A_178, %dma_wait3A_179] : memref<8x128xi32, #tpu.memory_space<vmem>> -> memref<1x128xi32, #tpu.memory_space<vmem>>
        %dma_wait3A_181 = tpu.memref_squeeze %dma_wait3A_180 : memref<1x128xi32, #tpu.memory_space<vmem>> -> memref<128xi32, #tpu.memory_space<vmem>>
        %dma_wait3A_182 = arith.constant 0 : i32
        %dma_wait3A_183 = arith.constant 0 : i32
        %dma_wait3A_184 = tpu.memref_slice %arg2[%dma_wait3A_182, %dma_wait3A_183] : memref<10000x128xf32, #tpu.memory_space<hbm>> -> memref<10000x128xf32, #tpu.memory_space<hbm>>
        tpu.wait_indirect_dma semaphore(%arg15 : memref<!tpu.dma_semaphore, #tpu.memory_space<semaphore_mem>>) src(%dma_wait3A_184 : memref<10000x128xf32, #tpu.memory_space<hbm>>) dst(%arg12 : memref<128x128xf32, #tpu.memory_space<vmem>>)
        %dma_start3A_185 = arith.constant 3 : i32
        %dma_start3A_186 = arith.constant 0 : i32
        %dma_start3A_187 = tpu.memref_slice %arg10[%dma_start3A_185, %dma_start3A_186] : memref<8x128xi32, #tpu.memory_space<vmem>> -> memref<1x128xi32, #tpu.memory_space<vmem>>
        %dma_start3A_188 = tpu.memref_squeeze %dma_start3A_187 : memref<1x128xi32, #tpu.memory_space<vmem>> -> memref<128xi32, #tpu.memory_space<vmem>>
        %dma_start3A_189 = arith.constant 0 : i32
        %dma_start3A_190 = arith.constant 0 : i32
        %dma_start3A_191 = tpu.memref_slice %arg2[%dma_start3A_189, %dma_start3A_190] : memref<10000x128xf32, #tpu.memory_space<hbm>> -> memref<10000x128xf32, #tpu.memory_space<hbm>>
        tpu.enqueue_indirect_dma source(%dma_start3A_191 : memref<10000x128xf32, #tpu.memory_space<hbm>>) target(%arg13 : memref<128x128xf32, #tpu.memory_space<vmem>>) offsets(%dma_start3A_188 : memref<128xi32, #tpu.memory_space<vmem>>) semaphore(%arg16 : memref<!tpu.dma_semaphore, #tpu.memory_space<semaphore_mem>>)
        %run_scoped3A_192 = arith.constant 2 : i32
        "tpu.region"() ({
          %run_scoped3A_267 = tpu.sem_alloc : memref<!tpu.dma_semaphore, #tpu.memory_space<semaphore_mem>>
          %dma_start3A_268 = arith.constant 0 : i32
          %dma_start3A_269 = tpu.memref_slice %arg11[%run_scoped3A_192, %dma_start3A_268] : memref<8x128xi32, #tpu.memory_space<vmem>> -> memref<1x128xi32, #tpu.memory_space<vmem>>
          %dma_start3A_270 = tpu.memref_squeeze %dma_start3A_269 : memref<1x128xi32, #tpu.memory_space<vmem>> -> memref<128xi32, #tpu.memory_space<vmem>>
          %dma_start3A_271 = arith.constant 0 : i32
          %dma_start3A_272 = arith.constant 0 : i32
          %dma_start3A_273 = tpu.memref_slice %arg17[%dma_start3A_271, %dma_start3A_272] : memref<10240x128xf32, #tpu.memory_space<vmem_shared>> -> memref<10240x128xf32, #tpu.memory_space<vmem_shared>>
          tpu.enqueue_indirect_dma source(%arg12 : memref<128x128xf32, #tpu.memory_space<vmem>>) target(%dma_start3A_273 : memref<10240x128xf32, #tpu.memory_space<vmem_shared>>) offsets(%dma_start3A_270 : memref<128xi32, #tpu.memory_space<vmem>>) semaphore(%run_scoped3A_267 : memref<!tpu.dma_semaphore, #tpu.memory_space<semaphore_mem>>) {add = true}
          %dma_wait3A_274 = arith.constant 0 : i32
          %dma_wait3A_275 = tpu.memref_slice %arg11[%run_scoped3A_192, %dma_wait3A_274] : memref<8x128xi32, #tpu.memory_space<vmem>> -> memref<1x128xi32, #tpu.memory_space<vmem>>
          %dma_wait3A_276 = tpu.memref_squeeze %dma_wait3A_275 : memref<1x128xi32, #tpu.memory_space<vmem>> -> memref<128xi32, #tpu.memory_space<vmem>>
          %dma_wait3A_277 = arith.constant 0 : i32
          %dma_wait3A_278 = arith.constant 0 : i32
          %dma_wait3A_279 = tpu.memref_slice %arg17[%dma_wait3A_277, %dma_wait3A_278] : memref<10240x128xf32, #tpu.memory_space<vmem_shared>> -> memref<10240x128xf32, #tpu.memory_space<vmem_shared>>
          tpu.wait_indirect_dma semaphore(%run_scoped3A_267 : memref<!tpu.dma_semaphore, #tpu.memory_space<semaphore_mem>>) src(%arg12 : memref<128x128xf32, #tpu.memory_space<vmem>>) dst(%dma_wait3A_279 : memref<10240x128xf32, #tpu.memory_space<vmem_shared>>)
          tpu.yield
        }) : () -> ()
        %run_scoped3A_193 = arith.constant 2 : i32
        "tpu.region"() ({
          %run_scoped3A_267 = tpu.sem_alloc : memref<!tpu.dma_semaphore, #tpu.memory_space<semaphore_mem>>
          %dma_start3A_268 = arith.constant 0 : i32
          %dma_start3A_269 = tpu.memref_slice %arg11[%run_scoped3A_193, %dma_start3A_268] : memref<8x128xi32, #tpu.memory_space<vmem>> -> memref<1x128xi32, #tpu.memory_space<vmem>>
          %dma_start3A_270 = tpu.memref_squeeze %dma_start3A_269 : memref<1x128xi32, #tpu.memory_space<vmem>> -> memref<128xi32, #tpu.memory_space<vmem>>
          %dma_start3A_271 = arith.constant 0 : i32
          %dma_start3A_272 = tpu.memref_slice %arg18[%dma_start3A_271] : memref<10240xf32, #tpu.memory_space<vmem_shared>> -> memref<10240xf32, #tpu.memory_space<vmem_shared>>
          tpu.enqueue_indirect_dma source(%arg14 : memref<128xf32, #tpu.memory_space<vmem>>) target(%dma_start3A_272 : memref<10240xf32, #tpu.memory_space<vmem_shared>>) offsets(%dma_start3A_270 : memref<128xi32, #tpu.memory_space<vmem>>) semaphore(%run_scoped3A_267 : memref<!tpu.dma_semaphore, #tpu.memory_space<semaphore_mem>>) {add = true}
          %dma_wait3A_273 = arith.constant 0 : i32
          %dma_wait3A_274 = tpu.memref_slice %arg11[%run_scoped3A_193, %dma_wait3A_273] : memref<8x128xi32, #tpu.memory_space<vmem>> -> memref<1x128xi32, #tpu.memory_space<vmem>>
          %dma_wait3A_275 = tpu.memref_squeeze %dma_wait3A_274 : memref<1x128xi32, #tpu.memory_space<vmem>> -> memref<128xi32, #tpu.memory_space<vmem>>
          %dma_wait3A_276 = arith.constant 0 : i32
          %dma_wait3A_277 = tpu.memref_slice %arg18[%dma_wait3A_276] : memref<10240xf32, #tpu.memory_space<vmem_shared>> -> memref<10240xf32, #tpu.memory_space<vmem_shared>>
          tpu.wait_indirect_dma semaphore(%run_scoped3A_267 : memref<!tpu.dma_semaphore, #tpu.memory_space<semaphore_mem>>) src(%arg14 : memref<128xf32, #tpu.memory_space<vmem>>) dst(%dma_wait3A_277 : memref<10240xf32, #tpu.memory_space<vmem_shared>>)
          tpu.yield
        }) : () -> ()
        %dma_wait3A_194 = arith.constant 3 : i32
        %dma_wait3A_195 = arith.constant 0 : i32
        %dma_wait3A_196 = tpu.memref_slice %arg10[%dma_wait3A_194, %dma_wait3A_195] : memref<8x128xi32, #tpu.memory_space<vmem>> -> memref<1x128xi32, #tpu.memory_space<vmem>>
        %dma_wait3A_197 = tpu.memref_squeeze %dma_wait3A_196 : memref<1x128xi32, #tpu.memory_space<vmem>> -> memref<128xi32, #tpu.memory_space<vmem>>
        %dma_wait3A_198 = arith.constant 0 : i32
        %dma_wait3A_199 = arith.constant 0 : i32
        %dma_wait3A_200 = tpu.memref_slice %arg2[%dma_wait3A_198, %dma_wait3A_199] : memref<10000x128xf32, #tpu.memory_space<hbm>> -> memref<10000x128xf32, #tpu.memory_space<hbm>>
        tpu.wait_indirect_dma semaphore(%arg16 : memref<!tpu.dma_semaphore, #tpu.memory_space<semaphore_mem>>) src(%dma_wait3A_200 : memref<10000x128xf32, #tpu.memory_space<hbm>>) dst(%arg13 : memref<128x128xf32, #tpu.memory_space<vmem>>)
        %dma_start3A_201 = arith.constant 4 : i32
        %dma_start3A_202 = arith.constant 0 : i32
        %dma_start3A_203 = tpu.memref_slice %arg10[%dma_start3A_201, %dma_start3A_202] : memref<8x128xi32, #tpu.memory_space<vmem>> -> memref<1x128xi32, #tpu.memory_space<vmem>>
        %dma_start3A_204 = tpu.memref_squeeze %dma_start3A_203 : memref<1x128xi32, #tpu.memory_space<vmem>> -> memref<128xi32, #tpu.memory_space<vmem>>
        %dma_start3A_205 = arith.constant 0 : i32
        %dma_start3A_206 = arith.constant 0 : i32
        %dma_start3A_207 = tpu.memref_slice %arg2[%dma_start3A_205, %dma_start3A_206] : memref<10000x128xf32, #tpu.memory_space<hbm>> -> memref<10000x128xf32, #tpu.memory_space<hbm>>
        tpu.enqueue_indirect_dma source(%dma_start3A_207 : memref<10000x128xf32, #tpu.memory_space<hbm>>) target(%arg12 : memref<128x128xf32, #tpu.memory_space<vmem>>) offsets(%dma_start3A_204 : memref<128xi32, #tpu.memory_space<vmem>>) semaphore(%arg15 : memref<!tpu.dma_semaphore, #tpu.memory_space<semaphore_mem>>)
        %run_scoped3A_208 = arith.constant 3 : i32
        "tpu.region"() ({
          %run_scoped3A_267 = tpu.sem_alloc : memref<!tpu.dma_semaphore, #tpu.memory_space<semaphore_mem>>
          %dma_start3A_268 = arith.constant 0 : i32
          %dma_start3A_269 = tpu.memref_slice %arg11[%run_scoped3A_208, %dma_start3A_268] : memref<8x128xi32, #tpu.memory_space<vmem>> -> memref<1x128xi32, #tpu.memory_space<vmem>>
          %dma_start3A_270 = tpu.memref_squeeze %dma_start3A_269 : memref<1x128xi32, #tpu.memory_space<vmem>> -> memref<128xi32, #tpu.memory_space<vmem>>
          %dma_start3A_271 = arith.constant 0 : i32
          %dma_start3A_272 = arith.constant 0 : i32
          %dma_start3A_273 = tpu.memref_slice %arg17[%dma_start3A_271, %dma_start3A_272] : memref<10240x128xf32, #tpu.memory_space<vmem_shared>> -> memref<10240x128xf32, #tpu.memory_space<vmem_shared>>
          tpu.enqueue_indirect_dma source(%arg13 : memref<128x128xf32, #tpu.memory_space<vmem>>) target(%dma_start3A_273 : memref<10240x128xf32, #tpu.memory_space<vmem_shared>>) offsets(%dma_start3A_270 : memref<128xi32, #tpu.memory_space<vmem>>) semaphore(%run_scoped3A_267 : memref<!tpu.dma_semaphore, #tpu.memory_space<semaphore_mem>>) {add = true}
          %dma_wait3A_274 = arith.constant 0 : i32
          %dma_wait3A_275 = tpu.memref_slice %arg11[%run_scoped3A_208, %dma_wait3A_274] : memref<8x128xi32, #tpu.memory_space<vmem>> -> memref<1x128xi32, #tpu.memory_space<vmem>>
          %dma_wait3A_276 = tpu.memref_squeeze %dma_wait3A_275 : memref<1x128xi32, #tpu.memory_space<vmem>> -> memref<128xi32, #tpu.memory_space<vmem>>
          %dma_wait3A_277 = arith.constant 0 : i32
          %dma_wait3A_278 = arith.constant 0 : i32
          %dma_wait3A_279 = tpu.memref_slice %arg17[%dma_wait3A_277, %dma_wait3A_278] : memref<10240x128xf32, #tpu.memory_space<vmem_shared>> -> memref<10240x128xf32, #tpu.memory_space<vmem_shared>>
          tpu.wait_indirect_dma semaphore(%run_scoped3A_267 : memref<!tpu.dma_semaphore, #tpu.memory_space<semaphore_mem>>) src(%arg13 : memref<128x128xf32, #tpu.memory_space<vmem>>) dst(%dma_wait3A_279 : memref<10240x128xf32, #tpu.memory_space<vmem_shared>>)
          tpu.yield
        }) : () -> ()
        %run_scoped3A_209 = arith.constant 3 : i32
        "tpu.region"() ({
          %run_scoped3A_267 = tpu.sem_alloc : memref<!tpu.dma_semaphore, #tpu.memory_space<semaphore_mem>>
          %dma_start3A_268 = arith.constant 0 : i32
          %dma_start3A_269 = tpu.memref_slice %arg11[%run_scoped3A_209, %dma_start3A_268] : memref<8x128xi32, #tpu.memory_space<vmem>> -> memref<1x128xi32, #tpu.memory_space<vmem>>
          %dma_start3A_270 = tpu.memref_squeeze %dma_start3A_269 : memref<1x128xi32, #tpu.memory_space<vmem>> -> memref<128xi32, #tpu.memory_space<vmem>>
          %dma_start3A_271 = arith.constant 0 : i32
          %dma_start3A_272 = tpu.memref_slice %arg18[%dma_start3A_271] : memref<10240xf32, #tpu.memory_space<vmem_shared>> -> memref<10240xf32, #tpu.memory_space<vmem_shared>>
          tpu.enqueue_indirect_dma source(%arg14 : memref<128xf32, #tpu.memory_space<vmem>>) target(%dma_start3A_272 : memref<10240xf32, #tpu.memory_space<vmem_shared>>) offsets(%dma_start3A_270 : memref<128xi32, #tpu.memory_space<vmem>>) semaphore(%run_scoped3A_267 : memref<!tpu.dma_semaphore, #tpu.memory_space<semaphore_mem>>) {add = true}
          %dma_wait3A_273 = arith.constant 0 : i32
          %dma_wait3A_274 = tpu.memref_slice %arg11[%run_scoped3A_209, %dma_wait3A_273] : memref<8x128xi32, #tpu.memory_space<vmem>> -> memref<1x128xi32, #tpu.memory_space<vmem>>
          %dma_wait3A_275 = tpu.memref_squeeze %dma_wait3A_274 : memref<1x128xi32, #tpu.memory_space<vmem>> -> memref<128xi32, #tpu.memory_space<vmem>>
          %dma_wait3A_276 = arith.constant 0 : i32
          %dma_wait3A_277 = tpu.memref_slice %arg18[%dma_wait3A_276] : memref<10240xf32, #tpu.memory_space<vmem_shared>> -> memref<10240xf32, #tpu.memory_space<vmem_shared>>
          tpu.wait_indirect_dma semaphore(%run_scoped3A_267 : memref<!tpu.dma_semaphore, #tpu.memory_space<semaphore_mem>>) src(%arg14 : memref<128xf32, #tpu.memory_space<vmem>>) dst(%dma_wait3A_277 : memref<10240xf32, #tpu.memory_space<vmem_shared>>)
          tpu.yield
        }) : () -> ()
        %dma_wait3A_210 = arith.constant 4 : i32
        %dma_wait3A_211 = arith.constant 0 : i32
        %dma_wait3A_212 = tpu.memref_slice %arg10[%dma_wait3A_210, %dma_wait3A_211] : memref<8x128xi32, #tpu.memory_space<vmem>> -> memref<1x128xi32, #tpu.memory_space<vmem>>
        %dma_wait3A_213 = tpu.memref_squeeze %dma_wait3A_212 : memref<1x128xi32, #tpu.memory_space<vmem>> -> memref<128xi32, #tpu.memory_space<vmem>>
        %dma_wait3A_214 = arith.constant 0 : i32
        %dma_wait3A_215 = arith.constant 0 : i32
        %dma_wait3A_216 = tpu.memref_slice %arg2[%dma_wait3A_214, %dma_wait3A_215] : memref<10000x128xf32, #tpu.memory_space<hbm>> -> memref<10000x128xf32, #tpu.memory_space<hbm>>
        tpu.wait_indirect_dma semaphore(%arg15 : memref<!tpu.dma_semaphore, #tpu.memory_space<semaphore_mem>>) src(%dma_wait3A_216 : memref<10000x128xf32, #tpu.memory_space<hbm>>) dst(%arg12 : memref<128x128xf32, #tpu.memory_space<vmem>>)
        %dma_start3A_217 = arith.constant 5 : i32
        %dma_start3A_218 = arith.constant 0 : i32
        %dma_start3A_219 = tpu.memref_slice %arg10[%dma_start3A_217, %dma_start3A_218] : memref<8x128xi32, #tpu.memory_space<vmem>> -> memref<1x128xi32, #tpu.memory_space<vmem>>
        %dma_start3A_220 = tpu.memref_squeeze %dma_start3A_219 : memref<1x128xi32, #tpu.memory_space<vmem>> -> memref<128xi32, #tpu.memory_space<vmem>>
        %dma_start3A_221 = arith.constant 0 : i32
        %dma_start3A_222 = arith.constant 0 : i32
        %dma_start3A_223 = tpu.memref_slice %arg2[%dma_start3A_221, %dma_start3A_222] : memref<10000x128xf32, #tpu.memory_space<hbm>> -> memref<10000x128xf32, #tpu.memory_space<hbm>>
        tpu.enqueue_indirect_dma source(%dma_start3A_223 : memref<10000x128xf32, #tpu.memory_space<hbm>>) target(%arg13 : memref<128x128xf32, #tpu.memory_space<vmem>>) offsets(%dma_start3A_220 : memref<128xi32, #tpu.memory_space<vmem>>) semaphore(%arg16 : memref<!tpu.dma_semaphore, #tpu.memory_space<semaphore_mem>>)
        %run_scoped3A_224 = arith.constant 4 : i32
        "tpu.region"() ({
          %run_scoped3A_267 = tpu.sem_alloc : memref<!tpu.dma_semaphore, #tpu.memory_space<semaphore_mem>>
          %dma_start3A_268 = arith.constant 0 : i32
          %dma_start3A_269 = tpu.memref_slice %arg11[%run_scoped3A_224, %dma_start3A_268] : memref<8x128xi32, #tpu.memory_space<vmem>> -> memref<1x128xi32, #tpu.memory_space<vmem>>
          %dma_start3A_270 = tpu.memref_squeeze %dma_start3A_269 : memref<1x128xi32, #tpu.memory_space<vmem>> -> memref<128xi32, #tpu.memory_space<vmem>>
          %dma_start3A_271 = arith.constant 0 : i32
          %dma_start3A_272 = arith.constant 0 : i32
          %dma_start3A_273 = tpu.memref_slice %arg17[%dma_start3A_271, %dma_start3A_272] : memref<10240x128xf32, #tpu.memory_space<vmem_shared>> -> memref<10240x128xf32, #tpu.memory_space<vmem_shared>>
          tpu.enqueue_indirect_dma source(%arg12 : memref<128x128xf32, #tpu.memory_space<vmem>>) target(%dma_start3A_273 : memref<10240x128xf32, #tpu.memory_space<vmem_shared>>) offsets(%dma_start3A_270 : memref<128xi32, #tpu.memory_space<vmem>>) semaphore(%run_scoped3A_267 : memref<!tpu.dma_semaphore, #tpu.memory_space<semaphore_mem>>) {add = true}
          %dma_wait3A_274 = arith.constant 0 : i32
          %dma_wait3A_275 = tpu.memref_slice %arg11[%run_scoped3A_224, %dma_wait3A_274] : memref<8x128xi32, #tpu.memory_space<vmem>> -> memref<1x128xi32, #tpu.memory_space<vmem>>
          %dma_wait3A_276 = tpu.memref_squeeze %dma_wait3A_275 : memref<1x128xi32, #tpu.memory_space<vmem>> -> memref<128xi32, #tpu.memory_space<vmem>>
          %dma_wait3A_277 = arith.constant 0 : i32
          %dma_wait3A_278 = arith.constant 0 : i32
          %dma_wait3A_279 = tpu.memref_slice %arg17[%dma_wait3A_277, %dma_wait3A_278] : memref<10240x128xf32, #tpu.memory_space<vmem_shared>> -> memref<10240x128xf32, #tpu.memory_space<vmem_shared>>
          tpu.wait_indirect_dma semaphore(%run_scoped3A_267 : memref<!tpu.dma_semaphore, #tpu.memory_space<semaphore_mem>>) src(%arg12 : memref<128x128xf32, #tpu.memory_space<vmem>>) dst(%dma_wait3A_279 : memref<10240x128xf32, #tpu.memory_space<vmem_shared>>)
          tpu.yield
        }) : () -> ()
        %run_scoped3A_225 = arith.constant 4 : i32
        "tpu.region"() ({
          %run_scoped3A_267 = tpu.sem_alloc : memref<!tpu.dma_semaphore, #tpu.memory_space<semaphore_mem>>
          %dma_start3A_268 = arith.constant 0 : i32
          %dma_start3A_269 = tpu.memref_slice %arg11[%run_scoped3A_225, %dma_start3A_268] : memref<8x128xi32, #tpu.memory_space<vmem>> -> memref<1x128xi32, #tpu.memory_space<vmem>>
          %dma_start3A_270 = tpu.memref_squeeze %dma_start3A_269 : memref<1x128xi32, #tpu.memory_space<vmem>> -> memref<128xi32, #tpu.memory_space<vmem>>
          %dma_start3A_271 = arith.constant 0 : i32
          %dma_start3A_272 = tpu.memref_slice %arg18[%dma_start3A_271] : memref<10240xf32, #tpu.memory_space<vmem_shared>> -> memref<10240xf32, #tpu.memory_space<vmem_shared>>
          tpu.enqueue_indirect_dma source(%arg14 : memref<128xf32, #tpu.memory_space<vmem>>) target(%dma_start3A_272 : memref<10240xf32, #tpu.memory_space<vmem_shared>>) offsets(%dma_start3A_270 : memref<128xi32, #tpu.memory_space<vmem>>) semaphore(%run_scoped3A_267 : memref<!tpu.dma_semaphore, #tpu.memory_space<semaphore_mem>>) {add = true}
          %dma_wait3A_273 = arith.constant 0 : i32
          %dma_wait3A_274 = tpu.memref_slice %arg11[%run_scoped3A_225, %dma_wait3A_273] : memref<8x128xi32, #tpu.memory_space<vmem>> -> memref<1x128xi32, #tpu.memory_space<vmem>>
          %dma_wait3A_275 = tpu.memref_squeeze %dma_wait3A_274 : memref<1x128xi32, #tpu.memory_space<vmem>> -> memref<128xi32, #tpu.memory_space<vmem>>
          %dma_wait3A_276 = arith.constant 0 : i32
          %dma_wait3A_277 = tpu.memref_slice %arg18[%dma_wait3A_276] : memref<10240xf32, #tpu.memory_space<vmem_shared>> -> memref<10240xf32, #tpu.memory_space<vmem_shared>>
          tpu.wait_indirect_dma semaphore(%run_scoped3A_267 : memref<!tpu.dma_semaphore, #tpu.memory_space<semaphore_mem>>) src(%arg14 : memref<128xf32, #tpu.memory_space<vmem>>) dst(%dma_wait3A_277 : memref<10240xf32, #tpu.memory_space<vmem_shared>>)
          tpu.yield
        }) : () -> ()
        %dma_wait3A_226 = arith.constant 5 : i32
        %dma_wait3A_227 = arith.constant 0 : i32
        %dma_wait3A_228 = tpu.memref_slice %arg10[%dma_wait3A_226, %dma_wait3A_227] : memref<8x128xi32, #tpu.memory_space<vmem>> -> memref<1x128xi32, #tpu.memory_space<vmem>>
        %dma_wait3A_229 = tpu.memref_squeeze %dma_wait3A_228 : memref<1x128xi32, #tpu.memory_space<vmem>> -> memref<128xi32, #tpu.memory_space<vmem>>
        %dma_wait3A_230 = arith.constant 0 : i32
        %dma_wait3A_231 = arith.constant 0 : i32
        %dma_wait3A_232 = tpu.memref_slice %arg2[%dma_wait3A_230, %dma_wait3A_231] : memref<10000x128xf32, #tpu.memory_space<hbm>> -> memref<10000x128xf32, #tpu.memory_space<hbm>>
        tpu.wait_indirect_dma semaphore(%arg16 : memref<!tpu.dma_semaphore, #tpu.memory_space<semaphore_mem>>) src(%dma_wait3A_232 : memref<10000x128xf32, #tpu.memory_space<hbm>>) dst(%arg13 : memref<128x128xf32, #tpu.memory_space<vmem>>)
        %dma_start3A_233 = arith.constant 6 : i32
        %dma_start3A_234 = arith.constant 0 : i32
        %dma_start3A_235 = tpu.memref_slice %arg10[%dma_start3A_233, %dma_start3A_234] : memref<8x128xi32, #tpu.memory_space<vmem>> -> memref<1x128xi32, #tpu.memory_space<vmem>>
        %dma_start3A_236 = tpu.memref_squeeze %dma_start3A_235 : memref<1x128xi32, #tpu.memory_space<vmem>> -> memref<128xi32, #tpu.memory_space<vmem>>
        %dma_start3A_237 = arith.constant 0 : i32
        %dma_start3A_238 = arith.constant 0 : i32
        %dma_start3A_239 = tpu.memref_slice %arg2[%dma_start3A_237, %dma_start3A_238] : memref<10000x128xf32, #tpu.memory_space<hbm>> -> memref<10000x128xf32, #tpu.memory_space<hbm>>
        tpu.enqueue_indirect_dma source(%dma_start3A_239 : memref<10000x128xf32, #tpu.memory_space<hbm>>) target(%arg12 : memref<128x128xf32, #tpu.memory_space<vmem>>) offsets(%dma_start3A_236 : memref<128xi32, #tpu.memory_space<vmem>>) semaphore(%arg15 : memref<!tpu.dma_semaphore, #tpu.memory_space<semaphore_mem>>)
        %run_scoped3A_240 = arith.constant 5 : i32
        "tpu.region"() ({
          %run_scoped3A_267 = tpu.sem_alloc : memref<!tpu.dma_semaphore, #tpu.memory_space<semaphore_mem>>
          %dma_start3A_268 = arith.constant 0 : i32
          %dma_start3A_269 = tpu.memref_slice %arg11[%run_scoped3A_240, %dma_start3A_268] : memref<8x128xi32, #tpu.memory_space<vmem>> -> memref<1x128xi32, #tpu.memory_space<vmem>>
          %dma_start3A_270 = tpu.memref_squeeze %dma_start3A_269 : memref<1x128xi32, #tpu.memory_space<vmem>> -> memref<128xi32, #tpu.memory_space<vmem>>
          %dma_start3A_271 = arith.constant 0 : i32
          %dma_start3A_272 = arith.constant 0 : i32
          %dma_start3A_273 = tpu.memref_slice %arg17[%dma_start3A_271, %dma_start3A_272] : memref<10240x128xf32, #tpu.memory_space<vmem_shared>> -> memref<10240x128xf32, #tpu.memory_space<vmem_shared>>
          tpu.enqueue_indirect_dma source(%arg13 : memref<128x128xf32, #tpu.memory_space<vmem>>) target(%dma_start3A_273 : memref<10240x128xf32, #tpu.memory_space<vmem_shared>>) offsets(%dma_start3A_270 : memref<128xi32, #tpu.memory_space<vmem>>) semaphore(%run_scoped3A_267 : memref<!tpu.dma_semaphore, #tpu.memory_space<semaphore_mem>>) {add = true}
          %dma_wait3A_274 = arith.constant 0 : i32
          %dma_wait3A_275 = tpu.memref_slice %arg11[%run_scoped3A_240, %dma_wait3A_274] : memref<8x128xi32, #tpu.memory_space<vmem>> -> memref<1x128xi32, #tpu.memory_space<vmem>>
          %dma_wait3A_276 = tpu.memref_squeeze %dma_wait3A_275 : memref<1x128xi32, #tpu.memory_space<vmem>> -> memref<128xi32, #tpu.memory_space<vmem>>
          %dma_wait3A_277 = arith.constant 0 : i32
          %dma_wait3A_278 = arith.constant 0 : i32
          %dma_wait3A_279 = tpu.memref_slice %arg17[%dma_wait3A_277, %dma_wait3A_278] : memref<10240x128xf32, #tpu.memory_space<vmem_shared>> -> memref<10240x128xf32, #tpu.memory_space<vmem_shared>>
          tpu.wait_indirect_dma semaphore(%run_scoped3A_267 : memref<!tpu.dma_semaphore, #tpu.memory_space<semaphore_mem>>) src(%arg13 : memref<128x128xf32, #tpu.memory_space<vmem>>) dst(%dma_wait3A_279 : memref<10240x128xf32, #tpu.memory_space<vmem_shared>>)
          tpu.yield
        }) : () -> ()
        %run_scoped3A_241 = arith.constant 5 : i32
        "tpu.region"() ({
          %run_scoped3A_267 = tpu.sem_alloc : memref<!tpu.dma_semaphore, #tpu.memory_space<semaphore_mem>>
          %dma_start3A_268 = arith.constant 0 : i32
          %dma_start3A_269 = tpu.memref_slice %arg11[%run_scoped3A_241, %dma_start3A_268] : memref<8x128xi32, #tpu.memory_space<vmem>> -> memref<1x128xi32, #tpu.memory_space<vmem>>
          %dma_start3A_270 = tpu.memref_squeeze %dma_start3A_269 : memref<1x128xi32, #tpu.memory_space<vmem>> -> memref<128xi32, #tpu.memory_space<vmem>>
          %dma_start3A_271 = arith.constant 0 : i32
          %dma_start3A_272 = tpu.memref_slice %arg18[%dma_start3A_271] : memref<10240xf32, #tpu.memory_space<vmem_shared>> -> memref<10240xf32, #tpu.memory_space<vmem_shared>>
          tpu.enqueue_indirect_dma source(%arg14 : memref<128xf32, #tpu.memory_space<vmem>>) target(%dma_start3A_272 : memref<10240xf32, #tpu.memory_space<vmem_shared>>) offsets(%dma_start3A_270 : memref<128xi32, #tpu.memory_space<vmem>>) semaphore(%run_scoped3A_267 : memref<!tpu.dma_semaphore, #tpu.memory_space<semaphore_mem>>) {add = true}
          %dma_wait3A_273 = arith.constant 0 : i32
          %dma_wait3A_274 = tpu.memref_slice %arg11[%run_scoped3A_241, %dma_wait3A_273] : memref<8x128xi32, #tpu.memory_space<vmem>> -> memref<1x128xi32, #tpu.memory_space<vmem>>
          %dma_wait3A_275 = tpu.memref_squeeze %dma_wait3A_274 : memref<1x128xi32, #tpu.memory_space<vmem>> -> memref<128xi32, #tpu.memory_space<vmem>>
          %dma_wait3A_276 = arith.constant 0 : i32
          %dma_wait3A_277 = tpu.memref_slice %arg18[%dma_wait3A_276] : memref<10240xf32, #tpu.memory_space<vmem_shared>> -> memref<10240xf32, #tpu.memory_space<vmem_shared>>
          tpu.wait_indirect_dma semaphore(%run_scoped3A_267 : memref<!tpu.dma_semaphore, #tpu.memory_space<semaphore_mem>>) src(%arg14 : memref<128xf32, #tpu.memory_space<vmem>>) dst(%dma_wait3A_277 : memref<10240xf32, #tpu.memory_space<vmem_shared>>)
          tpu.yield
        }) : () -> ()
        %dma_wait3A_242 = arith.constant 6 : i32
        %dma_wait3A_243 = arith.constant 0 : i32
        %dma_wait3A_244 = tpu.memref_slice %arg10[%dma_wait3A_242, %dma_wait3A_243] : memref<8x128xi32, #tpu.memory_space<vmem>> -> memref<1x128xi32, #tpu.memory_space<vmem>>
        %dma_wait3A_245 = tpu.memref_squeeze %dma_wait3A_244 : memref<1x128xi32, #tpu.memory_space<vmem>> -> memref<128xi32, #tpu.memory_space<vmem>>
        %dma_wait3A_246 = arith.constant 0 : i32
        %dma_wait3A_247 = arith.constant 0 : i32
        %dma_wait3A_248 = tpu.memref_slice %arg2[%dma_wait3A_246, %dma_wait3A_247] : memref<10000x128xf32, #tpu.memory_space<hbm>> -> memref<10000x128xf32, #tpu.memory_space<hbm>>
        tpu.wait_indirect_dma semaphore(%arg15 : memref<!tpu.dma_semaphore, #tpu.memory_space<semaphore_mem>>) src(%dma_wait3A_248 : memref<10000x128xf32, #tpu.memory_space<hbm>>) dst(%arg12 : memref<128x128xf32, #tpu.memory_space<vmem>>)
        %dma_start3A_249 = arith.constant 7 : i32
        %dma_start3A_250 = arith.constant 0 : i32
        %dma_start3A_251 = tpu.memref_slice %arg10[%dma_start3A_249, %dma_start3A_250] : memref<8x128xi32, #tpu.memory_space<vmem>> -> memref<1x128xi32, #tpu.memory_space<vmem>>
        %dma_start3A_252 = tpu.memref_squeeze %dma_start3A_251 : memref<1x128xi32, #tpu.memory_space<vmem>> -> memref<128xi32, #tpu.memory_space<vmem>>
        %dma_start3A_253 = arith.constant 0 : i32
        %dma_start3A_254 = arith.constant 0 : i32
        %dma_start3A_255 = tpu.memref_slice %arg2[%dma_start3A_253, %dma_start3A_254] : memref<10000x128xf32, #tpu.memory_space<hbm>> -> memref<10000x128xf32, #tpu.memory_space<hbm>>
        tpu.enqueue_indirect_dma source(%dma_start3A_255 : memref<10000x128xf32, #tpu.memory_space<hbm>>) target(%arg13 : memref<128x128xf32, #tpu.memory_space<vmem>>) offsets(%dma_start3A_252 : memref<128xi32, #tpu.memory_space<vmem>>) semaphore(%arg16 : memref<!tpu.dma_semaphore, #tpu.memory_space<semaphore_mem>>)
        %run_scoped3A_256 = arith.constant 6 : i32
        "tpu.region"() ({
          %run_scoped3A_267 = tpu.sem_alloc : memref<!tpu.dma_semaphore, #tpu.memory_space<semaphore_mem>>
          %dma_start3A_268 = arith.constant 0 : i32
          %dma_start3A_269 = tpu.memref_slice %arg11[%run_scoped3A_256, %dma_start3A_268] : memref<8x128xi32, #tpu.memory_space<vmem>> -> memref<1x128xi32, #tpu.memory_space<vmem>>
          %dma_start3A_270 = tpu.memref_squeeze %dma_start3A_269 : memref<1x128xi32, #tpu.memory_space<vmem>> -> memref<128xi32, #tpu.memory_space<vmem>>
          %dma_start3A_271 = arith.constant 0 : i32
          %dma_start3A_272 = arith.constant 0 : i32
          %dma_start3A_273 = tpu.memref_slice %arg17[%dma_start3A_271, %dma_start3A_272] : memref<10240x128xf32, #tpu.memory_space<vmem_shared>> -> memref<10240x128xf32, #tpu.memory_space<vmem_shared>>
          tpu.enqueue_indirect_dma source(%arg12 : memref<128x128xf32, #tpu.memory_space<vmem>>) target(%dma_start3A_273 : memref<10240x128xf32, #tpu.memory_space<vmem_shared>>) offsets(%dma_start3A_270 : memref<128xi32, #tpu.memory_space<vmem>>) semaphore(%run_scoped3A_267 : memref<!tpu.dma_semaphore, #tpu.memory_space<semaphore_mem>>) {add = true}
          %dma_wait3A_274 = arith.constant 0 : i32
          %dma_wait3A_275 = tpu.memref_slice %arg11[%run_scoped3A_256, %dma_wait3A_274] : memref<8x128xi32, #tpu.memory_space<vmem>> -> memref<1x128xi32, #tpu.memory_space<vmem>>
          %dma_wait3A_276 = tpu.memref_squeeze %dma_wait3A_275 : memref<1x128xi32, #tpu.memory_space<vmem>> -> memref<128xi32, #tpu.memory_space<vmem>>
          %dma_wait3A_277 = arith.constant 0 : i32
          %dma_wait3A_278 = arith.constant 0 : i32
          %dma_wait3A_279 = tpu.memref_slice %arg17[%dma_wait3A_277, %dma_wait3A_278] : memref<10240x128xf32, #tpu.memory_space<vmem_shared>> -> memref<10240x128xf32, #tpu.memory_space<vmem_shared>>
          tpu.wait_indirect_dma semaphore(%run_scoped3A_267 : memref<!tpu.dma_semaphore, #tpu.memory_space<semaphore_mem>>) src(%arg12 : memref<128x128xf32, #tpu.memory_space<vmem>>) dst(%dma_wait3A_279 : memref<10240x128xf32, #tpu.memory_space<vmem_shared>>)
          tpu.yield
        }) : () -> ()
        %run_scoped3A_257 = arith.constant 6 : i32
        "tpu.region"() ({
          %run_scoped3A_267 = tpu.sem_alloc : memref<!tpu.dma_semaphore, #tpu.memory_space<semaphore_mem>>
          %dma_start3A_268 = arith.constant 0 : i32
          %dma_start3A_269 = tpu.memref_slice %arg11[%run_scoped3A_257, %dma_start3A_268] : memref<8x128xi32, #tpu.memory_space<vmem>> -> memref<1x128xi32, #tpu.memory_space<vmem>>
          %dma_start3A_270 = tpu.memref_squeeze %dma_start3A_269 : memref<1x128xi32, #tpu.memory_space<vmem>> -> memref<128xi32, #tpu.memory_space<vmem>>
          %dma_start3A_271 = arith.constant 0 : i32
          %dma_start3A_272 = tpu.memref_slice %arg18[%dma_start3A_271] : memref<10240xf32, #tpu.memory_space<vmem_shared>> -> memref<10240xf32, #tpu.memory_space<vmem_shared>>
          tpu.enqueue_indirect_dma source(%arg14 : memref<128xf32, #tpu.memory_space<vmem>>) target(%dma_start3A_272 : memref<10240xf32, #tpu.memory_space<vmem_shared>>) offsets(%dma_start3A_270 : memref<128xi32, #tpu.memory_space<vmem>>) semaphore(%run_scoped3A_267 : memref<!tpu.dma_semaphore, #tpu.memory_space<semaphore_mem>>) {add = true}
          %dma_wait3A_273 = arith.constant 0 : i32
          %dma_wait3A_274 = tpu.memref_slice %arg11[%run_scoped3A_257, %dma_wait3A_273] : memref<8x128xi32, #tpu.memory_space<vmem>> -> memref<1x128xi32, #tpu.memory_space<vmem>>
          %dma_wait3A_275 = tpu.memref_squeeze %dma_wait3A_274 : memref<1x128xi32, #tpu.memory_space<vmem>> -> memref<128xi32, #tpu.memory_space<vmem>>
          %dma_wait3A_276 = arith.constant 0 : i32
          %dma_wait3A_277 = tpu.memref_slice %arg18[%dma_wait3A_276] : memref<10240xf32, #tpu.memory_space<vmem_shared>> -> memref<10240xf32, #tpu.memory_space<vmem_shared>>
          tpu.wait_indirect_dma semaphore(%run_scoped3A_267 : memref<!tpu.dma_semaphore, #tpu.memory_space<semaphore_mem>>) src(%arg14 : memref<128xf32, #tpu.memory_space<vmem>>) dst(%dma_wait3A_277 : memref<10240xf32, #tpu.memory_space<vmem_shared>>)
          tpu.yield
        }) : () -> ()
        %dma_wait3A_258 = arith.constant 7 : i32
        %dma_wait3A_259 = arith.constant 0 : i32
        %dma_wait3A_260 = tpu.memref_slice %arg10[%dma_wait3A_258, %dma_wait3A_259] : memref<8x128xi32, #tpu.memory_space<vmem>> -> memref<1x128xi32, #tpu.memory_space<vmem>>
        %dma_wait3A_261 = tpu.memref_squeeze %dma_wait3A_260 : memref<1x128xi32, #tpu.memory_space<vmem>> -> memref<128xi32, #tpu.memory_space<vmem>>
        %dma_wait3A_262 = arith.constant 0 : i32
        %dma_wait3A_263 = arith.constant 0 : i32
        %dma_wait3A_264 = tpu.memref_slice %arg2[%dma_wait3A_262, %dma_wait3A_263] : memref<10000x128xf32, #tpu.memory_space<hbm>> -> memref<10000x128xf32, #tpu.memory_space<hbm>>
        tpu.wait_indirect_dma semaphore(%arg16 : memref<!tpu.dma_semaphore, #tpu.memory_space<semaphore_mem>>) src(%dma_wait3A_264 : memref<10000x128xf32, #tpu.memory_space<hbm>>) dst(%arg13 : memref<128x128xf32, #tpu.memory_space<vmem>>)
        %run_scoped3A_265 = arith.constant 7 : i32
        "tpu.region"() ({
          %run_scoped3A_267 = tpu.sem_alloc : memref<!tpu.dma_semaphore, #tpu.memory_space<semaphore_mem>>
          %dma_start3A_268 = arith.constant 0 : i32
          %dma_start3A_269 = tpu.memref_slice %arg11[%run_scoped3A_265, %dma_start3A_268] : memref<8x128xi32, #tpu.memory_space<vmem>> -> memref<1x128xi32, #tpu.memory_space<vmem>>
          %dma_start3A_270 = tpu.memref_squeeze %dma_start3A_269 : memref<1x128xi32, #tpu.memory_space<vmem>> -> memref<128xi32, #tpu.memory_space<vmem>>
          %dma_start3A_271 = arith.constant 0 : i32
          %dma_start3A_272 = arith.constant 0 : i32
          %dma_start3A_273 = tpu.memref_slice %arg17[%dma_start3A_271, %dma_start3A_272] : memref<10240x128xf32, #tpu.memory_space<vmem_shared>> -> memref<10240x128xf32, #tpu.memory_space<vmem_shared>>
          tpu.enqueue_indirect_dma source(%arg13 : memref<128x128xf32, #tpu.memory_space<vmem>>) target(%dma_start3A_273 : memref<10240x128xf32, #tpu.memory_space<vmem_shared>>) offsets(%dma_start3A_270 : memref<128xi32, #tpu.memory_space<vmem>>) semaphore(%run_scoped3A_267 : memref<!tpu.dma_semaphore, #tpu.memory_space<semaphore_mem>>) {add = true}
          %dma_wait3A_274 = arith.constant 0 : i32
          %dma_wait3A_275 = tpu.memref_slice %arg11[%run_scoped3A_265, %dma_wait3A_274] : memref<8x128xi32, #tpu.memory_space<vmem>> -> memref<1x128xi32, #tpu.memory_space<vmem>>
          %dma_wait3A_276 = tpu.memref_squeeze %dma_wait3A_275 : memref<1x128xi32, #tpu.memory_space<vmem>> -> memref<128xi32, #tpu.memory_space<vmem>>
          %dma_wait3A_277 = arith.constant 0 : i32
          %dma_wait3A_278 = arith.constant 0 : i32
          %dma_wait3A_279 = tpu.memref_slice %arg17[%dma_wait3A_277, %dma_wait3A_278] : memref<10240x128xf32, #tpu.memory_space<vmem_shared>> -> memref<10240x128xf32, #tpu.memory_space<vmem_shared>>
          tpu.wait_indirect_dma semaphore(%run_scoped3A_267 : memref<!tpu.dma_semaphore, #tpu.memory_space<semaphore_mem>>) src(%arg13 : memref<128x128xf32, #tpu.memory_space<vmem>>) dst(%dma_wait3A_279 : memref<10240x128xf32, #tpu.memory_space<vmem_shared>>)
          tpu.yield
        }) : () -> ()
        %run_scoped3A_266 = arith.constant 7 : i32
        "tpu.region"() ({
          %run_scoped3A_267 = tpu.sem_alloc : memref<!tpu.dma_semaphore, #tpu.memory_space<semaphore_mem>>
          %dma_start3A_268 = arith.constant 0 : i32
          %dma_start3A_269 = tpu.memref_slice %arg11[%run_scoped3A_266, %dma_start3A_268] : memref<8x128xi32, #tpu.memory_space<vmem>> -> memref<1x128xi32, #tpu.memory_space<vmem>>
          %dma_start3A_270 = tpu.memref_squeeze %dma_start3A_269 : memref<1x128xi32, #tpu.memory_space<vmem>> -> memref<128xi32, #tpu.memory_space<vmem>>
          %dma_start3A_271 = arith.constant 0 : i32
          %dma_start3A_272 = tpu.memref_slice %arg18[%dma_start3A_271] : memref<10240xf32, #tpu.memory_space<vmem_shared>> -> memref<10240xf32, #tpu.memory_space<vmem_shared>>
          tpu.enqueue_indirect_dma source(%arg14 : memref<128xf32, #tpu.memory_space<vmem>>) target(%dma_start3A_272 : memref<10240xf32, #tpu.memory_space<vmem_shared>>) offsets(%dma_start3A_270 : memref<128xi32, #tpu.memory_space<vmem>>) semaphore(%run_scoped3A_267 : memref<!tpu.dma_semaphore, #tpu.memory_space<semaphore_mem>>) {add = true}
          %dma_wait3A_273 = arith.constant 0 : i32
          %dma_wait3A_274 = tpu.memref_slice %arg11[%run_scoped3A_266, %dma_wait3A_273] : memref<8x128xi32, #tpu.memory_space<vmem>> -> memref<1x128xi32, #tpu.memory_space<vmem>>
          %dma_wait3A_275 = tpu.memref_squeeze %dma_wait3A_274 : memref<1x128xi32, #tpu.memory_space<vmem>> -> memref<128xi32, #tpu.memory_space<vmem>>
          %dma_wait3A_276 = arith.constant 0 : i32
          %dma_wait3A_277 = tpu.memref_slice %arg18[%dma_wait3A_276] : memref<10240xf32, #tpu.memory_space<vmem_shared>> -> memref<10240xf32, #tpu.memory_space<vmem_shared>>
          tpu.wait_indirect_dma semaphore(%run_scoped3A_267 : memref<!tpu.dma_semaphore, #tpu.memory_space<semaphore_mem>>) src(%arg14 : memref<128xf32, #tpu.memory_space<vmem>>) dst(%dma_wait3A_277 : memref<10240xf32, #tpu.memory_space<vmem_shared>>)
          tpu.yield
        }) : () -> ()
      }
      %scan3A_134 = arith.constant 2 : i32
    } else {
    }
    %barrier3A_45 = arith.constant 0 : index
    tpu.barrier barrier_id(%barrier3A_45)
    %mul3A_46 = arith.constant 640 : i32
    %mul3A_47 = arith.muli %arg1, %mul3A_46 : i32
    %add3A_48 = arith.constant 0 : i32
    %add3A_49 = arith.addi %mul3A_47, %add3A_48 : i32
    "tpu.region"() ({
      %run_scoped3A = tpu.sem_alloc : memref<!tpu.dma_semaphore, #tpu.memory_space<semaphore_mem>>
      %dma_start3A = arith.constant 0 : i32
      %dma_start3A_126 = tpu.memref_slice %arg17[%add3A_49, %dma_start3A] : memref<10240x128xf32, #tpu.memory_space<vmem_shared>> -> memref<128x128xf32, #tpu.memory_space<vmem_shared>>
      %dma_start3A_127 = arith.constant 0 : i32
      %dma_start3A_128 = tpu.memref_slice %arg17[%add3A_49, %dma_start3A_127] : memref<10240x128xf32, #tpu.memory_space<vmem_shared>> -> memref<128x128xf32, #tpu.memory_space<vmem_shared>>
      tpu.enqueue_dma source(%dma_start3A_128 : memref<128x128xf32, #tpu.memory_space<vmem_shared>>) target(%arg12 : memref<128x128xf32, #tpu.memory_space<vmem>>) target_semaphore(%run_scoped3A : memref<!tpu.dma_semaphore, #tpu.memory_space<semaphore_mem>>)
      %dma_wait3A = arith.constant 0 : i32
      %dma_wait3A_129 = tpu.memref_slice %arg17[%add3A_49, %dma_wait3A] : memref<10240x128xf32, #tpu.memory_space<vmem_shared>> -> memref<128x128xf32, #tpu.memory_space<vmem_shared>>
      %dma_wait3A_130 = arith.constant 0 : i32
      %dma_wait3A_131 = tpu.memref_slice %arg17[%add3A_49, %dma_wait3A_130] : memref<10240x128xf32, #tpu.memory_space<vmem_shared>> -> memref<128x128xf32, #tpu.memory_space<vmem_shared>>
      tpu.wait_dma2 semaphore(%run_scoped3A : memref<!tpu.dma_semaphore, #tpu.memory_space<semaphore_mem>>) src(%dma_wait3A_131 : memref<128x128xf32, #tpu.memory_space<vmem_shared>>) dst(%arg12 : memref<128x128xf32, #tpu.memory_space<vmem>>)
      tpu.yield
    }) : () -> ()
    %mul3A_50 = arith.constant 640 : i32
    %mul3A_51 = arith.muli %arg1, %mul3A_50 : i32
    %add3A_52 = arith.constant 0 : i32
    %add3A_53 = arith.addi %mul3A_51, %add3A_52 : i32
    "tpu.region"() ({
      %run_scoped3A = tpu.sem_alloc : memref<!tpu.dma_semaphore, #tpu.memory_space<semaphore_mem>>
      %dma_start3A = arith.constant 0 : i32
      %dma_start3A_126 = tpu.memref_slice %arg8[%arg0, %add3A_53, %dma_start3A] : memref<2x10240x128xf32, #tpu.memory_space<hbm>> -> memref<1x128x128xf32, #tpu.memory_space<hbm>>
      %dma_start3A_127 = tpu.memref_squeeze %dma_start3A_126 : memref<1x128x128xf32, #tpu.memory_space<hbm>> -> memref<128x128xf32, #tpu.memory_space<hbm>>
      %dma_start3A_128 = arith.constant 0 : i32
      %dma_start3A_129 = tpu.memref_slice %arg8[%arg0, %add3A_53, %dma_start3A_128] : memref<2x10240x128xf32, #tpu.memory_space<hbm>> -> memref<1x128x128xf32, #tpu.memory_space<hbm>>
      %dma_start3A_130 = tpu.memref_squeeze %dma_start3A_129 : memref<1x128x128xf32, #tpu.memory_space<hbm>> -> memref<128x128xf32, #tpu.memory_space<hbm>>
      tpu.enqueue_dma source(%arg12 : memref<128x128xf32, #tpu.memory_space<vmem>>) target(%dma_start3A_130 : memref<128x128xf32, #tpu.memory_space<hbm>>) target_semaphore(%run_scoped3A : memref<!tpu.dma_semaphore, #tpu.memory_space<semaphore_mem>>)
      %dma_wait3A = arith.constant 0 : i32
      %dma_wait3A_131 = tpu.memref_slice %arg8[%arg0, %add3A_53, %dma_wait3A] : memref<2x10240x128xf32, #tpu.memory_space<hbm>> -> memref<1x128x128xf32, #tpu.memory_space<hbm>>
      %dma_wait3A_132 = tpu.memref_squeeze %dma_wait3A_131 : memref<1x128x128xf32, #tpu.memory_space<hbm>> -> memref<128x128xf32, #tpu.memory_space<hbm>>
      %dma_wait3A_133 = arith.constant 0 : i32
      %dma_wait3A_134 = tpu.memref_slice %arg8[%arg0, %add3A_53, %dma_wait3A_133] : memref<2x10240x128xf32, #tpu.memory_space<hbm>> -> memref<1x128x128xf32, #tpu.memory_space<hbm>>
      %dma_wait3A_135 = tpu.memref_squeeze %dma_wait3A_134 : memref<1x128x128xf32, #tpu.memory_space<hbm>> -> memref<128x128xf32, #tpu.memory_space<hbm>>
      tpu.wait_dma2 semaphore(%run_scoped3A : memref<!tpu.dma_semaphore, #tpu.memory_space<semaphore_mem>>) src(%arg12 : memref<128x128xf32, #tpu.memory_space<vmem>>) dst(%dma_wait3A_135 : memref<128x128xf32, #tpu.memory_space<hbm>>)
      tpu.yield
    }) : () -> ()
    %mul3A_54 = arith.constant 640 : i32
    %mul3A_55 = arith.muli %arg1, %mul3A_54 : i32
    %add3A_56 = arith.constant 0 : i32
    %add3A_57 = arith.addi %mul3A_55, %add3A_56 : i32
    "tpu.region"() ({
      %run_scoped3A = tpu.sem_alloc : memref<!tpu.dma_semaphore, #tpu.memory_space<semaphore_mem>>
      %dma_start3A = tpu.memref_slice %arg18[%add3A_57] : memref<10240xf32, #tpu.memory_space<vmem_shared>> -> memref<128xf32, #tpu.memory_space<vmem_shared>>
      %dma_start3A_126 = tpu.memref_slice %arg18[%add3A_57] : memref<10240xf32, #tpu.memory_space<vmem_shared>> -> memref<128xf32, #tpu.memory_space<vmem_shared>>
      tpu.enqueue_dma source(%dma_start3A_126 : memref<128xf32, #tpu.memory_space<vmem_shared>>) target(%arg14 : memref<128xf32, #tpu.memory_space<vmem>>) target_semaphore(%run_scoped3A : memref<!tpu.dma_semaphore, #tpu.memory_space<semaphore_mem>>)
      %dma_wait3A = tpu.memref_slice %arg18[%add3A_57] : memref<10240xf32, #tpu.memory_space<vmem_shared>> -> memref<128xf32, #tpu.memory_space<vmem_shared>>
      %dma_wait3A_127 = tpu.memref_slice %arg18[%add3A_57] : memref<10240xf32, #tpu.memory_space<vmem_shared>> -> memref<128xf32, #tpu.memory_space<vmem_shared>>
      tpu.wait_dma2 semaphore(%run_scoped3A : memref<!tpu.dma_semaphore, #tpu.memory_space<semaphore_mem>>) src(%dma_wait3A_127 : memref<128xf32, #tpu.memory_space<vmem_shared>>) dst(%arg14 : memref<128xf32, #tpu.memory_space<vmem>>)
      tpu.yield
    }) : () -> ()
    %mul3A_58 = arith.constant 640 : i32
    %mul3A_59 = arith.muli %arg1, %mul3A_58 : i32
    %add3A_60 = arith.constant 0 : i32
    %add3A_61 = arith.addi %mul3A_59, %add3A_60 : i32
    "tpu.region"() ({
      %run_scoped3A = tpu.sem_alloc : memref<!tpu.dma_semaphore, #tpu.memory_space<semaphore_mem>>
      %dma_start3A = tpu.memref_slice %arg9[%arg0, %add3A_61] : memref<2x10240xf32, #tpu.memory_space<hbm>> -> memref<1x128xf32, #tpu.memory_space<hbm>>
      %dma_start3A_126 = tpu.memref_squeeze %dma_start3A : memref<1x128xf32, #tpu.memory_space<hbm>> -> memref<128xf32, #tpu.memory_space<hbm>>
      %dma_start3A_127 = tpu.memref_slice %arg9[%arg0, %add3A_61] : memref<2x10240xf32, #tpu.memory_space<hbm>> -> memref<1x128xf32, #tpu.memory_space<hbm>>
      %dma_start3A_128 = tpu.memref_squeeze %dma_start3A_127 : memref<1x128xf32, #tpu.memory_space<hbm>> -> memref<128xf32, #tpu.memory_space<hbm>>
      tpu.enqueue_dma source(%arg14 : memref<128xf32, #tpu.memory_space<vmem>>) target(%dma_start3A_128 : memref<128xf32, #tpu.memory_space<hbm>>) target_semaphore(%run_scoped3A : memref<!tpu.dma_semaphore, #tpu.memory_space<semaphore_mem>>)
      %dma_wait3A = tpu.memref_slice %arg9[%arg0, %add3A_61] : memref<2x10240xf32, #tpu.memory_space<hbm>> -> memref<1x128xf32, #tpu.memory_space<hbm>>
      %dma_wait3A_129 = tpu.memref_squeeze %dma_wait3A : memref<1x128xf32, #tpu.memory_space<hbm>> -> memref<128xf32, #tpu.memory_space<hbm>>
      %dma_wait3A_130 = tpu.memref_slice %arg9[%arg0, %add3A_61] : memref<2x10240xf32, #tpu.memory_space<hbm>> -> memref<1x128xf32, #tpu.memory_space<hbm>>
      %dma_wait3A_131 = tpu.memref_squeeze %dma_wait3A_130 : memref<1x128xf32, #tpu.memory_space<hbm>> -> memref<128xf32, #tpu.memory_space<hbm>>
      tpu.wait_dma2 semaphore(%run_scoped3A : memref<!tpu.dma_semaphore, #tpu.memory_space<semaphore_mem>>) src(%arg14 : memref<128xf32, #tpu.memory_space<vmem>>) dst(%dma_wait3A_131 : memref<128xf32, #tpu.memory_space<hbm>>)
      tpu.yield
    }) : () -> ()
    %mul3A_62 = arith.constant 640 : i32
    %mul3A_63 = arith.muli %arg1, %mul3A_62 : i32
    %add3A_64 = arith.constant 128 : i32
    %add3A_65 = arith.addi %mul3A_63, %add3A_64 : i32
    "tpu.region"() ({
      %run_scoped3A = tpu.sem_alloc : memref<!tpu.dma_semaphore, #tpu.memory_space<semaphore_mem>>
      %dma_start3A = arith.constant 0 : i32
      %dma_start3A_126 = tpu.memref_slice %arg17[%add3A_65, %dma_start3A] : memref<10240x128xf32, #tpu.memory_space<vmem_shared>> -> memref<128x128xf32, #tpu.memory_space<vmem_shared>>
      %dma_start3A_127 = arith.constant 0 : i32
      %dma_start3A_128 = tpu.memref_slice %arg17[%add3A_65, %dma_start3A_127] : memref<10240x128xf32, #tpu.memory_space<vmem_shared>> -> memref<128x128xf32, #tpu.memory_space<vmem_shared>>
      tpu.enqueue_dma source(%dma_start3A_128 : memref<128x128xf32, #tpu.memory_space<vmem_shared>>) target(%arg12 : memref<128x128xf32, #tpu.memory_space<vmem>>) target_semaphore(%run_scoped3A : memref<!tpu.dma_semaphore, #tpu.memory_space<semaphore_mem>>)
      %dma_wait3A = arith.constant 0 : i32
      %dma_wait3A_129 = tpu.memref_slice %arg17[%add3A_65, %dma_wait3A] : memref<10240x128xf32, #tpu.memory_space<vmem_shared>> -> memref<128x128xf32, #tpu.memory_space<vmem_shared>>
      %dma_wait3A_130 = arith.constant 0 : i32
      %dma_wait3A_131 = tpu.memref_slice %arg17[%add3A_65, %dma_wait3A_130] : memref<10240x128xf32, #tpu.memory_space<vmem_shared>> -> memref<128x128xf32, #tpu.memory_space<vmem_shared>>
      tpu.wait_dma2 semaphore(%run_scoped3A : memref<!tpu.dma_semaphore, #tpu.memory_space<semaphore_mem>>) src(%dma_wait3A_131 : memref<128x128xf32, #tpu.memory_space<vmem_shared>>) dst(%arg12 : memref<128x128xf32, #tpu.memory_space<vmem>>)
      tpu.yield
    }) : () -> ()
    %mul3A_66 = arith.constant 640 : i32
    %mul3A_67 = arith.muli %arg1, %mul3A_66 : i32
    %add3A_68 = arith.constant 128 : i32
    %add3A_69 = arith.addi %mul3A_67, %add3A_68 : i32
    "tpu.region"() ({
      %run_scoped3A = tpu.sem_alloc : memref<!tpu.dma_semaphore, #tpu.memory_space<semaphore_mem>>
      %dma_start3A = arith.constant 0 : i32
      %dma_start3A_126 = tpu.memref_slice %arg8[%arg0, %add3A_69, %dma_start3A] : memref<2x10240x128xf32, #tpu.memory_space<hbm>> -> memref<1x128x128xf32, #tpu.memory_space<hbm>>
      %dma_start3A_127 = tpu.memref_squeeze %dma_start3A_126 : memref<1x128x128xf32, #tpu.memory_space<hbm>> -> memref<128x128xf32, #tpu.memory_space<hbm>>
      %dma_start3A_128 = arith.constant 0 : i32
      %dma_start3A_129 = tpu.memref_slice %arg8[%arg0, %add3A_69, %dma_start3A_128] : memref<2x10240x128xf32, #tpu.memory_space<hbm>> -> memref<1x128x128xf32, #tpu.memory_space<hbm>>
      %dma_start3A_130 = tpu.memref_squeeze %dma_start3A_129 : memref<1x128x128xf32, #tpu.memory_space<hbm>> -> memref<128x128xf32, #tpu.memory_space<hbm>>
      tpu.enqueue_dma source(%arg12 : memref<128x128xf32, #tpu.memory_space<vmem>>) target(%dma_start3A_130 : memref<128x128xf32, #tpu.memory_space<hbm>>) target_semaphore(%run_scoped3A : memref<!tpu.dma_semaphore, #tpu.memory_space<semaphore_mem>>)
      %dma_wait3A = arith.constant 0 : i32
      %dma_wait3A_131 = tpu.memref_slice %arg8[%arg0, %add3A_69, %dma_wait3A] : memref<2x10240x128xf32, #tpu.memory_space<hbm>> -> memref<1x128x128xf32, #tpu.memory_space<hbm>>
      %dma_wait3A_132 = tpu.memref_squeeze %dma_wait3A_131 : memref<1x128x128xf32, #tpu.memory_space<hbm>> -> memref<128x128xf32, #tpu.memory_space<hbm>>
      %dma_wait3A_133 = arith.constant 0 : i32
      %dma_wait3A_134 = tpu.memref_slice %arg8[%arg0, %add3A_69, %dma_wait3A_133] : memref<2x10240x128xf32, #tpu.memory_space<hbm>> -> memref<1x128x128xf32, #tpu.memory_space<hbm>>
      %dma_wait3A_135 = tpu.memref_squeeze %dma_wait3A_134 : memref<1x128x128xf32, #tpu.memory_space<hbm>> -> memref<128x128xf32, #tpu.memory_space<hbm>>
      tpu.wait_dma2 semaphore(%run_scoped3A : memref<!tpu.dma_semaphore, #tpu.memory_space<semaphore_mem>>) src(%arg12 : memref<128x128xf32, #tpu.memory_space<vmem>>) dst(%dma_wait3A_135 : memref<128x128xf32, #tpu.memory_space<hbm>>)
      tpu.yield
    }) : () -> ()
    %mul3A_70 = arith.constant 640 : i32
    %mul3A_71 = arith.muli %arg1, %mul3A_70 : i32
    %add3A_72 = arith.constant 128 : i32
    %add3A_73 = arith.addi %mul3A_71, %add3A_72 : i32
    "tpu.region"() ({
      %run_scoped3A = tpu.sem_alloc : memref<!tpu.dma_semaphore, #tpu.memory_space<semaphore_mem>>
      %dma_start3A = tpu.memref_slice %arg18[%add3A_73] : memref<10240xf32, #tpu.memory_space<vmem_shared>> -> memref<128xf32, #tpu.memory_space<vmem_shared>>
      %dma_start3A_126 = tpu.memref_slice %arg18[%add3A_73] : memref<10240xf32, #tpu.memory_space<vmem_shared>> -> memref<128xf32, #tpu.memory_space<vmem_shared>>
      tpu.enqueue_dma source(%dma_start3A_126 : memref<128xf32, #tpu.memory_space<vmem_shared>>) target(%arg14 : memref<128xf32, #tpu.memory_space<vmem>>) target_semaphore(%run_scoped3A : memref<!tpu.dma_semaphore, #tpu.memory_space<semaphore_mem>>)
      %dma_wait3A = tpu.memref_slice %arg18[%add3A_73] : memref<10240xf32, #tpu.memory_space<vmem_shared>> -> memref<128xf32, #tpu.memory_space<vmem_shared>>
      %dma_wait3A_127 = tpu.memref_slice %arg18[%add3A_73] : memref<10240xf32, #tpu.memory_space<vmem_shared>> -> memref<128xf32, #tpu.memory_space<vmem_shared>>
      tpu.wait_dma2 semaphore(%run_scoped3A : memref<!tpu.dma_semaphore, #tpu.memory_space<semaphore_mem>>) src(%dma_wait3A_127 : memref<128xf32, #tpu.memory_space<vmem_shared>>) dst(%arg14 : memref<128xf32, #tpu.memory_space<vmem>>)
      tpu.yield
    }) : () -> ()
    %mul3A_74 = arith.constant 640 : i32
    %mul3A_75 = arith.muli %arg1, %mul3A_74 : i32
    %add3A_76 = arith.constant 128 : i32
    %add3A_77 = arith.addi %mul3A_75, %add3A_76 : i32
    "tpu.region"() ({
      %run_scoped3A = tpu.sem_alloc : memref<!tpu.dma_semaphore, #tpu.memory_space<semaphore_mem>>
      %dma_start3A = tpu.memref_slice %arg9[%arg0, %add3A_77] : memref<2x10240xf32, #tpu.memory_space<hbm>> -> memref<1x128xf32, #tpu.memory_space<hbm>>
      %dma_start3A_126 = tpu.memref_squeeze %dma_start3A : memref<1x128xf32, #tpu.memory_space<hbm>> -> memref<128xf32, #tpu.memory_space<hbm>>
      %dma_start3A_127 = tpu.memref_slice %arg9[%arg0, %add3A_77] : memref<2x10240xf32, #tpu.memory_space<hbm>> -> memref<1x128xf32, #tpu.memory_space<hbm>>
      %dma_start3A_128 = tpu.memref_squeeze %dma_start3A_127 : memref<1x128xf32, #tpu.memory_space<hbm>> -> memref<128xf32, #tpu.memory_space<hbm>>
      tpu.enqueue_dma source(%arg14 : memref<128xf32, #tpu.memory_space<vmem>>) target(%dma_start3A_128 : memref<128xf32, #tpu.memory_space<hbm>>) target_semaphore(%run_scoped3A : memref<!tpu.dma_semaphore, #tpu.memory_space<semaphore_mem>>)
      %dma_wait3A = tpu.memref_slice %arg9[%arg0, %add3A_77] : memref<2x10240xf32, #tpu.memory_space<hbm>> -> memref<1x128xf32, #tpu.memory_space<hbm>>
      %dma_wait3A_129 = tpu.memref_squeeze %dma_wait3A : memref<1x128xf32, #tpu.memory_space<hbm>> -> memref<128xf32, #tpu.memory_space<hbm>>
      %dma_wait3A_130 = tpu.memref_slice %arg9[%arg0, %add3A_77] : memref<2x10240xf32, #tpu.memory_space<hbm>> -> memref<1x128xf32, #tpu.memory_space<hbm>>
      %dma_wait3A_131 = tpu.memref_squeeze %dma_wait3A_130 : memref<1x128xf32, #tpu.memory_space<hbm>> -> memref<128xf32, #tpu.memory_space<hbm>>
      tpu.wait_dma2 semaphore(%run_scoped3A : memref<!tpu.dma_semaphore, #tpu.memory_space<semaphore_mem>>) src(%arg14 : memref<128xf32, #tpu.memory_space<vmem>>) dst(%dma_wait3A_131 : memref<128xf32, #tpu.memory_space<hbm>>)
      tpu.yield
    }) : () -> ()
    %mul3A_78 = arith.constant 640 : i32
    %mul3A_79 = arith.muli %arg1, %mul3A_78 : i32
    %add3A_80 = arith.constant 256 : i32
    %add3A_81 = arith.addi %mul3A_79, %add3A_80 : i32
    "tpu.region"() ({
      %run_scoped3A = tpu.sem_alloc : memref<!tpu.dma_semaphore, #tpu.memory_space<semaphore_mem>>
      %dma_start3A = arith.constant 0 : i32
      %dma_start3A_126 = tpu.memref_slice %arg17[%add3A_81, %dma_start3A] : memref<10240x128xf32, #tpu.memory_space<vmem_shared>> -> memref<128x128xf32, #tpu.memory_space<vmem_shared>>
      %dma_start3A_127 = arith.constant 0 : i32
      %dma_start3A_128 = tpu.memref_slice %arg17[%add3A_81, %dma_start3A_127] : memref<10240x128xf32, #tpu.memory_space<vmem_shared>> -> memref<128x128xf32, #tpu.memory_space<vmem_shared>>
      tpu.enqueue_dma source(%dma_start3A_128 : memref<128x128xf32, #tpu.memory_space<vmem_shared>>) target(%arg12 : memref<128x128xf32, #tpu.memory_space<vmem>>) target_semaphore(%run_scoped3A : memref<!tpu.dma_semaphore, #tpu.memory_space<semaphore_mem>>)
      %dma_wait3A = arith.constant 0 : i32
      %dma_wait3A_129 = tpu.memref_slice %arg17[%add3A_81, %dma_wait3A] : memref<10240x128xf32, #tpu.memory_space<vmem_shared>> -> memref<128x128xf32, #tpu.memory_space<vmem_shared>>
      %dma_wait3A_130 = arith.constant 0 : i32
      %dma_wait3A_131 = tpu.memref_slice %arg17[%add3A_81, %dma_wait3A_130] : memref<10240x128xf32, #tpu.memory_space<vmem_shared>> -> memref<128x128xf32, #tpu.memory_space<vmem_shared>>
      tpu.wait_dma2 semaphore(%run_scoped3A : memref<!tpu.dma_semaphore, #tpu.memory_space<semaphore_mem>>) src(%dma_wait3A_131 : memref<128x128xf32, #tpu.memory_space<vmem_shared>>) dst(%arg12 : memref<128x128xf32, #tpu.memory_space<vmem>>)
      tpu.yield
    }) : () -> ()
    %mul3A_82 = arith.constant 640 : i32
    %mul3A_83 = arith.muli %arg1, %mul3A_82 : i32
    %add3A_84 = arith.constant 256 : i32
    %add3A_85 = arith.addi %mul3A_83, %add3A_84 : i32
    "tpu.region"() ({
      %run_scoped3A = tpu.sem_alloc : memref<!tpu.dma_semaphore, #tpu.memory_space<semaphore_mem>>
      %dma_start3A = arith.constant 0 : i32
      %dma_start3A_126 = tpu.memref_slice %arg8[%arg0, %add3A_85, %dma_start3A] : memref<2x10240x128xf32, #tpu.memory_space<hbm>> -> memref<1x128x128xf32, #tpu.memory_space<hbm>>
      %dma_start3A_127 = tpu.memref_squeeze %dma_start3A_126 : memref<1x128x128xf32, #tpu.memory_space<hbm>> -> memref<128x128xf32, #tpu.memory_space<hbm>>
      %dma_start3A_128 = arith.constant 0 : i32
      %dma_start3A_129 = tpu.memref_slice %arg8[%arg0, %add3A_85, %dma_start3A_128] : memref<2x10240x128xf32, #tpu.memory_space<hbm>> -> memref<1x128x128xf32, #tpu.memory_space<hbm>>
      %dma_start3A_130 = tpu.memref_squeeze %dma_start3A_129 : memref<1x128x128xf32, #tpu.memory_space<hbm>> -> memref<128x128xf32, #tpu.memory_space<hbm>>
      tpu.enqueue_dma source(%arg12 : memref<128x128xf32, #tpu.memory_space<vmem>>) target(%dma_start3A_130 : memref<128x128xf32, #tpu.memory_space<hbm>>) target_semaphore(%run_scoped3A : memref<!tpu.dma_semaphore, #tpu.memory_space<semaphore_mem>>)
      %dma_wait3A = arith.constant 0 : i32
      %dma_wait3A_131 = tpu.memref_slice %arg8[%arg0, %add3A_85, %dma_wait3A] : memref<2x10240x128xf32, #tpu.memory_space<hbm>> -> memref<1x128x128xf32, #tpu.memory_space<hbm>>
      %dma_wait3A_132 = tpu.memref_squeeze %dma_wait3A_131 : memref<1x128x128xf32, #tpu.memory_space<hbm>> -> memref<128x128xf32, #tpu.memory_space<hbm>>
      %dma_wait3A_133 = arith.constant 0 : i32
      %dma_wait3A_134 = tpu.memref_slice %arg8[%arg0, %add3A_85, %dma_wait3A_133] : memref<2x10240x128xf32, #tpu.memory_space<hbm>> -> memref<1x128x128xf32, #tpu.memory_space<hbm>>
      %dma_wait3A_135 = tpu.memref_squeeze %dma_wait3A_134 : memref<1x128x128xf32, #tpu.memory_space<hbm>> -> memref<128x128xf32, #tpu.memory_space<hbm>>
      tpu.wait_dma2 semaphore(%run_scoped3A : memref<!tpu.dma_semaphore, #tpu.memory_space<semaphore_mem>>) src(%arg12 : memref<128x128xf32, #tpu.memory_space<vmem>>) dst(%dma_wait3A_135 : memref<128x128xf32, #tpu.memory_space<hbm>>)
      tpu.yield
    }) : () -> ()
    %mul3A_86 = arith.constant 640 : i32
    %mul3A_87 = arith.muli %arg1, %mul3A_86 : i32
    %add3A_88 = arith.constant 256 : i32
    %add3A_89 = arith.addi %mul3A_87, %add3A_88 : i32
    "tpu.region"() ({
      %run_scoped3A = tpu.sem_alloc : memref<!tpu.dma_semaphore, #tpu.memory_space<semaphore_mem>>
      %dma_start3A = tpu.memref_slice %arg18[%add3A_89] : memref<10240xf32, #tpu.memory_space<vmem_shared>> -> memref<128xf32, #tpu.memory_space<vmem_shared>>
      %dma_start3A_126 = tpu.memref_slice %arg18[%add3A_89] : memref<10240xf32, #tpu.memory_space<vmem_shared>> -> memref<128xf32, #tpu.memory_space<vmem_shared>>
      tpu.enqueue_dma source(%dma_start3A_126 : memref<128xf32, #tpu.memory_space<vmem_shared>>) target(%arg14 : memref<128xf32, #tpu.memory_space<vmem>>) target_semaphore(%run_scoped3A : memref<!tpu.dma_semaphore, #tpu.memory_space<semaphore_mem>>)
      %dma_wait3A = tpu.memref_slice %arg18[%add3A_89] : memref<10240xf32, #tpu.memory_space<vmem_shared>> -> memref<128xf32, #tpu.memory_space<vmem_shared>>
      %dma_wait3A_127 = tpu.memref_slice %arg18[%add3A_89] : memref<10240xf32, #tpu.memory_space<vmem_shared>> -> memref<128xf32, #tpu.memory_space<vmem_shared>>
      tpu.wait_dma2 semaphore(%run_scoped3A : memref<!tpu.dma_semaphore, #tpu.memory_space<semaphore_mem>>) src(%dma_wait3A_127 : memref<128xf32, #tpu.memory_space<vmem_shared>>) dst(%arg14 : memref<128xf32, #tpu.memory_space<vmem>>)
      tpu.yield
    }) : () -> ()
    %mul3A_90 = arith.constant 640 : i32
    %mul3A_91 = arith.muli %arg1, %mul3A_90 : i32
    %add3A_92 = arith.constant 256 : i32
    %add3A_93 = arith.addi %mul3A_91, %add3A_92 : i32
    "tpu.region"() ({
      %run_scoped3A = tpu.sem_alloc : memref<!tpu.dma_semaphore, #tpu.memory_space<semaphore_mem>>
      %dma_start3A = tpu.memref_slice %arg9[%arg0, %add3A_93] : memref<2x10240xf32, #tpu.memory_space<hbm>> -> memref<1x128xf32, #tpu.memory_space<hbm>>
      %dma_start3A_126 = tpu.memref_squeeze %dma_start3A : memref<1x128xf32, #tpu.memory_space<hbm>> -> memref<128xf32, #tpu.memory_space<hbm>>
      %dma_start3A_127 = tpu.memref_slice %arg9[%arg0, %add3A_93] : memref<2x10240xf32, #tpu.memory_space<hbm>> -> memref<1x128xf32, #tpu.memory_space<hbm>>
      %dma_start3A_128 = tpu.memref_squeeze %dma_start3A_127 : memref<1x128xf32, #tpu.memory_space<hbm>> -> memref<128xf32, #tpu.memory_space<hbm>>
      tpu.enqueue_dma source(%arg14 : memref<128xf32, #tpu.memory_space<vmem>>) target(%dma_start3A_128 : memref<128xf32, #tpu.memory_space<hbm>>) target_semaphore(%run_scoped3A : memref<!tpu.dma_semaphore, #tpu.memory_space<semaphore_mem>>)
      %dma_wait3A = tpu.memref_slice %arg9[%arg0, %add3A_93] : memref<2x10240xf32, #tpu.memory_space<hbm>> -> memref<1x128xf32, #tpu.memory_space<hbm>>
      %dma_wait3A_129 = tpu.memref_squeeze %dma_wait3A : memref<1x128xf32, #tpu.memory_space<hbm>> -> memref<128xf32, #tpu.memory_space<hbm>>
      %dma_wait3A_130 = tpu.memref_slice %arg9[%arg0, %add3A_93] : memref<2x10240xf32, #tpu.memory_space<hbm>> -> memref<1x128xf32, #tpu.memory_space<hbm>>
      %dma_wait3A_131 = tpu.memref_squeeze %dma_wait3A_130 : memref<1x128xf32, #tpu.memory_space<hbm>> -> memref<128xf32, #tpu.memory_space<hbm>>
      tpu.wait_dma2 semaphore(%run_scoped3A : memref<!tpu.dma_semaphore, #tpu.memory_space<semaphore_mem>>) src(%arg14 : memref<128xf32, #tpu.memory_space<vmem>>) dst(%dma_wait3A_131 : memref<128xf32, #tpu.memory_space<hbm>>)
      tpu.yield
    }) : () -> ()
    %mul3A_94 = arith.constant 640 : i32
    %mul3A_95 = arith.muli %arg1, %mul3A_94 : i32
    %add3A_96 = arith.constant 384 : i32
    %add3A_97 = arith.addi %mul3A_95, %add3A_96 : i32
    "tpu.region"() ({
      %run_scoped3A = tpu.sem_alloc : memref<!tpu.dma_semaphore, #tpu.memory_space<semaphore_mem>>
      %dma_start3A = arith.constant 0 : i32
      %dma_start3A_126 = tpu.memref_slice %arg17[%add3A_97, %dma_start3A] : memref<10240x128xf32, #tpu.memory_space<vmem_shared>> -> memref<128x128xf32, #tpu.memory_space<vmem_shared>>
      %dma_start3A_127 = arith.constant 0 : i32
      %dma_start3A_128 = tpu.memref_slice %arg17[%add3A_97, %dma_start3A_127] : memref<10240x128xf32, #tpu.memory_space<vmem_shared>> -> memref<128x128xf32, #tpu.memory_space<vmem_shared>>
      tpu.enqueue_dma source(%dma_start3A_128 : memref<128x128xf32, #tpu.memory_space<vmem_shared>>) target(%arg12 : memref<128x128xf32, #tpu.memory_space<vmem>>) target_semaphore(%run_scoped3A : memref<!tpu.dma_semaphore, #tpu.memory_space<semaphore_mem>>)
      %dma_wait3A = arith.constant 0 : i32
      %dma_wait3A_129 = tpu.memref_slice %arg17[%add3A_97, %dma_wait3A] : memref<10240x128xf32, #tpu.memory_space<vmem_shared>> -> memref<128x128xf32, #tpu.memory_space<vmem_shared>>
      %dma_wait3A_130 = arith.constant 0 : i32
      %dma_wait3A_131 = tpu.memref_slice %arg17[%add3A_97, %dma_wait3A_130] : memref<10240x128xf32, #tpu.memory_space<vmem_shared>> -> memref<128x128xf32, #tpu.memory_space<vmem_shared>>
      tpu.wait_dma2 semaphore(%run_scoped3A : memref<!tpu.dma_semaphore, #tpu.memory_space<semaphore_mem>>) src(%dma_wait3A_131 : memref<128x128xf32, #tpu.memory_space<vmem_shared>>) dst(%arg12 : memref<128x128xf32, #tpu.memory_space<vmem>>)
      tpu.yield
    }) : () -> ()
    %mul3A_98 = arith.constant 640 : i32
    %mul3A_99 = arith.muli %arg1, %mul3A_98 : i32
    %add3A_100 = arith.constant 384 : i32
    %add3A_101 = arith.addi %mul3A_99, %add3A_100 : i32
    "tpu.region"() ({
      %run_scoped3A = tpu.sem_alloc : memref<!tpu.dma_semaphore, #tpu.memory_space<semaphore_mem>>
      %dma_start3A = arith.constant 0 : i32
      %dma_start3A_126 = tpu.memref_slice %arg8[%arg0, %add3A_101, %dma_start3A] : memref<2x10240x128xf32, #tpu.memory_space<hbm>> -> memref<1x128x128xf32, #tpu.memory_space<hbm>>
      %dma_start3A_127 = tpu.memref_squeeze %dma_start3A_126 : memref<1x128x128xf32, #tpu.memory_space<hbm>> -> memref<128x128xf32, #tpu.memory_space<hbm>>
      %dma_start3A_128 = arith.constant 0 : i32
      %dma_start3A_129 = tpu.memref_slice %arg8[%arg0, %add3A_101, %dma_start3A_128] : memref<2x10240x128xf32, #tpu.memory_space<hbm>> -> memref<1x128x128xf32, #tpu.memory_space<hbm>>
      %dma_start3A_130 = tpu.memref_squeeze %dma_start3A_129 : memref<1x128x128xf32, #tpu.memory_space<hbm>> -> memref<128x128xf32, #tpu.memory_space<hbm>>
      tpu.enqueue_dma source(%arg12 : memref<128x128xf32, #tpu.memory_space<vmem>>) target(%dma_start3A_130 : memref<128x128xf32, #tpu.memory_space<hbm>>) target_semaphore(%run_scoped3A : memref<!tpu.dma_semaphore, #tpu.memory_space<semaphore_mem>>)
      %dma_wait3A = arith.constant 0 : i32
      %dma_wait3A_131 = tpu.memref_slice %arg8[%arg0, %add3A_101, %dma_wait3A] : memref<2x10240x128xf32, #tpu.memory_space<hbm>> -> memref<1x128x128xf32, #tpu.memory_space<hbm>>
      %dma_wait3A_132 = tpu.memref_squeeze %dma_wait3A_131 : memref<1x128x128xf32, #tpu.memory_space<hbm>> -> memref<128x128xf32, #tpu.memory_space<hbm>>
      %dma_wait3A_133 = arith.constant 0 : i32
      %dma_wait3A_134 = tpu.memref_slice %arg8[%arg0, %add3A_101, %dma_wait3A_133] : memref<2x10240x128xf32, #tpu.memory_space<hbm>> -> memref<1x128x128xf32, #tpu.memory_space<hbm>>
      %dma_wait3A_135 = tpu.memref_squeeze %dma_wait3A_134 : memref<1x128x128xf32, #tpu.memory_space<hbm>> -> memref<128x128xf32, #tpu.memory_space<hbm>>
      tpu.wait_dma2 semaphore(%run_scoped3A : memref<!tpu.dma_semaphore, #tpu.memory_space<semaphore_mem>>) src(%arg12 : memref<128x128xf32, #tpu.memory_space<vmem>>) dst(%dma_wait3A_135 : memref<128x128xf32, #tpu.memory_space<hbm>>)
      tpu.yield
    }) : () -> ()
    %mul3A_102 = arith.constant 640 : i32
    %mul3A_103 = arith.muli %arg1, %mul3A_102 : i32
    %add3A_104 = arith.constant 384 : i32
    %add3A_105 = arith.addi %mul3A_103, %add3A_104 : i32
    "tpu.region"() ({
      %run_scoped3A = tpu.sem_alloc : memref<!tpu.dma_semaphore, #tpu.memory_space<semaphore_mem>>
      %dma_start3A = tpu.memref_slice %arg18[%add3A_105] : memref<10240xf32, #tpu.memory_space<vmem_shared>> -> memref<128xf32, #tpu.memory_space<vmem_shared>>
      %dma_start3A_126 = tpu.memref_slice %arg18[%add3A_105] : memref<10240xf32, #tpu.memory_space<vmem_shared>> -> memref<128xf32, #tpu.memory_space<vmem_shared>>
      tpu.enqueue_dma source(%dma_start3A_126 : memref<128xf32, #tpu.memory_space<vmem_shared>>) target(%arg14 : memref<128xf32, #tpu.memory_space<vmem>>) target_semaphore(%run_scoped3A : memref<!tpu.dma_semaphore, #tpu.memory_space<semaphore_mem>>)
      %dma_wait3A = tpu.memref_slice %arg18[%add3A_105] : memref<10240xf32, #tpu.memory_space<vmem_shared>> -> memref<128xf32, #tpu.memory_space<vmem_shared>>
      %dma_wait3A_127 = tpu.memref_slice %arg18[%add3A_105] : memref<10240xf32, #tpu.memory_space<vmem_shared>> -> memref<128xf32, #tpu.memory_space<vmem_shared>>
      tpu.wait_dma2 semaphore(%run_scoped3A : memref<!tpu.dma_semaphore, #tpu.memory_space<semaphore_mem>>) src(%dma_wait3A_127 : memref<128xf32, #tpu.memory_space<vmem_shared>>) dst(%arg14 : memref<128xf32, #tpu.memory_space<vmem>>)
      tpu.yield
    }) : () -> ()
    %mul3A_106 = arith.constant 640 : i32
    %mul3A_107 = arith.muli %arg1, %mul3A_106 : i32
    %add3A_108 = arith.constant 384 : i32
    %add3A_109 = arith.addi %mul3A_107, %add3A_108 : i32
    "tpu.region"() ({
      %run_scoped3A = tpu.sem_alloc : memref<!tpu.dma_semaphore, #tpu.memory_space<semaphore_mem>>
      %dma_start3A = tpu.memref_slice %arg9[%arg0, %add3A_109] : memref<2x10240xf32, #tpu.memory_space<hbm>> -> memref<1x128xf32, #tpu.memory_space<hbm>>
      %dma_start3A_126 = tpu.memref_squeeze %dma_start3A : memref<1x128xf32, #tpu.memory_space<hbm>> -> memref<128xf32, #tpu.memory_space<hbm>>
      %dma_start3A_127 = tpu.memref_slice %arg9[%arg0, %add3A_109] : memref<2x10240xf32, #tpu.memory_space<hbm>> -> memref<1x128xf32, #tpu.memory_space<hbm>>
      %dma_start3A_128 = tpu.memref_squeeze %dma_start3A_127 : memref<1x128xf32, #tpu.memory_space<hbm>> -> memref<128xf32, #tpu.memory_space<hbm>>
      tpu.enqueue_dma source(%arg14 : memref<128xf32, #tpu.memory_space<vmem>>) target(%dma_start3A_128 : memref<128xf32, #tpu.memory_space<hbm>>) target_semaphore(%run_scoped3A : memref<!tpu.dma_semaphore, #tpu.memory_space<semaphore_mem>>)
      %dma_wait3A = tpu.memref_slice %arg9[%arg0, %add3A_109] : memref<2x10240xf32, #tpu.memory_space<hbm>> -> memref<1x128xf32, #tpu.memory_space<hbm>>
      %dma_wait3A_129 = tpu.memref_squeeze %dma_wait3A : memref<1x128xf32, #tpu.memory_space<hbm>> -> memref<128xf32, #tpu.memory_space<hbm>>
      %dma_wait3A_130 = tpu.memref_slice %arg9[%arg0, %add3A_109] : memref<2x10240xf32, #tpu.memory_space<hbm>> -> memref<1x128xf32, #tpu.memory_space<hbm>>
      %dma_wait3A_131 = tpu.memref_squeeze %dma_wait3A_130 : memref<1x128xf32, #tpu.memory_space<hbm>> -> memref<128xf32, #tpu.memory_space<hbm>>
      tpu.wait_dma2 semaphore(%run_scoped3A : memref<!tpu.dma_semaphore, #tpu.memory_space<semaphore_mem>>) src(%arg14 : memref<128xf32, #tpu.memory_space<vmem>>) dst(%dma_wait3A_131 : memref<128xf32, #tpu.memory_space<hbm>>)
      tpu.yield
    }) : () -> ()
    %mul3A_110 = arith.constant 640 : i32
    %mul3A_111 = arith.muli %arg1, %mul3A_110 : i32
    %add3A_112 = arith.constant 512 : i32
    %add3A_113 = arith.addi %mul3A_111, %add3A_112 : i32
    "tpu.region"() ({
      %run_scoped3A = tpu.sem_alloc : memref<!tpu.dma_semaphore, #tpu.memory_space<semaphore_mem>>
      %dma_start3A = arith.constant 0 : i32
      %dma_start3A_126 = tpu.memref_slice %arg17[%add3A_113, %dma_start3A] : memref<10240x128xf32, #tpu.memory_space<vmem_shared>> -> memref<128x128xf32, #tpu.memory_space<vmem_shared>>
      %dma_start3A_127 = arith.constant 0 : i32
      %dma_start3A_128 = tpu.memref_slice %arg17[%add3A_113, %dma_start3A_127] : memref<10240x128xf32, #tpu.memory_space<vmem_shared>> -> memref<128x128xf32, #tpu.memory_space<vmem_shared>>
      tpu.enqueue_dma source(%dma_start3A_128 : memref<128x128xf32, #tpu.memory_space<vmem_shared>>) target(%arg12 : memref<128x128xf32, #tpu.memory_space<vmem>>) target_semaphore(%run_scoped3A : memref<!tpu.dma_semaphore, #tpu.memory_space<semaphore_mem>>)
      %dma_wait3A = arith.constant 0 : i32
      %dma_wait3A_129 = tpu.memref_slice %arg17[%add3A_113, %dma_wait3A] : memref<10240x128xf32, #tpu.memory_space<vmem_shared>> -> memref<128x128xf32, #tpu.memory_space<vmem_shared>>
      %dma_wait3A_130 = arith.constant 0 : i32
      %dma_wait3A_131 = tpu.memref_slice %arg17[%add3A_113, %dma_wait3A_130] : memref<10240x128xf32, #tpu.memory_space<vmem_shared>> -> memref<128x128xf32, #tpu.memory_space<vmem_shared>>
      tpu.wait_dma2 semaphore(%run_scoped3A : memref<!tpu.dma_semaphore, #tpu.memory_space<semaphore_mem>>) src(%dma_wait3A_131 : memref<128x128xf32, #tpu.memory_space<vmem_shared>>) dst(%arg12 : memref<128x128xf32, #tpu.memory_space<vmem>>)
      tpu.yield
    }) : () -> ()
    %mul3A_114 = arith.constant 640 : i32
    %mul3A_115 = arith.muli %arg1, %mul3A_114 : i32
    %add3A_116 = arith.constant 512 : i32
    %add3A_117 = arith.addi %mul3A_115, %add3A_116 : i32
    "tpu.region"() ({
      %run_scoped3A = tpu.sem_alloc : memref<!tpu.dma_semaphore, #tpu.memory_space<semaphore_mem>>
      %dma_start3A = arith.constant 0 : i32
      %dma_start3A_126 = tpu.memref_slice %arg8[%arg0, %add3A_117, %dma_start3A] : memref<2x10240x128xf32, #tpu.memory_space<hbm>> -> memref<1x128x128xf32, #tpu.memory_space<hbm>>
      %dma_start3A_127 = tpu.memref_squeeze %dma_start3A_126 : memref<1x128x128xf32, #tpu.memory_space<hbm>> -> memref<128x128xf32, #tpu.memory_space<hbm>>
      %dma_start3A_128 = arith.constant 0 : i32
      %dma_start3A_129 = tpu.memref_slice %arg8[%arg0, %add3A_117, %dma_start3A_128] : memref<2x10240x128xf32, #tpu.memory_space<hbm>> -> memref<1x128x128xf32, #tpu.memory_space<hbm>>
      %dma_start3A_130 = tpu.memref_squeeze %dma_start3A_129 : memref<1x128x128xf32, #tpu.memory_space<hbm>> -> memref<128x128xf32, #tpu.memory_space<hbm>>
      tpu.enqueue_dma source(%arg12 : memref<128x128xf32, #tpu.memory_space<vmem>>) target(%dma_start3A_130 : memref<128x128xf32, #tpu.memory_space<hbm>>) target_semaphore(%run_scoped3A : memref<!tpu.dma_semaphore, #tpu.memory_space<semaphore_mem>>)
      %dma_wait3A = arith.constant 0 : i32
      %dma_wait3A_131 = tpu.memref_slice %arg8[%arg0, %add3A_117, %dma_wait3A] : memref<2x10240x128xf32, #tpu.memory_space<hbm>> -> memref<1x128x128xf32, #tpu.memory_space<hbm>>
      %dma_wait3A_132 = tpu.memref_squeeze %dma_wait3A_131 : memref<1x128x128xf32, #tpu.memory_space<hbm>> -> memref<128x128xf32, #tpu.memory_space<hbm>>
      %dma_wait3A_133 = arith.constant 0 : i32
      %dma_wait3A_134 = tpu.memref_slice %arg8[%arg0, %add3A_117, %dma_wait3A_133] : memref<2x10240x128xf32, #tpu.memory_space<hbm>> -> memref<1x128x128xf32, #tpu.memory_space<hbm>>
      %dma_wait3A_135 = tpu.memref_squeeze %dma_wait3A_134 : memref<1x128x128xf32, #tpu.memory_space<hbm>> -> memref<128x128xf32, #tpu.memory_space<hbm>>
      tpu.wait_dma2 semaphore(%run_scoped3A : memref<!tpu.dma_semaphore, #tpu.memory_space<semaphore_mem>>) src(%arg12 : memref<128x128xf32, #tpu.memory_space<vmem>>) dst(%dma_wait3A_135 : memref<128x128xf32, #tpu.memory_space<hbm>>)
      tpu.yield
    }) : () -> ()
    %mul3A_118 = arith.constant 640 : i32
    %mul3A_119 = arith.muli %arg1, %mul3A_118 : i32
    %add3A_120 = arith.constant 512 : i32
    %add3A_121 = arith.addi %mul3A_119, %add3A_120 : i32
    "tpu.region"() ({
      %run_scoped3A = tpu.sem_alloc : memref<!tpu.dma_semaphore, #tpu.memory_space<semaphore_mem>>
      %dma_start3A = tpu.memref_slice %arg18[%add3A_121] : memref<10240xf32, #tpu.memory_space<vmem_shared>> -> memref<128xf32, #tpu.memory_space<vmem_shared>>
      %dma_start3A_126 = tpu.memref_slice %arg18[%add3A_121] : memref<10240xf32, #tpu.memory_space<vmem_shared>> -> memref<128xf32, #tpu.memory_space<vmem_shared>>
      tpu.enqueue_dma source(%dma_start3A_126 : memref<128xf32, #tpu.memory_space<vmem_shared>>) target(%arg14 : memref<128xf32, #tpu.memory_space<vmem>>) target_semaphore(%run_scoped3A : memref<!tpu.dma_semaphore, #tpu.memory_space<semaphore_mem>>)
      %dma_wait3A = tpu.memref_slice %arg18[%add3A_121] : memref<10240xf32, #tpu.memory_space<vmem_shared>> -> memref<128xf32, #tpu.memory_space<vmem_shared>>
      %dma_wait3A_127 = tpu.memref_slice %arg18[%add3A_121] : memref<10240xf32, #tpu.memory_space<vmem_shared>> -> memref<128xf32, #tpu.memory_space<vmem_shared>>
      tpu.wait_dma2 semaphore(%run_scoped3A : memref<!tpu.dma_semaphore, #tpu.memory_space<semaphore_mem>>) src(%dma_wait3A_127 : memref<128xf32, #tpu.memory_space<vmem_shared>>) dst(%arg14 : memref<128xf32, #tpu.memory_space<vmem>>)
      tpu.yield
    }) : () -> ()
    %mul3A_122 = arith.constant 640 : i32
    %mul3A_123 = arith.muli %arg1, %mul3A_122 : i32
    %add3A_124 = arith.constant 512 : i32
    %add3A_125 = arith.addi %mul3A_123, %add3A_124 : i32
    "tpu.region"() ({
      %run_scoped3A = tpu.sem_alloc : memref<!tpu.dma_semaphore, #tpu.memory_space<semaphore_mem>>
      %dma_start3A = tpu.memref_slice %arg9[%arg0, %add3A_125] : memref<2x10240xf32, #tpu.memory_space<hbm>> -> memref<1x128xf32, #tpu.memory_space<hbm>>
      %dma_start3A_126 = tpu.memref_squeeze %dma_start3A : memref<1x128xf32, #tpu.memory_space<hbm>> -> memref<128xf32, #tpu.memory_space<hbm>>
      %dma_start3A_127 = tpu.memref_slice %arg9[%arg0, %add3A_125] : memref<2x10240xf32, #tpu.memory_space<hbm>> -> memref<1x128xf32, #tpu.memory_space<hbm>>
      %dma_start3A_128 = tpu.memref_squeeze %dma_start3A_127 : memref<1x128xf32, #tpu.memory_space<hbm>> -> memref<128xf32, #tpu.memory_space<hbm>>
      tpu.enqueue_dma source(%arg14 : memref<128xf32, #tpu.memory_space<vmem>>) target(%dma_start3A_128 : memref<128xf32, #tpu.memory_space<hbm>>) target_semaphore(%run_scoped3A : memref<!tpu.dma_semaphore, #tpu.memory_space<semaphore_mem>>)
      %dma_wait3A = tpu.memref_slice %arg9[%arg0, %add3A_125] : memref<2x10240xf32, #tpu.memory_space<hbm>> -> memref<1x128xf32, #tpu.memory_space<hbm>>
      %dma_wait3A_129 = tpu.memref_squeeze %dma_wait3A : memref<1x128xf32, #tpu.memory_space<hbm>> -> memref<128xf32, #tpu.memory_space<hbm>>
      %dma_wait3A_130 = tpu.memref_slice %arg9[%arg0, %add3A_125] : memref<2x10240xf32, #tpu.memory_space<hbm>> -> memref<1x128xf32, #tpu.memory_space<hbm>>
      %dma_wait3A_131 = tpu.memref_squeeze %dma_wait3A_130 : memref<1x128xf32, #tpu.memory_space<hbm>> -> memref<128xf32, #tpu.memory_space<hbm>>
      tpu.wait_dma2 semaphore(%run_scoped3A : memref<!tpu.dma_semaphore, #tpu.memory_space<semaphore_mem>>) src(%arg14 : memref<128xf32, #tpu.memory_space<vmem>>) dst(%dma_wait3A_131 : memref<128xf32, #tpu.memory_space<hbm>>)
      tpu.yield
    }) : () -> ()
    return
  }
}

#map = affine_map<(d0, d1) -> (0, 0)>
#map1 = affine_map<(d0, d1) -> (0, 0, 0)>
module attributes {stable_mosaic.version = 14 : i64} {
  func.func @_sc_agg_body(%arg0: i32, %arg1: i32, %arg2: memref<10000x128xf32, #tpu.memory_space<hbm>>, %arg3: memref<2560x128xi32, #tpu.memory_space<hbm>>, %arg4: memref<2560x128xi32, #tpu.memory_space<hbm>>, %arg5: memref<128x128xf32, #tpu.memory_space<hbm>>, %arg6: memref<2x10240x128xf32, #tpu.memory_space<hbm>>, %arg7: memref<8x128xi32, #tpu.memory_space<vmem>>, %arg8: memref<8x128xi32, #tpu.memory_space<vmem>>, %arg9: memref<128x128xf32, #tpu.memory_space<vmem>>, %arg10: memref<128x128xf32, #tpu.memory_space<vmem>>, %arg11: memref<!tpu.dma_semaphore, #tpu.memory_space<semaphore_mem>>, %arg12: memref<!tpu.dma_semaphore, #tpu.memory_space<semaphore_mem>>, %arg13: memref<10240x128xf32, #tpu.memory_space<vmem_shared>>) attributes {dimension_semantics = [#tpu.dimension_semantics<core_parallel>, #tpu.dimension_semantics<subcore_parallel>], iteration_bounds = array<i64: 2, 16>, scalar_prefetch = 0 : i64, scratch_operands = 7 : i64, tpu.core_type = #tpu.core_type<sc_vector_subcore>, window_params = [{transform_indices = #map}, {transform_indices = #map}, {transform_indices = #map}, {transform_indices = #map}, {transform_indices = #map1}]} {
    "tpu.region"() ({
      %run_scoped3A = tpu.sem_alloc : memref<!tpu.dma_semaphore, #tpu.memory_space<semaphore_mem>>
      tpu.enqueue_dma source(%arg5 : memref<128x128xf32, #tpu.memory_space<hbm>>) target(%arg9 : memref<128x128xf32, #tpu.memory_space<vmem>>) target_semaphore(%run_scoped3A : memref<!tpu.dma_semaphore, #tpu.memory_space<semaphore_mem>>)
      tpu.wait_dma2 semaphore(%run_scoped3A : memref<!tpu.dma_semaphore, #tpu.memory_space<semaphore_mem>>) src(%arg5 : memref<128x128xf32, #tpu.memory_space<hbm>>) dst(%arg9 : memref<128x128xf32, #tpu.memory_space<vmem>>)
      tpu.yield
    }) : () -> ()
    %mul3A = arith.constant 640 : i32
    %mul3A_0 = arith.muli %arg1, %mul3A : i32
    %add3A = arith.constant 0 : i32
    %add3A_1 = arith.addi %mul3A_0, %add3A : i32
    "tpu.region"() ({
      %run_scoped3A = tpu.sem_alloc : memref<!tpu.dma_semaphore, #tpu.memory_space<semaphore_mem>>
      %dma_start3A = arith.constant 0 : i32
      %dma_start3A_66 = tpu.memref_slice %arg13[%add3A_1, %dma_start3A] : memref<10240x128xf32, #tpu.memory_space<vmem_shared>> -> memref<128x128xf32, #tpu.memory_space<vmem_shared>>
      %dma_start3A_67 = arith.constant 0 : i32
      %dma_start3A_68 = tpu.memref_slice %arg13[%add3A_1, %dma_start3A_67] : memref<10240x128xf32, #tpu.memory_space<vmem_shared>> -> memref<128x128xf32, #tpu.memory_space<vmem_shared>>
      tpu.enqueue_dma source(%arg9 : memref<128x128xf32, #tpu.memory_space<vmem>>) target(%dma_start3A_68 : memref<128x128xf32, #tpu.memory_space<vmem_shared>>) target_semaphore(%run_scoped3A : memref<!tpu.dma_semaphore, #tpu.memory_space<semaphore_mem>>)
      %dma_wait3A = arith.constant 0 : i32
      %dma_wait3A_69 = tpu.memref_slice %arg13[%add3A_1, %dma_wait3A] : memref<10240x128xf32, #tpu.memory_space<vmem_shared>> -> memref<128x128xf32, #tpu.memory_space<vmem_shared>>
      %dma_wait3A_70 = arith.constant 0 : i32
      %dma_wait3A_71 = tpu.memref_slice %arg13[%add3A_1, %dma_wait3A_70] : memref<10240x128xf32, #tpu.memory_space<vmem_shared>> -> memref<128x128xf32, #tpu.memory_space<vmem_shared>>
      tpu.wait_dma2 semaphore(%run_scoped3A : memref<!tpu.dma_semaphore, #tpu.memory_space<semaphore_mem>>) src(%arg9 : memref<128x128xf32, #tpu.memory_space<vmem>>) dst(%dma_wait3A_71 : memref<128x128xf32, #tpu.memory_space<vmem_shared>>)
      tpu.yield
    }) : () -> ()
    %mul3A_2 = arith.constant 640 : i32
    %mul3A_3 = arith.muli %arg1, %mul3A_2 : i32
    %add3A_4 = arith.constant 128 : i32
    %add3A_5 = arith.addi %mul3A_3, %add3A_4 : i32
    "tpu.region"() ({
      %run_scoped3A = tpu.sem_alloc : memref<!tpu.dma_semaphore, #tpu.memory_space<semaphore_mem>>
      %dma_start3A = arith.constant 0 : i32
      %dma_start3A_66 = tpu.memref_slice %arg13[%add3A_5, %dma_start3A] : memref<10240x128xf32, #tpu.memory_space<vmem_shared>> -> memref<128x128xf32, #tpu.memory_space<vmem_shared>>
      %dma_start3A_67 = arith.constant 0 : i32
      %dma_start3A_68 = tpu.memref_slice %arg13[%add3A_5, %dma_start3A_67] : memref<10240x128xf32, #tpu.memory_space<vmem_shared>> -> memref<128x128xf32, #tpu.memory_space<vmem_shared>>
      tpu.enqueue_dma source(%arg9 : memref<128x128xf32, #tpu.memory_space<vmem>>) target(%dma_start3A_68 : memref<128x128xf32, #tpu.memory_space<vmem_shared>>) target_semaphore(%run_scoped3A : memref<!tpu.dma_semaphore, #tpu.memory_space<semaphore_mem>>)
      %dma_wait3A = arith.constant 0 : i32
      %dma_wait3A_69 = tpu.memref_slice %arg13[%add3A_5, %dma_wait3A] : memref<10240x128xf32, #tpu.memory_space<vmem_shared>> -> memref<128x128xf32, #tpu.memory_space<vmem_shared>>
      %dma_wait3A_70 = arith.constant 0 : i32
      %dma_wait3A_71 = tpu.memref_slice %arg13[%add3A_5, %dma_wait3A_70] : memref<10240x128xf32, #tpu.memory_space<vmem_shared>> -> memref<128x128xf32, #tpu.memory_space<vmem_shared>>
      tpu.wait_dma2 semaphore(%run_scoped3A : memref<!tpu.dma_semaphore, #tpu.memory_space<semaphore_mem>>) src(%arg9 : memref<128x128xf32, #tpu.memory_space<vmem>>) dst(%dma_wait3A_71 : memref<128x128xf32, #tpu.memory_space<vmem_shared>>)
      tpu.yield
    }) : () -> ()
    %mul3A_6 = arith.constant 640 : i32
    %mul3A_7 = arith.muli %arg1, %mul3A_6 : i32
    %add3A_8 = arith.constant 256 : i32
    %add3A_9 = arith.addi %mul3A_7, %add3A_8 : i32
    "tpu.region"() ({
      %run_scoped3A = tpu.sem_alloc : memref<!tpu.dma_semaphore, #tpu.memory_space<semaphore_mem>>
      %dma_start3A = arith.constant 0 : i32
      %dma_start3A_66 = tpu.memref_slice %arg13[%add3A_9, %dma_start3A] : memref<10240x128xf32, #tpu.memory_space<vmem_shared>> -> memref<128x128xf32, #tpu.memory_space<vmem_shared>>
      %dma_start3A_67 = arith.constant 0 : i32
      %dma_start3A_68 = tpu.memref_slice %arg13[%add3A_9, %dma_start3A_67] : memref<10240x128xf32, #tpu.memory_space<vmem_shared>> -> memref<128x128xf32, #tpu.memory_space<vmem_shared>>
      tpu.enqueue_dma source(%arg9 : memref<128x128xf32, #tpu.memory_space<vmem>>) target(%dma_start3A_68 : memref<128x128xf32, #tpu.memory_space<vmem_shared>>) target_semaphore(%run_scoped3A : memref<!tpu.dma_semaphore, #tpu.memory_space<semaphore_mem>>)
      %dma_wait3A = arith.constant 0 : i32
      %dma_wait3A_69 = tpu.memref_slice %arg13[%add3A_9, %dma_wait3A] : memref<10240x128xf32, #tpu.memory_space<vmem_shared>> -> memref<128x128xf32, #tpu.memory_space<vmem_shared>>
      %dma_wait3A_70 = arith.constant 0 : i32
      %dma_wait3A_71 = tpu.memref_slice %arg13[%add3A_9, %dma_wait3A_70] : memref<10240x128xf32, #tpu.memory_space<vmem_shared>> -> memref<128x128xf32, #tpu.memory_space<vmem_shared>>
      tpu.wait_dma2 semaphore(%run_scoped3A : memref<!tpu.dma_semaphore, #tpu.memory_space<semaphore_mem>>) src(%arg9 : memref<128x128xf32, #tpu.memory_space<vmem>>) dst(%dma_wait3A_71 : memref<128x128xf32, #tpu.memory_space<vmem_shared>>)
      tpu.yield
    }) : () -> ()
    %mul3A_10 = arith.constant 640 : i32
    %mul3A_11 = arith.muli %arg1, %mul3A_10 : i32
    %add3A_12 = arith.constant 384 : i32
    %add3A_13 = arith.addi %mul3A_11, %add3A_12 : i32
    "tpu.region"() ({
      %run_scoped3A = tpu.sem_alloc : memref<!tpu.dma_semaphore, #tpu.memory_space<semaphore_mem>>
      %dma_start3A = arith.constant 0 : i32
      %dma_start3A_66 = tpu.memref_slice %arg13[%add3A_13, %dma_start3A] : memref<10240x128xf32, #tpu.memory_space<vmem_shared>> -> memref<128x128xf32, #tpu.memory_space<vmem_shared>>
      %dma_start3A_67 = arith.constant 0 : i32
      %dma_start3A_68 = tpu.memref_slice %arg13[%add3A_13, %dma_start3A_67] : memref<10240x128xf32, #tpu.memory_space<vmem_shared>> -> memref<128x128xf32, #tpu.memory_space<vmem_shared>>
      tpu.enqueue_dma source(%arg9 : memref<128x128xf32, #tpu.memory_space<vmem>>) target(%dma_start3A_68 : memref<128x128xf32, #tpu.memory_space<vmem_shared>>) target_semaphore(%run_scoped3A : memref<!tpu.dma_semaphore, #tpu.memory_space<semaphore_mem>>)
      %dma_wait3A = arith.constant 0 : i32
      %dma_wait3A_69 = tpu.memref_slice %arg13[%add3A_13, %dma_wait3A] : memref<10240x128xf32, #tpu.memory_space<vmem_shared>> -> memref<128x128xf32, #tpu.memory_space<vmem_shared>>
      %dma_wait3A_70 = arith.constant 0 : i32
      %dma_wait3A_71 = tpu.memref_slice %arg13[%add3A_13, %dma_wait3A_70] : memref<10240x128xf32, #tpu.memory_space<vmem_shared>> -> memref<128x128xf32, #tpu.memory_space<vmem_shared>>
      tpu.wait_dma2 semaphore(%run_scoped3A : memref<!tpu.dma_semaphore, #tpu.memory_space<semaphore_mem>>) src(%arg9 : memref<128x128xf32, #tpu.memory_space<vmem>>) dst(%dma_wait3A_71 : memref<128x128xf32, #tpu.memory_space<vmem_shared>>)
      tpu.yield
    }) : () -> ()
    %mul3A_14 = arith.constant 640 : i32
    %mul3A_15 = arith.muli %arg1, %mul3A_14 : i32
    %add3A_16 = arith.constant 512 : i32
    %add3A_17 = arith.addi %mul3A_15, %add3A_16 : i32
    "tpu.region"() ({
      %run_scoped3A = tpu.sem_alloc : memref<!tpu.dma_semaphore, #tpu.memory_space<semaphore_mem>>
      %dma_start3A = arith.constant 0 : i32
      %dma_start3A_66 = tpu.memref_slice %arg13[%add3A_17, %dma_start3A] : memref<10240x128xf32, #tpu.memory_space<vmem_shared>> -> memref<128x128xf32, #tpu.memory_space<vmem_shared>>
      %dma_start3A_67 = arith.constant 0 : i32
      %dma_start3A_68 = tpu.memref_slice %arg13[%add3A_17, %dma_start3A_67] : memref<10240x128xf32, #tpu.memory_space<vmem_shared>> -> memref<128x128xf32, #tpu.memory_space<vmem_shared>>
      tpu.enqueue_dma source(%arg9 : memref<128x128xf32, #tpu.memory_space<vmem>>) target(%dma_start3A_68 : memref<128x128xf32, #tpu.memory_space<vmem_shared>>) target_semaphore(%run_scoped3A : memref<!tpu.dma_semaphore, #tpu.memory_space<semaphore_mem>>)
      %dma_wait3A = arith.constant 0 : i32
      %dma_wait3A_69 = tpu.memref_slice %arg13[%add3A_17, %dma_wait3A] : memref<10240x128xf32, #tpu.memory_space<vmem_shared>> -> memref<128x128xf32, #tpu.memory_space<vmem_shared>>
      %dma_wait3A_70 = arith.constant 0 : i32
      %dma_wait3A_71 = tpu.memref_slice %arg13[%add3A_17, %dma_wait3A_70] : memref<10240x128xf32, #tpu.memory_space<vmem_shared>> -> memref<128x128xf32, #tpu.memory_space<vmem_shared>>
      tpu.wait_dma2 semaphore(%run_scoped3A : memref<!tpu.dma_semaphore, #tpu.memory_space<semaphore_mem>>) src(%arg9 : memref<128x128xf32, #tpu.memory_space<vmem>>) dst(%dma_wait3A_71 : memref<128x128xf32, #tpu.memory_space<vmem_shared>>)
      tpu.yield
    }) : () -> ()
    %barrier3A = arith.constant 0 : index
    tpu.barrier barrier_id(%barrier3A)
    %eq3A = arith.constant 0 : i32
    %eq3A_18 = arith.cmpi eq, %arg0, %eq3A : i32
    %convert_element_type3A = arith.extui %eq3A_18 : i1 to i32
    %cond3A = arith.constant 0 : i32
    %cond3A_19 = arith.cmpi ne, %convert_element_type3A, %cond3A : i32
    scf.if %cond3A_19 {
      %mul3A_66 = arith.constant 144 : i32
      %mul3A_67 = arith.muli %arg1, %mul3A_66 : i32
      %scan3A = arith.constant 0 : i32
      %scan3A_68 = arith.constant 0 : i32
      %scan3A_69 = arith.constant 18 : i32
      %scan3A_70 = arith.addi %scan3A_68, %scan3A_69 : i32
      %scan3A_71 = arith.constant 1 : i32
      scf.for %scan3A_73 = %scan3A_68 to %scan3A_70 step %scan3A_71  : i32 {
        %mul3A_74 = arith.constant 8 : i32
        %mul3A_75 = arith.muli %scan3A_73, %mul3A_74 : i32
        %add3A_76 = arith.addi %mul3A_67, %mul3A_75 : i32
        "tpu.region"() ({
          %run_scoped3A_197 = tpu.sem_alloc : memref<!tpu.dma_semaphore, #tpu.memory_space<semaphore_mem>>
          %dma_start3A_198 = arith.constant 0 : i32
          %dma_start3A_199 = tpu.memref_slice %arg3[%add3A_76, %dma_start3A_198] : memref<2560x128xi32, #tpu.memory_space<hbm>> -> memref<8x128xi32, #tpu.memory_space<hbm>>
          %dma_start3A_200 = arith.constant 0 : i32
          %dma_start3A_201 = tpu.memref_slice %arg3[%add3A_76, %dma_start3A_200] : memref<2560x128xi32, #tpu.memory_space<hbm>> -> memref<8x128xi32, #tpu.memory_space<hbm>>
          tpu.enqueue_dma source(%dma_start3A_201 : memref<8x128xi32, #tpu.memory_space<hbm>>) target(%arg7 : memref<8x128xi32, #tpu.memory_space<vmem>>) target_semaphore(%run_scoped3A_197 : memref<!tpu.dma_semaphore, #tpu.memory_space<semaphore_mem>>)
          %dma_wait3A_202 = arith.constant 0 : i32
          %dma_wait3A_203 = tpu.memref_slice %arg3[%add3A_76, %dma_wait3A_202] : memref<2560x128xi32, #tpu.memory_space<hbm>> -> memref<8x128xi32, #tpu.memory_space<hbm>>
          %dma_wait3A_204 = arith.constant 0 : i32
          %dma_wait3A_205 = tpu.memref_slice %arg3[%add3A_76, %dma_wait3A_204] : memref<2560x128xi32, #tpu.memory_space<hbm>> -> memref<8x128xi32, #tpu.memory_space<hbm>>
          tpu.wait_dma2 semaphore(%run_scoped3A_197 : memref<!tpu.dma_semaphore, #tpu.memory_space<semaphore_mem>>) src(%dma_wait3A_205 : memref<8x128xi32, #tpu.memory_space<hbm>>) dst(%arg7 : memref<8x128xi32, #tpu.memory_space<vmem>>)
          tpu.yield
        }) : () -> ()
        %mul3A_77 = arith.constant 8 : i32
        %mul3A_78 = arith.muli %scan3A_73, %mul3A_77 : i32
        %add3A_79 = arith.addi %mul3A_67, %mul3A_78 : i32
        "tpu.region"() ({
          %run_scoped3A_197 = tpu.sem_alloc : memref<!tpu.dma_semaphore, #tpu.memory_space<semaphore_mem>>
          %dma_start3A_198 = arith.constant 0 : i32
          %dma_start3A_199 = tpu.memref_slice %arg4[%add3A_79, %dma_start3A_198] : memref<2560x128xi32, #tpu.memory_space<hbm>> -> memref<8x128xi32, #tpu.memory_space<hbm>>
          %dma_start3A_200 = arith.constant 0 : i32
          %dma_start3A_201 = tpu.memref_slice %arg4[%add3A_79, %dma_start3A_200] : memref<2560x128xi32, #tpu.memory_space<hbm>> -> memref<8x128xi32, #tpu.memory_space<hbm>>
          tpu.enqueue_dma source(%dma_start3A_201 : memref<8x128xi32, #tpu.memory_space<hbm>>) target(%arg8 : memref<8x128xi32, #tpu.memory_space<vmem>>) target_semaphore(%run_scoped3A_197 : memref<!tpu.dma_semaphore, #tpu.memory_space<semaphore_mem>>)
          %dma_wait3A_202 = arith.constant 0 : i32
          %dma_wait3A_203 = tpu.memref_slice %arg4[%add3A_79, %dma_wait3A_202] : memref<2560x128xi32, #tpu.memory_space<hbm>> -> memref<8x128xi32, #tpu.memory_space<hbm>>
          %dma_wait3A_204 = arith.constant 0 : i32
          %dma_wait3A_205 = tpu.memref_slice %arg4[%add3A_79, %dma_wait3A_204] : memref<2560x128xi32, #tpu.memory_space<hbm>> -> memref<8x128xi32, #tpu.memory_space<hbm>>
          tpu.wait_dma2 semaphore(%run_scoped3A_197 : memref<!tpu.dma_semaphore, #tpu.memory_space<semaphore_mem>>) src(%dma_wait3A_205 : memref<8x128xi32, #tpu.memory_space<hbm>>) dst(%arg8 : memref<8x128xi32, #tpu.memory_space<vmem>>)
          tpu.yield
        }) : () -> ()
        %dma_start3A = arith.constant 0 : i32
        %dma_start3A_80 = arith.constant 0 : i32
        %dma_start3A_81 = tpu.memref_slice %arg7[%dma_start3A, %dma_start3A_80] : memref<8x128xi32, #tpu.memory_space<vmem>> -> memref<1x128xi32, #tpu.memory_space<vmem>>
        %dma_start3A_82 = tpu.memref_squeeze %dma_start3A_81 : memref<1x128xi32, #tpu.memory_space<vmem>> -> memref<128xi32, #tpu.memory_space<vmem>>
        %dma_start3A_83 = arith.constant 0 : i32
        %dma_start3A_84 = arith.constant 0 : i32
        %dma_start3A_85 = tpu.memref_slice %arg2[%dma_start3A_83, %dma_start3A_84] : memref<10000x128xf32, #tpu.memory_space<hbm>> -> memref<10000x128xf32, #tpu.memory_space<hbm>>
        tpu.enqueue_indirect_dma source(%dma_start3A_85 : memref<10000x128xf32, #tpu.memory_space<hbm>>) target(%arg9 : memref<128x128xf32, #tpu.memory_space<vmem>>) offsets(%dma_start3A_82 : memref<128xi32, #tpu.memory_space<vmem>>) semaphore(%arg11 : memref<!tpu.dma_semaphore, #tpu.memory_space<semaphore_mem>>)
        %dma_wait3A = arith.constant 0 : i32
        %dma_wait3A_86 = arith.constant 0 : i32
        %dma_wait3A_87 = tpu.memref_slice %arg7[%dma_wait3A, %dma_wait3A_86] : memref<8x128xi32, #tpu.memory_space<vmem>> -> memref<1x128xi32, #tpu.memory_space<vmem>>
        %dma_wait3A_88 = tpu.memref_squeeze %dma_wait3A_87 : memref<1x128xi32, #tpu.memory_space<vmem>> -> memref<128xi32, #tpu.memory_space<vmem>>
        %dma_wait3A_89 = arith.constant 0 : i32
        %dma_wait3A_90 = arith.constant 0 : i32
        %dma_wait3A_91 = tpu.memref_slice %arg2[%dma_wait3A_89, %dma_wait3A_90] : memref<10000x128xf32, #tpu.memory_space<hbm>> -> memref<10000x128xf32, #tpu.memory_space<hbm>>
        tpu.wait_indirect_dma semaphore(%arg11 : memref<!tpu.dma_semaphore, #tpu.memory_space<semaphore_mem>>) src(%dma_wait3A_91 : memref<10000x128xf32, #tpu.memory_space<hbm>>) dst(%arg9 : memref<128x128xf32, #tpu.memory_space<vmem>>)
        %dma_start3A_92 = arith.constant 1 : i32
        %dma_start3A_93 = arith.constant 0 : i32
        %dma_start3A_94 = tpu.memref_slice %arg7[%dma_start3A_92, %dma_start3A_93] : memref<8x128xi32, #tpu.memory_space<vmem>> -> memref<1x128xi32, #tpu.memory_space<vmem>>
        %dma_start3A_95 = tpu.memref_squeeze %dma_start3A_94 : memref<1x128xi32, #tpu.memory_space<vmem>> -> memref<128xi32, #tpu.memory_space<vmem>>
        %dma_start3A_96 = arith.constant 0 : i32
        %dma_start3A_97 = arith.constant 0 : i32
        %dma_start3A_98 = tpu.memref_slice %arg2[%dma_start3A_96, %dma_start3A_97] : memref<10000x128xf32, #tpu.memory_space<hbm>> -> memref<10000x128xf32, #tpu.memory_space<hbm>>
        tpu.enqueue_indirect_dma source(%dma_start3A_98 : memref<10000x128xf32, #tpu.memory_space<hbm>>) target(%arg10 : memref<128x128xf32, #tpu.memory_space<vmem>>) offsets(%dma_start3A_95 : memref<128xi32, #tpu.memory_space<vmem>>) semaphore(%arg12 : memref<!tpu.dma_semaphore, #tpu.memory_space<semaphore_mem>>)
        %run_scoped3A = arith.constant 0 : i32
        "tpu.region"() ({
          %run_scoped3A_197 = tpu.sem_alloc : memref<!tpu.dma_semaphore, #tpu.memory_space<semaphore_mem>>
          %dma_start3A_198 = arith.constant 0 : i32
          %dma_start3A_199 = tpu.memref_slice %arg8[%run_scoped3A, %dma_start3A_198] : memref<8x128xi32, #tpu.memory_space<vmem>> -> memref<1x128xi32, #tpu.memory_space<vmem>>
          %dma_start3A_200 = tpu.memref_squeeze %dma_start3A_199 : memref<1x128xi32, #tpu.memory_space<vmem>> -> memref<128xi32, #tpu.memory_space<vmem>>
          %dma_start3A_201 = arith.constant 0 : i32
          %dma_start3A_202 = arith.constant 0 : i32
          %dma_start3A_203 = tpu.memref_slice %arg13[%dma_start3A_201, %dma_start3A_202] : memref<10240x128xf32, #tpu.memory_space<vmem_shared>> -> memref<10240x128xf32, #tpu.memory_space<vmem_shared>>
          tpu.enqueue_indirect_dma source(%arg9 : memref<128x128xf32, #tpu.memory_space<vmem>>) target(%dma_start3A_203 : memref<10240x128xf32, #tpu.memory_space<vmem_shared>>) offsets(%dma_start3A_200 : memref<128xi32, #tpu.memory_space<vmem>>) semaphore(%run_scoped3A_197 : memref<!tpu.dma_semaphore, #tpu.memory_space<semaphore_mem>>) {add = true}
          %dma_wait3A_204 = arith.constant 0 : i32
          %dma_wait3A_205 = tpu.memref_slice %arg8[%run_scoped3A, %dma_wait3A_204] : memref<8x128xi32, #tpu.memory_space<vmem>> -> memref<1x128xi32, #tpu.memory_space<vmem>>
          %dma_wait3A_206 = tpu.memref_squeeze %dma_wait3A_205 : memref<1x128xi32, #tpu.memory_space<vmem>> -> memref<128xi32, #tpu.memory_space<vmem>>
          %dma_wait3A_207 = arith.constant 0 : i32
          %dma_wait3A_208 = arith.constant 0 : i32
          %dma_wait3A_209 = tpu.memref_slice %arg13[%dma_wait3A_207, %dma_wait3A_208] : memref<10240x128xf32, #tpu.memory_space<vmem_shared>> -> memref<10240x128xf32, #tpu.memory_space<vmem_shared>>
          tpu.wait_indirect_dma semaphore(%run_scoped3A_197 : memref<!tpu.dma_semaphore, #tpu.memory_space<semaphore_mem>>) src(%arg9 : memref<128x128xf32, #tpu.memory_space<vmem>>) dst(%dma_wait3A_209 : memref<10240x128xf32, #tpu.memory_space<vmem_shared>>)
          tpu.yield
        }) : () -> ()
        %dma_wait3A_99 = arith.constant 1 : i32
        %dma_wait3A_100 = arith.constant 0 : i32
        %dma_wait3A_101 = tpu.memref_slice %arg7[%dma_wait3A_99, %dma_wait3A_100] : memref<8x128xi32, #tpu.memory_space<vmem>> -> memref<1x128xi32, #tpu.memory_space<vmem>>
        %dma_wait3A_102 = tpu.memref_squeeze %dma_wait3A_101 : memref<1x128xi32, #tpu.memory_space<vmem>> -> memref<128xi32, #tpu.memory_space<vmem>>
        %dma_wait3A_103 = arith.constant 0 : i32
        %dma_wait3A_104 = arith.constant 0 : i32
        %dma_wait3A_105 = tpu.memref_slice %arg2[%dma_wait3A_103, %dma_wait3A_104] : memref<10000x128xf32, #tpu.memory_space<hbm>> -> memref<10000x128xf32, #tpu.memory_space<hbm>>
        tpu.wait_indirect_dma semaphore(%arg12 : memref<!tpu.dma_semaphore, #tpu.memory_space<semaphore_mem>>) src(%dma_wait3A_105 : memref<10000x128xf32, #tpu.memory_space<hbm>>) dst(%arg10 : memref<128x128xf32, #tpu.memory_space<vmem>>)
        %dma_start3A_106 = arith.constant 2 : i32
        %dma_start3A_107 = arith.constant 0 : i32
        %dma_start3A_108 = tpu.memref_slice %arg7[%dma_start3A_106, %dma_start3A_107] : memref<8x128xi32, #tpu.memory_space<vmem>> -> memref<1x128xi32, #tpu.memory_space<vmem>>
        %dma_start3A_109 = tpu.memref_squeeze %dma_start3A_108 : memref<1x128xi32, #tpu.memory_space<vmem>> -> memref<128xi32, #tpu.memory_space<vmem>>
        %dma_start3A_110 = arith.constant 0 : i32
        %dma_start3A_111 = arith.constant 0 : i32
        %dma_start3A_112 = tpu.memref_slice %arg2[%dma_start3A_110, %dma_start3A_111] : memref<10000x128xf32, #tpu.memory_space<hbm>> -> memref<10000x128xf32, #tpu.memory_space<hbm>>
        tpu.enqueue_indirect_dma source(%dma_start3A_112 : memref<10000x128xf32, #tpu.memory_space<hbm>>) target(%arg9 : memref<128x128xf32, #tpu.memory_space<vmem>>) offsets(%dma_start3A_109 : memref<128xi32, #tpu.memory_space<vmem>>) semaphore(%arg11 : memref<!tpu.dma_semaphore, #tpu.memory_space<semaphore_mem>>)
        %run_scoped3A_113 = arith.constant 1 : i32
        "tpu.region"() ({
          %run_scoped3A_197 = tpu.sem_alloc : memref<!tpu.dma_semaphore, #tpu.memory_space<semaphore_mem>>
          %dma_start3A_198 = arith.constant 0 : i32
          %dma_start3A_199 = tpu.memref_slice %arg8[%run_scoped3A_113, %dma_start3A_198] : memref<8x128xi32, #tpu.memory_space<vmem>> -> memref<1x128xi32, #tpu.memory_space<vmem>>
          %dma_start3A_200 = tpu.memref_squeeze %dma_start3A_199 : memref<1x128xi32, #tpu.memory_space<vmem>> -> memref<128xi32, #tpu.memory_space<vmem>>
          %dma_start3A_201 = arith.constant 0 : i32
          %dma_start3A_202 = arith.constant 0 : i32
          %dma_start3A_203 = tpu.memref_slice %arg13[%dma_start3A_201, %dma_start3A_202] : memref<10240x128xf32, #tpu.memory_space<vmem_shared>> -> memref<10240x128xf32, #tpu.memory_space<vmem_shared>>
          tpu.enqueue_indirect_dma source(%arg10 : memref<128x128xf32, #tpu.memory_space<vmem>>) target(%dma_start3A_203 : memref<10240x128xf32, #tpu.memory_space<vmem_shared>>) offsets(%dma_start3A_200 : memref<128xi32, #tpu.memory_space<vmem>>) semaphore(%run_scoped3A_197 : memref<!tpu.dma_semaphore, #tpu.memory_space<semaphore_mem>>) {add = true}
          %dma_wait3A_204 = arith.constant 0 : i32
          %dma_wait3A_205 = tpu.memref_slice %arg8[%run_scoped3A_113, %dma_wait3A_204] : memref<8x128xi32, #tpu.memory_space<vmem>> -> memref<1x128xi32, #tpu.memory_space<vmem>>
          %dma_wait3A_206 = tpu.memref_squeeze %dma_wait3A_205 : memref<1x128xi32, #tpu.memory_space<vmem>> -> memref<128xi32, #tpu.memory_space<vmem>>
          %dma_wait3A_207 = arith.constant 0 : i32
          %dma_wait3A_208 = arith.constant 0 : i32
          %dma_wait3A_209 = tpu.memref_slice %arg13[%dma_wait3A_207, %dma_wait3A_208] : memref<10240x128xf32, #tpu.memory_space<vmem_shared>> -> memref<10240x128xf32, #tpu.memory_space<vmem_shared>>
          tpu.wait_indirect_dma semaphore(%run_scoped3A_197 : memref<!tpu.dma_semaphore, #tpu.memory_space<semaphore_mem>>) src(%arg10 : memref<128x128xf32, #tpu.memory_space<vmem>>) dst(%dma_wait3A_209 : memref<10240x128xf32, #tpu.memory_space<vmem_shared>>)
          tpu.yield
        }) : () -> ()
        %dma_wait3A_114 = arith.constant 2 : i32
        %dma_wait3A_115 = arith.constant 0 : i32
        %dma_wait3A_116 = tpu.memref_slice %arg7[%dma_wait3A_114, %dma_wait3A_115] : memref<8x128xi32, #tpu.memory_space<vmem>> -> memref<1x128xi32, #tpu.memory_space<vmem>>
        %dma_wait3A_117 = tpu.memref_squeeze %dma_wait3A_116 : memref<1x128xi32, #tpu.memory_space<vmem>> -> memref<128xi32, #tpu.memory_space<vmem>>
        %dma_wait3A_118 = arith.constant 0 : i32
        %dma_wait3A_119 = arith.constant 0 : i32
        %dma_wait3A_120 = tpu.memref_slice %arg2[%dma_wait3A_118, %dma_wait3A_119] : memref<10000x128xf32, #tpu.memory_space<hbm>> -> memref<10000x128xf32, #tpu.memory_space<hbm>>
        tpu.wait_indirect_dma semaphore(%arg11 : memref<!tpu.dma_semaphore, #tpu.memory_space<semaphore_mem>>) src(%dma_wait3A_120 : memref<10000x128xf32, #tpu.memory_space<hbm>>) dst(%arg9 : memref<128x128xf32, #tpu.memory_space<vmem>>)
        %dma_start3A_121 = arith.constant 3 : i32
        %dma_start3A_122 = arith.constant 0 : i32
        %dma_start3A_123 = tpu.memref_slice %arg7[%dma_start3A_121, %dma_start3A_122] : memref<8x128xi32, #tpu.memory_space<vmem>> -> memref<1x128xi32, #tpu.memory_space<vmem>>
        %dma_start3A_124 = tpu.memref_squeeze %dma_start3A_123 : memref<1x128xi32, #tpu.memory_space<vmem>> -> memref<128xi32, #tpu.memory_space<vmem>>
        %dma_start3A_125 = arith.constant 0 : i32
        %dma_start3A_126 = arith.constant 0 : i32
        %dma_start3A_127 = tpu.memref_slice %arg2[%dma_start3A_125, %dma_start3A_126] : memref<10000x128xf32, #tpu.memory_space<hbm>> -> memref<10000x128xf32, #tpu.memory_space<hbm>>
        tpu.enqueue_indirect_dma source(%dma_start3A_127 : memref<10000x128xf32, #tpu.memory_space<hbm>>) target(%arg10 : memref<128x128xf32, #tpu.memory_space<vmem>>) offsets(%dma_start3A_124 : memref<128xi32, #tpu.memory_space<vmem>>) semaphore(%arg12 : memref<!tpu.dma_semaphore, #tpu.memory_space<semaphore_mem>>)
        %run_scoped3A_128 = arith.constant 2 : i32
        "tpu.region"() ({
          %run_scoped3A_197 = tpu.sem_alloc : memref<!tpu.dma_semaphore, #tpu.memory_space<semaphore_mem>>
          %dma_start3A_198 = arith.constant 0 : i32
          %dma_start3A_199 = tpu.memref_slice %arg8[%run_scoped3A_128, %dma_start3A_198] : memref<8x128xi32, #tpu.memory_space<vmem>> -> memref<1x128xi32, #tpu.memory_space<vmem>>
          %dma_start3A_200 = tpu.memref_squeeze %dma_start3A_199 : memref<1x128xi32, #tpu.memory_space<vmem>> -> memref<128xi32, #tpu.memory_space<vmem>>
          %dma_start3A_201 = arith.constant 0 : i32
          %dma_start3A_202 = arith.constant 0 : i32
          %dma_start3A_203 = tpu.memref_slice %arg13[%dma_start3A_201, %dma_start3A_202] : memref<10240x128xf32, #tpu.memory_space<vmem_shared>> -> memref<10240x128xf32, #tpu.memory_space<vmem_shared>>
          tpu.enqueue_indirect_dma source(%arg9 : memref<128x128xf32, #tpu.memory_space<vmem>>) target(%dma_start3A_203 : memref<10240x128xf32, #tpu.memory_space<vmem_shared>>) offsets(%dma_start3A_200 : memref<128xi32, #tpu.memory_space<vmem>>) semaphore(%run_scoped3A_197 : memref<!tpu.dma_semaphore, #tpu.memory_space<semaphore_mem>>) {add = true}
          %dma_wait3A_204 = arith.constant 0 : i32
          %dma_wait3A_205 = tpu.memref_slice %arg8[%run_scoped3A_128, %dma_wait3A_204] : memref<8x128xi32, #tpu.memory_space<vmem>> -> memref<1x128xi32, #tpu.memory_space<vmem>>
          %dma_wait3A_206 = tpu.memref_squeeze %dma_wait3A_205 : memref<1x128xi32, #tpu.memory_space<vmem>> -> memref<128xi32, #tpu.memory_space<vmem>>
          %dma_wait3A_207 = arith.constant 0 : i32
          %dma_wait3A_208 = arith.constant 0 : i32
          %dma_wait3A_209 = tpu.memref_slice %arg13[%dma_wait3A_207, %dma_wait3A_208] : memref<10240x128xf32, #tpu.memory_space<vmem_shared>> -> memref<10240x128xf32, #tpu.memory_space<vmem_shared>>
          tpu.wait_indirect_dma semaphore(%run_scoped3A_197 : memref<!tpu.dma_semaphore, #tpu.memory_space<semaphore_mem>>) src(%arg9 : memref<128x128xf32, #tpu.memory_space<vmem>>) dst(%dma_wait3A_209 : memref<10240x128xf32, #tpu.memory_space<vmem_shared>>)
          tpu.yield
        }) : () -> ()
        %dma_wait3A_129 = arith.constant 3 : i32
        %dma_wait3A_130 = arith.constant 0 : i32
        %dma_wait3A_131 = tpu.memref_slice %arg7[%dma_wait3A_129, %dma_wait3A_130] : memref<8x128xi32, #tpu.memory_space<vmem>> -> memref<1x128xi32, #tpu.memory_space<vmem>>
        %dma_wait3A_132 = tpu.memref_squeeze %dma_wait3A_131 : memref<1x128xi32, #tpu.memory_space<vmem>> -> memref<128xi32, #tpu.memory_space<vmem>>
        %dma_wait3A_133 = arith.constant 0 : i32
        %dma_wait3A_134 = arith.constant 0 : i32
        %dma_wait3A_135 = tpu.memref_slice %arg2[%dma_wait3A_133, %dma_wait3A_134] : memref<10000x128xf32, #tpu.memory_space<hbm>> -> memref<10000x128xf32, #tpu.memory_space<hbm>>
        tpu.wait_indirect_dma semaphore(%arg12 : memref<!tpu.dma_semaphore, #tpu.memory_space<semaphore_mem>>) src(%dma_wait3A_135 : memref<10000x128xf32, #tpu.memory_space<hbm>>) dst(%arg10 : memref<128x128xf32, #tpu.memory_space<vmem>>)
        %dma_start3A_136 = arith.constant 4 : i32
        %dma_start3A_137 = arith.constant 0 : i32
        %dma_start3A_138 = tpu.memref_slice %arg7[%dma_start3A_136, %dma_start3A_137] : memref<8x128xi32, #tpu.memory_space<vmem>> -> memref<1x128xi32, #tpu.memory_space<vmem>>
        %dma_start3A_139 = tpu.memref_squeeze %dma_start3A_138 : memref<1x128xi32, #tpu.memory_space<vmem>> -> memref<128xi32, #tpu.memory_space<vmem>>
        %dma_start3A_140 = arith.constant 0 : i32
        %dma_start3A_141 = arith.constant 0 : i32
        %dma_start3A_142 = tpu.memref_slice %arg2[%dma_start3A_140, %dma_start3A_141] : memref<10000x128xf32, #tpu.memory_space<hbm>> -> memref<10000x128xf32, #tpu.memory_space<hbm>>
        tpu.enqueue_indirect_dma source(%dma_start3A_142 : memref<10000x128xf32, #tpu.memory_space<hbm>>) target(%arg9 : memref<128x128xf32, #tpu.memory_space<vmem>>) offsets(%dma_start3A_139 : memref<128xi32, #tpu.memory_space<vmem>>) semaphore(%arg11 : memref<!tpu.dma_semaphore, #tpu.memory_space<semaphore_mem>>)
        %run_scoped3A_143 = arith.constant 3 : i32
        "tpu.region"() ({
          %run_scoped3A_197 = tpu.sem_alloc : memref<!tpu.dma_semaphore, #tpu.memory_space<semaphore_mem>>
          %dma_start3A_198 = arith.constant 0 : i32
          %dma_start3A_199 = tpu.memref_slice %arg8[%run_scoped3A_143, %dma_start3A_198] : memref<8x128xi32, #tpu.memory_space<vmem>> -> memref<1x128xi32, #tpu.memory_space<vmem>>
          %dma_start3A_200 = tpu.memref_squeeze %dma_start3A_199 : memref<1x128xi32, #tpu.memory_space<vmem>> -> memref<128xi32, #tpu.memory_space<vmem>>
          %dma_start3A_201 = arith.constant 0 : i32
          %dma_start3A_202 = arith.constant 0 : i32
          %dma_start3A_203 = tpu.memref_slice %arg13[%dma_start3A_201, %dma_start3A_202] : memref<10240x128xf32, #tpu.memory_space<vmem_shared>> -> memref<10240x128xf32, #tpu.memory_space<vmem_shared>>
          tpu.enqueue_indirect_dma source(%arg10 : memref<128x128xf32, #tpu.memory_space<vmem>>) target(%dma_start3A_203 : memref<10240x128xf32, #tpu.memory_space<vmem_shared>>) offsets(%dma_start3A_200 : memref<128xi32, #tpu.memory_space<vmem>>) semaphore(%run_scoped3A_197 : memref<!tpu.dma_semaphore, #tpu.memory_space<semaphore_mem>>) {add = true}
          %dma_wait3A_204 = arith.constant 0 : i32
          %dma_wait3A_205 = tpu.memref_slice %arg8[%run_scoped3A_143, %dma_wait3A_204] : memref<8x128xi32, #tpu.memory_space<vmem>> -> memref<1x128xi32, #tpu.memory_space<vmem>>
          %dma_wait3A_206 = tpu.memref_squeeze %dma_wait3A_205 : memref<1x128xi32, #tpu.memory_space<vmem>> -> memref<128xi32, #tpu.memory_space<vmem>>
          %dma_wait3A_207 = arith.constant 0 : i32
          %dma_wait3A_208 = arith.constant 0 : i32
          %dma_wait3A_209 = tpu.memref_slice %arg13[%dma_wait3A_207, %dma_wait3A_208] : memref<10240x128xf32, #tpu.memory_space<vmem_shared>> -> memref<10240x128xf32, #tpu.memory_space<vmem_shared>>
          tpu.wait_indirect_dma semaphore(%run_scoped3A_197 : memref<!tpu.dma_semaphore, #tpu.memory_space<semaphore_mem>>) src(%arg10 : memref<128x128xf32, #tpu.memory_space<vmem>>) dst(%dma_wait3A_209 : memref<10240x128xf32, #tpu.memory_space<vmem_shared>>)
          tpu.yield
        }) : () -> ()
        %dma_wait3A_144 = arith.constant 4 : i32
        %dma_wait3A_145 = arith.constant 0 : i32
        %dma_wait3A_146 = tpu.memref_slice %arg7[%dma_wait3A_144, %dma_wait3A_145] : memref<8x128xi32, #tpu.memory_space<vmem>> -> memref<1x128xi32, #tpu.memory_space<vmem>>
        %dma_wait3A_147 = tpu.memref_squeeze %dma_wait3A_146 : memref<1x128xi32, #tpu.memory_space<vmem>> -> memref<128xi32, #tpu.memory_space<vmem>>
        %dma_wait3A_148 = arith.constant 0 : i32
        %dma_wait3A_149 = arith.constant 0 : i32
        %dma_wait3A_150 = tpu.memref_slice %arg2[%dma_wait3A_148, %dma_wait3A_149] : memref<10000x128xf32, #tpu.memory_space<hbm>> -> memref<10000x128xf32, #tpu.memory_space<hbm>>
        tpu.wait_indirect_dma semaphore(%arg11 : memref<!tpu.dma_semaphore, #tpu.memory_space<semaphore_mem>>) src(%dma_wait3A_150 : memref<10000x128xf32, #tpu.memory_space<hbm>>) dst(%arg9 : memref<128x128xf32, #tpu.memory_space<vmem>>)
        %dma_start3A_151 = arith.constant 5 : i32
        %dma_start3A_152 = arith.constant 0 : i32
        %dma_start3A_153 = tpu.memref_slice %arg7[%dma_start3A_151, %dma_start3A_152] : memref<8x128xi32, #tpu.memory_space<vmem>> -> memref<1x128xi32, #tpu.memory_space<vmem>>
        %dma_start3A_154 = tpu.memref_squeeze %dma_start3A_153 : memref<1x128xi32, #tpu.memory_space<vmem>> -> memref<128xi32, #tpu.memory_space<vmem>>
        %dma_start3A_155 = arith.constant 0 : i32
        %dma_start3A_156 = arith.constant 0 : i32
        %dma_start3A_157 = tpu.memref_slice %arg2[%dma_start3A_155, %dma_start3A_156] : memref<10000x128xf32, #tpu.memory_space<hbm>> -> memref<10000x128xf32, #tpu.memory_space<hbm>>
        tpu.enqueue_indirect_dma source(%dma_start3A_157 : memref<10000x128xf32, #tpu.memory_space<hbm>>) target(%arg10 : memref<128x128xf32, #tpu.memory_space<vmem>>) offsets(%dma_start3A_154 : memref<128xi32, #tpu.memory_space<vmem>>) semaphore(%arg12 : memref<!tpu.dma_semaphore, #tpu.memory_space<semaphore_mem>>)
        %run_scoped3A_158 = arith.constant 4 : i32
        "tpu.region"() ({
          %run_scoped3A_197 = tpu.sem_alloc : memref<!tpu.dma_semaphore, #tpu.memory_space<semaphore_mem>>
          %dma_start3A_198 = arith.constant 0 : i32
          %dma_start3A_199 = tpu.memref_slice %arg8[%run_scoped3A_158, %dma_start3A_198] : memref<8x128xi32, #tpu.memory_space<vmem>> -> memref<1x128xi32, #tpu.memory_space<vmem>>
          %dma_start3A_200 = tpu.memref_squeeze %dma_start3A_199 : memref<1x128xi32, #tpu.memory_space<vmem>> -> memref<128xi32, #tpu.memory_space<vmem>>
          %dma_start3A_201 = arith.constant 0 : i32
          %dma_start3A_202 = arith.constant 0 : i32
          %dma_start3A_203 = tpu.memref_slice %arg13[%dma_start3A_201, %dma_start3A_202] : memref<10240x128xf32, #tpu.memory_space<vmem_shared>> -> memref<10240x128xf32, #tpu.memory_space<vmem_shared>>
          tpu.enqueue_indirect_dma source(%arg9 : memref<128x128xf32, #tpu.memory_space<vmem>>) target(%dma_start3A_203 : memref<10240x128xf32, #tpu.memory_space<vmem_shared>>) offsets(%dma_start3A_200 : memref<128xi32, #tpu.memory_space<vmem>>) semaphore(%run_scoped3A_197 : memref<!tpu.dma_semaphore, #tpu.memory_space<semaphore_mem>>) {add = true}
          %dma_wait3A_204 = arith.constant 0 : i32
          %dma_wait3A_205 = tpu.memref_slice %arg8[%run_scoped3A_158, %dma_wait3A_204] : memref<8x128xi32, #tpu.memory_space<vmem>> -> memref<1x128xi32, #tpu.memory_space<vmem>>
          %dma_wait3A_206 = tpu.memref_squeeze %dma_wait3A_205 : memref<1x128xi32, #tpu.memory_space<vmem>> -> memref<128xi32, #tpu.memory_space<vmem>>
          %dma_wait3A_207 = arith.constant 0 : i32
          %dma_wait3A_208 = arith.constant 0 : i32
          %dma_wait3A_209 = tpu.memref_slice %arg13[%dma_wait3A_207, %dma_wait3A_208] : memref<10240x128xf32, #tpu.memory_space<vmem_shared>> -> memref<10240x128xf32, #tpu.memory_space<vmem_shared>>
          tpu.wait_indirect_dma semaphore(%run_scoped3A_197 : memref<!tpu.dma_semaphore, #tpu.memory_space<semaphore_mem>>) src(%arg9 : memref<128x128xf32, #tpu.memory_space<vmem>>) dst(%dma_wait3A_209 : memref<10240x128xf32, #tpu.memory_space<vmem_shared>>)
          tpu.yield
        }) : () -> ()
        %dma_wait3A_159 = arith.constant 5 : i32
        %dma_wait3A_160 = arith.constant 0 : i32
        %dma_wait3A_161 = tpu.memref_slice %arg7[%dma_wait3A_159, %dma_wait3A_160] : memref<8x128xi32, #tpu.memory_space<vmem>> -> memref<1x128xi32, #tpu.memory_space<vmem>>
        %dma_wait3A_162 = tpu.memref_squeeze %dma_wait3A_161 : memref<1x128xi32, #tpu.memory_space<vmem>> -> memref<128xi32, #tpu.memory_space<vmem>>
        %dma_wait3A_163 = arith.constant 0 : i32
        %dma_wait3A_164 = arith.constant 0 : i32
        %dma_wait3A_165 = tpu.memref_slice %arg2[%dma_wait3A_163, %dma_wait3A_164] : memref<10000x128xf32, #tpu.memory_space<hbm>> -> memref<10000x128xf32, #tpu.memory_space<hbm>>
        tpu.wait_indirect_dma semaphore(%arg12 : memref<!tpu.dma_semaphore, #tpu.memory_space<semaphore_mem>>) src(%dma_wait3A_165 : memref<10000x128xf32, #tpu.memory_space<hbm>>) dst(%arg10 : memref<128x128xf32, #tpu.memory_space<vmem>>)
        %dma_start3A_166 = arith.constant 6 : i32
        %dma_start3A_167 = arith.constant 0 : i32
        %dma_start3A_168 = tpu.memref_slice %arg7[%dma_start3A_166, %dma_start3A_167] : memref<8x128xi32, #tpu.memory_space<vmem>> -> memref<1x128xi32, #tpu.memory_space<vmem>>
        %dma_start3A_169 = tpu.memref_squeeze %dma_start3A_168 : memref<1x128xi32, #tpu.memory_space<vmem>> -> memref<128xi32, #tpu.memory_space<vmem>>
        %dma_start3A_170 = arith.constant 0 : i32
        %dma_start3A_171 = arith.constant 0 : i32
        %dma_start3A_172 = tpu.memref_slice %arg2[%dma_start3A_170, %dma_start3A_171] : memref<10000x128xf32, #tpu.memory_space<hbm>> -> memref<10000x128xf32, #tpu.memory_space<hbm>>
        tpu.enqueue_indirect_dma source(%dma_start3A_172 : memref<10000x128xf32, #tpu.memory_space<hbm>>) target(%arg9 : memref<128x128xf32, #tpu.memory_space<vmem>>) offsets(%dma_start3A_169 : memref<128xi32, #tpu.memory_space<vmem>>) semaphore(%arg11 : memref<!tpu.dma_semaphore, #tpu.memory_space<semaphore_mem>>)
        %run_scoped3A_173 = arith.constant 5 : i32
        "tpu.region"() ({
          %run_scoped3A_197 = tpu.sem_alloc : memref<!tpu.dma_semaphore, #tpu.memory_space<semaphore_mem>>
          %dma_start3A_198 = arith.constant 0 : i32
          %dma_start3A_199 = tpu.memref_slice %arg8[%run_scoped3A_173, %dma_start3A_198] : memref<8x128xi32, #tpu.memory_space<vmem>> -> memref<1x128xi32, #tpu.memory_space<vmem>>
          %dma_start3A_200 = tpu.memref_squeeze %dma_start3A_199 : memref<1x128xi32, #tpu.memory_space<vmem>> -> memref<128xi32, #tpu.memory_space<vmem>>
          %dma_start3A_201 = arith.constant 0 : i32
          %dma_start3A_202 = arith.constant 0 : i32
          %dma_start3A_203 = tpu.memref_slice %arg13[%dma_start3A_201, %dma_start3A_202] : memref<10240x128xf32, #tpu.memory_space<vmem_shared>> -> memref<10240x128xf32, #tpu.memory_space<vmem_shared>>
          tpu.enqueue_indirect_dma source(%arg10 : memref<128x128xf32, #tpu.memory_space<vmem>>) target(%dma_start3A_203 : memref<10240x128xf32, #tpu.memory_space<vmem_shared>>) offsets(%dma_start3A_200 : memref<128xi32, #tpu.memory_space<vmem>>) semaphore(%run_scoped3A_197 : memref<!tpu.dma_semaphore, #tpu.memory_space<semaphore_mem>>) {add = true}
          %dma_wait3A_204 = arith.constant 0 : i32
          %dma_wait3A_205 = tpu.memref_slice %arg8[%run_scoped3A_173, %dma_wait3A_204] : memref<8x128xi32, #tpu.memory_space<vmem>> -> memref<1x128xi32, #tpu.memory_space<vmem>>
          %dma_wait3A_206 = tpu.memref_squeeze %dma_wait3A_205 : memref<1x128xi32, #tpu.memory_space<vmem>> -> memref<128xi32, #tpu.memory_space<vmem>>
          %dma_wait3A_207 = arith.constant 0 : i32
          %dma_wait3A_208 = arith.constant 0 : i32
          %dma_wait3A_209 = tpu.memref_slice %arg13[%dma_wait3A_207, %dma_wait3A_208] : memref<10240x128xf32, #tpu.memory_space<vmem_shared>> -> memref<10240x128xf32, #tpu.memory_space<vmem_shared>>
          tpu.wait_indirect_dma semaphore(%run_scoped3A_197 : memref<!tpu.dma_semaphore, #tpu.memory_space<semaphore_mem>>) src(%arg10 : memref<128x128xf32, #tpu.memory_space<vmem>>) dst(%dma_wait3A_209 : memref<10240x128xf32, #tpu.memory_space<vmem_shared>>)
          tpu.yield
        }) : () -> ()
        %dma_wait3A_174 = arith.constant 6 : i32
        %dma_wait3A_175 = arith.constant 0 : i32
        %dma_wait3A_176 = tpu.memref_slice %arg7[%dma_wait3A_174, %dma_wait3A_175] : memref<8x128xi32, #tpu.memory_space<vmem>> -> memref<1x128xi32, #tpu.memory_space<vmem>>
        %dma_wait3A_177 = tpu.memref_squeeze %dma_wait3A_176 : memref<1x128xi32, #tpu.memory_space<vmem>> -> memref<128xi32, #tpu.memory_space<vmem>>
        %dma_wait3A_178 = arith.constant 0 : i32
        %dma_wait3A_179 = arith.constant 0 : i32
        %dma_wait3A_180 = tpu.memref_slice %arg2[%dma_wait3A_178, %dma_wait3A_179] : memref<10000x128xf32, #tpu.memory_space<hbm>> -> memref<10000x128xf32, #tpu.memory_space<hbm>>
        tpu.wait_indirect_dma semaphore(%arg11 : memref<!tpu.dma_semaphore, #tpu.memory_space<semaphore_mem>>) src(%dma_wait3A_180 : memref<10000x128xf32, #tpu.memory_space<hbm>>) dst(%arg9 : memref<128x128xf32, #tpu.memory_space<vmem>>)
        %dma_start3A_181 = arith.constant 7 : i32
        %dma_start3A_182 = arith.constant 0 : i32
        %dma_start3A_183 = tpu.memref_slice %arg7[%dma_start3A_181, %dma_start3A_182] : memref<8x128xi32, #tpu.memory_space<vmem>> -> memref<1x128xi32, #tpu.memory_space<vmem>>
        %dma_start3A_184 = tpu.memref_squeeze %dma_start3A_183 : memref<1x128xi32, #tpu.memory_space<vmem>> -> memref<128xi32, #tpu.memory_space<vmem>>
        %dma_start3A_185 = arith.constant 0 : i32
        %dma_start3A_186 = arith.constant 0 : i32
        %dma_start3A_187 = tpu.memref_slice %arg2[%dma_start3A_185, %dma_start3A_186] : memref<10000x128xf32, #tpu.memory_space<hbm>> -> memref<10000x128xf32, #tpu.memory_space<hbm>>
        tpu.enqueue_indirect_dma source(%dma_start3A_187 : memref<10000x128xf32, #tpu.memory_space<hbm>>) target(%arg10 : memref<128x128xf32, #tpu.memory_space<vmem>>) offsets(%dma_start3A_184 : memref<128xi32, #tpu.memory_space<vmem>>) semaphore(%arg12 : memref<!tpu.dma_semaphore, #tpu.memory_space<semaphore_mem>>)
        %run_scoped3A_188 = arith.constant 6 : i32
        "tpu.region"() ({
          %run_scoped3A_197 = tpu.sem_alloc : memref<!tpu.dma_semaphore, #tpu.memory_space<semaphore_mem>>
          %dma_start3A_198 = arith.constant 0 : i32
          %dma_start3A_199 = tpu.memref_slice %arg8[%run_scoped3A_188, %dma_start3A_198] : memref<8x128xi32, #tpu.memory_space<vmem>> -> memref<1x128xi32, #tpu.memory_space<vmem>>
          %dma_start3A_200 = tpu.memref_squeeze %dma_start3A_199 : memref<1x128xi32, #tpu.memory_space<vmem>> -> memref<128xi32, #tpu.memory_space<vmem>>
          %dma_start3A_201 = arith.constant 0 : i32
          %dma_start3A_202 = arith.constant 0 : i32
          %dma_start3A_203 = tpu.memref_slice %arg13[%dma_start3A_201, %dma_start3A_202] : memref<10240x128xf32, #tpu.memory_space<vmem_shared>> -> memref<10240x128xf32, #tpu.memory_space<vmem_shared>>
          tpu.enqueue_indirect_dma source(%arg9 : memref<128x128xf32, #tpu.memory_space<vmem>>) target(%dma_start3A_203 : memref<10240x128xf32, #tpu.memory_space<vmem_shared>>) offsets(%dma_start3A_200 : memref<128xi32, #tpu.memory_space<vmem>>) semaphore(%run_scoped3A_197 : memref<!tpu.dma_semaphore, #tpu.memory_space<semaphore_mem>>) {add = true}
          %dma_wait3A_204 = arith.constant 0 : i32
          %dma_wait3A_205 = tpu.memref_slice %arg8[%run_scoped3A_188, %dma_wait3A_204] : memref<8x128xi32, #tpu.memory_space<vmem>> -> memref<1x128xi32, #tpu.memory_space<vmem>>
          %dma_wait3A_206 = tpu.memref_squeeze %dma_wait3A_205 : memref<1x128xi32, #tpu.memory_space<vmem>> -> memref<128xi32, #tpu.memory_space<vmem>>
          %dma_wait3A_207 = arith.constant 0 : i32
          %dma_wait3A_208 = arith.constant 0 : i32
          %dma_wait3A_209 = tpu.memref_slice %arg13[%dma_wait3A_207, %dma_wait3A_208] : memref<10240x128xf32, #tpu.memory_space<vmem_shared>> -> memref<10240x128xf32, #tpu.memory_space<vmem_shared>>
          tpu.wait_indirect_dma semaphore(%run_scoped3A_197 : memref<!tpu.dma_semaphore, #tpu.memory_space<semaphore_mem>>) src(%arg9 : memref<128x128xf32, #tpu.memory_space<vmem>>) dst(%dma_wait3A_209 : memref<10240x128xf32, #tpu.memory_space<vmem_shared>>)
          tpu.yield
        }) : () -> ()
        %dma_wait3A_189 = arith.constant 7 : i32
        %dma_wait3A_190 = arith.constant 0 : i32
        %dma_wait3A_191 = tpu.memref_slice %arg7[%dma_wait3A_189, %dma_wait3A_190] : memref<8x128xi32, #tpu.memory_space<vmem>> -> memref<1x128xi32, #tpu.memory_space<vmem>>
        %dma_wait3A_192 = tpu.memref_squeeze %dma_wait3A_191 : memref<1x128xi32, #tpu.memory_space<vmem>> -> memref<128xi32, #tpu.memory_space<vmem>>
        %dma_wait3A_193 = arith.constant 0 : i32
        %dma_wait3A_194 = arith.constant 0 : i32
        %dma_wait3A_195 = tpu.memref_slice %arg2[%dma_wait3A_193, %dma_wait3A_194] : memref<10000x128xf32, #tpu.memory_space<hbm>> -> memref<10000x128xf32, #tpu.memory_space<hbm>>
        tpu.wait_indirect_dma semaphore(%arg12 : memref<!tpu.dma_semaphore, #tpu.memory_space<semaphore_mem>>) src(%dma_wait3A_195 : memref<10000x128xf32, #tpu.memory_space<hbm>>) dst(%arg10 : memref<128x128xf32, #tpu.memory_space<vmem>>)
        %run_scoped3A_196 = arith.constant 7 : i32
        "tpu.region"() ({
          %run_scoped3A_197 = tpu.sem_alloc : memref<!tpu.dma_semaphore, #tpu.memory_space<semaphore_mem>>
          %dma_start3A_198 = arith.constant 0 : i32
          %dma_start3A_199 = tpu.memref_slice %arg8[%run_scoped3A_196, %dma_start3A_198] : memref<8x128xi32, #tpu.memory_space<vmem>> -> memref<1x128xi32, #tpu.memory_space<vmem>>
          %dma_start3A_200 = tpu.memref_squeeze %dma_start3A_199 : memref<1x128xi32, #tpu.memory_space<vmem>> -> memref<128xi32, #tpu.memory_space<vmem>>
          %dma_start3A_201 = arith.constant 0 : i32
          %dma_start3A_202 = arith.constant 0 : i32
          %dma_start3A_203 = tpu.memref_slice %arg13[%dma_start3A_201, %dma_start3A_202] : memref<10240x128xf32, #tpu.memory_space<vmem_shared>> -> memref<10240x128xf32, #tpu.memory_space<vmem_shared>>
          tpu.enqueue_indirect_dma source(%arg10 : memref<128x128xf32, #tpu.memory_space<vmem>>) target(%dma_start3A_203 : memref<10240x128xf32, #tpu.memory_space<vmem_shared>>) offsets(%dma_start3A_200 : memref<128xi32, #tpu.memory_space<vmem>>) semaphore(%run_scoped3A_197 : memref<!tpu.dma_semaphore, #tpu.memory_space<semaphore_mem>>) {add = true}
          %dma_wait3A_204 = arith.constant 0 : i32
          %dma_wait3A_205 = tpu.memref_slice %arg8[%run_scoped3A_196, %dma_wait3A_204] : memref<8x128xi32, #tpu.memory_space<vmem>> -> memref<1x128xi32, #tpu.memory_space<vmem>>
          %dma_wait3A_206 = tpu.memref_squeeze %dma_wait3A_205 : memref<1x128xi32, #tpu.memory_space<vmem>> -> memref<128xi32, #tpu.memory_space<vmem>>
          %dma_wait3A_207 = arith.constant 0 : i32
          %dma_wait3A_208 = arith.constant 0 : i32
          %dma_wait3A_209 = tpu.memref_slice %arg13[%dma_wait3A_207, %dma_wait3A_208] : memref<10240x128xf32, #tpu.memory_space<vmem_shared>> -> memref<10240x128xf32, #tpu.memory_space<vmem_shared>>
          tpu.wait_indirect_dma semaphore(%run_scoped3A_197 : memref<!tpu.dma_semaphore, #tpu.memory_space<semaphore_mem>>) src(%arg10 : memref<128x128xf32, #tpu.memory_space<vmem>>) dst(%dma_wait3A_209 : memref<10240x128xf32, #tpu.memory_space<vmem_shared>>)
          tpu.yield
        }) : () -> ()
      }
      %scan3A_72 = arith.constant 18 : i32
    } else {
    }
    %eq3A_20 = arith.constant 1 : i32
    %eq3A_21 = arith.cmpi eq, %arg0, %eq3A_20 : i32
    %convert_element_type3A_22 = arith.extui %eq3A_21 : i1 to i32
    %cond3A_23 = arith.constant 0 : i32
    %cond3A_24 = arith.cmpi ne, %convert_element_type3A_22, %cond3A_23 : i32
    scf.if %cond3A_24 {
      %mul3A_66 = arith.constant 16 : i32
      %mul3A_67 = arith.muli %arg1, %mul3A_66 : i32
      %add3A_68 = arith.constant 2304 : i32
      %add3A_69 = arith.addi %add3A_68, %mul3A_67 : i32
      %scan3A = arith.constant 0 : i32
      %scan3A_70 = arith.constant 0 : i32
      %scan3A_71 = arith.constant 2 : i32
      %scan3A_72 = arith.addi %scan3A_70, %scan3A_71 : i32
      %scan3A_73 = arith.constant 1 : i32
      scf.for %scan3A_75 = %scan3A_70 to %scan3A_72 step %scan3A_73  : i32 {
        %mul3A_76 = arith.constant 8 : i32
        %mul3A_77 = arith.muli %scan3A_75, %mul3A_76 : i32
        %add3A_78 = arith.addi %add3A_69, %mul3A_77 : i32
        "tpu.region"() ({
          %run_scoped3A_199 = tpu.sem_alloc : memref<!tpu.dma_semaphore, #tpu.memory_space<semaphore_mem>>
          %dma_start3A_200 = arith.constant 0 : i32
          %dma_start3A_201 = tpu.memref_slice %arg3[%add3A_78, %dma_start3A_200] : memref<2560x128xi32, #tpu.memory_space<hbm>> -> memref<8x128xi32, #tpu.memory_space<hbm>>
          %dma_start3A_202 = arith.constant 0 : i32
          %dma_start3A_203 = tpu.memref_slice %arg3[%add3A_78, %dma_start3A_202] : memref<2560x128xi32, #tpu.memory_space<hbm>> -> memref<8x128xi32, #tpu.memory_space<hbm>>
          tpu.enqueue_dma source(%dma_start3A_203 : memref<8x128xi32, #tpu.memory_space<hbm>>) target(%arg7 : memref<8x128xi32, #tpu.memory_space<vmem>>) target_semaphore(%run_scoped3A_199 : memref<!tpu.dma_semaphore, #tpu.memory_space<semaphore_mem>>)
          %dma_wait3A_204 = arith.constant 0 : i32
          %dma_wait3A_205 = tpu.memref_slice %arg3[%add3A_78, %dma_wait3A_204] : memref<2560x128xi32, #tpu.memory_space<hbm>> -> memref<8x128xi32, #tpu.memory_space<hbm>>
          %dma_wait3A_206 = arith.constant 0 : i32
          %dma_wait3A_207 = tpu.memref_slice %arg3[%add3A_78, %dma_wait3A_206] : memref<2560x128xi32, #tpu.memory_space<hbm>> -> memref<8x128xi32, #tpu.memory_space<hbm>>
          tpu.wait_dma2 semaphore(%run_scoped3A_199 : memref<!tpu.dma_semaphore, #tpu.memory_space<semaphore_mem>>) src(%dma_wait3A_207 : memref<8x128xi32, #tpu.memory_space<hbm>>) dst(%arg7 : memref<8x128xi32, #tpu.memory_space<vmem>>)
          tpu.yield
        }) : () -> ()
        %mul3A_79 = arith.constant 8 : i32
        %mul3A_80 = arith.muli %scan3A_75, %mul3A_79 : i32
        %add3A_81 = arith.addi %add3A_69, %mul3A_80 : i32
        "tpu.region"() ({
          %run_scoped3A_199 = tpu.sem_alloc : memref<!tpu.dma_semaphore, #tpu.memory_space<semaphore_mem>>
          %dma_start3A_200 = arith.constant 0 : i32
          %dma_start3A_201 = tpu.memref_slice %arg4[%add3A_81, %dma_start3A_200] : memref<2560x128xi32, #tpu.memory_space<hbm>> -> memref<8x128xi32, #tpu.memory_space<hbm>>
          %dma_start3A_202 = arith.constant 0 : i32
          %dma_start3A_203 = tpu.memref_slice %arg4[%add3A_81, %dma_start3A_202] : memref<2560x128xi32, #tpu.memory_space<hbm>> -> memref<8x128xi32, #tpu.memory_space<hbm>>
          tpu.enqueue_dma source(%dma_start3A_203 : memref<8x128xi32, #tpu.memory_space<hbm>>) target(%arg8 : memref<8x128xi32, #tpu.memory_space<vmem>>) target_semaphore(%run_scoped3A_199 : memref<!tpu.dma_semaphore, #tpu.memory_space<semaphore_mem>>)
          %dma_wait3A_204 = arith.constant 0 : i32
          %dma_wait3A_205 = tpu.memref_slice %arg4[%add3A_81, %dma_wait3A_204] : memref<2560x128xi32, #tpu.memory_space<hbm>> -> memref<8x128xi32, #tpu.memory_space<hbm>>
          %dma_wait3A_206 = arith.constant 0 : i32
          %dma_wait3A_207 = tpu.memref_slice %arg4[%add3A_81, %dma_wait3A_206] : memref<2560x128xi32, #tpu.memory_space<hbm>> -> memref<8x128xi32, #tpu.memory_space<hbm>>
          tpu.wait_dma2 semaphore(%run_scoped3A_199 : memref<!tpu.dma_semaphore, #tpu.memory_space<semaphore_mem>>) src(%dma_wait3A_207 : memref<8x128xi32, #tpu.memory_space<hbm>>) dst(%arg8 : memref<8x128xi32, #tpu.memory_space<vmem>>)
          tpu.yield
        }) : () -> ()
        %dma_start3A = arith.constant 0 : i32
        %dma_start3A_82 = arith.constant 0 : i32
        %dma_start3A_83 = tpu.memref_slice %arg7[%dma_start3A, %dma_start3A_82] : memref<8x128xi32, #tpu.memory_space<vmem>> -> memref<1x128xi32, #tpu.memory_space<vmem>>
        %dma_start3A_84 = tpu.memref_squeeze %dma_start3A_83 : memref<1x128xi32, #tpu.memory_space<vmem>> -> memref<128xi32, #tpu.memory_space<vmem>>
        %dma_start3A_85 = arith.constant 0 : i32
        %dma_start3A_86 = arith.constant 0 : i32
        %dma_start3A_87 = tpu.memref_slice %arg2[%dma_start3A_85, %dma_start3A_86] : memref<10000x128xf32, #tpu.memory_space<hbm>> -> memref<10000x128xf32, #tpu.memory_space<hbm>>
        tpu.enqueue_indirect_dma source(%dma_start3A_87 : memref<10000x128xf32, #tpu.memory_space<hbm>>) target(%arg9 : memref<128x128xf32, #tpu.memory_space<vmem>>) offsets(%dma_start3A_84 : memref<128xi32, #tpu.memory_space<vmem>>) semaphore(%arg11 : memref<!tpu.dma_semaphore, #tpu.memory_space<semaphore_mem>>)
        %dma_wait3A = arith.constant 0 : i32
        %dma_wait3A_88 = arith.constant 0 : i32
        %dma_wait3A_89 = tpu.memref_slice %arg7[%dma_wait3A, %dma_wait3A_88] : memref<8x128xi32, #tpu.memory_space<vmem>> -> memref<1x128xi32, #tpu.memory_space<vmem>>
        %dma_wait3A_90 = tpu.memref_squeeze %dma_wait3A_89 : memref<1x128xi32, #tpu.memory_space<vmem>> -> memref<128xi32, #tpu.memory_space<vmem>>
        %dma_wait3A_91 = arith.constant 0 : i32
        %dma_wait3A_92 = arith.constant 0 : i32
        %dma_wait3A_93 = tpu.memref_slice %arg2[%dma_wait3A_91, %dma_wait3A_92] : memref<10000x128xf32, #tpu.memory_space<hbm>> -> memref<10000x128xf32, #tpu.memory_space<hbm>>
        tpu.wait_indirect_dma semaphore(%arg11 : memref<!tpu.dma_semaphore, #tpu.memory_space<semaphore_mem>>) src(%dma_wait3A_93 : memref<10000x128xf32, #tpu.memory_space<hbm>>) dst(%arg9 : memref<128x128xf32, #tpu.memory_space<vmem>>)
        %dma_start3A_94 = arith.constant 1 : i32
        %dma_start3A_95 = arith.constant 0 : i32
        %dma_start3A_96 = tpu.memref_slice %arg7[%dma_start3A_94, %dma_start3A_95] : memref<8x128xi32, #tpu.memory_space<vmem>> -> memref<1x128xi32, #tpu.memory_space<vmem>>
        %dma_start3A_97 = tpu.memref_squeeze %dma_start3A_96 : memref<1x128xi32, #tpu.memory_space<vmem>> -> memref<128xi32, #tpu.memory_space<vmem>>
        %dma_start3A_98 = arith.constant 0 : i32
        %dma_start3A_99 = arith.constant 0 : i32
        %dma_start3A_100 = tpu.memref_slice %arg2[%dma_start3A_98, %dma_start3A_99] : memref<10000x128xf32, #tpu.memory_space<hbm>> -> memref<10000x128xf32, #tpu.memory_space<hbm>>
        tpu.enqueue_indirect_dma source(%dma_start3A_100 : memref<10000x128xf32, #tpu.memory_space<hbm>>) target(%arg10 : memref<128x128xf32, #tpu.memory_space<vmem>>) offsets(%dma_start3A_97 : memref<128xi32, #tpu.memory_space<vmem>>) semaphore(%arg12 : memref<!tpu.dma_semaphore, #tpu.memory_space<semaphore_mem>>)
        %run_scoped3A = arith.constant 0 : i32
        "tpu.region"() ({
          %run_scoped3A_199 = tpu.sem_alloc : memref<!tpu.dma_semaphore, #tpu.memory_space<semaphore_mem>>
          %dma_start3A_200 = arith.constant 0 : i32
          %dma_start3A_201 = tpu.memref_slice %arg8[%run_scoped3A, %dma_start3A_200] : memref<8x128xi32, #tpu.memory_space<vmem>> -> memref<1x128xi32, #tpu.memory_space<vmem>>
          %dma_start3A_202 = tpu.memref_squeeze %dma_start3A_201 : memref<1x128xi32, #tpu.memory_space<vmem>> -> memref<128xi32, #tpu.memory_space<vmem>>
          %dma_start3A_203 = arith.constant 0 : i32
          %dma_start3A_204 = arith.constant 0 : i32
          %dma_start3A_205 = tpu.memref_slice %arg13[%dma_start3A_203, %dma_start3A_204] : memref<10240x128xf32, #tpu.memory_space<vmem_shared>> -> memref<10240x128xf32, #tpu.memory_space<vmem_shared>>
          tpu.enqueue_indirect_dma source(%arg9 : memref<128x128xf32, #tpu.memory_space<vmem>>) target(%dma_start3A_205 : memref<10240x128xf32, #tpu.memory_space<vmem_shared>>) offsets(%dma_start3A_202 : memref<128xi32, #tpu.memory_space<vmem>>) semaphore(%run_scoped3A_199 : memref<!tpu.dma_semaphore, #tpu.memory_space<semaphore_mem>>) {add = true}
          %dma_wait3A_206 = arith.constant 0 : i32
          %dma_wait3A_207 = tpu.memref_slice %arg8[%run_scoped3A, %dma_wait3A_206] : memref<8x128xi32, #tpu.memory_space<vmem>> -> memref<1x128xi32, #tpu.memory_space<vmem>>
          %dma_wait3A_208 = tpu.memref_squeeze %dma_wait3A_207 : memref<1x128xi32, #tpu.memory_space<vmem>> -> memref<128xi32, #tpu.memory_space<vmem>>
          %dma_wait3A_209 = arith.constant 0 : i32
          %dma_wait3A_210 = arith.constant 0 : i32
          %dma_wait3A_211 = tpu.memref_slice %arg13[%dma_wait3A_209, %dma_wait3A_210] : memref<10240x128xf32, #tpu.memory_space<vmem_shared>> -> memref<10240x128xf32, #tpu.memory_space<vmem_shared>>
          tpu.wait_indirect_dma semaphore(%run_scoped3A_199 : memref<!tpu.dma_semaphore, #tpu.memory_space<semaphore_mem>>) src(%arg9 : memref<128x128xf32, #tpu.memory_space<vmem>>) dst(%dma_wait3A_211 : memref<10240x128xf32, #tpu.memory_space<vmem_shared>>)
          tpu.yield
        }) : () -> ()
        %dma_wait3A_101 = arith.constant 1 : i32
        %dma_wait3A_102 = arith.constant 0 : i32
        %dma_wait3A_103 = tpu.memref_slice %arg7[%dma_wait3A_101, %dma_wait3A_102] : memref<8x128xi32, #tpu.memory_space<vmem>> -> memref<1x128xi32, #tpu.memory_space<vmem>>
        %dma_wait3A_104 = tpu.memref_squeeze %dma_wait3A_103 : memref<1x128xi32, #tpu.memory_space<vmem>> -> memref<128xi32, #tpu.memory_space<vmem>>
        %dma_wait3A_105 = arith.constant 0 : i32
        %dma_wait3A_106 = arith.constant 0 : i32
        %dma_wait3A_107 = tpu.memref_slice %arg2[%dma_wait3A_105, %dma_wait3A_106] : memref<10000x128xf32, #tpu.memory_space<hbm>> -> memref<10000x128xf32, #tpu.memory_space<hbm>>
        tpu.wait_indirect_dma semaphore(%arg12 : memref<!tpu.dma_semaphore, #tpu.memory_space<semaphore_mem>>) src(%dma_wait3A_107 : memref<10000x128xf32, #tpu.memory_space<hbm>>) dst(%arg10 : memref<128x128xf32, #tpu.memory_space<vmem>>)
        %dma_start3A_108 = arith.constant 2 : i32
        %dma_start3A_109 = arith.constant 0 : i32
        %dma_start3A_110 = tpu.memref_slice %arg7[%dma_start3A_108, %dma_start3A_109] : memref<8x128xi32, #tpu.memory_space<vmem>> -> memref<1x128xi32, #tpu.memory_space<vmem>>
        %dma_start3A_111 = tpu.memref_squeeze %dma_start3A_110 : memref<1x128xi32, #tpu.memory_space<vmem>> -> memref<128xi32, #tpu.memory_space<vmem>>
        %dma_start3A_112 = arith.constant 0 : i32
        %dma_start3A_113 = arith.constant 0 : i32
        %dma_start3A_114 = tpu.memref_slice %arg2[%dma_start3A_112, %dma_start3A_113] : memref<10000x128xf32, #tpu.memory_space<hbm>> -> memref<10000x128xf32, #tpu.memory_space<hbm>>
        tpu.enqueue_indirect_dma source(%dma_start3A_114 : memref<10000x128xf32, #tpu.memory_space<hbm>>) target(%arg9 : memref<128x128xf32, #tpu.memory_space<vmem>>) offsets(%dma_start3A_111 : memref<128xi32, #tpu.memory_space<vmem>>) semaphore(%arg11 : memref<!tpu.dma_semaphore, #tpu.memory_space<semaphore_mem>>)
        %run_scoped3A_115 = arith.constant 1 : i32
        "tpu.region"() ({
          %run_scoped3A_199 = tpu.sem_alloc : memref<!tpu.dma_semaphore, #tpu.memory_space<semaphore_mem>>
          %dma_start3A_200 = arith.constant 0 : i32
          %dma_start3A_201 = tpu.memref_slice %arg8[%run_scoped3A_115, %dma_start3A_200] : memref<8x128xi32, #tpu.memory_space<vmem>> -> memref<1x128xi32, #tpu.memory_space<vmem>>
          %dma_start3A_202 = tpu.memref_squeeze %dma_start3A_201 : memref<1x128xi32, #tpu.memory_space<vmem>> -> memref<128xi32, #tpu.memory_space<vmem>>
          %dma_start3A_203 = arith.constant 0 : i32
          %dma_start3A_204 = arith.constant 0 : i32
          %dma_start3A_205 = tpu.memref_slice %arg13[%dma_start3A_203, %dma_start3A_204] : memref<10240x128xf32, #tpu.memory_space<vmem_shared>> -> memref<10240x128xf32, #tpu.memory_space<vmem_shared>>
          tpu.enqueue_indirect_dma source(%arg10 : memref<128x128xf32, #tpu.memory_space<vmem>>) target(%dma_start3A_205 : memref<10240x128xf32, #tpu.memory_space<vmem_shared>>) offsets(%dma_start3A_202 : memref<128xi32, #tpu.memory_space<vmem>>) semaphore(%run_scoped3A_199 : memref<!tpu.dma_semaphore, #tpu.memory_space<semaphore_mem>>) {add = true}
          %dma_wait3A_206 = arith.constant 0 : i32
          %dma_wait3A_207 = tpu.memref_slice %arg8[%run_scoped3A_115, %dma_wait3A_206] : memref<8x128xi32, #tpu.memory_space<vmem>> -> memref<1x128xi32, #tpu.memory_space<vmem>>
          %dma_wait3A_208 = tpu.memref_squeeze %dma_wait3A_207 : memref<1x128xi32, #tpu.memory_space<vmem>> -> memref<128xi32, #tpu.memory_space<vmem>>
          %dma_wait3A_209 = arith.constant 0 : i32
          %dma_wait3A_210 = arith.constant 0 : i32
          %dma_wait3A_211 = tpu.memref_slice %arg13[%dma_wait3A_209, %dma_wait3A_210] : memref<10240x128xf32, #tpu.memory_space<vmem_shared>> -> memref<10240x128xf32, #tpu.memory_space<vmem_shared>>
          tpu.wait_indirect_dma semaphore(%run_scoped3A_199 : memref<!tpu.dma_semaphore, #tpu.memory_space<semaphore_mem>>) src(%arg10 : memref<128x128xf32, #tpu.memory_space<vmem>>) dst(%dma_wait3A_211 : memref<10240x128xf32, #tpu.memory_space<vmem_shared>>)
          tpu.yield
        }) : () -> ()
        %dma_wait3A_116 = arith.constant 2 : i32
        %dma_wait3A_117 = arith.constant 0 : i32
        %dma_wait3A_118 = tpu.memref_slice %arg7[%dma_wait3A_116, %dma_wait3A_117] : memref<8x128xi32, #tpu.memory_space<vmem>> -> memref<1x128xi32, #tpu.memory_space<vmem>>
        %dma_wait3A_119 = tpu.memref_squeeze %dma_wait3A_118 : memref<1x128xi32, #tpu.memory_space<vmem>> -> memref<128xi32, #tpu.memory_space<vmem>>
        %dma_wait3A_120 = arith.constant 0 : i32
        %dma_wait3A_121 = arith.constant 0 : i32
        %dma_wait3A_122 = tpu.memref_slice %arg2[%dma_wait3A_120, %dma_wait3A_121] : memref<10000x128xf32, #tpu.memory_space<hbm>> -> memref<10000x128xf32, #tpu.memory_space<hbm>>
        tpu.wait_indirect_dma semaphore(%arg11 : memref<!tpu.dma_semaphore, #tpu.memory_space<semaphore_mem>>) src(%dma_wait3A_122 : memref<10000x128xf32, #tpu.memory_space<hbm>>) dst(%arg9 : memref<128x128xf32, #tpu.memory_space<vmem>>)
        %dma_start3A_123 = arith.constant 3 : i32
        %dma_start3A_124 = arith.constant 0 : i32
        %dma_start3A_125 = tpu.memref_slice %arg7[%dma_start3A_123, %dma_start3A_124] : memref<8x128xi32, #tpu.memory_space<vmem>> -> memref<1x128xi32, #tpu.memory_space<vmem>>
        %dma_start3A_126 = tpu.memref_squeeze %dma_start3A_125 : memref<1x128xi32, #tpu.memory_space<vmem>> -> memref<128xi32, #tpu.memory_space<vmem>>
        %dma_start3A_127 = arith.constant 0 : i32
        %dma_start3A_128 = arith.constant 0 : i32
        %dma_start3A_129 = tpu.memref_slice %arg2[%dma_start3A_127, %dma_start3A_128] : memref<10000x128xf32, #tpu.memory_space<hbm>> -> memref<10000x128xf32, #tpu.memory_space<hbm>>
        tpu.enqueue_indirect_dma source(%dma_start3A_129 : memref<10000x128xf32, #tpu.memory_space<hbm>>) target(%arg10 : memref<128x128xf32, #tpu.memory_space<vmem>>) offsets(%dma_start3A_126 : memref<128xi32, #tpu.memory_space<vmem>>) semaphore(%arg12 : memref<!tpu.dma_semaphore, #tpu.memory_space<semaphore_mem>>)
        %run_scoped3A_130 = arith.constant 2 : i32
        "tpu.region"() ({
          %run_scoped3A_199 = tpu.sem_alloc : memref<!tpu.dma_semaphore, #tpu.memory_space<semaphore_mem>>
          %dma_start3A_200 = arith.constant 0 : i32
          %dma_start3A_201 = tpu.memref_slice %arg8[%run_scoped3A_130, %dma_start3A_200] : memref<8x128xi32, #tpu.memory_space<vmem>> -> memref<1x128xi32, #tpu.memory_space<vmem>>
          %dma_start3A_202 = tpu.memref_squeeze %dma_start3A_201 : memref<1x128xi32, #tpu.memory_space<vmem>> -> memref<128xi32, #tpu.memory_space<vmem>>
          %dma_start3A_203 = arith.constant 0 : i32
          %dma_start3A_204 = arith.constant 0 : i32
          %dma_start3A_205 = tpu.memref_slice %arg13[%dma_start3A_203, %dma_start3A_204] : memref<10240x128xf32, #tpu.memory_space<vmem_shared>> -> memref<10240x128xf32, #tpu.memory_space<vmem_shared>>
          tpu.enqueue_indirect_dma source(%arg9 : memref<128x128xf32, #tpu.memory_space<vmem>>) target(%dma_start3A_205 : memref<10240x128xf32, #tpu.memory_space<vmem_shared>>) offsets(%dma_start3A_202 : memref<128xi32, #tpu.memory_space<vmem>>) semaphore(%run_scoped3A_199 : memref<!tpu.dma_semaphore, #tpu.memory_space<semaphore_mem>>) {add = true}
          %dma_wait3A_206 = arith.constant 0 : i32
          %dma_wait3A_207 = tpu.memref_slice %arg8[%run_scoped3A_130, %dma_wait3A_206] : memref<8x128xi32, #tpu.memory_space<vmem>> -> memref<1x128xi32, #tpu.memory_space<vmem>>
          %dma_wait3A_208 = tpu.memref_squeeze %dma_wait3A_207 : memref<1x128xi32, #tpu.memory_space<vmem>> -> memref<128xi32, #tpu.memory_space<vmem>>
          %dma_wait3A_209 = arith.constant 0 : i32
          %dma_wait3A_210 = arith.constant 0 : i32
          %dma_wait3A_211 = tpu.memref_slice %arg13[%dma_wait3A_209, %dma_wait3A_210] : memref<10240x128xf32, #tpu.memory_space<vmem_shared>> -> memref<10240x128xf32, #tpu.memory_space<vmem_shared>>
          tpu.wait_indirect_dma semaphore(%run_scoped3A_199 : memref<!tpu.dma_semaphore, #tpu.memory_space<semaphore_mem>>) src(%arg9 : memref<128x128xf32, #tpu.memory_space<vmem>>) dst(%dma_wait3A_211 : memref<10240x128xf32, #tpu.memory_space<vmem_shared>>)
          tpu.yield
        }) : () -> ()
        %dma_wait3A_131 = arith.constant 3 : i32
        %dma_wait3A_132 = arith.constant 0 : i32
        %dma_wait3A_133 = tpu.memref_slice %arg7[%dma_wait3A_131, %dma_wait3A_132] : memref<8x128xi32, #tpu.memory_space<vmem>> -> memref<1x128xi32, #tpu.memory_space<vmem>>
        %dma_wait3A_134 = tpu.memref_squeeze %dma_wait3A_133 : memref<1x128xi32, #tpu.memory_space<vmem>> -> memref<128xi32, #tpu.memory_space<vmem>>
        %dma_wait3A_135 = arith.constant 0 : i32
        %dma_wait3A_136 = arith.constant 0 : i32
        %dma_wait3A_137 = tpu.memref_slice %arg2[%dma_wait3A_135, %dma_wait3A_136] : memref<10000x128xf32, #tpu.memory_space<hbm>> -> memref<10000x128xf32, #tpu.memory_space<hbm>>
        tpu.wait_indirect_dma semaphore(%arg12 : memref<!tpu.dma_semaphore, #tpu.memory_space<semaphore_mem>>) src(%dma_wait3A_137 : memref<10000x128xf32, #tpu.memory_space<hbm>>) dst(%arg10 : memref<128x128xf32, #tpu.memory_space<vmem>>)
        %dma_start3A_138 = arith.constant 4 : i32
        %dma_start3A_139 = arith.constant 0 : i32
        %dma_start3A_140 = tpu.memref_slice %arg7[%dma_start3A_138, %dma_start3A_139] : memref<8x128xi32, #tpu.memory_space<vmem>> -> memref<1x128xi32, #tpu.memory_space<vmem>>
        %dma_start3A_141 = tpu.memref_squeeze %dma_start3A_140 : memref<1x128xi32, #tpu.memory_space<vmem>> -> memref<128xi32, #tpu.memory_space<vmem>>
        %dma_start3A_142 = arith.constant 0 : i32
        %dma_start3A_143 = arith.constant 0 : i32
        %dma_start3A_144 = tpu.memref_slice %arg2[%dma_start3A_142, %dma_start3A_143] : memref<10000x128xf32, #tpu.memory_space<hbm>> -> memref<10000x128xf32, #tpu.memory_space<hbm>>
        tpu.enqueue_indirect_dma source(%dma_start3A_144 : memref<10000x128xf32, #tpu.memory_space<hbm>>) target(%arg9 : memref<128x128xf32, #tpu.memory_space<vmem>>) offsets(%dma_start3A_141 : memref<128xi32, #tpu.memory_space<vmem>>) semaphore(%arg11 : memref<!tpu.dma_semaphore, #tpu.memory_space<semaphore_mem>>)
        %run_scoped3A_145 = arith.constant 3 : i32
        "tpu.region"() ({
          %run_scoped3A_199 = tpu.sem_alloc : memref<!tpu.dma_semaphore, #tpu.memory_space<semaphore_mem>>
          %dma_start3A_200 = arith.constant 0 : i32
          %dma_start3A_201 = tpu.memref_slice %arg8[%run_scoped3A_145, %dma_start3A_200] : memref<8x128xi32, #tpu.memory_space<vmem>> -> memref<1x128xi32, #tpu.memory_space<vmem>>
          %dma_start3A_202 = tpu.memref_squeeze %dma_start3A_201 : memref<1x128xi32, #tpu.memory_space<vmem>> -> memref<128xi32, #tpu.memory_space<vmem>>
          %dma_start3A_203 = arith.constant 0 : i32
          %dma_start3A_204 = arith.constant 0 : i32
          %dma_start3A_205 = tpu.memref_slice %arg13[%dma_start3A_203, %dma_start3A_204] : memref<10240x128xf32, #tpu.memory_space<vmem_shared>> -> memref<10240x128xf32, #tpu.memory_space<vmem_shared>>
          tpu.enqueue_indirect_dma source(%arg10 : memref<128x128xf32, #tpu.memory_space<vmem>>) target(%dma_start3A_205 : memref<10240x128xf32, #tpu.memory_space<vmem_shared>>) offsets(%dma_start3A_202 : memref<128xi32, #tpu.memory_space<vmem>>) semaphore(%run_scoped3A_199 : memref<!tpu.dma_semaphore, #tpu.memory_space<semaphore_mem>>) {add = true}
          %dma_wait3A_206 = arith.constant 0 : i32
          %dma_wait3A_207 = tpu.memref_slice %arg8[%run_scoped3A_145, %dma_wait3A_206] : memref<8x128xi32, #tpu.memory_space<vmem>> -> memref<1x128xi32, #tpu.memory_space<vmem>>
          %dma_wait3A_208 = tpu.memref_squeeze %dma_wait3A_207 : memref<1x128xi32, #tpu.memory_space<vmem>> -> memref<128xi32, #tpu.memory_space<vmem>>
          %dma_wait3A_209 = arith.constant 0 : i32
          %dma_wait3A_210 = arith.constant 0 : i32
          %dma_wait3A_211 = tpu.memref_slice %arg13[%dma_wait3A_209, %dma_wait3A_210] : memref<10240x128xf32, #tpu.memory_space<vmem_shared>> -> memref<10240x128xf32, #tpu.memory_space<vmem_shared>>
          tpu.wait_indirect_dma semaphore(%run_scoped3A_199 : memref<!tpu.dma_semaphore, #tpu.memory_space<semaphore_mem>>) src(%arg10 : memref<128x128xf32, #tpu.memory_space<vmem>>) dst(%dma_wait3A_211 : memref<10240x128xf32, #tpu.memory_space<vmem_shared>>)
          tpu.yield
        }) : () -> ()
        %dma_wait3A_146 = arith.constant 4 : i32
        %dma_wait3A_147 = arith.constant 0 : i32
        %dma_wait3A_148 = tpu.memref_slice %arg7[%dma_wait3A_146, %dma_wait3A_147] : memref<8x128xi32, #tpu.memory_space<vmem>> -> memref<1x128xi32, #tpu.memory_space<vmem>>
        %dma_wait3A_149 = tpu.memref_squeeze %dma_wait3A_148 : memref<1x128xi32, #tpu.memory_space<vmem>> -> memref<128xi32, #tpu.memory_space<vmem>>
        %dma_wait3A_150 = arith.constant 0 : i32
        %dma_wait3A_151 = arith.constant 0 : i32
        %dma_wait3A_152 = tpu.memref_slice %arg2[%dma_wait3A_150, %dma_wait3A_151] : memref<10000x128xf32, #tpu.memory_space<hbm>> -> memref<10000x128xf32, #tpu.memory_space<hbm>>
        tpu.wait_indirect_dma semaphore(%arg11 : memref<!tpu.dma_semaphore, #tpu.memory_space<semaphore_mem>>) src(%dma_wait3A_152 : memref<10000x128xf32, #tpu.memory_space<hbm>>) dst(%arg9 : memref<128x128xf32, #tpu.memory_space<vmem>>)
        %dma_start3A_153 = arith.constant 5 : i32
        %dma_start3A_154 = arith.constant 0 : i32
        %dma_start3A_155 = tpu.memref_slice %arg7[%dma_start3A_153, %dma_start3A_154] : memref<8x128xi32, #tpu.memory_space<vmem>> -> memref<1x128xi32, #tpu.memory_space<vmem>>
        %dma_start3A_156 = tpu.memref_squeeze %dma_start3A_155 : memref<1x128xi32, #tpu.memory_space<vmem>> -> memref<128xi32, #tpu.memory_space<vmem>>
        %dma_start3A_157 = arith.constant 0 : i32
        %dma_start3A_158 = arith.constant 0 : i32
        %dma_start3A_159 = tpu.memref_slice %arg2[%dma_start3A_157, %dma_start3A_158] : memref<10000x128xf32, #tpu.memory_space<hbm>> -> memref<10000x128xf32, #tpu.memory_space<hbm>>
        tpu.enqueue_indirect_dma source(%dma_start3A_159 : memref<10000x128xf32, #tpu.memory_space<hbm>>) target(%arg10 : memref<128x128xf32, #tpu.memory_space<vmem>>) offsets(%dma_start3A_156 : memref<128xi32, #tpu.memory_space<vmem>>) semaphore(%arg12 : memref<!tpu.dma_semaphore, #tpu.memory_space<semaphore_mem>>)
        %run_scoped3A_160 = arith.constant 4 : i32
        "tpu.region"() ({
          %run_scoped3A_199 = tpu.sem_alloc : memref<!tpu.dma_semaphore, #tpu.memory_space<semaphore_mem>>
          %dma_start3A_200 = arith.constant 0 : i32
          %dma_start3A_201 = tpu.memref_slice %arg8[%run_scoped3A_160, %dma_start3A_200] : memref<8x128xi32, #tpu.memory_space<vmem>> -> memref<1x128xi32, #tpu.memory_space<vmem>>
          %dma_start3A_202 = tpu.memref_squeeze %dma_start3A_201 : memref<1x128xi32, #tpu.memory_space<vmem>> -> memref<128xi32, #tpu.memory_space<vmem>>
          %dma_start3A_203 = arith.constant 0 : i32
          %dma_start3A_204 = arith.constant 0 : i32
          %dma_start3A_205 = tpu.memref_slice %arg13[%dma_start3A_203, %dma_start3A_204] : memref<10240x128xf32, #tpu.memory_space<vmem_shared>> -> memref<10240x128xf32, #tpu.memory_space<vmem_shared>>
          tpu.enqueue_indirect_dma source(%arg9 : memref<128x128xf32, #tpu.memory_space<vmem>>) target(%dma_start3A_205 : memref<10240x128xf32, #tpu.memory_space<vmem_shared>>) offsets(%dma_start3A_202 : memref<128xi32, #tpu.memory_space<vmem>>) semaphore(%run_scoped3A_199 : memref<!tpu.dma_semaphore, #tpu.memory_space<semaphore_mem>>) {add = true}
          %dma_wait3A_206 = arith.constant 0 : i32
          %dma_wait3A_207 = tpu.memref_slice %arg8[%run_scoped3A_160, %dma_wait3A_206] : memref<8x128xi32, #tpu.memory_space<vmem>> -> memref<1x128xi32, #tpu.memory_space<vmem>>
          %dma_wait3A_208 = tpu.memref_squeeze %dma_wait3A_207 : memref<1x128xi32, #tpu.memory_space<vmem>> -> memref<128xi32, #tpu.memory_space<vmem>>
          %dma_wait3A_209 = arith.constant 0 : i32
          %dma_wait3A_210 = arith.constant 0 : i32
          %dma_wait3A_211 = tpu.memref_slice %arg13[%dma_wait3A_209, %dma_wait3A_210] : memref<10240x128xf32, #tpu.memory_space<vmem_shared>> -> memref<10240x128xf32, #tpu.memory_space<vmem_shared>>
          tpu.wait_indirect_dma semaphore(%run_scoped3A_199 : memref<!tpu.dma_semaphore, #tpu.memory_space<semaphore_mem>>) src(%arg9 : memref<128x128xf32, #tpu.memory_space<vmem>>) dst(%dma_wait3A_211 : memref<10240x128xf32, #tpu.memory_space<vmem_shared>>)
          tpu.yield
        }) : () -> ()
        %dma_wait3A_161 = arith.constant 5 : i32
        %dma_wait3A_162 = arith.constant 0 : i32
        %dma_wait3A_163 = tpu.memref_slice %arg7[%dma_wait3A_161, %dma_wait3A_162] : memref<8x128xi32, #tpu.memory_space<vmem>> -> memref<1x128xi32, #tpu.memory_space<vmem>>
        %dma_wait3A_164 = tpu.memref_squeeze %dma_wait3A_163 : memref<1x128xi32, #tpu.memory_space<vmem>> -> memref<128xi32, #tpu.memory_space<vmem>>
        %dma_wait3A_165 = arith.constant 0 : i32
        %dma_wait3A_166 = arith.constant 0 : i32
        %dma_wait3A_167 = tpu.memref_slice %arg2[%dma_wait3A_165, %dma_wait3A_166] : memref<10000x128xf32, #tpu.memory_space<hbm>> -> memref<10000x128xf32, #tpu.memory_space<hbm>>
        tpu.wait_indirect_dma semaphore(%arg12 : memref<!tpu.dma_semaphore, #tpu.memory_space<semaphore_mem>>) src(%dma_wait3A_167 : memref<10000x128xf32, #tpu.memory_space<hbm>>) dst(%arg10 : memref<128x128xf32, #tpu.memory_space<vmem>>)
        %dma_start3A_168 = arith.constant 6 : i32
        %dma_start3A_169 = arith.constant 0 : i32
        %dma_start3A_170 = tpu.memref_slice %arg7[%dma_start3A_168, %dma_start3A_169] : memref<8x128xi32, #tpu.memory_space<vmem>> -> memref<1x128xi32, #tpu.memory_space<vmem>>
        %dma_start3A_171 = tpu.memref_squeeze %dma_start3A_170 : memref<1x128xi32, #tpu.memory_space<vmem>> -> memref<128xi32, #tpu.memory_space<vmem>>
        %dma_start3A_172 = arith.constant 0 : i32
        %dma_start3A_173 = arith.constant 0 : i32
        %dma_start3A_174 = tpu.memref_slice %arg2[%dma_start3A_172, %dma_start3A_173] : memref<10000x128xf32, #tpu.memory_space<hbm>> -> memref<10000x128xf32, #tpu.memory_space<hbm>>
        tpu.enqueue_indirect_dma source(%dma_start3A_174 : memref<10000x128xf32, #tpu.memory_space<hbm>>) target(%arg9 : memref<128x128xf32, #tpu.memory_space<vmem>>) offsets(%dma_start3A_171 : memref<128xi32, #tpu.memory_space<vmem>>) semaphore(%arg11 : memref<!tpu.dma_semaphore, #tpu.memory_space<semaphore_mem>>)
        %run_scoped3A_175 = arith.constant 5 : i32
        "tpu.region"() ({
          %run_scoped3A_199 = tpu.sem_alloc : memref<!tpu.dma_semaphore, #tpu.memory_space<semaphore_mem>>
          %dma_start3A_200 = arith.constant 0 : i32
          %dma_start3A_201 = tpu.memref_slice %arg8[%run_scoped3A_175, %dma_start3A_200] : memref<8x128xi32, #tpu.memory_space<vmem>> -> memref<1x128xi32, #tpu.memory_space<vmem>>
          %dma_start3A_202 = tpu.memref_squeeze %dma_start3A_201 : memref<1x128xi32, #tpu.memory_space<vmem>> -> memref<128xi32, #tpu.memory_space<vmem>>
          %dma_start3A_203 = arith.constant 0 : i32
          %dma_start3A_204 = arith.constant 0 : i32
          %dma_start3A_205 = tpu.memref_slice %arg13[%dma_start3A_203, %dma_start3A_204] : memref<10240x128xf32, #tpu.memory_space<vmem_shared>> -> memref<10240x128xf32, #tpu.memory_space<vmem_shared>>
          tpu.enqueue_indirect_dma source(%arg10 : memref<128x128xf32, #tpu.memory_space<vmem>>) target(%dma_start3A_205 : memref<10240x128xf32, #tpu.memory_space<vmem_shared>>) offsets(%dma_start3A_202 : memref<128xi32, #tpu.memory_space<vmem>>) semaphore(%run_scoped3A_199 : memref<!tpu.dma_semaphore, #tpu.memory_space<semaphore_mem>>) {add = true}
          %dma_wait3A_206 = arith.constant 0 : i32
          %dma_wait3A_207 = tpu.memref_slice %arg8[%run_scoped3A_175, %dma_wait3A_206] : memref<8x128xi32, #tpu.memory_space<vmem>> -> memref<1x128xi32, #tpu.memory_space<vmem>>
          %dma_wait3A_208 = tpu.memref_squeeze %dma_wait3A_207 : memref<1x128xi32, #tpu.memory_space<vmem>> -> memref<128xi32, #tpu.memory_space<vmem>>
          %dma_wait3A_209 = arith.constant 0 : i32
          %dma_wait3A_210 = arith.constant 0 : i32
          %dma_wait3A_211 = tpu.memref_slice %arg13[%dma_wait3A_209, %dma_wait3A_210] : memref<10240x128xf32, #tpu.memory_space<vmem_shared>> -> memref<10240x128xf32, #tpu.memory_space<vmem_shared>>
          tpu.wait_indirect_dma semaphore(%run_scoped3A_199 : memref<!tpu.dma_semaphore, #tpu.memory_space<semaphore_mem>>) src(%arg10 : memref<128x128xf32, #tpu.memory_space<vmem>>) dst(%dma_wait3A_211 : memref<10240x128xf32, #tpu.memory_space<vmem_shared>>)
          tpu.yield
        }) : () -> ()
        %dma_wait3A_176 = arith.constant 6 : i32
        %dma_wait3A_177 = arith.constant 0 : i32
        %dma_wait3A_178 = tpu.memref_slice %arg7[%dma_wait3A_176, %dma_wait3A_177] : memref<8x128xi32, #tpu.memory_space<vmem>> -> memref<1x128xi32, #tpu.memory_space<vmem>>
        %dma_wait3A_179 = tpu.memref_squeeze %dma_wait3A_178 : memref<1x128xi32, #tpu.memory_space<vmem>> -> memref<128xi32, #tpu.memory_space<vmem>>
        %dma_wait3A_180 = arith.constant 0 : i32
        %dma_wait3A_181 = arith.constant 0 : i32
        %dma_wait3A_182 = tpu.memref_slice %arg2[%dma_wait3A_180, %dma_wait3A_181] : memref<10000x128xf32, #tpu.memory_space<hbm>> -> memref<10000x128xf32, #tpu.memory_space<hbm>>
        tpu.wait_indirect_dma semaphore(%arg11 : memref<!tpu.dma_semaphore, #tpu.memory_space<semaphore_mem>>) src(%dma_wait3A_182 : memref<10000x128xf32, #tpu.memory_space<hbm>>) dst(%arg9 : memref<128x128xf32, #tpu.memory_space<vmem>>)
        %dma_start3A_183 = arith.constant 7 : i32
        %dma_start3A_184 = arith.constant 0 : i32
        %dma_start3A_185 = tpu.memref_slice %arg7[%dma_start3A_183, %dma_start3A_184] : memref<8x128xi32, #tpu.memory_space<vmem>> -> memref<1x128xi32, #tpu.memory_space<vmem>>
        %dma_start3A_186 = tpu.memref_squeeze %dma_start3A_185 : memref<1x128xi32, #tpu.memory_space<vmem>> -> memref<128xi32, #tpu.memory_space<vmem>>
        %dma_start3A_187 = arith.constant 0 : i32
        %dma_start3A_188 = arith.constant 0 : i32
        %dma_start3A_189 = tpu.memref_slice %arg2[%dma_start3A_187, %dma_start3A_188] : memref<10000x128xf32, #tpu.memory_space<hbm>> -> memref<10000x128xf32, #tpu.memory_space<hbm>>
        tpu.enqueue_indirect_dma source(%dma_start3A_189 : memref<10000x128xf32, #tpu.memory_space<hbm>>) target(%arg10 : memref<128x128xf32, #tpu.memory_space<vmem>>) offsets(%dma_start3A_186 : memref<128xi32, #tpu.memory_space<vmem>>) semaphore(%arg12 : memref<!tpu.dma_semaphore, #tpu.memory_space<semaphore_mem>>)
        %run_scoped3A_190 = arith.constant 6 : i32
        "tpu.region"() ({
          %run_scoped3A_199 = tpu.sem_alloc : memref<!tpu.dma_semaphore, #tpu.memory_space<semaphore_mem>>
          %dma_start3A_200 = arith.constant 0 : i32
          %dma_start3A_201 = tpu.memref_slice %arg8[%run_scoped3A_190, %dma_start3A_200] : memref<8x128xi32, #tpu.memory_space<vmem>> -> memref<1x128xi32, #tpu.memory_space<vmem>>
          %dma_start3A_202 = tpu.memref_squeeze %dma_start3A_201 : memref<1x128xi32, #tpu.memory_space<vmem>> -> memref<128xi32, #tpu.memory_space<vmem>>
          %dma_start3A_203 = arith.constant 0 : i32
          %dma_start3A_204 = arith.constant 0 : i32
          %dma_start3A_205 = tpu.memref_slice %arg13[%dma_start3A_203, %dma_start3A_204] : memref<10240x128xf32, #tpu.memory_space<vmem_shared>> -> memref<10240x128xf32, #tpu.memory_space<vmem_shared>>
          tpu.enqueue_indirect_dma source(%arg9 : memref<128x128xf32, #tpu.memory_space<vmem>>) target(%dma_start3A_205 : memref<10240x128xf32, #tpu.memory_space<vmem_shared>>) offsets(%dma_start3A_202 : memref<128xi32, #tpu.memory_space<vmem>>) semaphore(%run_scoped3A_199 : memref<!tpu.dma_semaphore, #tpu.memory_space<semaphore_mem>>) {add = true}
          %dma_wait3A_206 = arith.constant 0 : i32
          %dma_wait3A_207 = tpu.memref_slice %arg8[%run_scoped3A_190, %dma_wait3A_206] : memref<8x128xi32, #tpu.memory_space<vmem>> -> memref<1x128xi32, #tpu.memory_space<vmem>>
          %dma_wait3A_208 = tpu.memref_squeeze %dma_wait3A_207 : memref<1x128xi32, #tpu.memory_space<vmem>> -> memref<128xi32, #tpu.memory_space<vmem>>
          %dma_wait3A_209 = arith.constant 0 : i32
          %dma_wait3A_210 = arith.constant 0 : i32
          %dma_wait3A_211 = tpu.memref_slice %arg13[%dma_wait3A_209, %dma_wait3A_210] : memref<10240x128xf32, #tpu.memory_space<vmem_shared>> -> memref<10240x128xf32, #tpu.memory_space<vmem_shared>>
          tpu.wait_indirect_dma semaphore(%run_scoped3A_199 : memref<!tpu.dma_semaphore, #tpu.memory_space<semaphore_mem>>) src(%arg9 : memref<128x128xf32, #tpu.memory_space<vmem>>) dst(%dma_wait3A_211 : memref<10240x128xf32, #tpu.memory_space<vmem_shared>>)
          tpu.yield
        }) : () -> ()
        %dma_wait3A_191 = arith.constant 7 : i32
        %dma_wait3A_192 = arith.constant 0 : i32
        %dma_wait3A_193 = tpu.memref_slice %arg7[%dma_wait3A_191, %dma_wait3A_192] : memref<8x128xi32, #tpu.memory_space<vmem>> -> memref<1x128xi32, #tpu.memory_space<vmem>>
        %dma_wait3A_194 = tpu.memref_squeeze %dma_wait3A_193 : memref<1x128xi32, #tpu.memory_space<vmem>> -> memref<128xi32, #tpu.memory_space<vmem>>
        %dma_wait3A_195 = arith.constant 0 : i32
        %dma_wait3A_196 = arith.constant 0 : i32
        %dma_wait3A_197 = tpu.memref_slice %arg2[%dma_wait3A_195, %dma_wait3A_196] : memref<10000x128xf32, #tpu.memory_space<hbm>> -> memref<10000x128xf32, #tpu.memory_space<hbm>>
        tpu.wait_indirect_dma semaphore(%arg12 : memref<!tpu.dma_semaphore, #tpu.memory_space<semaphore_mem>>) src(%dma_wait3A_197 : memref<10000x128xf32, #tpu.memory_space<hbm>>) dst(%arg10 : memref<128x128xf32, #tpu.memory_space<vmem>>)
        %run_scoped3A_198 = arith.constant 7 : i32
        "tpu.region"() ({
          %run_scoped3A_199 = tpu.sem_alloc : memref<!tpu.dma_semaphore, #tpu.memory_space<semaphore_mem>>
          %dma_start3A_200 = arith.constant 0 : i32
          %dma_start3A_201 = tpu.memref_slice %arg8[%run_scoped3A_198, %dma_start3A_200] : memref<8x128xi32, #tpu.memory_space<vmem>> -> memref<1x128xi32, #tpu.memory_space<vmem>>
          %dma_start3A_202 = tpu.memref_squeeze %dma_start3A_201 : memref<1x128xi32, #tpu.memory_space<vmem>> -> memref<128xi32, #tpu.memory_space<vmem>>
          %dma_start3A_203 = arith.constant 0 : i32
          %dma_start3A_204 = arith.constant 0 : i32
          %dma_start3A_205 = tpu.memref_slice %arg13[%dma_start3A_203, %dma_start3A_204] : memref<10240x128xf32, #tpu.memory_space<vmem_shared>> -> memref<10240x128xf32, #tpu.memory_space<vmem_shared>>
          tpu.enqueue_indirect_dma source(%arg10 : memref<128x128xf32, #tpu.memory_space<vmem>>) target(%dma_start3A_205 : memref<10240x128xf32, #tpu.memory_space<vmem_shared>>) offsets(%dma_start3A_202 : memref<128xi32, #tpu.memory_space<vmem>>) semaphore(%run_scoped3A_199 : memref<!tpu.dma_semaphore, #tpu.memory_space<semaphore_mem>>) {add = true}
          %dma_wait3A_206 = arith.constant 0 : i32
          %dma_wait3A_207 = tpu.memref_slice %arg8[%run_scoped3A_198, %dma_wait3A_206] : memref<8x128xi32, #tpu.memory_space<vmem>> -> memref<1x128xi32, #tpu.memory_space<vmem>>
          %dma_wait3A_208 = tpu.memref_squeeze %dma_wait3A_207 : memref<1x128xi32, #tpu.memory_space<vmem>> -> memref<128xi32, #tpu.memory_space<vmem>>
          %dma_wait3A_209 = arith.constant 0 : i32
          %dma_wait3A_210 = arith.constant 0 : i32
          %dma_wait3A_211 = tpu.memref_slice %arg13[%dma_wait3A_209, %dma_wait3A_210] : memref<10240x128xf32, #tpu.memory_space<vmem_shared>> -> memref<10240x128xf32, #tpu.memory_space<vmem_shared>>
          tpu.wait_indirect_dma semaphore(%run_scoped3A_199 : memref<!tpu.dma_semaphore, #tpu.memory_space<semaphore_mem>>) src(%arg10 : memref<128x128xf32, #tpu.memory_space<vmem>>) dst(%dma_wait3A_211 : memref<10240x128xf32, #tpu.memory_space<vmem_shared>>)
          tpu.yield
        }) : () -> ()
      }
      %scan3A_74 = arith.constant 2 : i32
    } else {
    }
    %barrier3A_25 = arith.constant 0 : index
    tpu.barrier barrier_id(%barrier3A_25)
    %mul3A_26 = arith.constant 640 : i32
    %mul3A_27 = arith.muli %arg1, %mul3A_26 : i32
    %add3A_28 = arith.constant 0 : i32
    %add3A_29 = arith.addi %mul3A_27, %add3A_28 : i32
    "tpu.region"() ({
      %run_scoped3A = tpu.sem_alloc : memref<!tpu.dma_semaphore, #tpu.memory_space<semaphore_mem>>
      %dma_start3A = arith.constant 0 : i32
      %dma_start3A_66 = tpu.memref_slice %arg13[%add3A_29, %dma_start3A] : memref<10240x128xf32, #tpu.memory_space<vmem_shared>> -> memref<128x128xf32, #tpu.memory_space<vmem_shared>>
      %dma_start3A_67 = arith.constant 0 : i32
      %dma_start3A_68 = tpu.memref_slice %arg13[%add3A_29, %dma_start3A_67] : memref<10240x128xf32, #tpu.memory_space<vmem_shared>> -> memref<128x128xf32, #tpu.memory_space<vmem_shared>>
      tpu.enqueue_dma source(%dma_start3A_68 : memref<128x128xf32, #tpu.memory_space<vmem_shared>>) target(%arg9 : memref<128x128xf32, #tpu.memory_space<vmem>>) target_semaphore(%run_scoped3A : memref<!tpu.dma_semaphore, #tpu.memory_space<semaphore_mem>>)
      %dma_wait3A = arith.constant 0 : i32
      %dma_wait3A_69 = tpu.memref_slice %arg13[%add3A_29, %dma_wait3A] : memref<10240x128xf32, #tpu.memory_space<vmem_shared>> -> memref<128x128xf32, #tpu.memory_space<vmem_shared>>
      %dma_wait3A_70 = arith.constant 0 : i32
      %dma_wait3A_71 = tpu.memref_slice %arg13[%add3A_29, %dma_wait3A_70] : memref<10240x128xf32, #tpu.memory_space<vmem_shared>> -> memref<128x128xf32, #tpu.memory_space<vmem_shared>>
      tpu.wait_dma2 semaphore(%run_scoped3A : memref<!tpu.dma_semaphore, #tpu.memory_space<semaphore_mem>>) src(%dma_wait3A_71 : memref<128x128xf32, #tpu.memory_space<vmem_shared>>) dst(%arg9 : memref<128x128xf32, #tpu.memory_space<vmem>>)
      tpu.yield
    }) : () -> ()
    %mul3A_30 = arith.constant 640 : i32
    %mul3A_31 = arith.muli %arg1, %mul3A_30 : i32
    %add3A_32 = arith.constant 0 : i32
    %add3A_33 = arith.addi %mul3A_31, %add3A_32 : i32
    "tpu.region"() ({
      %run_scoped3A = tpu.sem_alloc : memref<!tpu.dma_semaphore, #tpu.memory_space<semaphore_mem>>
      %dma_start3A = arith.constant 0 : i32
      %dma_start3A_66 = tpu.memref_slice %arg6[%arg0, %add3A_33, %dma_start3A] : memref<2x10240x128xf32, #tpu.memory_space<hbm>> -> memref<1x128x128xf32, #tpu.memory_space<hbm>>
      %dma_start3A_67 = tpu.memref_squeeze %dma_start3A_66 : memref<1x128x128xf32, #tpu.memory_space<hbm>> -> memref<128x128xf32, #tpu.memory_space<hbm>>
      %dma_start3A_68 = arith.constant 0 : i32
      %dma_start3A_69 = tpu.memref_slice %arg6[%arg0, %add3A_33, %dma_start3A_68] : memref<2x10240x128xf32, #tpu.memory_space<hbm>> -> memref<1x128x128xf32, #tpu.memory_space<hbm>>
      %dma_start3A_70 = tpu.memref_squeeze %dma_start3A_69 : memref<1x128x128xf32, #tpu.memory_space<hbm>> -> memref<128x128xf32, #tpu.memory_space<hbm>>
      tpu.enqueue_dma source(%arg9 : memref<128x128xf32, #tpu.memory_space<vmem>>) target(%dma_start3A_70 : memref<128x128xf32, #tpu.memory_space<hbm>>) target_semaphore(%run_scoped3A : memref<!tpu.dma_semaphore, #tpu.memory_space<semaphore_mem>>)
      %dma_wait3A = arith.constant 0 : i32
      %dma_wait3A_71 = tpu.memref_slice %arg6[%arg0, %add3A_33, %dma_wait3A] : memref<2x10240x128xf32, #tpu.memory_space<hbm>> -> memref<1x128x128xf32, #tpu.memory_space<hbm>>
      %dma_wait3A_72 = tpu.memref_squeeze %dma_wait3A_71 : memref<1x128x128xf32, #tpu.memory_space<hbm>> -> memref<128x128xf32, #tpu.memory_space<hbm>>
      %dma_wait3A_73 = arith.constant 0 : i32
      %dma_wait3A_74 = tpu.memref_slice %arg6[%arg0, %add3A_33, %dma_wait3A_73] : memref<2x10240x128xf32, #tpu.memory_space<hbm>> -> memref<1x128x128xf32, #tpu.memory_space<hbm>>
      %dma_wait3A_75 = tpu.memref_squeeze %dma_wait3A_74 : memref<1x128x128xf32, #tpu.memory_space<hbm>> -> memref<128x128xf32, #tpu.memory_space<hbm>>
      tpu.wait_dma2 semaphore(%run_scoped3A : memref<!tpu.dma_semaphore, #tpu.memory_space<semaphore_mem>>) src(%arg9 : memref<128x128xf32, #tpu.memory_space<vmem>>) dst(%dma_wait3A_75 : memref<128x128xf32, #tpu.memory_space<hbm>>)
      tpu.yield
    }) : () -> ()
    %mul3A_34 = arith.constant 640 : i32
    %mul3A_35 = arith.muli %arg1, %mul3A_34 : i32
    %add3A_36 = arith.constant 128 : i32
    %add3A_37 = arith.addi %mul3A_35, %add3A_36 : i32
    "tpu.region"() ({
      %run_scoped3A = tpu.sem_alloc : memref<!tpu.dma_semaphore, #tpu.memory_space<semaphore_mem>>
      %dma_start3A = arith.constant 0 : i32
      %dma_start3A_66 = tpu.memref_slice %arg13[%add3A_37, %dma_start3A] : memref<10240x128xf32, #tpu.memory_space<vmem_shared>> -> memref<128x128xf32, #tpu.memory_space<vmem_shared>>
      %dma_start3A_67 = arith.constant 0 : i32
      %dma_start3A_68 = tpu.memref_slice %arg13[%add3A_37, %dma_start3A_67] : memref<10240x128xf32, #tpu.memory_space<vmem_shared>> -> memref<128x128xf32, #tpu.memory_space<vmem_shared>>
      tpu.enqueue_dma source(%dma_start3A_68 : memref<128x128xf32, #tpu.memory_space<vmem_shared>>) target(%arg9 : memref<128x128xf32, #tpu.memory_space<vmem>>) target_semaphore(%run_scoped3A : memref<!tpu.dma_semaphore, #tpu.memory_space<semaphore_mem>>)
      %dma_wait3A = arith.constant 0 : i32
      %dma_wait3A_69 = tpu.memref_slice %arg13[%add3A_37, %dma_wait3A] : memref<10240x128xf32, #tpu.memory_space<vmem_shared>> -> memref<128x128xf32, #tpu.memory_space<vmem_shared>>
      %dma_wait3A_70 = arith.constant 0 : i32
      %dma_wait3A_71 = tpu.memref_slice %arg13[%add3A_37, %dma_wait3A_70] : memref<10240x128xf32, #tpu.memory_space<vmem_shared>> -> memref<128x128xf32, #tpu.memory_space<vmem_shared>>
      tpu.wait_dma2 semaphore(%run_scoped3A : memref<!tpu.dma_semaphore, #tpu.memory_space<semaphore_mem>>) src(%dma_wait3A_71 : memref<128x128xf32, #tpu.memory_space<vmem_shared>>) dst(%arg9 : memref<128x128xf32, #tpu.memory_space<vmem>>)
      tpu.yield
    }) : () -> ()
    %mul3A_38 = arith.constant 640 : i32
    %mul3A_39 = arith.muli %arg1, %mul3A_38 : i32
    %add3A_40 = arith.constant 128 : i32
    %add3A_41 = arith.addi %mul3A_39, %add3A_40 : i32
    "tpu.region"() ({
      %run_scoped3A = tpu.sem_alloc : memref<!tpu.dma_semaphore, #tpu.memory_space<semaphore_mem>>
      %dma_start3A = arith.constant 0 : i32
      %dma_start3A_66 = tpu.memref_slice %arg6[%arg0, %add3A_41, %dma_start3A] : memref<2x10240x128xf32, #tpu.memory_space<hbm>> -> memref<1x128x128xf32, #tpu.memory_space<hbm>>
      %dma_start3A_67 = tpu.memref_squeeze %dma_start3A_66 : memref<1x128x128xf32, #tpu.memory_space<hbm>> -> memref<128x128xf32, #tpu.memory_space<hbm>>
      %dma_start3A_68 = arith.constant 0 : i32
      %dma_start3A_69 = tpu.memref_slice %arg6[%arg0, %add3A_41, %dma_start3A_68] : memref<2x10240x128xf32, #tpu.memory_space<hbm>> -> memref<1x128x128xf32, #tpu.memory_space<hbm>>
      %dma_start3A_70 = tpu.memref_squeeze %dma_start3A_69 : memref<1x128x128xf32, #tpu.memory_space<hbm>> -> memref<128x128xf32, #tpu.memory_space<hbm>>
      tpu.enqueue_dma source(%arg9 : memref<128x128xf32, #tpu.memory_space<vmem>>) target(%dma_start3A_70 : memref<128x128xf32, #tpu.memory_space<hbm>>) target_semaphore(%run_scoped3A : memref<!tpu.dma_semaphore, #tpu.memory_space<semaphore_mem>>)
      %dma_wait3A = arith.constant 0 : i32
      %dma_wait3A_71 = tpu.memref_slice %arg6[%arg0, %add3A_41, %dma_wait3A] : memref<2x10240x128xf32, #tpu.memory_space<hbm>> -> memref<1x128x128xf32, #tpu.memory_space<hbm>>
      %dma_wait3A_72 = tpu.memref_squeeze %dma_wait3A_71 : memref<1x128x128xf32, #tpu.memory_space<hbm>> -> memref<128x128xf32, #tpu.memory_space<hbm>>
      %dma_wait3A_73 = arith.constant 0 : i32
      %dma_wait3A_74 = tpu.memref_slice %arg6[%arg0, %add3A_41, %dma_wait3A_73] : memref<2x10240x128xf32, #tpu.memory_space<hbm>> -> memref<1x128x128xf32, #tpu.memory_space<hbm>>
      %dma_wait3A_75 = tpu.memref_squeeze %dma_wait3A_74 : memref<1x128x128xf32, #tpu.memory_space<hbm>> -> memref<128x128xf32, #tpu.memory_space<hbm>>
      tpu.wait_dma2 semaphore(%run_scoped3A : memref<!tpu.dma_semaphore, #tpu.memory_space<semaphore_mem>>) src(%arg9 : memref<128x128xf32, #tpu.memory_space<vmem>>) dst(%dma_wait3A_75 : memref<128x128xf32, #tpu.memory_space<hbm>>)
      tpu.yield
    }) : () -> ()
    %mul3A_42 = arith.constant 640 : i32
    %mul3A_43 = arith.muli %arg1, %mul3A_42 : i32
    %add3A_44 = arith.constant 256 : i32
    %add3A_45 = arith.addi %mul3A_43, %add3A_44 : i32
    "tpu.region"() ({
      %run_scoped3A = tpu.sem_alloc : memref<!tpu.dma_semaphore, #tpu.memory_space<semaphore_mem>>
      %dma_start3A = arith.constant 0 : i32
      %dma_start3A_66 = tpu.memref_slice %arg13[%add3A_45, %dma_start3A] : memref<10240x128xf32, #tpu.memory_space<vmem_shared>> -> memref<128x128xf32, #tpu.memory_space<vmem_shared>>
      %dma_start3A_67 = arith.constant 0 : i32
      %dma_start3A_68 = tpu.memref_slice %arg13[%add3A_45, %dma_start3A_67] : memref<10240x128xf32, #tpu.memory_space<vmem_shared>> -> memref<128x128xf32, #tpu.memory_space<vmem_shared>>
      tpu.enqueue_dma source(%dma_start3A_68 : memref<128x128xf32, #tpu.memory_space<vmem_shared>>) target(%arg9 : memref<128x128xf32, #tpu.memory_space<vmem>>) target_semaphore(%run_scoped3A : memref<!tpu.dma_semaphore, #tpu.memory_space<semaphore_mem>>)
      %dma_wait3A = arith.constant 0 : i32
      %dma_wait3A_69 = tpu.memref_slice %arg13[%add3A_45, %dma_wait3A] : memref<10240x128xf32, #tpu.memory_space<vmem_shared>> -> memref<128x128xf32, #tpu.memory_space<vmem_shared>>
      %dma_wait3A_70 = arith.constant 0 : i32
      %dma_wait3A_71 = tpu.memref_slice %arg13[%add3A_45, %dma_wait3A_70] : memref<10240x128xf32, #tpu.memory_space<vmem_shared>> -> memref<128x128xf32, #tpu.memory_space<vmem_shared>>
      tpu.wait_dma2 semaphore(%run_scoped3A : memref<!tpu.dma_semaphore, #tpu.memory_space<semaphore_mem>>) src(%dma_wait3A_71 : memref<128x128xf32, #tpu.memory_space<vmem_shared>>) dst(%arg9 : memref<128x128xf32, #tpu.memory_space<vmem>>)
      tpu.yield
    }) : () -> ()
    %mul3A_46 = arith.constant 640 : i32
    %mul3A_47 = arith.muli %arg1, %mul3A_46 : i32
    %add3A_48 = arith.constant 256 : i32
    %add3A_49 = arith.addi %mul3A_47, %add3A_48 : i32
    "tpu.region"() ({
      %run_scoped3A = tpu.sem_alloc : memref<!tpu.dma_semaphore, #tpu.memory_space<semaphore_mem>>
      %dma_start3A = arith.constant 0 : i32
      %dma_start3A_66 = tpu.memref_slice %arg6[%arg0, %add3A_49, %dma_start3A] : memref<2x10240x128xf32, #tpu.memory_space<hbm>> -> memref<1x128x128xf32, #tpu.memory_space<hbm>>
      %dma_start3A_67 = tpu.memref_squeeze %dma_start3A_66 : memref<1x128x128xf32, #tpu.memory_space<hbm>> -> memref<128x128xf32, #tpu.memory_space<hbm>>
      %dma_start3A_68 = arith.constant 0 : i32
      %dma_start3A_69 = tpu.memref_slice %arg6[%arg0, %add3A_49, %dma_start3A_68] : memref<2x10240x128xf32, #tpu.memory_space<hbm>> -> memref<1x128x128xf32, #tpu.memory_space<hbm>>
      %dma_start3A_70 = tpu.memref_squeeze %dma_start3A_69 : memref<1x128x128xf32, #tpu.memory_space<hbm>> -> memref<128x128xf32, #tpu.memory_space<hbm>>
      tpu.enqueue_dma source(%arg9 : memref<128x128xf32, #tpu.memory_space<vmem>>) target(%dma_start3A_70 : memref<128x128xf32, #tpu.memory_space<hbm>>) target_semaphore(%run_scoped3A : memref<!tpu.dma_semaphore, #tpu.memory_space<semaphore_mem>>)
      %dma_wait3A = arith.constant 0 : i32
      %dma_wait3A_71 = tpu.memref_slice %arg6[%arg0, %add3A_49, %dma_wait3A] : memref<2x10240x128xf32, #tpu.memory_space<hbm>> -> memref<1x128x128xf32, #tpu.memory_space<hbm>>
      %dma_wait3A_72 = tpu.memref_squeeze %dma_wait3A_71 : memref<1x128x128xf32, #tpu.memory_space<hbm>> -> memref<128x128xf32, #tpu.memory_space<hbm>>
      %dma_wait3A_73 = arith.constant 0 : i32
      %dma_wait3A_74 = tpu.memref_slice %arg6[%arg0, %add3A_49, %dma_wait3A_73] : memref<2x10240x128xf32, #tpu.memory_space<hbm>> -> memref<1x128x128xf32, #tpu.memory_space<hbm>>
      %dma_wait3A_75 = tpu.memref_squeeze %dma_wait3A_74 : memref<1x128x128xf32, #tpu.memory_space<hbm>> -> memref<128x128xf32, #tpu.memory_space<hbm>>
      tpu.wait_dma2 semaphore(%run_scoped3A : memref<!tpu.dma_semaphore, #tpu.memory_space<semaphore_mem>>) src(%arg9 : memref<128x128xf32, #tpu.memory_space<vmem>>) dst(%dma_wait3A_75 : memref<128x128xf32, #tpu.memory_space<hbm>>)
      tpu.yield
    }) : () -> ()
    %mul3A_50 = arith.constant 640 : i32
    %mul3A_51 = arith.muli %arg1, %mul3A_50 : i32
    %add3A_52 = arith.constant 384 : i32
    %add3A_53 = arith.addi %mul3A_51, %add3A_52 : i32
    "tpu.region"() ({
      %run_scoped3A = tpu.sem_alloc : memref<!tpu.dma_semaphore, #tpu.memory_space<semaphore_mem>>
      %dma_start3A = arith.constant 0 : i32
      %dma_start3A_66 = tpu.memref_slice %arg13[%add3A_53, %dma_start3A] : memref<10240x128xf32, #tpu.memory_space<vmem_shared>> -> memref<128x128xf32, #tpu.memory_space<vmem_shared>>
      %dma_start3A_67 = arith.constant 0 : i32
      %dma_start3A_68 = tpu.memref_slice %arg13[%add3A_53, %dma_start3A_67] : memref<10240x128xf32, #tpu.memory_space<vmem_shared>> -> memref<128x128xf32, #tpu.memory_space<vmem_shared>>
      tpu.enqueue_dma source(%dma_start3A_68 : memref<128x128xf32, #tpu.memory_space<vmem_shared>>) target(%arg9 : memref<128x128xf32, #tpu.memory_space<vmem>>) target_semaphore(%run_scoped3A : memref<!tpu.dma_semaphore, #tpu.memory_space<semaphore_mem>>)
      %dma_wait3A = arith.constant 0 : i32
      %dma_wait3A_69 = tpu.memref_slice %arg13[%add3A_53, %dma_wait3A] : memref<10240x128xf32, #tpu.memory_space<vmem_shared>> -> memref<128x128xf32, #tpu.memory_space<vmem_shared>>
      %dma_wait3A_70 = arith.constant 0 : i32
      %dma_wait3A_71 = tpu.memref_slice %arg13[%add3A_53, %dma_wait3A_70] : memref<10240x128xf32, #tpu.memory_space<vmem_shared>> -> memref<128x128xf32, #tpu.memory_space<vmem_shared>>
      tpu.wait_dma2 semaphore(%run_scoped3A : memref<!tpu.dma_semaphore, #tpu.memory_space<semaphore_mem>>) src(%dma_wait3A_71 : memref<128x128xf32, #tpu.memory_space<vmem_shared>>) dst(%arg9 : memref<128x128xf32, #tpu.memory_space<vmem>>)
      tpu.yield
    }) : () -> ()
    %mul3A_54 = arith.constant 640 : i32
    %mul3A_55 = arith.muli %arg1, %mul3A_54 : i32
    %add3A_56 = arith.constant 384 : i32
    %add3A_57 = arith.addi %mul3A_55, %add3A_56 : i32
    "tpu.region"() ({
      %run_scoped3A = tpu.sem_alloc : memref<!tpu.dma_semaphore, #tpu.memory_space<semaphore_mem>>
      %dma_start3A = arith.constant 0 : i32
      %dma_start3A_66 = tpu.memref_slice %arg6[%arg0, %add3A_57, %dma_start3A] : memref<2x10240x128xf32, #tpu.memory_space<hbm>> -> memref<1x128x128xf32, #tpu.memory_space<hbm>>
      %dma_start3A_67 = tpu.memref_squeeze %dma_start3A_66 : memref<1x128x128xf32, #tpu.memory_space<hbm>> -> memref<128x128xf32, #tpu.memory_space<hbm>>
      %dma_start3A_68 = arith.constant 0 : i32
      %dma_start3A_69 = tpu.memref_slice %arg6[%arg0, %add3A_57, %dma_start3A_68] : memref<2x10240x128xf32, #tpu.memory_space<hbm>> -> memref<1x128x128xf32, #tpu.memory_space<hbm>>
      %dma_start3A_70 = tpu.memref_squeeze %dma_start3A_69 : memref<1x128x128xf32, #tpu.memory_space<hbm>> -> memref<128x128xf32, #tpu.memory_space<hbm>>
      tpu.enqueue_dma source(%arg9 : memref<128x128xf32, #tpu.memory_space<vmem>>) target(%dma_start3A_70 : memref<128x128xf32, #tpu.memory_space<hbm>>) target_semaphore(%run_scoped3A : memref<!tpu.dma_semaphore, #tpu.memory_space<semaphore_mem>>)
      %dma_wait3A = arith.constant 0 : i32
      %dma_wait3A_71 = tpu.memref_slice %arg6[%arg0, %add3A_57, %dma_wait3A] : memref<2x10240x128xf32, #tpu.memory_space<hbm>> -> memref<1x128x128xf32, #tpu.memory_space<hbm>>
      %dma_wait3A_72 = tpu.memref_squeeze %dma_wait3A_71 : memref<1x128x128xf32, #tpu.memory_space<hbm>> -> memref<128x128xf32, #tpu.memory_space<hbm>>
      %dma_wait3A_73 = arith.constant 0 : i32
      %dma_wait3A_74 = tpu.memref_slice %arg6[%arg0, %add3A_57, %dma_wait3A_73] : memref<2x10240x128xf32, #tpu.memory_space<hbm>> -> memref<1x128x128xf32, #tpu.memory_space<hbm>>
      %dma_wait3A_75 = tpu.memref_squeeze %dma_wait3A_74 : memref<1x128x128xf32, #tpu.memory_space<hbm>> -> memref<128x128xf32, #tpu.memory_space<hbm>>
      tpu.wait_dma2 semaphore(%run_scoped3A : memref<!tpu.dma_semaphore, #tpu.memory_space<semaphore_mem>>) src(%arg9 : memref<128x128xf32, #tpu.memory_space<vmem>>) dst(%dma_wait3A_75 : memref<128x128xf32, #tpu.memory_space<hbm>>)
      tpu.yield
    }) : () -> ()
    %mul3A_58 = arith.constant 640 : i32
    %mul3A_59 = arith.muli %arg1, %mul3A_58 : i32
    %add3A_60 = arith.constant 512 : i32
    %add3A_61 = arith.addi %mul3A_59, %add3A_60 : i32
    "tpu.region"() ({
      %run_scoped3A = tpu.sem_alloc : memref<!tpu.dma_semaphore, #tpu.memory_space<semaphore_mem>>
      %dma_start3A = arith.constant 0 : i32
      %dma_start3A_66 = tpu.memref_slice %arg13[%add3A_61, %dma_start3A] : memref<10240x128xf32, #tpu.memory_space<vmem_shared>> -> memref<128x128xf32, #tpu.memory_space<vmem_shared>>
      %dma_start3A_67 = arith.constant 0 : i32
      %dma_start3A_68 = tpu.memref_slice %arg13[%add3A_61, %dma_start3A_67] : memref<10240x128xf32, #tpu.memory_space<vmem_shared>> -> memref<128x128xf32, #tpu.memory_space<vmem_shared>>
      tpu.enqueue_dma source(%dma_start3A_68 : memref<128x128xf32, #tpu.memory_space<vmem_shared>>) target(%arg9 : memref<128x128xf32, #tpu.memory_space<vmem>>) target_semaphore(%run_scoped3A : memref<!tpu.dma_semaphore, #tpu.memory_space<semaphore_mem>>)
      %dma_wait3A = arith.constant 0 : i32
      %dma_wait3A_69 = tpu.memref_slice %arg13[%add3A_61, %dma_wait3A] : memref<10240x128xf32, #tpu.memory_space<vmem_shared>> -> memref<128x128xf32, #tpu.memory_space<vmem_shared>>
      %dma_wait3A_70 = arith.constant 0 : i32
      %dma_wait3A_71 = tpu.memref_slice %arg13[%add3A_61, %dma_wait3A_70] : memref<10240x128xf32, #tpu.memory_space<vmem_shared>> -> memref<128x128xf32, #tpu.memory_space<vmem_shared>>
      tpu.wait_dma2 semaphore(%run_scoped3A : memref<!tpu.dma_semaphore, #tpu.memory_space<semaphore_mem>>) src(%dma_wait3A_71 : memref<128x128xf32, #tpu.memory_space<vmem_shared>>) dst(%arg9 : memref<128x128xf32, #tpu.memory_space<vmem>>)
      tpu.yield
    }) : () -> ()
    %mul3A_62 = arith.constant 640 : i32
    %mul3A_63 = arith.muli %arg1, %mul3A_62 : i32
    %add3A_64 = arith.constant 512 : i32
    %add3A_65 = arith.addi %mul3A_63, %add3A_64 : i32
    "tpu.region"() ({
      %run_scoped3A = tpu.sem_alloc : memref<!tpu.dma_semaphore, #tpu.memory_space<semaphore_mem>>
      %dma_start3A = arith.constant 0 : i32
      %dma_start3A_66 = tpu.memref_slice %arg6[%arg0, %add3A_65, %dma_start3A] : memref<2x10240x128xf32, #tpu.memory_space<hbm>> -> memref<1x128x128xf32, #tpu.memory_space<hbm>>
      %dma_start3A_67 = tpu.memref_squeeze %dma_start3A_66 : memref<1x128x128xf32, #tpu.memory_space<hbm>> -> memref<128x128xf32, #tpu.memory_space<hbm>>
      %dma_start3A_68 = arith.constant 0 : i32
      %dma_start3A_69 = tpu.memref_slice %arg6[%arg0, %add3A_65, %dma_start3A_68] : memref<2x10240x128xf32, #tpu.memory_space<hbm>> -> memref<1x128x128xf32, #tpu.memory_space<hbm>>
      %dma_start3A_70 = tpu.memref_squeeze %dma_start3A_69 : memref<1x128x128xf32, #tpu.memory_space<hbm>> -> memref<128x128xf32, #tpu.memory_space<hbm>>
      tpu.enqueue_dma source(%arg9 : memref<128x128xf32, #tpu.memory_space<vmem>>) target(%dma_start3A_70 : memref<128x128xf32, #tpu.memory_space<hbm>>) target_semaphore(%run_scoped3A : memref<!tpu.dma_semaphore, #tpu.memory_space<semaphore_mem>>)
      %dma_wait3A = arith.constant 0 : i32
      %dma_wait3A_71 = tpu.memref_slice %arg6[%arg0, %add3A_65, %dma_wait3A] : memref<2x10240x128xf32, #tpu.memory_space<hbm>> -> memref<1x128x128xf32, #tpu.memory_space<hbm>>
      %dma_wait3A_72 = tpu.memref_squeeze %dma_wait3A_71 : memref<1x128x128xf32, #tpu.memory_space<hbm>> -> memref<128x128xf32, #tpu.memory_space<hbm>>
      %dma_wait3A_73 = arith.constant 0 : i32
      %dma_wait3A_74 = tpu.memref_slice %arg6[%arg0, %add3A_65, %dma_wait3A_73] : memref<2x10240x128xf32, #tpu.memory_space<hbm>> -> memref<1x128x128xf32, #tpu.memory_space<hbm>>
      %dma_wait3A_75 = tpu.memref_squeeze %dma_wait3A_74 : memref<1x128x128xf32, #tpu.memory_space<hbm>> -> memref<128x128xf32, #tpu.memory_space<hbm>>
      tpu.wait_dma2 semaphore(%run_scoped3A : memref<!tpu.dma_semaphore, #tpu.memory_space<semaphore_mem>>) src(%arg9 : memref<128x128xf32, #tpu.memory_space<vmem>>) dst(%dma_wait3A_75 : memref<128x128xf32, #tpu.memory_space<hbm>>)
      tpu.yield
    }) : () -> ()
    return
  }
}

module attributes {stable_mosaic.version = 14 : i64} {
  func.func @_mm_body(%arg0: i32, %arg1: memref<2000x128xf32, #tpu.memory_space<vmem>>, %arg2: memref<128x128xf32, #tpu.memory_space<vmem>>, %arg3: memref<2000x128xf32, #tpu.memory_space<vmem>>) attributes {dimension_semantics = [#tpu.dimension_semantics<arbitrary>], iteration_bounds = array<i64: 5>, scalar_prefetch = 0 : i64, scratch_operands = 0 : i64, tpu.core_type = #tpu.core_type<tc>, window_params = [{transform_indices = @transform_0, window_bounds = array<i64: 2000, 128>}, {pipeline_mode = #tpu.pipeline_mode<synchronous>, transform_indices = @transform_1, window_bounds = array<i64: 128, 128>}, {transform_indices = @transform_2, window_bounds = array<i64: 2000, 128>}]} {
    %get3A = arith.constant 0 : index
    %get3A_0 = arith.constant 0 : index
    %get3A_1 = vector.load %arg1[%get3A, %get3A_0] : memref<2000x128xf32, #tpu.memory_space<vmem>>, vector<2000x128xf32>
    %get3A_2 = arith.constant 0 : index
    %get3A_3 = arith.constant 0 : index
    %get3A_4 = vector.load %arg2[%get3A_2, %get3A_3] : memref<128x128xf32, #tpu.memory_space<vmem>>, vector<128x128xf32>
    %dot_general3A = arith.constant dense<0.000000e+00> : vector<2000x128xf32>
    %dot_general3A_5 = tpu.matmul %get3A_1, %get3A_4, %dot_general3A {dimension_numbers = #tpu.dot_dimension_numbers<[1], [1], [0], [0], [0, 0, 1, 0], [], []>, transpose_lhs_hint = false} : vector<2000x128xf32>, vector<128x128xf32>, vector<2000x128xf32> -> vector<2000x128xf32>
    %swap3A = arith.constant 0 : index
    %swap3A_6 = arith.constant 0 : index
    %swap3A_7 = vector.load %arg3[%swap3A, %swap3A_6] : memref<2000x128xf32, #tpu.memory_space<vmem>>, vector<2000x128xf32>
    tpu.vector_store %arg3[%swap3A, %swap3A_6], %dot_general3A_5 {strides = array<i32>} : memref<2000x128xf32, #tpu.memory_space<vmem>>, vector<2000x128xf32>,
    return
  }
  func.func @transform_0(%arg0: i32) -> (i32, i32) {
    %c0_i32 = arith.constant 0 : i32
    %c0_i32_0 = arith.constant 0 : i32
    return %arg0, %c0_i32 : i32, i32
  }
  func.func @transform_1(%arg0: i32) -> (i32, i32) {
    %c0_i32 = arith.constant 0 : i32
    %c0_i32_0 = arith.constant 0 : i32
    %c0_i32_1 = arith.constant 0 : i32
    return %c0_i32, %c0_i32_0 : i32, i32
  }
  func.func @transform_2(%arg0: i32) -> (i32, i32) {
    %c0_i32 = arith.constant 0 : i32
    %c0_i32_0 = arith.constant 0 : i32
    return %arg0, %c0_i32 : i32, i32
  }
}

module attributes {stable_mosaic.version = 14 : i64} {
  func.func @_combine_body(%arg0: i32, %arg1: memref<2x2000x128xf32, #tpu.memory_space<vmem>>, %arg2: memref<2x2000x1xf32, #tpu.memory_space<vmem>>, %arg3: memref<2000x128xf32, #tpu.memory_space<vmem>>, %arg4: memref<128x128xf32, #tpu.memory_space<vmem>>, %arg5: memref<1x128xf32, #tpu.memory_space<vmem>>, %arg6: memref<128x128xf32, #tpu.memory_space<vmem>>, %arg7: memref<2000x128xf32, #tpu.memory_space<vmem>>, %arg8: memref<2000x128xf32, #tpu.memory_space<vmem>>) attributes {dimension_semantics = [#tpu.dimension_semantics<arbitrary>], iteration_bounds = array<i64: 5>, scalar_prefetch = 0 : i64, scratch_operands = 0 : i64, tpu.core_type = #tpu.core_type<tc>, window_params = [{transform_indices = @transform_0, window_bounds = array<i64: 2, 2000, 128>}, {transform_indices = @transform_1, window_bounds = array<i64: 2, 2000, 1>}, {transform_indices = @transform_2, window_bounds = array<i64: 2000, 128>}, {pipeline_mode = #tpu.pipeline_mode<synchronous>, transform_indices = @transform_3, window_bounds = array<i64: 128, 128>}, {pipeline_mode = #tpu.pipeline_mode<synchronous>, transform_indices = @transform_4, window_bounds = array<i64: 1, 128>}, {pipeline_mode = #tpu.pipeline_mode<synchronous>, transform_indices = @transform_5, window_bounds = array<i64: 128, 128>}, {transform_indices = @transform_6, window_bounds = array<i64: 2000, 128>}, {transform_indices = @transform_7, window_bounds = array<i64: 2000, 128>}]} {
    %get3A = arith.constant 0 : index
    %get3A_0 = arith.constant 0 : index
    %get3A_1 = arith.constant 0 : index
    %get3A_2 = vector.load %arg1[%get3A, %get3A_0, %get3A_1] : memref<2x2000x128xf32, #tpu.memory_space<vmem>>, vector<1x2000x128xf32>
    %get3A_3 = vector.shape_cast %get3A_2 : vector<1x2000x128xf32> to vector<2000x128xf32>
    %get3A_4 = arith.constant 1 : index
    %get3A_5 = arith.constant 0 : index
    %get3A_6 = arith.constant 0 : index
    %get3A_7 = vector.load %arg1[%get3A_4, %get3A_5, %get3A_6] : memref<2x2000x128xf32, #tpu.memory_space<vmem>>, vector<1x2000x128xf32>
    %get3A_8 = vector.shape_cast %get3A_7 : vector<1x2000x128xf32> to vector<2000x128xf32>
    %add3A = arith.addf %get3A_3, %get3A_8 : vector<2000x128xf32>
    %get3A_9 = arith.constant 0 : index
    %get3A_10 = arith.constant 0 : index
    %get3A_11 = arith.constant 0 : index
    %get3A_12 = vector.load %arg2[%get3A_9, %get3A_10, %get3A_11] : memref<2x2000x1xf32, #tpu.memory_space<vmem>>, vector<1x2000x1xf32>
    %get3A_13 = vector.shape_cast %get3A_12 : vector<1x2000x1xf32> to vector<2000x1xf32>
    %get3A_14 = arith.constant 1 : index
    %get3A_15 = arith.constant 0 : index
    %get3A_16 = arith.constant 0 : index
    %get3A_17 = vector.load %arg2[%get3A_14, %get3A_15, %get3A_16] : memref<2x2000x1xf32, #tpu.memory_space<vmem>>, vector<1x2000x1xf32>
    %get3A_18 = vector.shape_cast %get3A_17 : vector<1x2000x1xf32> to vector<2000x1xf32>
    %add3A_19 = arith.addf %get3A_13, %get3A_18 : vector<2000x1xf32>
    %max3A = arith.constant 1.000000e+00 : f32
    %max3A_20 = vector.broadcast %max3A : f32 to vector<2000x1xf32>
    %max3A_21 = arith.maximumf %add3A_19, %max3A_20 : vector<2000x1xf32>
    %get3A_22 = arith.constant 0 : index
    %get3A_23 = arith.constant 0 : index
    %get3A_24 = vector.load %arg3[%get3A_22, %get3A_23] : memref<2000x128xf32, #tpu.memory_space<vmem>>, vector<2000x128xf32>
    %get3A_25 = arith.constant 0 : index
    %get3A_26 = arith.constant 0 : index
    %get3A_27 = vector.load %arg4[%get3A_25, %get3A_26] : memref<128x128xf32, #tpu.memory_space<vmem>>, vector<128x128xf32>
    %dot_general3A = arith.constant dense<0.000000e+00> : vector<2000x128xf32>
    %dot_general3A_28 = tpu.matmul %get3A_24, %get3A_27, %dot_general3A {dimension_numbers = #tpu.dot_dimension_numbers<[1], [1], [0], [0], [0, 0, 1, 0], [], []>, transpose_lhs_hint = false} : vector<2000x128xf32>, vector<128x128xf32>, vector<2000x128xf32> -> vector<2000x128xf32>
    %div3A = vector.broadcast %max3A_21 : vector<2000x1xf32> to vector<2000x128xf32>
    %div3A_29 = arith.divf %add3A, %div3A : vector<2000x128xf32>
    %get3A_30 = arith.constant 0 : index
    %get3A_31 = arith.constant 0 : index
    %get3A_32 = vector.load %arg5[%get3A_30, %get3A_31] : memref<1x128xf32, #tpu.memory_space<vmem>>, vector<1x128xf32>
    %add3A_33 = vector.broadcast %get3A_32 : vector<1x128xf32> to vector<2000x128xf32>
    %add3A_34 = arith.addf %div3A_29, %add3A_33 : vector<2000x128xf32>
    %add3A_35 = arith.addf %add3A_34, %dot_general3A_28 : vector<2000x128xf32>
    %max3A_36 = arith.constant 0.000000e+00 : f32
    %max3A_37 = vector.broadcast %max3A_36 : f32 to vector<2000x128xf32>
    %max3A_38 = arith.maximumf %add3A_35, %max3A_37 : vector<2000x128xf32>
    %swap3A = arith.constant 0 : index
    %swap3A_39 = arith.constant 0 : index
    %swap3A_40 = vector.load %arg7[%swap3A, %swap3A_39] : memref<2000x128xf32, #tpu.memory_space<vmem>>, vector<2000x128xf32>
    tpu.vector_store %arg7[%swap3A, %swap3A_39], %max3A_38 {strides = array<i32>} : memref<2000x128xf32, #tpu.memory_space<vmem>>, vector<2000x128xf32>,
    %get3A_41 = arith.constant 0 : index
    %get3A_42 = arith.constant 0 : index
    %get3A_43 = vector.load %arg6[%get3A_41, %get3A_42] : memref<128x128xf32, #tpu.memory_space<vmem>>, vector<128x128xf32>
    %dot_general3A_44 = arith.constant dense<0.000000e+00> : vector<2000x128xf32>
    %dot_general3A_45 = tpu.matmul %max3A_38, %get3A_43, %dot_general3A_44 {dimension_numbers = #tpu.dot_dimension_numbers<[1], [1], [0], [0], [0, 0, 1, 0], [], []>, transpose_lhs_hint = false} : vector<2000x128xf32>, vector<128x128xf32>, vector<2000x128xf32> -> vector<2000x128xf32>
    %swap3A_46 = arith.constant 0 : index
    %swap3A_47 = arith.constant 0 : index
    %swap3A_48 = vector.load %arg8[%swap3A_46, %swap3A_47] : memref<2000x128xf32, #tpu.memory_space<vmem>>, vector<2000x128xf32>
    tpu.vector_store %arg8[%swap3A_46, %swap3A_47], %dot_general3A_45 {strides = array<i32>} : memref<2000x128xf32, #tpu.memory_space<vmem>>, vector<2000x128xf32>,
    return
  }
  func.func @transform_0(%arg0: i32) -> (i32, i32, i32) {
    %c0_i32 = arith.constant 0 : i32
    %c0_i32_0 = arith.constant 0 : i32
    %c0_i32_1 = arith.constant 0 : i32
    return %c0_i32, %arg0, %c0_i32_0 : i32, i32, i32
  }
  func.func @transform_1(%arg0: i32) -> (i32, i32, i32) {
    %c0_i32 = arith.constant 0 : i32
    %c0_i32_0 = arith.constant 0 : i32
    %c0_i32_1 = arith.constant 0 : i32
    return %c0_i32, %arg0, %c0_i32_0 : i32, i32, i32
  }
  func.func @transform_2(%arg0: i32) -> (i32, i32) {
    %c0_i32 = arith.constant 0 : i32
    %c0_i32_0 = arith.constant 0 : i32
    return %arg0, %c0_i32 : i32, i32
  }
  func.func @transform_3(%arg0: i32) -> (i32, i32) {
    %c0_i32 = arith.constant 0 : i32
    %c0_i32_0 = arith.constant 0 : i32
    %c0_i32_1 = arith.constant 0 : i32
    return %c0_i32, %c0_i32_0 : i32, i32
  }
  func.func @transform_4(%arg0: i32) -> (i32, i32) {
    %c0_i32 = arith.constant 0 : i32
    %c0_i32_0 = arith.constant 0 : i32
    %c0_i32_1 = arith.constant 0 : i32
    return %c0_i32, %c0_i32_0 : i32, i32
  }
  func.func @transform_5(%arg0: i32) -> (i32, i32) {
    %c0_i32 = arith.constant 0 : i32
    %c0_i32_0 = arith.constant 0 : i32
    %c0_i32_1 = arith.constant 0 : i32
    return %c0_i32, %c0_i32_0 : i32, i32
  }
  func.func @transform_6(%arg0: i32) -> (i32, i32) {
    %c0_i32 = arith.constant 0 : i32
    %c0_i32_0 = arith.constant 0 : i32
    return %arg0, %c0_i32 : i32, i32
  }
  func.func @transform_7(%arg0: i32) -> (i32, i32) {
    %c0_i32 = arith.constant 0 : i32
    %c0_i32_0 = arith.constant 0 : i32
    return %arg0, %c0_i32 : i32, i32
  }
}

module attributes {stable_mosaic.version = 14 : i64} {
  func.func @_pool_body(%arg0: i32, %arg1: memref<2x2000x128xf32, #tpu.memory_space<vmem>>, %arg2: memref<2x2000x1xf32, #tpu.memory_space<vmem>>, %arg3: memref<2000x128xf32, #tpu.memory_space<vmem>>, %arg4: memref<128x128xf32, #tpu.memory_space<vmem>>, %arg5: memref<1x128xf32, #tpu.memory_space<vmem>>, %arg6: memref<2000x1xi32, #tpu.memory_space<vmem>>, %arg7: memref<64x128xf32, #tpu.memory_space<vmem>>) attributes {dimension_semantics = [#tpu.dimension_semantics<arbitrary>], iteration_bounds = array<i64: 5>, scalar_prefetch = 0 : i64, scratch_operands = 0 : i64, tpu.core_type = #tpu.core_type<tc>, window_params = [{transform_indices = @transform_0, window_bounds = array<i64: 2, 2000, 128>}, {transform_indices = @transform_1, window_bounds = array<i64: 2, 2000, 1>}, {transform_indices = @transform_2, window_bounds = array<i64: 2000, 128>}, {pipeline_mode = #tpu.pipeline_mode<synchronous>, transform_indices = @transform_3, window_bounds = array<i64: 128, 128>}, {pipeline_mode = #tpu.pipeline_mode<synchronous>, transform_indices = @transform_4, window_bounds = array<i64: 1, 128>}, {transform_indices = @transform_5, window_bounds = array<i64: 2000, 1>}, {pipeline_mode = #tpu.pipeline_mode<synchronous>, transform_indices = @transform_6, window_bounds = array<i64: 64, 128>}]} {
    %get3A = arith.constant 0 : index
    %get3A_0 = arith.constant 0 : index
    %get3A_1 = arith.constant 0 : index
    %get3A_2 = vector.load %arg1[%get3A, %get3A_0, %get3A_1] : memref<2x2000x128xf32, #tpu.memory_space<vmem>>, vector<1x2000x128xf32>
    %get3A_3 = vector.shape_cast %get3A_2 : vector<1x2000x128xf32> to vector<2000x128xf32>
    %get3A_4 = arith.constant 1 : index
    %get3A_5 = arith.constant 0 : index
    %get3A_6 = arith.constant 0 : index
    %get3A_7 = vector.load %arg1[%get3A_4, %get3A_5, %get3A_6] : memref<2x2000x128xf32, #tpu.memory_space<vmem>>, vector<1x2000x128xf32>
    %get3A_8 = vector.shape_cast %get3A_7 : vector<1x2000x128xf32> to vector<2000x128xf32>
    %add3A = arith.addf %get3A_3, %get3A_8 : vector<2000x128xf32>
    %get3A_9 = arith.constant 0 : index
    %get3A_10 = arith.constant 0 : index
    %get3A_11 = arith.constant 0 : index
    %get3A_12 = vector.load %arg2[%get3A_9, %get3A_10, %get3A_11] : memref<2x2000x1xf32, #tpu.memory_space<vmem>>, vector<1x2000x1xf32>
    %get3A_13 = vector.shape_cast %get3A_12 : vector<1x2000x1xf32> to vector<2000x1xf32>
    %get3A_14 = arith.constant 1 : index
    %get3A_15 = arith.constant 0 : index
    %get3A_16 = arith.constant 0 : index
    %get3A_17 = vector.load %arg2[%get3A_14, %get3A_15, %get3A_16] : memref<2x2000x1xf32, #tpu.memory_space<vmem>>, vector<1x2000x1xf32>
    %get3A_18 = vector.shape_cast %get3A_17 : vector<1x2000x1xf32> to vector<2000x1xf32>
    %add3A_19 = arith.addf %get3A_13, %get3A_18 : vector<2000x1xf32>
    %max3A = arith.constant 1.000000e+00 : f32
    %max3A_20 = vector.broadcast %max3A : f32 to vector<2000x1xf32>
    %max3A_21 = arith.maximumf %add3A_19, %max3A_20 : vector<2000x1xf32>
    %get3A_22 = arith.constant 0 : index
    %get3A_23 = arith.constant 0 : index
    %get3A_24 = vector.load %arg3[%get3A_22, %get3A_23] : memref<2000x128xf32, #tpu.memory_space<vmem>>, vector<2000x128xf32>
    %get3A_25 = arith.constant 0 : index
    %get3A_26 = arith.constant 0 : index
    %get3A_27 = vector.load %arg4[%get3A_25, %get3A_26] : memref<128x128xf32, #tpu.memory_space<vmem>>, vector<128x128xf32>
    %dot_general3A = arith.constant dense<0.000000e+00> : vector<2000x128xf32>
    %dot_general3A_28 = tpu.matmul %get3A_24, %get3A_27, %dot_general3A {dimension_numbers = #tpu.dot_dimension_numbers<[1], [1], [0], [0], [0, 0, 1, 0], [], []>, transpose_lhs_hint = false} : vector<2000x128xf32>, vector<128x128xf32>, vector<2000x128xf32> -> vector<2000x128xf32>
    %div3A = vector.broadcast %max3A_21 : vector<2000x1xf32> to vector<2000x128xf32>
    %div3A_29 = arith.divf %add3A, %div3A : vector<2000x128xf32>
    %get3A_30 = arith.constant 0 : index
    %get3A_31 = arith.constant 0 : index
    %get3A_32 = vector.load %arg5[%get3A_30, %get3A_31] : memref<1x128xf32, #tpu.memory_space<vmem>>, vector<1x128xf32>
    %add3A_33 = vector.broadcast %get3A_32 : vector<1x128xf32> to vector<2000x128xf32>
    %add3A_34 = arith.addf %div3A_29, %add3A_33 : vector<2000x128xf32>
    %add3A_35 = arith.addf %add3A_34, %dot_general3A_28 : vector<2000x128xf32>
    %max3A_36 = arith.constant 0.000000e+00 : f32
    %max3A_37 = vector.broadcast %max3A_36 : f32 to vector<2000x128xf32>
    %max3A_38 = arith.maximumf %add3A_35, %max3A_37 : vector<2000x128xf32>
    %iota3A = tpu.iota {dimensions = array<i32: 1>} : vector<2000x64xi32>
    %get3A_39 = arith.constant 0 : index
    %get3A_40 = arith.constant 0 : index
    %get3A_41 = vector.load %arg6[%get3A_39, %get3A_40] : memref<2000x1xi32, #tpu.memory_space<vmem>>, vector<2000x1xi32>
    %eq3A = vector.broadcast %get3A_41 : vector<2000x1xi32> to vector<2000x64xi32>
    %eq3A_42 = arith.cmpi eq, %iota3A, %eq3A : vector<2000x64xi32>
    %convert_element_type3A = arith.extui %eq3A_42 : vector<2000x64xi1> to vector<2000x64xi32>
    %convert_element_type3A_43 = arith.sitofp %convert_element_type3A : vector<2000x64xi32> to vector<2000x64xf32>
    %dot_general3A_44 = arith.constant dense<0.000000e+00> : vector<64x128xf32>
    %dot_general3A_45 = tpu.matmul %convert_element_type3A_43, %max3A_38, %dot_general3A_44 {dimension_numbers = #tpu.dot_dimension_numbers<[0], [0], [1], [1], [0, 1, 1, 1], [], []>, transpose_lhs_hint = false} : vector<2000x64xf32>, vector<2000x128xf32>, vector<64x128xf32> -> vector<64x128xf32>
    %eq3A_46 = arith.constant 0 : i32
    %eq3A_47 = arith.cmpi eq, %arg0, %eq3A_46 : i32
    %convert_element_type3A_48 = arith.extui %eq3A_47 : i1 to i32
    %cond3A = arith.constant 0 : i32
    %cond3A_49 = arith.cmpi ne, %convert_element_type3A_48, %cond3A : i32
    scf.if %cond3A_49 {
      %broadcast_in_dim3A = arith.constant 0.000000e+00 : f32
      %broadcast_in_dim3A_56 = vector.broadcast %broadcast_in_dim3A : f32 to vector<64x128xf32>
      %swap3A_57 = arith.constant 0 : index
      %swap3A_58 = arith.constant 0 : index
      %swap3A_59 = vector.load %arg7[%swap3A_57, %swap3A_58] : memref<64x128xf32, #tpu.memory_space<vmem>>, vector<64x128xf32>
      tpu.vector_store %arg7[%swap3A_57, %swap3A_58], %broadcast_in_dim3A_56 {strides = array<i32>} : memref<64x128xf32, #tpu.memory_space<vmem>>, vector<64x128xf32>,
    } else {
    }
    %get3A_50 = arith.constant 0 : index
    %get3A_51 = arith.constant 0 : index
    %get3A_52 = vector.load %arg7[%get3A_50, %get3A_51] : memref<64x128xf32, #tpu.memory_space<vmem>>, vector<64x128xf32>
    %add3A_53 = arith.addf %get3A_52, %dot_general3A_45 : vector<64x128xf32>
    %swap3A = arith.constant 0 : index
    %swap3A_54 = arith.constant 0 : index
    %swap3A_55 = vector.load %arg7[%swap3A, %swap3A_54] : memref<64x128xf32, #tpu.memory_space<vmem>>, vector<64x128xf32>
    tpu.vector_store %arg7[%swap3A, %swap3A_54], %add3A_53 {strides = array<i32>} : memref<64x128xf32, #tpu.memory_space<vmem>>, vector<64x128xf32>,
    return
  }
  func.func @transform_0(%arg0: i32) -> (i32, i32, i32) {
    %c0_i32 = arith.constant 0 : i32
    %c0_i32_0 = arith.constant 0 : i32
    %c0_i32_1 = arith.constant 0 : i32
    return %c0_i32, %arg0, %c0_i32_0 : i32, i32, i32
  }
  func.func @transform_1(%arg0: i32) -> (i32, i32, i32) {
    %c0_i32 = arith.constant 0 : i32
    %c0_i32_0 = arith.constant 0 : i32
    %c0_i32_1 = arith.constant 0 : i32
    return %c0_i32, %arg0, %c0_i32_0 : i32, i32, i32
  }
  func.func @transform_2(%arg0: i32) -> (i32, i32) {
    %c0_i32 = arith.constant 0 : i32
    %c0_i32_0 = arith.constant 0 : i32
    return %arg0, %c0_i32 : i32, i32
  }
  func.func @transform_3(%arg0: i32) -> (i32, i32) {
    %c0_i32 = arith.constant 0 : i32
    %c0_i32_0 = arith.constant 0 : i32
    %c0_i32_1 = arith.constant 0 : i32
    return %c0_i32, %c0_i32_0 : i32, i32
  }
  func.func @transform_4(%arg0: i32) -> (i32, i32) {
    %c0_i32 = arith.constant 0 : i32
    %c0_i32_0 = arith.constant 0 : i32
    %c0_i32_1 = arith.constant 0 : i32
    return %c0_i32, %c0_i32_0 : i32, i32
  }
  func.func @transform_5(%arg0: i32) -> (i32, i32) {
    %c0_i32 = arith.constant 0 : i32
    %c0_i32_0 = arith.constant 0 : i32
    return %arg0, %c0_i32 : i32, i32
  }
  func.func @transform_6(%arg0: i32) -> (i32, i32) {
    %c0_i32 = arith.constant 0 : i32
    %c0_i32_0 = arith.constant 0 : i32
    %c0_i32_1 = arith.constant 0 : i32
    return %c0_i32, %c0_i32_0 : i32, i32
  }
}

module attributes {stable_mosaic.version = 14 : i64} {
  func.func @_classify_body(%arg0: memref<64x128xf32, #tpu.memory_space<vmem>>, %arg1: memref<10x128xf32, #tpu.memory_space<vmem>>, %arg2: memref<1x10xf32, #tpu.memory_space<vmem>>, %arg3: memref<64x10xf32, #tpu.memory_space<vmem>>) attributes {dimension_semantics = [], scalar_prefetch = 0 : i64, scratch_operands = 0 : i64, tpu.core_type = #tpu.core_type<tc>} {
    %get3A = arith.constant 0 : index
    %get3A_0 = arith.constant 0 : index
    %get3A_1 = vector.load %arg0[%get3A, %get3A_0] : memref<64x128xf32, #tpu.memory_space<vmem>>, vector<64x128xf32>
    %get3A_2 = arith.constant 0 : index
    %get3A_3 = arith.constant 0 : index
    %get3A_4 = vector.load %arg1[%get3A_2, %get3A_3] : memref<10x128xf32, #tpu.memory_space<vmem>>, vector<10x128xf32>
    %dot_general3A = arith.constant dense<0.000000e+00> : vector<64x10xf32>
    %dot_general3A_5 = tpu.matmul %get3A_1, %get3A_4, %dot_general3A {dimension_numbers = #tpu.dot_dimension_numbers<[1], [1], [0], [0], [0, 0, 1, 0], [], []>, transpose_lhs_hint = false} : vector<64x128xf32>, vector<10x128xf32>, vector<64x10xf32> -> vector<64x10xf32>
    %get3A_6 = arith.constant 0 : index
    %get3A_7 = arith.constant 0 : index
    %get3A_8 = vector.load %arg2[%get3A_6, %get3A_7] : memref<1x10xf32, #tpu.memory_space<vmem>>, vector<1x10xf32>
    %add3A = vector.broadcast %get3A_8 : vector<1x10xf32> to vector<64x10xf32>
    %add3A_9 = arith.addf %dot_general3A_5, %add3A : vector<64x10xf32>
    %logistic3A = arith.negf %add3A_9 : vector<64x10xf32>
    %logistic3A_10 = math.exp %logistic3A : vector<64x10xf32>
    %logistic3A_11 = arith.constant 1.000000e+00 : f32
    %logistic3A_12 = vector.broadcast %logistic3A_11 : f32 to vector<64x10xf32>
    %logistic3A_13 = arith.addf %logistic3A_12, %logistic3A_10 : vector<64x10xf32>
    %logistic3A_14 = arith.divf %logistic3A_12, %logistic3A_13 : vector<64x10xf32>
    %swap3A = arith.constant 0 : index
    %swap3A_15 = arith.constant 0 : index
    %swap3A_16 = vector.load %arg3[%swap3A, %swap3A_15] : memref<64x10xf32, #tpu.memory_space<vmem>>, vector<64x10xf32>
    tpu.vector_store %arg3[%swap3A, %swap3A_15], %logistic3A_14 {strides = array<i32>} : memref<64x10xf32, #tpu.memory_space<vmem>>, vector<64x10xf32>,
    return
  }
}

</mosaic_0001>

<sc_bundles>
// kernel: kernel.11.cloned.1.call-start
scs
__scs_entry_jumppad:
0x0: {  	(pc) =	sbr.rel $0x88, $3  }
0x1: {  	(tag) =	ssettag $0x0;
	lr =	simm.s32 $0x1  }
0x2: {  	[smem:$0x3F96] =	sst lr;
	_ =	strace $0xD0000000  }
0x3: {  	_ = 	snop  }
0x4: {  	_ = 	snop  }
0x5: {  	_ = 	snop  }
0x6: {  	_ = 	snop  }
0x7: {  	_ = 	snop  }
__scs_overlays_trampoline_lowered:
0x8: {  	[smem:$0x3FA5] =	sst s0  }
0x9: {  	[smem:$0x3FA6] =	sst s1  }
0xa: {  	[smem:$0x3FA7] =	sst s2  }
0xb: {  	[smem:$0x3FA8] =	sst s3  }
0xc: {  	[smem:$0x3FA9] =	sst s4  }
0xd: {  	[smem:$0x3FAA] =	sst s5  }
0xe: {  	[smem:$0x3FAB] =	sst s6  }
0xf: {  	[smem:$0x3FAC] =	sst s7  }
0x10: {  	[smem:$0x3FAD] =	sst s8  }
0x11: {  	[smem:$0x3FAE] =	sst s9;
	s0 =	simm.s32 @!p0 $0x0  }
0x12: {  	s1 =	sld [smem:$0x3F94];
	s0 =	simm.s32 @p0 $0x1  }
0x13: {  	[smem:$0x3FAF] =	sst s0;
	s0 =	simm.s32 @!p1 $0x0  }
0x14: {  	s2 =	sld [smem:$0x3F93];
	s0 =	simm.s32 @p1 $0x1  }
0x15: {  	[smem:$0x3FB0] =	sst s0;
	s0 =	simm.s32 @!p2 $0x0  }
0x16: {  	s3 =	sld [smem:$0x3FDB];
	s0 =	simm.s32 @p2 $0x1  }
0x17: {  	s4 =	simm.s32 $0x1BF5;
	[smem:$0x3FB2] =	sst s0  }
0x18: {  	s0 =	sld [smem:$0x3F95];
	_ =	swait.ge [sflag:s4], $0x0  }
0x19: {  	s7 =	sld [smem:$0x3F96]  }
0x1a: {  	s8 =	sadd.s32 $0xFFFFE003, lr  }
0x1b: {  	s9 =	sadd.s32 $0xFFFFFEF7, lr;
	s5 =	simm.s32 $0xFFFFFFFF;
	p2 =	slt.u32 s8, $0xFFFFF086  }
0x1c: {  	p1 =	slt.u32 s9, $0xF7A;
	s5 =	simm.s32 @!p2 $0x0  }
0x1d: {  	s5 =	simm.s32 @p1 $0x1;
	p0 =	seq.s32 s7, s2  }
0x1e: {  	s7 =	smul.u32 @!p0 $0xF7A, s2;
	p2 =	seq.s32 @!p0 s5, $0x0  }
0x1f: {  	s9 =	smul.u32 $0xF7A, s1;
	s8 =	simm.s32 @!p0 $0x1BF5;
	p2 =	por !p2, p0  }
0x20: {  	[sflag:s8] =	ssyncset.s32 @!p0 $0xFFFFF086;
	s6 =	sadd.s32 @!p0 s3, s7;
	s7 =	simm.s32 @!p0 $0x108  }
0x21: {  	s3 =	sadd.s32 s3, s9;
	s6 =	sadd.s32 @!p0 $0x88, s6;
	s7 =	simm.s32 @p2 $0x1082  }
0x22: {  	[simem:s7], [sflag:s8] =	dma.local @!p0 [hbm:s6], $0xF7A  }
0x23: {  	s9 =	sor.u32 $0xD0000000, s2;
	s6 =	simm.s32 $0x108;
	_ =	swait.ge @!p0 [sflag:s8], $0x0  }
0x24: {  	s3 =	sadd.s32 $0x88, s3;
	s6 =	simm.s32 @!p1 $0x1082;
	[sflag:s4] =	ssyncset.s32 $0xFFFFF086  }
0x25: {  	[simem:s6], [sflag:s4] =	dma.local [hbm:s3], $0xF7A  }
0x26: {  	[smem:$0x3F96] =	sst s1;
	(tag) =	ssettag s2;
	_ =	strace s9  }
0x27: {  	s1 =	sld [smem:$0x3FA6]  }
0x28: {  	s2 =	sld [smem:$0x3FA7]  }
0x29: {  	s4 =	sld [smem:$0x3FA9]  }
0x2a: {  	p0 =	seq.s32 s5, $0x0;
	s5 =	sld [smem:$0x3FAA]  }
0x2b: {  	s6 =	sld [smem:$0x3FAB]  }
0x2c: {  	s7 =	sld [smem:$0x3FAC]  }
0x2d: {  	s3 =	simm.s32 $0x108;
	s8 =	sld [smem:$0x3FAD]  }
0x2e: {  	s3 =	simm.s32 @!p0 $0x1082;
	s9 =	sld [smem:$0x3FAE]  }
0x2f: {  	lr =	sadd.s32 s0, s3;
	s0 =	sld [smem:$0x3FA5]  }
0x30: {  	s3 =	sld [smem:$0x3FA8]  }
0x31: {  	[smem:$0x3FB1] =	sst s10  }
0x32: {  	s10 =	sld [smem:$0x3FAF];
	_ =	sdelay $0x3  }
0x33: {  	p0 =	seq.s32 s10, $0x1;
	s10 =	sld [smem:$0x3FB1];
	_ =	sdelay $0x3  }
0x34: {  	[smem:$0x3FB1] =	sst s10  }
0x35: {  	s10 =	sld [smem:$0x3FB0];
	_ =	sdelay $0x3  }
0x36: {  	p1 =	seq.s32 s10, $0x1;
	s10 =	sld [smem:$0x3FB1];
	_ =	sdelay $0x3  }
0x37: {  	[smem:$0x3FB1] =	sst s10  }
0x38: {  	s10 =	sld [smem:$0x3FB2]  }
0x39: {  	_ = 	snop;
	(pc) =	sbr.ind lr, $3  }
0x3a: {  	_ = 	snop  }
0x3b: {  	_ = 	snop  }
0x3c: {  	p2 =	seq.s32 s10, $0x1;
	s10 =	sld [smem:$0x3FB1]  }
0x3d: {  	_ =	shalt  }
0x3e: {  	_ =	shalt  }
0x3f: {  	_ =	shalt  }
0x40: {  	_ =	shalt  }
0x41: {  	_ =	shalt  }
0x42: {  	_ =	shalt  }
0x43: {  	_ =	shalt  }
0x44: {  	_ =	shalt  }
0x45: {  	_ =	shalt  }
0x46: {  	_ =	shalt  }
0x47: {  	_ =	shalt  }
0x48: {  	_ =	shalt  }
0x49: {  	_ =	shalt  }
0x4a: {  	_ =	shalt  }
0x4b: {  	_ =	shalt  }
0x4c: {  	_ =	shalt  }
0x4d: {  	_ =	shalt  }
0x4e: {  	_ =	shalt  }
0x4f: {  	_ =	shalt  }
0x50: {  	_ =	shalt  }
0x51: {  	_ =	shalt  }
0x52: {  	_ =	shalt  }
0x53: {  	_ =	shalt  }
0x54: {  	_ =	shalt  }
0x55: {  	_ =	shalt  }
0x56: {  	_ =	shalt  }
0x57: {  	_ =	shalt  }
0x58: {  	_ =	shalt  }
0x59: {  	_ =	shalt  }
0x5a: {  	_ =	shalt  }
0x5b: {  	_ =	shalt  }
0x5c: {  	_ =	shalt  }
0x5d: {  	_ =	shalt  }
0x5e: {  	_ =	shalt  }
0x5f: {  	_ =	shalt  }
0x60: {  	_ =	shalt  }
0x61: {  	_ =	shalt  }
0x62: {  	_ =	shalt  }
0x63: {  	_ =	shalt  }
0x64: {  	_ =	shalt  }
0x65: {  	_ =	shalt  }
0x66: {  	_ =	shalt  }
0x67: {  	_ =	shalt  }
0x68: {  	_ =	shalt  }
0x69: {  	_ =	shalt  }
0x6a: {  	_ =	shalt  }
0x6b: {  	_ =	shalt  }
0x6c: {  	_ =	shalt  }
0x6d: {  	_ =	shalt  }
0x6e: {  	_ =	shalt  }
0x6f: {  	_ =	shalt  }
0x70: {  	_ =	shalt  }
0x71: {  	_ =	shalt  }
0x72: {  	_ =	shalt  }
0x73: {  	_ =	shalt  }
0x74: {  	_ =	shalt  }
0x75: {  	_ =	shalt  }
0x76: {  	_ =	shalt  }
0x77: {  	_ =	shalt  }
0x78: {  	_ =	shalt  }
0x79: {  	_ =	shalt  }
0x7a: {  	_ =	shalt  }
0x7b: {  	_ =	shalt  }
0x7c: {  	_ =	shalt  }
0x7d: {  	_ =	shalt  }
0x7e: {  	_ =	shalt  }
0x7f: {  	_ =	shalt  }
0x80: {  	_ =	shalt  }
0x81: {  	_ =	shalt  }
0x82: {  	_ =	shalt  }
0x83: {  	_ =	shalt  }
0x84: {  	_ =	shalt  }
0x85: {  	_ =	shalt  }
0x86: {  	_ =	shalt  }
0x87: {  	_ =	shalt  }
.Lfunc_end0:
.L_simem_size_0:
called_computation.1_lowered:
.L_overlay_start_0:
0x88: {  	s2 =	sld [smem:$0x3FD9]  }
0x89: {  	s3 =	sld [smem:$0x3FFE];
	_ =	sdelay $0x1  }
0x8a: {  	s1 =	srdreg.scid  }
0x8b: {  	s0 =	sand.u32 $0x1, s1  }
0x8c: {  	s16 =	sshll.u32 s0, $0xA;
	s2 =	sadd.s32 s3, s2  }
0x8d: {  	s2 =	sadd.s32 s2, s16  }
0x8e: {  	[smem:$0x3FBD] =	sst s2  }
0x8f: {  	_ = 	snop  }
0x90: {  	(tm) =	ssettm $0x1  }
0x91: {  	s17 =	sld [smem:$0x3FFB];
	_ =	sdelay $0x3  }
0x92: {  	_ =	strace s17  }
0x93: {  	s2 =	sld [smem:$0x3FFC];
	_ =	sdelay $0x3  }
0x94: {  	_ =	strace s2  }
0x95: {  	s2 =	sld [smem:$0x3FFD];
	_ =	sdelay $0x3  }
0x96: {  	_ =	strace s2  }
0x97: {  	_ =	strace $0x8FFFFFFF  }
0x98: {  	s18 =	sld [smem:$0x3FDB];
	_ =	sdelay $0x1  }
0x99: {  	s19 =	simm.s32 $_scs_section_size  }
0x9a: {  	s4 =	simm.s32 $_size__tile_overlayer_lowered;
	s5 =	simm.s32 $_tile_overlayer_lowered  }
0x9b: {  	s22 =	simm.s32 $0x1BFF;
	s21 =	sshll.u32 s5, $0x1;
	s2 =	sadd.s32 s19, s18  }
0x9c: {  	s6 =	simm.s32 $0x0;
	s20 =	sshll.u32 s4, $0x1;
	s4 =	sadd.s32 s21, s2  }
0x9d: {  	[timem:s6], [sflag:s22] =	dma.local [hbm:s4], s20  }
0x9e: {  	_ =	swait.ge [sflag:s22], s20  }
0x9f: {  	s3 =	ssub.s32 $0x0, s20;
	[sflag:s22] =	ssyncset.done $0x0  }
0xa0: {  	[sflag:s22] =	ssyncadd.s32 s3;
	_ =	sdelay $0x1  }
0xa1: {  	s23 =	simm.s32 $0x1B8B  }
0xa2: {  	_ =	swait.ge [sflag:s23], $0x1  }
0xa3: {  	[sflag:s23] =	ssyncset.done $0x0  }
0xa4: {  	s25 =	simm.s32 $0x1B8E;
	s24 =	sld [smem:$0x3FFE];
	[sflag:s23] =	ssyncadd.s32 $0xFFFFFFFF  }
0xa5: {  	s26 =	simm.s32 $execute0_lowered;
	[smem:$0x3FD2] =	sst s25  }
0xa6: {  	s4 =	sshll.u32 s26, $0x1;
	_ =	strace $0x80000049;
	[dreg:$0x1] =	wrdreg $0xFFFFFFFF  }
0xa7: {  	s28 =	simm.s32 $_size_execute0_lowered;
	s2 =	sadd.s32 s2, s4;
	[dreg:$0x0] =	wrdreg $0x0  }
0xa8: {  	s4 =	sshll.u32 s28, $0x1;
	[dreg:$0x2] =	wrdreg s2  }
0xa9: {  	[dreg:$0x3] =	wrdreg s4  }
0xaa: {  	[dreg:$0x4] =	wrdreg $0xC0  }
0xab: {  	_ =	task [dreg:s6], $0x5FFFF  }
0xac: {  	[dreg:$0x1] =	wrdreg $0xFFFFFFFF  }
0xad: {  	[dreg:$0x0] =	wrdreg $0x60  }
0xae: {  	[dreg:$0x2] =	wrdreg s24  }
0xaf: {  	[dreg:$0x3] =	wrdreg $0x88000  }
0xb0: {  	[dreg:$0x4] =	wrdreg $0x9  }
0xb1: {  	_ =	task.clear_ibuf [dreg:s6], $0x5FFFF;
	_ =	strace $0x90000049  }
0xb2: {  	s29 =	simm.s32 $0x9;
	_ =	strace $0x8000004B  }
0xb3: {  	_ =	swait.ge [sflag:s29], $0x1  }
0xb4: {  	[sflag:s29] =	ssyncadd.s32 $0xFFFFFFFF  }
0xb5: {  	_ =	strace $0x9000004B  }
0xb6: {  	_ =	sfence  }
0xb7: {  	s30 =	sld [smem:$0x0];
	_ =	sdelay $0x2  }
0xb8: {  	s31 =	sshll.u32 s1, $0xD;
	s1 =	sshrl.u32 s1, $0x2  }
0xb9: {  	s3 =	sand.u32 $0x4000, s31;
	s1 =	sadd.s32 s1, s30  }
0xba: {  	s0 =	sor.u32 s3, s0;
	s1 =	sshll.u32 s1, $0x11  }
0xbb: {  	s0 =	sor.u32 s1, s0  }
0xbc: {  	s0 =	sadd.s32 $0x8F2B, s0  }
0xbd: {  	[sflag:s0] =	ssyncadd.remote.s32 $0x1  }
0xbe: {  	_ =	sfence.sel $0xFFFF  }
0xbf: {  	[dreg:$0x0] =	wrdreg $0xFFFFFFFF;
	(pc) =	sbr.abs _section_cstart, $3  }
0xc0: {  	[dreg:$0x1] =	wrdreg $0xFFFFFFFF  }
0xc1: {  	_ =	task.clear_ibuf [dreg:s6], $0x2FFFF;
	_ =	strace $0x9FFFFFFF  }
0xc2: {  	(tm) =	ssettm $0x7FFFFFFF  }
0xc3: {  	_ =	shalt  }
tec
execute0_lowered:
.L_overlay_start_1:
0x0: {  	(tag) =	ssettag $0x1  }
0x1: {  	s0 =	rddreg [dreg:$0x0]  }
0x2: {  	s1 =	rddreg [dreg:$0x1];
	s2 =	simm.s32 $0x0  }
0x3: {  	s3 =	srdreg.scid;
	s5 =	stileid.u32;
	s28 =	simm.s32 $0x2  }
0x4: {  	s29 =	simm.s32 $0x100;
	s30 =	simm.s32 $0x480;
	s31 =	simm.s32 $0x180  }
0x5: {  	[smem:$0x7FF] =	sst s2;
	s4 =	sadd.s32 $0x16200, s0;
	s3 =	sand.u32 $0x1, s3  }
0x6: {  	s6 =	sadd.s32 $0xC200, s0;
	s8 =	smul.u32 $0x50000, s5;
	s15 =	sadd.s32 $0x2200, s0  }
0x7: {  	s10 =	smul.u32 $0x14000, s5;
	s11 =	sadd.s32 $0x3D400, s0;
	s0 =	sadd.s32 $0x3DC00, s0  }
0x8: {  	s19 =	sshll.u32 s5, $0x8;
	s24 =	smul.u32 $0x900, s5;
	s5 =	simm.s32 $0x0  }
0x9: {  	_ =	strace $0x8000004A;
	s7 =	ssub.s32 $0x2, s3;
	[dreg:$0x5] =	wrdreg s11  }
0xa: {  	p0 =	seq.s32 s3, $0x1;
	[dreg:$0x12] =	wrdreg s5;
	s9 =	sshrl.u32 s7, $0x1  }
0xb: {  	s8 =	sshrl.u32 s8, $0x2;
	s25 =	sadd.s32 $0x4000, s10;
	s26 =	sadd.s32 $0x8000, s10  }
0xc: {  	s18 =	sadd.s32 $0xC000, s10;
	s12 =	sadd.s32 $0x10000, s10;
	s14 =	sadd.s32 s26, s1  }
0xd: {  	s17 =	sadd.s32 s25, s1;
	s13 =	sadd.s32 s18, s1;
	[dreg:$0x8] =	wrdreg s14  }
0xe: {  	s14 =	smul.u32 $0x140000, s3;
	[dreg:$0x9] =	wrdreg s13;
	s3 =	sor.u32 $0x9000, s19  }
0xf: {  	s7 =	ssub.s32 s7, s9;
	s11 =	smov.u32 s17;
	[dreg:$0xb] =	wrdreg s3  }
0x10: {  	s16 =	sadd.s32 s8, s1;
	s13 =	sadd.s32 s12, s1;
	[dreg:$0x7] =	wrdreg s11  }
0x11: {  	s17 =	simm.s32 $0x680;
	s19 =	simm.s32 $0x700;
	[dreg:$0xa] =	wrdreg s13  }
0x12: {  	s10 =	sadd.s32 s10, s14;
	s9 =	sadd.s32 s14, s25;
	s22 =	sadd.s32 s14, s26  }
0x13: {  	s8 =	sadd.s32 s14, s18;
	s23 =	sadd.s32 s14, s12;
	s12 =	smov.u32 s15  }
0x14: {  	s26 =	smax.u32 s7, $0x1;
	s7 =	simm.s32 $0x580;
	s14 =	simm.s32 $0x280  }
0x15: {  	s18 =	simm.s32 $0x380;
	s20 =	sshrl.u32 s10, $0x3;
	s9 =	sshrl.u32 s9, $0x3  }
0x16: {  	s8 =	sshrl.u32 s8, $0x3;
	[dreg:$0x11] =	wrdreg s26;
	s10 =	smov.u32 s6  }
0x17: {  	s26 =	simm.s32 $0x4800;
	[dreg:$0x4] =	wrdreg s12;
	s3 =	sadd.s32 s0, s20  }
0x18: {  	s21 =	sadd.s32 s0, s9;
	s9 =	sshrl.u32 s23, $0x3;
	[dreg:$0x3] =	wrdreg s10  }
0x19: {  	s25 =	sadd.s32 s0, s8;
	s20 =	sadd.s32 s24, s15;
	[dreg:$0xc] =	wrdreg s3  }
0x1a: {  	s23 =	simm.s32 $0x3;
	s15 =	simm.s32 $0x600;
	[dreg:$0xd] =	wrdreg s21  }
0x1b: {  	s8 =	simm.s32 $0x780;
	s3 =	sshrl.u32 s22, $0x3;
	[dreg:$0xf] =	wrdreg s25  }
.Ltmp0:
0x1c: {  	s21 =	sadd.s32 s24, s6;
	s6 =	smov.u32 s16;
	(pc) =	sbr.rel .LBB2_1-.Ltmp0, $4  }
0x1d: {  	s22 =	simm.s32 $0x800;
	s24 =	simm.s32 $0x400;
	s25 =	simm.s32 $0x1  }
0x1e: {  	s16 =	simm.s32 $0x300;
	s3 =	sadd.s32 s0, s3;
	[dreg:$0x6] =	wrdreg s6  }
0x1f: {  	s0 =	sadd.s32 s0, s9;
	s9 =	simm.s32 $0x80;
	[dreg:$0xe] =	wrdreg s3  }
0x20: {  	[dreg:$0x10] =	wrdreg s0;
	s0 =	simm.s32 $0x500;
	s3 =	simm.s32 $0x200  }
.LBB2_4:
0x21: {  	s5 =	sadd.s32 s11, s21;
	[sflag:s23] =	ssyncadd.s32 $0xFFFFC000  }
0x22: {  	[tilespmem:s2], [sflag:$0x3] =	stream.linear.gather [hbm4b:s5+s2], $0x400, $0x38;
	[tilespmem:$0x1C800] =	vst v63  }
0x23: {  	_ =	swait.ge [sflag:s23], $0x400  }
0x24: {  	[sflag:s23] =	ssyncset.done $0x0  }
0x25: {  	s13 =	sadd.s32 s11, s20;
	[sflag:s23] =	ssyncadd.s32 $0xFFFFFC00  }
0x26: {  	[tilespmem:s24], [sflag:$0x3] =	stream.linear.gather [hbm4b:s13+s2], $0x400, $0x38;
	[tilespmem:$0x1C800] =	vst v63  }
0x27: {  	_ =	swait.ge [sflag:s23], $0x400  }
0x28: {  	[sflag:s23] =	ssyncset.done $0x0  }
0x29: {  	[sflag:s23] =	ssyncadd.s32 $0xFFFFFC00  }
0x2a: {  	[tilespmem:s22], [sflag:$0x1] =	stream.indirect.gather [hbm4b:s4+s9], $0x80, s2, s9, $0xb8;
	[tilespmem:$0x1C800] =	vst v63  }
0x2b: {  	_ =	swait.ge [sflag:s25], $0x4000  }
0x2c: {  	[sflag:s25] =	ssyncset.done $0x0  }
0x2d: {  	[sflag:s25] =	ssyncadd.s32 $0xFFFFC000  }
0x2e: {  	[tilespmem:s26], [sflag:$0x2] =	stream.indirect.gather [hbm4b:s4+s9], $0x80, s9, s9, $0xb8;
	[tilespmem:$0x1C800] =	vst v63  }
0x2f: {  	_ = 	snop  }
0x30: {  	[spmem:s1] =	stream.indirect.scatter.add.f32 [tilespmem:s22], [sflag:$0x3], $0x80, s24, s9, $0xb8;
	[tilespmem:$0x1C800] =	vst v63  }
0x31: {  	_ =	swait.ge [sflag:s23], $0x4000  }
0x32: {  	[sflag:s23] =	ssyncset.done $0x0  }
0x33: {  	[sflag:s23] =	ssyncadd.s32 $0xFFFFC000  }
0x34: {  	_ =	swait.ge [sflag:s28], $0x4000  }
0x35: {  	[sflag:s28] =	ssyncset.done $0x0  }
0x36: {  	[sflag:s28] =	ssyncadd.s32 $0xFFFFC000  }
0x37: {  	[tilespmem:s22], [sflag:$0x1] =	stream.indirect.gather [hbm4b:s4+s9], $0x80, s29, s9, $0xb8;
	[tilespmem:$0x1C800] =	vst v63  }
0x38: {  	_ = 	snop  }
0x39: {  	[spmem:s1] =	stream.indirect.scatter.add.f32 [tilespmem:s26], [sflag:$0x3], $0x80, s30, s9, $0xb8;
	[tilespmem:$0x1C800] =	vst v63  }
0x3a: {  	_ =	swait.ge [sflag:s23], $0x4000  }
0x3b: {  	[sflag:s23] =	ssyncset.done $0x0  }
0x3c: {  	[sflag:s23] =	ssyncadd.s32 $0xFFFFC000  }
0x3d: {  	_ =	swait.ge [sflag:s25], $0x4000  }
0x3e: {  	[sflag:s25] =	ssyncset.done $0x0  }
0x3f: {  	[sflag:s25] =	ssyncadd.s32 $0xFFFFC000  }
0x40: {  	[tilespmem:s26], [sflag:$0x2] =	stream.indirect.gather [hbm4b:s4+s9], $0x80, s31, s9, $0xb8;
	[tilespmem:$0x1C800] =	vst v63  }
0x41: {  	_ = 	snop  }
0x42: {  	[spmem:s1] =	stream.indirect.scatter.add.f32 [tilespmem:s22], [sflag:$0x3], $0x80, s0, s9, $0xb8;
	[tilespmem:$0x1C800] =	vst v63  }
0x43: {  	_ =	swait.ge [sflag:s23], $0x4000  }
0x44: {  	[sflag:s23] =	ssyncset.done $0x0  }
0x45: {  	[sflag:s23] =	ssyncadd.s32 $0xFFFFC000  }
0x46: {  	_ =	swait.ge [sflag:s28], $0x4000  }
0x47: {  	[sflag:s28] =	ssyncset.done $0x0  }
0x48: {  	[sflag:s28] =	ssyncadd.s32 $0xFFFFC000  }
0x49: {  	[tilespmem:s22], [sflag:$0x1] =	stream.indirect.gather [hbm4b:s4+s9], $0x80, s3, s9, $0xb8;
	[tilespmem:$0x1C800] =	vst v63  }
0x4a: {  	_ = 	snop  }
0x4b: {  	[spmem:s1] =	stream.indirect.scatter.add.f32 [tilespmem:s26], [sflag:$0x3], $0x80, s7, s9, $0xb8;
	[tilespmem:$0x1C800] =	vst v63  }
0x4c: {  	_ =	swait.ge [sflag:s23], $0x4000  }
0x4d: {  	[sflag:s23] =	ssyncset.done $0x0  }
0x4e: {  	[sflag:s23] =	ssyncadd.s32 $0xFFFFC000  }
0x4f: {  	_ =	swait.ge [sflag:s25], $0x4000  }
0x50: {  	[sflag:s25] =	ssyncset.done $0x0  }
0x51: {  	[sflag:s25] =	ssyncadd.s32 $0xFFFFC000  }
0x52: {  	[tilespmem:s26], [sflag:$0x2] =	stream.indirect.gather [hbm4b:s4+s9], $0x80, s14, s9, $0xb8;
	[tilespmem:$0x1C800] =	vst v63  }
0x53: {  	_ = 	snop  }
0x54: {  	[spmem:s1] =	stream.indirect.scatter.add.f32 [tilespmem:s22], [sflag:$0x3], $0x80, s15, s9, $0xb8;
	[tilespmem:$0x1C800] =	vst v63  }
0x55: {  	_ =	swait.ge [sflag:s23], $0x4000  }
0x56: {  	[sflag:s23] =	ssyncset.done $0x0  }
0x57: {  	[sflag:s23] =	ssyncadd.s32 $0xFFFFC000  }
0x58: {  	_ =	swait.ge [sflag:s28], $0x4000  }
0x59: {  	[sflag:s28] =	ssyncset.done $0x0  }
0x5a: {  	[sflag:s28] =	ssyncadd.s32 $0xFFFFC000  }
0x5b: {  	[tilespmem:s22], [sflag:$0x1] =	stream.indirect.gather [hbm4b:s4+s9], $0x80, s16, s9, $0xb8;
	[tilespmem:$0x1C800] =	vst v63  }
0x5c: {  	_ = 	snop  }
0x5d: {  	[spmem:s1] =	stream.indirect.scatter.add.f32 [tilespmem:s26], [sflag:$0x3], $0x80, s17, s9, $0xb8;
	[tilespmem:$0x1C800] =	vst v63  }
0x5e: {  	_ =	swait.ge [sflag:s23], $0x4000  }
0x5f: {  	[sflag:s23] =	ssyncset.done $0x0  }
0x60: {  	[sflag:s23] =	ssyncadd.s32 $0xFFFFC000  }
0x61: {  	_ =	swait.ge [sflag:s25], $0x4000  }
0x62: {  	[sflag:s25] =	ssyncset.done $0x0  }
0x63: {  	[sflag:s25] =	ssyncadd.s32 $0xFFFFC000  }
0x64: {  	[tilespmem:s26], [sflag:$0x2] =	stream.indirect.gather [hbm4b:s4+s9], $0x80, s18, s9, $0xb8;
	[tilespmem:$0x1C800] =	vst v63  }
0x65: {  	_ = 	snop  }
0x66: {  	[spmem:s1] =	stream.indirect.scatter.add.f32 [tilespmem:s22], [sflag:$0x3], $0x80, s19, s9, $0xb8;
	[tilespmem:$0x1C800] =	vst v63  }
0x67: {  	_ =	swait.ge [sflag:s23], $0x4000  }
0x68: {  	[sflag:s23] =	ssyncset.done $0x0  }
0x69: {  	[sflag:s23] =	ssyncadd.s32 $0xFFFFC000  }
0x6a: {  	_ =	swait.ge [sflag:s28], $0x4000  }
0x6b: {  	[sflag:s28] =	ssyncset.done $0x0  }
0x6c: {  	[sflag:s28] =	ssyncadd.s32 $0xFFFFC000  }
0x6d: {  	[spmem:s1] =	stream.indirect.scatter.add.f32 [tilespmem:s26], [sflag:$0x3], $0x80, s8, s9, $0xb8;
	[tilespmem:$0x1C800] =	vst v63  }
0x6e: {  	_ =	swait.ge [sflag:s23], $0x4000  }
0x6f: {  	[sflag:s23] =	ssyncset.done $0x0;
	s10 =	rddreg [dreg:$0x3]  }
0x70: {  	s12 =	rddreg [dreg:$0x4];
	[sflag:s23] =	ssyncadd.s32 $0xFFFFC000  }
.LBB2_6:
0x71: {  	[bflag:$0x0] =	sbarrier.arrive $0xFFFF  }
0x72: {  	s6 =	rddreg [dreg:$0x6]  }
0x73: {  	[tilespmem:s22], [sflag:$0x3] =	stream.linear.gather [spmem:s6], $0x4000, $0x38;
	[tilespmem:$0x1C800] =	vst v63  }
0x74: {  	_ =	swait.ge [sflag:s23], $0x4000  }
0x75: {  	[sflag:s23] =	ssyncset.done $0x0  }
0x76: {  	s5 =	rddreg [dreg:$0xc];
	[sflag:s23] =	ssyncadd.s32 $0xFFFFC000  }
0x77: {  	[hbm4b:s5+s2] =	stream.linear.scatter [tilespmem:s22], [sflag:$0x3], $0x4000, $0x38;
	[tilespmem:$0x1C800] =	vst v63  }
0x78: {  	_ =	swait.ge [sflag:s23], $0x4000  }
0x79: {  	[sflag:s23] =	ssyncset.done $0x0  }
0x7a: {  	s11 =	rddreg [dreg:$0x7];
	[sflag:s23] =	ssyncadd.s32 $0xFFFFC000  }
0x7b: {  	[tilespmem:s22], [sflag:$0x3] =	stream.linear.gather [spmem:s11], $0x4000, $0x38;
	[tilespmem:$0x1C800] =	vst v63  }
0x7c: {  	_ =	swait.ge [sflag:s23], $0x4000  }
0x7d: {  	[sflag:s23] =	ssyncset.done $0x0  }
0x7e: {  	s13 =	rddreg [dreg:$0xd];
	[sflag:s23] =	ssyncadd.s32 $0xFFFFC000  }
0x7f: {  	[hbm4b:s13+s2] =	stream.linear.scatter [tilespmem:s22], [sflag:$0x3], $0x4000, $0x38;
	[tilespmem:$0x1C800] =	vst v63  }
0x80: {  	_ =	swait.ge [sflag:s23], $0x4000  }
0x81: {  	[sflag:s23] =	ssyncset.done $0x0  }
0x82: {  	s11 =	rddreg [dreg:$0x8];
	[sflag:s23] =	ssyncadd.s32 $0xFFFFC000  }
0x83: {  	[tilespmem:s22], [sflag:$0x3] =	stream.linear.gather [spmem:s11], $0x4000, $0x38;
	[tilespmem:$0x1C800] =	vst v63  }
0x84: {  	_ =	swait.ge [sflag:s23], $0x4000  }
0x85: {  	[sflag:s23] =	ssyncset.done $0x0  }
0x86: {  	s13 =	rddreg [dreg:$0xe];
	[sflag:s23] =	ssyncadd.s32 $0xFFFFC000  }
0x87: {  	[hbm4b:s13+s2] =	stream.linear.scatter [tilespmem:s22], [sflag:$0x3], $0x4000, $0x38;
	[tilespmem:$0x1C800] =	vst v63  }
0x88: {  	_ =	swait.ge [sflag:s23], $0x4000  }
0x89: {  	[sflag:s23] =	ssyncset.done $0x0  }
0x8a: {  	s11 =	rddreg [dreg:$0x9];
	[sflag:s23] =	ssyncadd.s32 $0xFFFFC000  }
0x8b: {  	[tilespmem:s22], [sflag:$0x3] =	stream.linear.gather [spmem:s11], $0x4000, $0x38;
	[tilespmem:$0x1C800] =	vst v63  }
0x8c: {  	_ =	swait.ge [sflag:s23], $0x4000  }
0x8d: {  	[sflag:s23] =	ssyncset.done $0x0  }
0x8e: {  	s13 =	rddreg [dreg:$0xf];
	[sflag:s23] =	ssyncadd.s32 $0xFFFFC000  }
0x8f: {  	[hbm4b:s13+s2] =	stream.linear.scatter [tilespmem:s22], [sflag:$0x3], $0x4000, $0x38;
	[tilespmem:$0x1C800] =	vst v63  }
0x90: {  	_ =	swait.ge [sflag:s23], $0x4000  }
0x91: {  	[sflag:s23] =	ssyncset.done $0x0  }
0x92: {  	s13 =	rddreg [dreg:$0xa];
	[sflag:s23] =	ssyncadd.s32 $0xFFFFC000  }
0x93: {  	[tilespmem:s22], [sflag:$0x3] =	stream.linear.gather [spmem:s13], $0x4000, $0x38;
	[tilespmem:$0x1C800] =	vst v63  }
0x94: {  	_ =	swait.ge [sflag:s23], $0x4000  }
0x95: {  	[sflag:s23] =	ssyncset.done $0x0  }
0x96: {  	s11 =	rddreg [dreg:$0x10];
	[sflag:s23] =	ssyncadd.s32 $0xFFFFC000  }
0x97: {  	[hbm4b:s11+s2] =	stream.linear.scatter [tilespmem:s22], [sflag:$0x3], $0x4000, $0x38;
	[tilespmem:$0x1C800] =	vst v63  }
0x98: {  	_ =	swait.ge [sflag:s23], $0x4000  }
0x99: {  	s11 =	rddreg [dreg:$0x12]  }
0x9a: {  	s5 =	rddreg [dreg:$0x11];
	s11 =	sadd.s32 $0x1, s11  }
0x9b: {  	p1 =	sne.s32 s11, s5  }
.Ltmp1:
0x9c: {  	_ = 	snop;
	(pc) =	sbr.rel @!p1 .LBB2_7-.Ltmp1, $3  }
0x9d: {  	_ =	sdelay $0x1  }
0x9e: {  	[sflag:s23] =	ssyncset.done $0x0;
	[dreg:$0x12] =	wrdreg s11  }
0x9f: {  	[sflag:s23] =	ssyncadd.s32 $0xFFFFC000;
	s11 =	rddreg [dreg:$0x7]  }
.LBB2_1:
0xa0: {  	s5 =	rddreg [dreg:$0x5]  }
0xa1: {  	[tilespmem:s22], [sflag:$0x3] =	stream.linear.gather [hbm4b:s5+s2], $0x4000, $0x38;
	[tilespmem:$0x1C800] =	vst v63  }
0xa2: {  	_ =	swait.ge [sflag:s23], $0x4000  }
0xa3: {  	[sflag:s23] =	ssyncset.done $0x0  }
0xa4: {  	[sflag:s23] =	ssyncadd.s32 $0xFFFFC000  }
0xa5: {  	[spmem:s6] =	stream.linear.scatter [tilespmem:s22], [sflag:$0x3], $0x4000, $0x38;
	[tilespmem:$0x1C800] =	vst v63  }
0xa6: {  	_ =	swait.ge [sflag:s23], $0x4000  }
0xa7: {  	[sflag:s23] =	ssyncset.done $0x0  }
0xa8: {  	[sflag:s23] =	ssyncadd.s32 $0xFFFFC000  }
0xa9: {  	[spmem:s11] =	stream.linear.scatter [tilespmem:s22], [sflag:$0x3], $0x4000, $0x38;
	[tilespmem:$0x1C800] =	vst v63  }
0xaa: {  	_ =	swait.ge [sflag:s23], $0x4000  }
0xab: {  	[sflag:s23] =	ssyncset.done $0x0  }
0xac: {  	s6 =	rddreg [dreg:$0x8];
	[sflag:s23] =	ssyncadd.s32 $0xFFFFC000  }
0xad: {  	[spmem:s6] =	stream.linear.scatter [tilespmem:s22], [sflag:$0x3], $0x4000, $0x38;
	[tilespmem:$0x1C800] =	vst v63  }
0xae: {  	_ =	swait.ge [sflag:s23], $0x4000  }
0xaf: {  	[sflag:s23] =	ssyncset.done $0x0  }
0xb0: {  	s11 =	rddreg [dreg:$0x9];
	[sflag:s23] =	ssyncadd.s32 $0xFFFFC000  }
0xb1: {  	[spmem:s11] =	stream.linear.scatter [tilespmem:s22], [sflag:$0x3], $0x4000, $0x38;
	[tilespmem:$0x1C800] =	vst v63  }
0xb2: {  	_ =	swait.ge [sflag:s23], $0x4000  }
0xb3: {  	[sflag:s23] =	ssyncset.done $0x0  }
0xb4: {  	[sflag:s23] =	ssyncadd.s32 $0xFFFFC000  }
0xb5: {  	[spmem:s13] =	stream.linear.scatter [tilespmem:s22], [sflag:$0x3], $0x4000, $0x38;
	[tilespmem:$0x1C800] =	vst v63  }
.Ltmp2:
0xb6: {  	_ =	swait.ge [sflag:s23], $0x4000;
	(pc) =	sbr.rel @!p0 .LBB2_2-.Ltmp2, $4  }
0xb7: {  	[sflag:s23] =	ssyncset.done $0x0  }
0xb8: {  	[sflag:s23] =	ssyncadd.s32 $0xFFFFC000  }
0xb9: {  	[bflag:$0x0] =	sbarrier.arrive $0xFFFF  }
0xba: {  	p1 =	por $0x1, $0x1;
	s11 =	simm.s32 $0x0;
	s13 =	rddreg [dreg:$0xb]  }
.LBB2_5:
0xbb: {  	s5 =	sor.u32 s13, s11  }
0xbc: {  	s6 =	sadd.s32 s10, s5  }
0xbd: {  	[tilespmem:s2], [sflag:$0x3] =	stream.linear.gather [hbm4b:s6+s2], $0x400, $0x38;
	[tilespmem:$0x1C800] =	vst v63  }
0xbe: {  	_ =	swait.ge [sflag:s23], $0x400  }
0xbf: {  	[sflag:s23] =	ssyncset.done $0x0  }
0xc0: {  	s5 =	sadd.s32 s12, s5;
	[sflag:s23] =	ssyncadd.s32 $0xFFFFFC00  }
0xc1: {  	[tilespmem:s24], [sflag:$0x3] =	stream.linear.gather [hbm4b:s5+s2], $0x400, $0x38;
	[tilespmem:$0x1C800] =	vst v63  }
0xc2: {  	_ =	swait.ge [sflag:s23], $0x400  }
0xc3: {  	[sflag:s23] =	ssyncset.done $0x0  }
0xc4: {  	s11 =	simm.s32 $0x80;
	[sflag:s23] =	ssyncadd.s32 $0xFFFFFC00  }
0xc5: {  	[tilespmem:s22], [sflag:$0x1] =	stream.indirect.gather [hbm4b:s4+s11], $0x80, s2, s11, $0xb8;
	[tilespmem:$0x1C800] =	vst v63  }
0xc6: {  	_ =	swait.ge [sflag:s25], $0x4000  }
0xc7: {  	[sflag:s25] =	ssyncset.done $0x0  }
0xc8: {  	[sflag:s25] =	ssyncadd.s32 $0xFFFFC000  }
0xc9: {  	[tilespmem:s26], [sflag:$0x2] =	stream.indirect.gather [hbm4b:s4+s11], $0x80, s11, s11, $0xb8;
	[tilespmem:$0x1C800] =	vst v63  }
0xca: {  	_ = 	snop  }
0xcb: {  	[spmem:s1] =	stream.indirect.scatter.add.f32 [tilespmem:s22], [sflag:$0x3], $0x80, s24, s11, $0xb8;
	[tilespmem:$0x1C800] =	vst v63  }
0xcc: {  	_ =	swait.ge [sflag:s23], $0x4000  }
0xcd: {  	[sflag:s23] =	ssyncset.done $0x0  }
0xce: {  	[sflag:s23] =	ssyncadd.s32 $0xFFFFC000  }
0xcf: {  	_ =	swait.ge [sflag:s28], $0x4000  }
0xd0: {  	[sflag:s28] =	ssyncset.done $0x0  }
0xd1: {  	[sflag:s28] =	ssyncadd.s32 $0xFFFFC000  }
0xd2: {  	[tilespmem:s22], [sflag:$0x1] =	stream.indirect.gather [hbm4b:s4+s11], $0x80, s29, s11, $0xb8;
	[tilespmem:$0x1C800] =	vst v63  }
0xd3: {  	_ = 	snop  }
0xd4: {  	[spmem:s1] =	stream.indirect.scatter.add.f32 [tilespmem:s26], [sflag:$0x3], $0x80, s30, s11, $0xb8;
	[tilespmem:$0x1C800] =	vst v63  }
0xd5: {  	_ =	swait.ge [sflag:s23], $0x4000  }
0xd6: {  	[sflag:s23] =	ssyncset.done $0x0  }
0xd7: {  	[sflag:s23] =	ssyncadd.s32 $0xFFFFC000  }
0xd8: {  	_ =	swait.ge [sflag:s25], $0x4000  }
0xd9: {  	[sflag:s25] =	ssyncset.done $0x0  }
0xda: {  	[sflag:s25] =	ssyncadd.s32 $0xFFFFC000  }
0xdb: {  	[tilespmem:s26], [sflag:$0x2] =	stream.indirect.gather [hbm4b:s4+s11], $0x80, s31, s11, $0xb8;
	[tilespmem:$0x1C800] =	vst v63  }
0xdc: {  	_ = 	snop  }
0xdd: {  	[spmem:s1] =	stream.indirect.scatter.add.f32 [tilespmem:s22], [sflag:$0x3], $0x80, s0, s11, $0xb8;
	[tilespmem:$0x1C800] =	vst v63  }
0xde: {  	_ =	swait.ge [sflag:s23], $0x4000  }
0xdf: {  	[sflag:s23] =	ssyncset.done $0x0  }
0xe0: {  	[sflag:s23] =	ssyncadd.s32 $0xFFFFC000  }
0xe1: {  	_ =	swait.ge [sflag:s28], $0x4000  }
0xe2: {  	[sflag:s28] =	ssyncset.done $0x0  }
0xe3: {  	[sflag:s28] =	ssyncadd.s32 $0xFFFFC000  }
0xe4: {  	[tilespmem:s22], [sflag:$0x1] =	stream.indirect.gather [hbm4b:s4+s11], $0x80, s3, s11, $0xb8;
	[tilespmem:$0x1C800] =	vst v63  }
0xe5: {  	_ = 	snop  }
0xe6: {  	[spmem:s1] =	stream.indirect.scatter.add.f32 [tilespmem:s26], [sflag:$0x3], $0x80, s7, s11, $0xb8;
	[tilespmem:$0x1C800] =	vst v63  }
0xe7: {  	_ =	swait.ge [sflag:s23], $0x4000  }
0xe8: {  	[sflag:s23] =	ssyncset.done $0x0  }
0xe9: {  	[sflag:s23] =	ssyncadd.s32 $0xFFFFC000  }
0xea: {  	_ =	swait.ge [sflag:s25], $0x4000  }
0xeb: {  	[sflag:s25] =	ssyncset.done $0x0  }
0xec: {  	[sflag:s25] =	ssyncadd.s32 $0xFFFFC000  }
0xed: {  	[tilespmem:s26], [sflag:$0x2] =	stream.indirect.gather [hbm4b:s4+s11], $0x80, s14, s11, $0xb8;
	[tilespmem:$0x1C800] =	vst v63  }
0xee: {  	_ = 	snop  }
0xef: {  	[spmem:s1] =	stream.indirect.scatter.add.f32 [tilespmem:s22], [sflag:$0x3], $0x80, s15, s11, $0xb8;
	[tilespmem:$0x1C800] =	vst v63  }
0xf0: {  	_ =	swait.ge [sflag:s23], $0x4000  }
0xf1: {  	[sflag:s23] =	ssyncset.done $0x0  }
0xf2: {  	[sflag:s23] =	ssyncadd.s32 $0xFFFFC000  }
0xf3: {  	_ =	swait.ge [sflag:s28], $0x4000  }
0xf4: {  	[sflag:s28] =	ssyncset.done $0x0  }
0xf5: {  	[sflag:s28] =	ssyncadd.s32 $0xFFFFC000  }
0xf6: {  	[tilespmem:s22], [sflag:$0x1] =	stream.indirect.gather [hbm4b:s4+s11], $0x80, s16, s11, $0xb8;
	[tilespmem:$0x1C800] =	vst v63  }
0xf7: {  	_ = 	snop  }
0xf8: {  	[spmem:s1] =	stream.indirect.scatter.add.f32 [tilespmem:s26], [sflag:$0x3], $0x80, s17, s11, $0xb8;
	[tilespmem:$0x1C800] =	vst v63  }
0xf9: {  	_ =	swait.ge [sflag:s23], $0x4000  }
0xfa: {  	[sflag:s23] =	ssyncset.done $0x0  }
0xfb: {  	[sflag:s23] =	ssyncadd.s32 $0xFFFFC000  }
0xfc: {  	_ =	swait.ge [sflag:s25], $0x4000  }
0xfd: {  	[sflag:s25] =	ssyncset.done $0x0  }
0xfe: {  	[sflag:s25] =	ssyncadd.s32 $0xFFFFC000  }
0xff: {  	[tilespmem:s26], [sflag:$0x2] =	stream.indirect.gather [hbm4b:s4+s11], $0x80, s18, s11, $0xb8;
	[tilespmem:$0x1C800] =	vst v63  }
0x100: {  	_ = 	snop  }
0x101: {  	[spmem:s1] =	stream.indirect.scatter.add.f32 [tilespmem:s22], [sflag:$0x3], $0x80, s19, s11, $0xb8;
	[tilespmem:$0x1C800] =	vst v63  }
0x102: {  	_ =	swait.ge [sflag:s23], $0x4000  }
0x103: {  	[sflag:s23] =	ssyncset.done $0x0  }
0x104: {  	[sflag:s23] =	ssyncadd.s32 $0xFFFFC000  }
0x105: {  	_ =	swait.ge [sflag:s28], $0x4000  }
0x106: {  	p2 =	por p1, p1;
	[sflag:s28] =	ssyncset.done $0x0  }
.Ltmp3:
0x107: {  	[sflag:s28] =	ssyncadd.s32 $0xFFFFC000;
	(pc) =	sbr.rel @p2 .LBB2_5-.Ltmp3, $4  }
0x108: {  	[spmem:s1] =	stream.indirect.scatter.add.f32 [tilespmem:s26], [sflag:$0x3], $0x80, s8, s11, $0xb8;
	[tilespmem:$0x1C800] =	vst v63  }
0x109: {  	_ =	swait.ge [sflag:s23], $0x4000  }
0x10a: {  	[sflag:s23] =	ssyncset.done $0x0  }
0x10b: {  	p1 =	por $0x0, $0x0;
	[sflag:s23] =	ssyncadd.s32 $0xFFFFC000  }
.Ltmp4:
0x10c: {  	_ = 	snop;
	(pc) =	sbr.rel .LBB2_6-.Ltmp4, $1  }
0x10d: {  	_ =	sdelay $0x3  }
.LBB2_2:
0x10e: {  	s10 =	sadd.s32 $0x0, s21  }
0x10f: {  	[tilespmem:s2], [sflag:$0x3] =	stream.linear.gather [hbm4b:s10+s2], $0x400, $0x38;
	[tilespmem:$0x1C800] =	vst v63  }
0x110: {  	_ =	swait.ge [sflag:s23], $0x400  }
0x111: {  	[sflag:s23] =	ssyncset.done $0x0  }
0x112: {  	s13 =	sadd.s32 $0x0, s20;
	[sflag:s23] =	ssyncadd.s32 $0xFFFFFC00  }
0x113: {  	[tilespmem:s24], [sflag:$0x3] =	stream.linear.gather [hbm4b:s13+s2], $0x400, $0x38;
	[tilespmem:$0x1C800] =	vst v63  }
0x114: {  	_ =	swait.ge [sflag:s23], $0x400  }
0x115: {  	[sflag:s23] =	ssyncset.done $0x0  }
0x116: {  	[sflag:s23] =	ssyncadd.s32 $0xFFFFFC00  }
0x117: {  	[tilespmem:s22], [sflag:$0x1] =	stream.indirect.gather [hbm4b:s4+s9], $0x80, s2, s9, $0xb8;
	[tilespmem:$0x1C800] =	vst v63  }
0x118: {  	_ =	swait.ge [sflag:s25], $0x4000  }
0x119: {  	[sflag:s25] =	ssyncset.done $0x0  }
0x11a: {  	[sflag:s25] =	ssyncadd.s32 $0xFFFFC000  }
0x11b: {  	[tilespmem:s26], [sflag:$0x2] =	stream.indirect.gather [hbm4b:s4+s9], $0x80, s9, s9, $0xb8;
	[tilespmem:$0x1C800] =	vst v63  }
0x11c: {  	_ = 	snop  }
0x11d: {  	[spmem:s1] =	stream.indirect.scatter.add.f32 [tilespmem:s22], [sflag:$0x3], $0x80, s24, s9, $0xb8;
	[tilespmem:$0x1C800] =	vst v63  }
0x11e: {  	_ =	swait.ge [sflag:s23], $0x4000  }
0x11f: {  	[sflag:s23] =	ssyncset.done $0x0  }
0x120: {  	[sflag:s23] =	ssyncadd.s32 $0xFFFFC000  }
0x121: {  	_ =	swait.ge [sflag:s28], $0x4000  }
0x122: {  	[sflag:s28] =	ssyncset.done $0x0  }
0x123: {  	[sflag:s28] =	ssyncadd.s32 $0xFFFFC000  }
0x124: {  	[tilespmem:s22], [sflag:$0x1] =	stream.indirect.gather [hbm4b:s4+s9], $0x80, s29, s9, $0xb8;
	[tilespmem:$0x1C800] =	vst v63  }
0x125: {  	_ = 	snop  }
0x126: {  	[spmem:s1] =	stream.indirect.scatter.add.f32 [tilespmem:s26], [sflag:$0x3], $0x80, s30, s9, $0xb8;
	[tilespmem:$0x1C800] =	vst v63  }
0x127: {  	_ =	swait.ge [sflag:s23], $0x4000  }
0x128: {  	[sflag:s23] =	ssyncset.done $0x0  }
0x129: {  	[sflag:s23] =	ssyncadd.s32 $0xFFFFC000  }
0x12a: {  	_ =	swait.ge [sflag:s25], $0x4000  }
0x12b: {  	[sflag:s25] =	ssyncset.done $0x0  }
0x12c: {  	[sflag:s25] =	ssyncadd.s32 $0xFFFFC000  }
0x12d: {  	[tilespmem:s26], [sflag:$0x2] =	stream.indirect.gather [hbm4b:s4+s9], $0x80, s31, s9, $0xb8;
	[tilespmem:$0x1C800] =	vst v63  }
0x12e: {  	_ = 	snop  }
0x12f: {  	[spmem:s1] =	stream.indirect.scatter.add.f32 [tilespmem:s22], [sflag:$0x3], $0x80, s0, s9, $0xb8;
	[tilespmem:$0x1C800] =	vst v63  }
0x130: {  	_ =	swait.ge [sflag:s23], $0x4000  }
0x131: {  	[sflag:s23] =	ssyncset.done $0x0  }
0x132: {  	[sflag:s23] =	ssyncadd.s32 $0xFFFFC000  }
0x133: {  	_ =	swait.ge [sflag:s28], $0x4000  }
0x134: {  	[sflag:s28] =	ssyncset.done $0x0  }
0x135: {  	[sflag:s28] =	ssyncadd.s32 $0xFFFFC000  }
0x136: {  	[tilespmem:s22], [sflag:$0x1] =	stream.indirect.gather [hbm4b:s4+s9], $0x80, s3, s9, $0xb8;
	[tilespmem:$0x1C800] =	vst v63  }
0x137: {  	_ = 	snop  }
0x138: {  	[spmem:s1] =	stream.indirect.scatter.add.f32 [tilespmem:s26], [sflag:$0x3], $0x80, s7, s9, $0xb8;
	[tilespmem:$0x1C800] =	vst v63  }
0x139: {  	_ =	swait.ge [sflag:s23], $0x4000  }
0x13a: {  	[sflag:s23] =	ssyncset.done $0x0  }
0x13b: {  	[sflag:s23] =	ssyncadd.s32 $0xFFFFC000  }
0x13c: {  	_ =	swait.ge [sflag:s25], $0x4000  }
0x13d: {  	[sflag:s25] =	ssyncset.done $0x0  }
0x13e: {  	[sflag:s25] =	ssyncadd.s32 $0xFFFFC000  }
0x13f: {  	[tilespmem:s26], [sflag:$0x2] =	stream.indirect.gather [hbm4b:s4+s9], $0x80, s14, s9, $0xb8;
	[tilespmem:$0x1C800] =	vst v63  }
0x140: {  	_ = 	snop  }
0x141: {  	[spmem:s1] =	stream.indirect.scatter.add.f32 [tilespmem:s22], [sflag:$0x3], $0x80, s15, s9, $0xb8;
	[tilespmem:$0x1C800] =	vst v63  }
0x142: {  	_ =	swait.ge [sflag:s23], $0x4000  }
0x143: {  	[sflag:s23] =	ssyncset.done $0x0  }
0x144: {  	[sflag:s23] =	ssyncadd.s32 $0xFFFFC000  }
0x145: {  	_ =	swait.ge [sflag:s28], $0x4000  }
0x146: {  	[sflag:s28] =	ssyncset.done $0x0  }
0x147: {  	[sflag:s28] =	ssyncadd.s32 $0xFFFFC000  }
0x148: {  	[tilespmem:s22], [sflag:$0x1] =	stream.indirect.gather [hbm4b:s4+s9], $0x80, s16, s9, $0xb8;
	[tilespmem:$0x1C800] =	vst v63  }
0x149: {  	_ = 	snop  }
0x14a: {  	[spmem:s1] =	stream.indirect.scatter.add.f32 [tilespmem:s26], [sflag:$0x3], $0x80, s17, s9, $0xb8;
	[tilespmem:$0x1C800] =	vst v63  }
0x14b: {  	_ =	swait.ge [sflag:s23], $0x4000  }
0x14c: {  	[sflag:s23] =	ssyncset.done $0x0  }
0x14d: {  	[sflag:s23] =	ssyncadd.s32 $0xFFFFC000  }
0x14e: {  	_ =	swait.ge [sflag:s25], $0x4000  }
0x14f: {  	[sflag:s25] =	ssyncset.done $0x0  }
0x150: {  	[sflag:s25] =	ssyncadd.s32 $0xFFFFC000  }
0x151: {  	[tilespmem:s26], [sflag:$0x2] =	stream.indirect.gather [hbm4b:s4+s9], $0x80, s18, s9, $0xb8;
	[tilespmem:$0x1C800] =	vst v63  }
0x152: {  	_ = 	snop  }
0x153: {  	[spmem:s1] =	stream.indirect.scatter.add.f32 [tilespmem:s22], [sflag:$0x3], $0x80, s19, s9, $0xb8;
	[tilespmem:$0x1C800] =	vst v63  }
0x154: {  	_ =	swait.ge [sflag:s23], $0x4000  }
0x155: {  	[sflag:s23] =	ssyncset.done $0x0  }
0x156: {  	[sflag:s23] =	ssyncadd.s32 $0xFFFFC000  }
0x157: {  	_ =	swait.ge [sflag:s28], $0x4000  }
0x158: {  	[sflag:s28] =	ssyncset.done $0x0  }
0x159: {  	[sflag:s28] =	ssyncadd.s32 $0xFFFFC000  }
0x15a: {  	[spmem:s1] =	stream.indirect.scatter.add.f32 [tilespmem:s26], [sflag:$0x3], $0x80, s8, s9, $0xb8;
	[tilespmem:$0x1C800] =	vst v63  }
0x15b: {  	_ =	swait.ge [sflag:s23], $0x4000  }
0x15c: {  	s11 =	simm.s32 $0x80;
	s12 =	simm.s32 $0x100;
	[sflag:s23] =	ssyncset.done $0x0  }
.LBB2_3:
0x15d: {  	s5 =	sadd.s32 s11, s21  }
0x15e: {  	[sflag:s23] =	ssyncadd.s32 $0xFFFFC000;
	s6 =	smov.u32 s12;
	s10 =	sadd.s32 $0x80, s12  }
0x15f: {  	[tilespmem:s2], [sflag:$0x3] =	stream.linear.gather [hbm4b:s5+s2], $0x400, $0x38;
	[tilespmem:$0x1C800] =	vst v63  }
0x160: {  	p1 =	seq.s32 s12, $0x880;
	_ =	swait.ge [sflag:s23], $0x400  }
0x161: {  	[sflag:s23] =	ssyncset.done $0x0  }
0x162: {  	s5 =	sadd.s32 s11, s20;
	s11 =	smov.u32 s6;
	[sflag:s23] =	ssyncadd.s32 $0xFFFFFC00  }
0x163: {  	[tilespmem:s24], [sflag:$0x3] =	stream.linear.gather [hbm4b:s5+s2], $0x400, $0x38;
	[tilespmem:$0x1C800] =	vst v63  }
0x164: {  	_ =	swait.ge [sflag:s23], $0x400  }
0x165: {  	[sflag:s23] =	ssyncset.done $0x0  }
0x166: {  	[sflag:s23] =	ssyncadd.s32 $0xFFFFFC00  }
0x167: {  	[tilespmem:s22], [sflag:$0x1] =	stream.indirect.gather [hbm4b:s4+s9], $0x80, s2, s9, $0xb8;
	[tilespmem:$0x1C800] =	vst v63  }
0x168: {  	_ =	swait.ge [sflag:s25], $0x4000  }
0x169: {  	[sflag:s25] =	ssyncset.done $0x0  }
0x16a: {  	[sflag:s25] =	ssyncadd.s32 $0xFFFFC000  }
0x16b: {  	[tilespmem:s26], [sflag:$0x2] =	stream.indirect.gather [hbm4b:s4+s9], $0x80, s9, s9, $0xb8;
	[tilespmem:$0x1C800] =	vst v63  }
0x16c: {  	_ = 	snop  }
0x16d: {  	[spmem:s1] =	stream.indirect.scatter.add.f32 [tilespmem:s22], [sflag:$0x3], $0x80, s24, s9, $0xb8;
	[tilespmem:$0x1C800] =	vst v63  }
0x16e: {  	_ =	swait.ge [sflag:s23], $0x4000  }
0x16f: {  	[sflag:s23] =	ssyncset.done $0x0  }
0x170: {  	[sflag:s23] =	ssyncadd.s32 $0xFFFFC000  }
0x171: {  	_ =	swait.ge [sflag:s28], $0x4000  }
0x172: {  	[sflag:s28] =	ssyncset.done $0x0  }
0x173: {  	[sflag:s28] =	ssyncadd.s32 $0xFFFFC000  }
0x174: {  	[tilespmem:s22], [sflag:$0x1] =	stream.indirect.gather [hbm4b:s4+s9], $0x80, s29, s9, $0xb8;
	[tilespmem:$0x1C800] =	vst v63  }
0x175: {  	_ = 	snop  }
0x176: {  	[spmem:s1] =	stream.indirect.scatter.add.f32 [tilespmem:s26], [sflag:$0x3], $0x80, s30, s9, $0xb8;
	[tilespmem:$0x1C800] =	vst v63  }
0x177: {  	_ =	swait.ge [sflag:s23], $0x4000  }
0x178: {  	[sflag:s23] =	ssyncset.done $0x0  }
0x179: {  	[sflag:s23] =	ssyncadd.s32 $0xFFFFC000  }
0x17a: {  	_ =	swait.ge [sflag:s25], $0x4000  }
0x17b: {  	[sflag:s25] =	ssyncset.done $0x0  }
0x17c: {  	[sflag:s25] =	ssyncadd.s32 $0xFFFFC000  }
0x17d: {  	[tilespmem:s26], [sflag:$0x2] =	stream.indirect.gather [hbm4b:s4+s9], $0x80, s31, s9, $0xb8;
	[tilespmem:$0x1C800] =	vst v63  }
0x17e: {  	_ = 	snop  }
0x17f: {  	[spmem:s1] =	stream.indirect.scatter.add.f32 [tilespmem:s22], [sflag:$0x3], $0x80, s0, s9, $0xb8;
	[tilespmem:$0x1C800] =	vst v63  }
0x180: {  	_ =	swait.ge [sflag:s23], $0x4000  }
0x181: {  	[sflag:s23] =	ssyncset.done $0x0  }
0x182: {  	[sflag:s23] =	ssyncadd.s32 $0xFFFFC000  }
0x183: {  	_ =	swait.ge [sflag:s28], $0x4000  }
0x184: {  	[sflag:s28] =	ssyncset.done $0x0  }
0x185: {  	[sflag:s28] =	ssyncadd.s32 $0xFFFFC000  }
0x186: {  	[tilespmem:s22], [sflag:$0x1] =	stream.indirect.gather [hbm4b:s4+s9], $0x80, s3, s9, $0xb8;
	[tilespmem:$0x1C800] =	vst v63  }
0x187: {  	_ = 	snop  }
0x188: {  	[spmem:s1] =	stream.indirect.scatter.add.f32 [tilespmem:s26], [sflag:$0x3], $0x80, s7, s9, $0xb8;
	[tilespmem:$0x1C800] =	vst v63  }
0x189: {  	_ =	swait.ge [sflag:s23], $0x4000  }
0x18a: {  	[sflag:s23] =	ssyncset.done $0x0  }
0x18b: {  	[sflag:s23] =	ssyncadd.s32 $0xFFFFC000  }
0x18c: {  	_ =	swait.ge [sflag:s25], $0x4000  }
0x18d: {  	[sflag:s25] =	ssyncset.done $0x0  }
0x18e: {  	[sflag:s25] =	ssyncadd.s32 $0xFFFFC000  }
0x18f: {  	[tilespmem:s26], [sflag:$0x2] =	stream.indirect.gather [hbm4b:s4+s9], $0x80, s14, s9, $0xb8;
	[tilespmem:$0x1C800] =	vst v63  }
0x190: {  	_ = 	snop  }
0x191: {  	[spmem:s1] =	stream.indirect.scatter.add.f32 [tilespmem:s22], [sflag:$0x3], $0x80, s15, s9, $0xb8;
	[tilespmem:$0x1C800] =	vst v63  }
0x192: {  	_ =	swait.ge [sflag:s23], $0x4000  }
0x193: {  	[sflag:s23] =	ssyncset.done $0x0  }
0x194: {  	[sflag:s23] =	ssyncadd.s32 $0xFFFFC000  }
0x195: {  	_ =	swait.ge [sflag:s28], $0x4000  }
0x196: {  	[sflag:s28] =	ssyncset.done $0x0  }
0x197: {  	[sflag:s28] =	ssyncadd.s32 $0xFFFFC000  }
0x198: {  	[tilespmem:s22], [sflag:$0x1] =	stream.indirect.gather [hbm4b:s4+s9], $0x80, s16, s9, $0xb8;
	[tilespmem:$0x1C800] =	vst v63  }
0x199: {  	_ = 	snop  }
0x19a: {  	[spmem:s1] =	stream.indirect.scatter.add.f32 [tilespmem:s26], [sflag:$0x3], $0x80, s17, s9, $0xb8;
	[tilespmem:$0x1C800] =	vst v63  }
0x19b: {  	_ =	swait.ge [sflag:s23], $0x4000  }
0x19c: {  	[sflag:s23] =	ssyncset.done $0x0  }
0x19d: {  	[sflag:s23] =	ssyncadd.s32 $0xFFFFC000  }
0x19e: {  	_ =	swait.ge [sflag:s25], $0x4000  }
0x19f: {  	[sflag:s25] =	ssyncset.done $0x0  }
0x1a0: {  	[sflag:s25] =	ssyncadd.s32 $0xFFFFC000  }
0x1a1: {  	[tilespmem:s26], [sflag:$0x2] =	stream.indirect.gather [hbm4b:s4+s9], $0x80, s18, s9, $0xb8;
	[tilespmem:$0x1C800] =	vst v63  }
0x1a2: {  	_ = 	snop  }
0x1a3: {  	[spmem:s1] =	stream.indirect.scatter.add.f32 [tilespmem:s22], [sflag:$0x3], $0x80, s19, s9, $0xb8;
	[tilespmem:$0x1C800] =	vst v63  }
0x1a4: {  	_ =	swait.ge [sflag:s23], $0x4000  }
0x1a5: {  	[sflag:s23] =	ssyncset.done $0x0  }
0x1a6: {  	[sflag:s23] =	ssyncadd.s32 $0xFFFFC000  }
0x1a7: {  	_ =	swait.ge [sflag:s28], $0x4000  }
.Ltmp5:
0x1a8: {  	[sflag:s28] =	ssyncset.done $0x0;
	(pc) =	sbr.rel @!p1 .LBB2_3-.Ltmp5, $4  }
0x1a9: {  	[sflag:s28] =	ssyncadd.s32 $0xFFFFC000  }
0x1aa: {  	[spmem:s1] =	stream.indirect.scatter.add.f32 [tilespmem:s26], [sflag:$0x3], $0x80, s8, s9, $0xb8;
	[tilespmem:$0x1C800] =	vst v63  }
0x1ab: {  	_ =	swait.ge [sflag:s23], $0x4000  }
0x1ac: {  	s12 =	smov.u32 s10;
	[sflag:s23] =	ssyncset.done $0x0  }
.Ltmp6:
0x1ad: {  	_ = 	snop;
	(pc) =	sbr.rel .LBB2_4-.Ltmp6, $1  }
0x1ae: {  	_ =	sdelay $0x3  }
.LBB2_7:
0x1af: {  	_ =	sfence.sel $0x180000  }
0x1b0: {  	[bflag:$0x0] =	sbarrier.arrive $0xFFFF  }
0x1b1: {  	_ =	strace $0x9000004A  }
0x1b2: {  	s0 =	stileid.u32;
	[bflag:$0x2] =	sbarrier.arrive $0xFFFF  }
0x1b3: {  	p0 =	sne.s32 s0, $0x0;
	s0 =	rddreg [dreg:$0x2]  }
0x1b4: {  	s0 =	sadd.s32 @!p0 $0x100000, s0  }
0x1b5: {  	[sflag:s0] =	ssyncadd.tile.s32 @!p0 $0x1;
	_ =	shalt  }
.Lfunc_end2:
_tile_overlayer_lowered:
.L_overlay_start_2:
0x1b6: {  	(tag) =	ssettag $0x2  }
0x1b7: {  	s0 =	rddreg [dreg:$0x0];
	s2 =	stileid.u32  }
0x1b8: {  	s1 =	rddreg [dreg:$0x1];
	p0 =	sne.s32 s2, $0x0  }
0x1b9: {  	s3 =	rddreg [dreg:$0x2];
	[bflag:$0x3] =	sbarrier.arrive $0xFFFF;
	s2 =	simm.s32 @!p0 $0x1C03  }
0x1ba: {  	[timem:s3], [sflag:s2] =	dma.local @!p0 [hbm:s0], s1  }
0x1bb: {  	s0 =	simm.s32 @!p0 $0x3  }
0x1bc: {  	_ =	swait.ge @!p0 [sflag:s0], s1  }
0x1bd: {  	s1 =	ssub.s32 @!p0 $0x0, s1;
	[sflag:s0] =	ssyncset.done @!p0 $0x0  }
0x1be: {  	[sflag:s0] =	ssyncadd.s32 @!p0 s1  }
0x1bf: {  	[bflag:$0x3] =	sbarrier.arrive $0xFFFF  }
0x1c0: {  	_ =	shalt  }

// kernel: kernel.8.cloned.1.call-start
scs
__scs_entry_jumppad:
0x0: {  	(pc) =	sbr.rel $0x88, $3  }
0x1: {  	(tag) =	ssettag $0x0;
	lr =	simm.s32 $0x1  }
0x2: {  	[smem:$0x3F96] =	sst lr;
	_ =	strace $0xD0000000  }
0x3: {  	_ = 	snop  }
0x4: {  	_ = 	snop  }
0x5: {  	_ = 	snop  }
0x6: {  	_ = 	snop  }
0x7: {  	_ = 	snop  }
__scs_overlays_trampoline_lowered:
0x8: {  	[smem:$0x3FA5] =	sst s0  }
0x9: {  	[smem:$0x3FA6] =	sst s1  }
0xa: {  	[smem:$0x3FA7] =	sst s2  }
0xb: {  	[smem:$0x3FA8] =	sst s3  }
0xc: {  	[smem:$0x3FA9] =	sst s4  }
0xd: {  	[smem:$0x3FAA] =	sst s5  }
0xe: {  	[smem:$0x3FAB] =	sst s6  }
0xf: {  	[smem:$0x3FAC] =	sst s7  }
0x10: {  	[smem:$0x3FAD] =	sst s8  }
0x11: {  	[smem:$0x3FAE] =	sst s9;
	s0 =	simm.s32 @!p0 $0x0  }
0x12: {  	s1 =	sld [smem:$0x3F94];
	s0 =	simm.s32 @p0 $0x1  }
0x13: {  	[smem:$0x3FAF] =	sst s0;
	s0 =	simm.s32 @!p1 $0x0  }
0x14: {  	s2 =	sld [smem:$0x3F93];
	s0 =	simm.s32 @p1 $0x1  }
0x15: {  	[smem:$0x3FB0] =	sst s0;
	s0 =	simm.s32 @!p2 $0x0  }
0x16: {  	s3 =	sld [smem:$0x3FDB];
	s0 =	simm.s32 @p2 $0x1  }
0x17: {  	s4 =	simm.s32 $0x1BF5;
	[smem:$0x3FB2] =	sst s0  }
0x18: {  	s0 =	sld [smem:$0x3F95];
	_ =	swait.ge [sflag:s4], $0x0  }
0x19: {  	s7 =	sld [smem:$0x3F96]  }
0x1a: {  	s8 =	sadd.s32 $0xFFFFE003, lr  }
0x1b: {  	s9 =	sadd.s32 $0xFFFFFEF7, lr;
	s5 =	simm.s32 $0xFFFFFFFF;
	p2 =	slt.u32 s8, $0xFFFFF086  }
0x1c: {  	p1 =	slt.u32 s9, $0xF7A;
	s5 =	simm.s32 @!p2 $0x0  }
0x1d: {  	s5 =	simm.s32 @p1 $0x1;
	p0 =	seq.s32 s7, s2  }
0x1e: {  	s7 =	smul.u32 @!p0 $0xF7A, s2;
	p2 =	seq.s32 @!p0 s5, $0x0  }
0x1f: {  	s9 =	smul.u32 $0xF7A, s1;
	s8 =	simm.s32 @!p0 $0x1BF5;
	p2 =	por !p2, p0  }
0x20: {  	[sflag:s8] =	ssyncset.s32 @!p0 $0xFFFFF086;
	s6 =	sadd.s32 @!p0 s3, s7;
	s7 =	simm.s32 @!p0 $0x108  }
0x21: {  	s3 =	sadd.s32 s3, s9;
	s6 =	sadd.s32 @!p0 $0x88, s6;
	s7 =	simm.s32 @p2 $0x1082  }
0x22: {  	[simem:s7], [sflag:s8] =	dma.local @!p0 [hbm:s6], $0xF7A  }
0x23: {  	s9 =	sor.u32 $0xD0000000, s2;
	s6 =	simm.s32 $0x108;
	_ =	swait.ge @!p0 [sflag:s8], $0x0  }
0x24: {  	s3 =	sadd.s32 $0x88, s3;
	s6 =	simm.s32 @!p1 $0x1082;
	[sflag:s4] =	ssyncset.s32 $0xFFFFF086  }
0x25: {  	[simem:s6], [sflag:s4] =	dma.local [hbm:s3], $0xF7A  }
0x26: {  	[smem:$0x3F96] =	sst s1;
	(tag) =	ssettag s2;
	_ =	strace s9  }
0x27: {  	s1 =	sld [smem:$0x3FA6]  }
0x28: {  	s2 =	sld [smem:$0x3FA7]  }
0x29: {  	s4 =	sld [smem:$0x3FA9]  }
0x2a: {  	p0 =	seq.s32 s5, $0x0;
	s5 =	sld [smem:$0x3FAA]  }
0x2b: {  	s6 =	sld [smem:$0x3FAB]  }
0x2c: {  	s7 =	sld [smem:$0x3FAC]  }
0x2d: {  	s3 =	simm.s32 $0x108;
	s8 =	sld [smem:$0x3FAD]  }
0x2e: {  	s3 =	simm.s32 @!p0 $0x1082;
	s9 =	sld [smem:$0x3FAE]  }
0x2f: {  	lr =	sadd.s32 s0, s3;
	s0 =	sld [smem:$0x3FA5]  }
0x30: {  	s3 =	sld [smem:$0x3FA8]  }
0x31: {  	[smem:$0x3FB1] =	sst s10  }
0x32: {  	s10 =	sld [smem:$0x3FAF];
	_ =	sdelay $0x3  }
0x33: {  	p0 =	seq.s32 s10, $0x1;
	s10 =	sld [smem:$0x3FB1];
	_ =	sdelay $0x3  }
0x34: {  	[smem:$0x3FB1] =	sst s10  }
0x35: {  	s10 =	sld [smem:$0x3FB0];
	_ =	sdelay $0x3  }
0x36: {  	p1 =	seq.s32 s10, $0x1;
	s10 =	sld [smem:$0x3FB1];
	_ =	sdelay $0x3  }
0x37: {  	[smem:$0x3FB1] =	sst s10  }
0x38: {  	s10 =	sld [smem:$0x3FB2]  }
0x39: {  	_ = 	snop;
	(pc) =	sbr.ind lr, $3  }
0x3a: {  	_ = 	snop  }
0x3b: {  	_ = 	snop  }
0x3c: {  	p2 =	seq.s32 s10, $0x1;
	s10 =	sld [smem:$0x3FB1]  }
0x3d: {  	_ =	shalt  }
0x3e: {  	_ =	shalt  }
0x3f: {  	_ =	shalt  }
0x40: {  	_ =	shalt  }
0x41: {  	_ =	shalt  }
0x42: {  	_ =	shalt  }
0x43: {  	_ =	shalt  }
0x44: {  	_ =	shalt  }
0x45: {  	_ =	shalt  }
0x46: {  	_ =	shalt  }
0x47: {  	_ =	shalt  }
0x48: {  	_ =	shalt  }
0x49: {  	_ =	shalt  }
0x4a: {  	_ =	shalt  }
0x4b: {  	_ =	shalt  }
0x4c: {  	_ =	shalt  }
0x4d: {  	_ =	shalt  }
0x4e: {  	_ =	shalt  }
0x4f: {  	_ =	shalt  }
0x50: {  	_ =	shalt  }
0x51: {  	_ =	shalt  }
0x52: {  	_ =	shalt  }
0x53: {  	_ =	shalt  }
0x54: {  	_ =	shalt  }
0x55: {  	_ =	shalt  }
0x56: {  	_ =	shalt  }
0x57: {  	_ =	shalt  }
0x58: {  	_ =	shalt  }
0x59: {  	_ =	shalt  }
0x5a: {  	_ =	shalt  }
0x5b: {  	_ =	shalt  }
0x5c: {  	_ =	shalt  }
0x5d: {  	_ =	shalt  }
0x5e: {  	_ =	shalt  }
0x5f: {  	_ =	shalt  }
0x60: {  	_ =	shalt  }
0x61: {  	_ =	shalt  }
0x62: {  	_ =	shalt  }
0x63: {  	_ =	shalt  }
0x64: {  	_ =	shalt  }
0x65: {  	_ =	shalt  }
0x66: {  	_ =	shalt  }
0x67: {  	_ =	shalt  }
0x68: {  	_ =	shalt  }
0x69: {  	_ =	shalt  }
0x6a: {  	_ =	shalt  }
0x6b: {  	_ =	shalt  }
0x6c: {  	_ =	shalt  }
0x6d: {  	_ =	shalt  }
0x6e: {  	_ =	shalt  }
0x6f: {  	_ =	shalt  }
0x70: {  	_ =	shalt  }
0x71: {  	_ =	shalt  }
0x72: {  	_ =	shalt  }
0x73: {  	_ =	shalt  }
0x74: {  	_ =	shalt  }
0x75: {  	_ =	shalt  }
0x76: {  	_ =	shalt  }
0x77: {  	_ =	shalt  }
0x78: {  	_ =	shalt  }
0x79: {  	_ =	shalt  }
0x7a: {  	_ =	shalt  }
0x7b: {  	_ =	shalt  }
0x7c: {  	_ =	shalt  }
0x7d: {  	_ =	shalt  }
0x7e: {  	_ =	shalt  }
0x7f: {  	_ =	shalt  }
0x80: {  	_ =	shalt  }
0x81: {  	_ =	shalt  }
0x82: {  	_ =	shalt  }
0x83: {  	_ =	shalt  }
0x84: {  	_ =	shalt  }
0x85: {  	_ =	shalt  }
0x86: {  	_ =	shalt  }
0x87: {  	_ =	shalt  }
.Lfunc_end0:
.L_simem_size_0:
called_computation_lowered:
.L_overlay_start_0:
0x88: {  	s2 =	sld [smem:$0x3FD9]  }
0x89: {  	s3 =	sld [smem:$0x3FFE];
	_ =	sdelay $0x1  }
0x8a: {  	s1 =	srdreg.scid  }
0x8b: {  	s0 =	sand.u32 $0x1, s1  }
0x8c: {  	s17 =	sshll.u32 s0, $0xA;
	s2 =	sadd.s32 s3, s2  }
0x8d: {  	s2 =	sadd.s32 s2, s17  }
0x8e: {  	[smem:$0x3FBD] =	sst s2  }
0x8f: {  	_ = 	snop  }
0x90: {  	s2 =	sld [smem:$0x3FD0];
	(tm) =	ssettm $0x1  }
0x91: {  	s18 =	sld [smem:$0x3FFB];
	_ =	sdelay $0x3  }
0x92: {  	_ =	strace s18  }
0x93: {  	s3 =	sld [smem:$0x3FFC];
	_ =	sdelay $0x3  }
0x94: {  	_ =	strace s3  }
0x95: {  	s3 =	sld [smem:$0x3FFD];
	_ =	sdelay $0x3  }
0x96: {  	_ =	strace s3  }
0x97: {  	_ =	strace $0x8FFFFFFF  }
0x98: {  	s19 =	sld [smem:$0x3FDB];
	_ =	sdelay $0x1  }
0x99: {  	s4 =	simm.s32 $_scs_section_size  }
0x9a: {  	s5 =	simm.s32 $_size__tile_overlayer_lowered;
	s6 =	simm.s32 $_tile_overlayer_lowered  }
0x9b: {  	s22 =	simm.s32 $0x1BFF;
	s21 =	sshll.u32 s6, $0x1;
	s3 =	sadd.s32 s4, s19  }
0x9c: {  	s7 =	simm.s32 $0x0;
	s20 =	sshll.u32 s5, $0x1;
	s5 =	sadd.s32 s21, s3  }
0x9d: {  	[timem:s7], [sflag:s22] =	dma.local [hbm:s5], s20  }
0x9e: {  	_ =	swait.ge [sflag:s22], s20  }
0x9f: {  	s4 =	ssub.s32 $0x0, s20;
	[sflag:s22] =	ssyncset.done $0x0  }
0xa0: {  	[sflag:s22] =	ssyncadd.s32 s4;
	_ =	sdelay $0x1  }
0xa1: {  	s23 =	simm.s32 $0x1B8B  }
0xa2: {  	_ =	swait.ge [sflag:s23], $0x1  }
0xa3: {  	[sflag:s23] =	ssyncset.done $0x0  }
0xa4: {  	s25 =	simm.s32 $0x1B8E;
	s24 =	sld [smem:$0x3FFE];
	[sflag:s23] =	ssyncadd.s32 $0xFFFFFFFF  }
0xa5: {  	s26 =	simm.s32 $execute0_lowered;
	[smem:$0x3FD2] =	sst s25  }
0xa6: {  	s5 =	sshll.u32 s26, $0x1;
	_ =	strace $0x80000046;
	[dreg:$0x1] =	wrdreg $0xFFFFFFFF  }
0xa7: {  	s28 =	simm.s32 $_size_execute0_lowered;
	s3 =	sadd.s32 s3, s5;
	[dreg:$0x0] =	wrdreg $0x0  }
0xa8: {  	s5 =	sshll.u32 s28, $0x1;
	[dreg:$0x2] =	wrdreg s3  }
0xa9: {  	[dreg:$0x3] =	wrdreg s5  }
0xaa: {  	[dreg:$0x4] =	wrdreg $0xC0  }
0xab: {  	_ =	task [dreg:s7], $0x5FFFF  }
0xac: {  	[dreg:$0x1] =	wrdreg $0xFFFFFFFF  }
0xad: {  	[dreg:$0x0] =	wrdreg $0x60  }
0xae: {  	[dreg:$0x2] =	wrdreg s24  }
0xaf: {  	[dreg:$0x3] =	wrdreg s2  }
0xb0: {  	[dreg:$0x4] =	wrdreg $0x88800  }
0xb1: {  	[dreg:$0x5] =	wrdreg $0x1C8800  }
0xb2: {  	[dreg:$0x6] =	wrdreg $0x9  }
0xb3: {  	_ =	task.clear_ibuf [dreg:s7], $0x7FFFF;
	_ =	strace $0x90000046  }
0xb4: {  	s29 =	simm.s32 $0x9;
	_ =	strace $0x80000048  }
0xb5: {  	_ =	swait.ge [sflag:s29], $0x1  }
0xb6: {  	[sflag:s29] =	ssyncadd.s32 $0xFFFFFFFF  }
0xb7: {  	_ =	strace $0x90000048  }
0xb8: {  	_ =	sfence  }
0xb9: {  	s30 =	sld [smem:$0x0];
	_ =	sdelay $0x2  }
0xba: {  	s31 =	sshll.u32 s1, $0xD;
	s1 =	sshrl.u32 s1, $0x2  }
0xbb: {  	s3 =	sand.u32 $0x4000, s31;
	s1 =	sadd.s32 s1, s30  }
0xbc: {  	s0 =	sor.u32 s3, s0;
	s1 =	sshll.u32 s1, $0x11  }
0xbd: {  	s0 =	sor.u32 s1, s0  }
0xbe: {  	s0 =	sadd.s32 $0x8F2B, s0  }
0xbf: {  	[sflag:s0] =	ssyncadd.remote.s32 $0x1  }
0xc0: {  	_ =	sfence.sel $0xFFFF  }
0xc1: {  	[dreg:$0x0] =	wrdreg $0xFFFFFFFF;
	(pc) =	sbr.abs _section_cstart, $3  }
0xc2: {  	[dreg:$0x1] =	wrdreg $0xFFFFFFFF  }
0xc3: {  	_ =	task.clear_ibuf [dreg:s7], $0x2FFFF;
	_ =	strace $0x9FFFFFFF  }
0xc4: {  	(tm) =	ssettm $0x7FFFFFFF  }
0xc5: {  	_ =	shalt  }
tec
execute0_lowered:
.L_overlay_start_1:
0x0: {  	(tag) =	ssettag $0x1  }
0x1: {  	s1 =	rddreg [dreg:$0x0];
	s0 =	srdreg.scid  }
0x2: {  	s21 =	stileid.u32;
	s2 =	rddreg [dreg:$0x2];
	s3 =	simm.s32 $0x0  }
0x3: {  	s28 =	simm.s32 $0x780;
	s29 =	simm.s32 $0x80;
	s4 =	smul.u32 $0x280, s21  }
0x4: {  	s9 =	sand.u32 $0x1, s0;
	s10 =	sadd.s32 $0x3E800, s1;
	s14 =	smul.u32 $0x14000, s21  }
0x5: {  	s11 =	sadd.s32 $0x3DE00, s1;
	s17 =	smul.u32 $0x500, s21;
	[smem:$0x7FF] =	sst s3  }
0x6: {  	s0 =	ssub.s32 $0x2, s9;
	s13 =	smul.u32 $0x140000, s9;
	s18 =	sshll.u32 s9, $0x7  }
0x7: {  	p0 =	seq.s32 s9, $0x1;
	s5 =	sshrl.u32 s0, $0x1;
	s6 =	sadd.s32 $0x100, s4  }
0x8: {  	s7 =	sadd.s32 $0x180, s4;
	s8 =	sadd.s32 $0x200, s4;
	s24 =	sor.u32 s18, s17  }
0x9: {  	s0 =	ssub.s32 s0, s5;
	s5 =	sadd.s32 $0x80, s4;
	s15 =	sshll.u32 s6, $0x7  }
0xa: {  	s16 =	sshll.u32 s7, $0x7;
	s19 =	sshll.u32 s8, $0x7;
	s14 =	sadd.s32 s14, s13  }
0xb: {  	s12 =	sshll.u32 s5, $0x7;
	s23 =	sshrl.u32 s14, $0x3;
	s26 =	sshll.u32 s5, $0x1  }
0xc: {  	s20 =	sadd.s32 s13, s15;
	s22 =	sadd.s32 s13, s16;
	s30 =	sadd.s32 s19, s2  }
0xd: {  	s0 =	smax.u32 s0, $0x1;
	s9 =	sadd.s32 s10, s23;
	s25 =	sadd.s32 s13, s12  }
0xe: {  	s20 =	sshrl.u32 s20, $0x3;
	s13 =	sadd.s32 s13, s19;
	s23 =	sshll.u32 s6, $0x1  }
0xf: {  	s19 =	simm.s32 $0x500;
	[dreg:$0x6] =	wrdreg s9;
	s9 =	sshrl.u32 s24, $0x3  }
0x10: {  	s14 =	sshrl.u32 s25, $0x3;
	s17 =	sadd.s32 s10, s20;
	s13 =	sshrl.u32 s13, $0x3  }
0x11: {  	s24 =	sshll.u32 s7, $0x1;
	s25 =	sor.u32 s18, s23;
	s14 =	sadd.s32 s10, s14  }
0x12: {  	[dreg:$0x8] =	wrdreg s17;
	s17 =	sshrl.u32 s22, $0x3;
	s9 =	sadd.s32 s11, s9  }
0x13: {  	[dreg:$0x7] =	wrdreg s14;
	s14 =	sor.u32 s18, s26;
	s17 =	sadd.s32 s10, s17  }
0x14: {  	s10 =	sadd.s32 s10, s13;
	s26 =	sshll.u32 s8, $0x1;
	[dreg:$0xb] =	wrdreg s9  }
0x15: {  	s13 =	sshrl.u32 s25, $0x3;
	s25 =	smul.u32 $0x50000, s21;
	[dreg:$0x9] =	wrdreg s17  }
0x16: {  	[dreg:$0xa] =	wrdreg s10;
	s10 =	sor.u32 s18, s24;
	s17 =	sor.u32 s18, s26  }
0x17: {  	s18 =	sshrl.u32 s14, $0x3;
	s20 =	sadd.s32 s11, s13;
	s14 =	rddreg [dreg:$0x3]  }
0x18: {  	s24 =	sadd.s32 $0x2200, s1;
	s26 =	sadd.s32 $0x3D400, s1;
	s10 =	sshrl.u32 s10, $0x3  }
0x19: {  	s9 =	sadd.s32 s11, s18;
	[dreg:$0xd] =	wrdreg s20;
	s23 =	sshrl.u32 s17, $0x3  }
0x1a: {  	s17 =	sadd.s32 $0x16200, s1;
	[dreg:$0xc] =	wrdreg s9;
	s22 =	sadd.s32 s11, s10  }
0x1b: {  	s13 =	sshrl.u32 s25, $0x2;
	s9 =	sadd.s32 s11, s23;
	[dreg:$0xe] =	wrdreg s22  }
0x1c: {  	s18 =	sadd.s32 s4, s14;
	s20 =	sadd.s32 s12, s2;
	[dreg:$0xf] =	wrdreg s9  }
0x1d: {  	s25 =	sadd.s32 s16, s2;
	_ =	strace $0x80000047;
	[dreg:$0x10] =	wrdreg s24  }
0x1e: {  	s31 =	sadd.s32 s8, s14;
	s4 =	simm.s32 $0x800;
	[dreg:$0x12] =	wrdreg s26  }
0x1f: {  	s8 =	simm.s32 $0x1;
	s22 =	sadd.s32 s5, s14;
	[dreg:$0x15] =	wrdreg s18  }
0x20: {  	s12 =	simm.s32 $0x100;
	s23 =	sadd.s32 s15, s2;
	[dreg:$0x17] =	wrdreg s22  }
0x21: {  	s10 =	smul.u32 $0x900, s21;
	s16 =	smov.u32 s20;
	[dreg:$0x18] =	wrdreg s23  }
0x22: {  	s15 =	simm.s32 $0x180;
	s20 =	simm.s32 $0x200;
	[dreg:$0x1a] =	wrdreg s25  }
0x23: {  	s5 =	simm.s32 $0x3;
	s9 =	simm.s32 $0x4800;
	[dreg:$0x1f] =	wrdreg s0  }
0x24: {  	s11 =	sadd.s32 s10, s24;
	s24 =	sadd.s32 s6, s14;
	[dreg:$0x16] =	wrdreg s16  }
0x25: {  	s18 =	sadd.s32 s7, s14;
	s26 =	sshll.u32 s21, $0x8;
	[dreg:$0x1c] =	wrdreg s30  }
0x26: {  	s6 =	simm.s32 $0x8800;
	s7 =	simm.s32 $0x400;
	[dreg:$0x1d] =	wrdreg s31  }
0x27: {  	s0 =	simm.s32 $0x580;
	s21 =	simm.s32 $0x280;
	[dreg:$0x5] =	wrdreg s11  }
0x28: {  	s22 =	simm.s32 $0x600;
	s23 =	simm.s32 $0x300;
	[dreg:$0x19] =	wrdreg s24  }
0x29: {  	s11 =	sadd.s32 $0xC200, s1;
	s1 =	sadd.s32 $0x3DC00, s1;
	[dreg:$0x1b] =	wrdreg s18  }
.Ltmp0:
0x2a: {  	s25 =	simm.s32 $0x380;
	[dreg:$0x13] =	wrdreg s1;
	(pc) =	sbr.rel .LBB2_1-.Ltmp0, $4  }
0x2b: {  	s24 =	simm.s32 $0x680;
	s1 =	sadd.s32 s13, s2;
	[dreg:$0x11] =	wrdreg s11  }
0x2c: {  	s13 =	simm.s32 $0x480;
	[dreg:$0x14] =	wrdreg s1;
	s1 =	sor.u32 $0x9000, s26  }
0x2d: {  	[dreg:$0x1e] =	wrdreg s1;
	s1 =	sadd.s32 s10, s11;
	s11 =	simm.s32 $0x0  }
0x2e: {  	s26 =	simm.s32 $0x700;
	s10 =	simm.s32 $0x2;
	[smem:$0x7FD] =	sst s11  }
.LBB2_4:
0x2f: {  	s11 =	sadd.s32 s31, s1;
	[sflag:s5] =	ssyncadd.s32 $0xFFFFFF80  }
0x30: {  	[tilespmem:s3], [sflag:$0x3] =	stream.linear.gather [hbm4b:s11+s3], $0x400, $0x38;
	[tilespmem:$0x1CB00] =	vst v63  }
0x31: {  	_ =	swait.ge [sflag:s5], $0x400  }
0x32: {  	s30 =	rddreg [dreg:$0x5];
	[sflag:s5] =	ssyncset.done $0x0  }
0x33: {  	s11 =	sadd.s32 s31, s30;
	[sflag:s5] =	ssyncadd.s32 $0xFFFFFC00  }
0x34: {  	[tilespmem:s7], [sflag:$0x3] =	stream.linear.gather [hbm4b:s11+s3], $0x400, $0x38;
	[tilespmem:$0x1CB00] =	vst v63  }
0x35: {  	_ =	swait.ge [sflag:s5], $0x400  }
0x36: {  	[sflag:s5] =	ssyncset.done $0x0  }
0x37: {  	[sflag:s5] =	ssyncadd.s32 $0xFFFFFC00  }
0x38: {  	[tilespmem:s4], [sflag:$0x1] =	stream.indirect.gather [hbm4b:s17+s29], $0x80, s3, s29, $0xb8;
	[tilespmem:$0x1CB00] =	vst v63  }
0x39: {  	_ =	swait.ge [sflag:s8], $0x4000  }
0x3a: {  	[sflag:s8] =	ssyncset.done $0x0  }
0x3b: {  	[sflag:s8] =	ssyncadd.s32 $0xFFFFC000  }
0x3c: {  	[tilespmem:s9], [sflag:$0x2] =	stream.indirect.gather [hbm4b:s17+s29], $0x80, s29, s29, $0xb8;
	[tilespmem:$0x1CB00] =	vst v63  }
0x3d: {  	_ = 	snop  }
0x3e: {  	[spmem:s2] =	stream.indirect.scatter.add.f32 [tilespmem:s4], [sflag:$0x3], $0x80, s7, s29, $0xb8;
	[tilespmem:$0x1CB00] =	vst v63  }
0x3f: {  	_ =	swait.ge [sflag:s5], $0x4000  }
0x40: {  	[sflag:s5] =	ssyncset.done $0x0  }
0x41: {  	[sflag:s5] =	ssyncadd.s32 $0xFFFFC000  }
0x42: {  	[spmem:s14] =	stream.indirect.scatter.add.f32 [tilespmem:s6], [sflag:$0x3], $0x1, s7, s29, $0xb8;
	[tilespmem:$0x1CB00] =	vst v63  }
0x43: {  	_ =	swait.ge [sflag:s5], $0x80  }
0x44: {  	[sflag:s5] =	ssyncset.done $0x0  }
0x45: {  	[sflag:s5] =	ssyncadd.s32 $0xFFFFFF80  }
0x46: {  	_ =	swait.ge [sflag:s10], $0x4000  }
0x47: {  	[sflag:s10] =	ssyncset.done $0x0  }
0x48: {  	[sflag:s10] =	ssyncadd.s32 $0xFFFFC000  }
0x49: {  	[tilespmem:s4], [sflag:$0x1] =	stream.indirect.gather [hbm4b:s17+s29], $0x80, s12, s29, $0xb8;
	[tilespmem:$0x1CB00] =	vst v63  }
0x4a: {  	_ = 	snop  }
0x4b: {  	[spmem:s2] =	stream.indirect.scatter.add.f32 [tilespmem:s9], [sflag:$0x3], $0x80, s13, s29, $0xb8;
	[tilespmem:$0x1CB00] =	vst v63  }
0x4c: {  	_ =	swait.ge [sflag:s5], $0x4000  }
0x4d: {  	[sflag:s5] =	ssyncset.done $0x0  }
0x4e: {  	[sflag:s5] =	ssyncadd.s32 $0xFFFFC000  }
0x4f: {  	[spmem:s14] =	stream.indirect.scatter.add.f32 [tilespmem:s6], [sflag:$0x3], $0x1, s13, s29, $0xb8;
	[tilespmem:$0x1CB00] =	vst v63  }
0x50: {  	_ =	swait.ge [sflag:s5], $0x80  }
0x51: {  	[sflag:s5] =	ssyncset.done $0x0  }
0x52: {  	[sflag:s5] =	ssyncadd.s32 $0xFFFFFF80  }
0x53: {  	_ =	swait.ge [sflag:s8], $0x4000  }
0x54: {  	[sflag:s8] =	ssyncset.done $0x0  }
0x55: {  	[sflag:s8] =	ssyncadd.s32 $0xFFFFC000  }
0x56: {  	[tilespmem:s9], [sflag:$0x2] =	stream.indirect.gather [hbm4b:s17+s29], $0x80, s15, s29, $0xb8;
	[tilespmem:$0x1CB00] =	vst v63  }
0x57: {  	_ = 	snop  }
0x58: {  	[spmem:s2] =	stream.indirect.scatter.add.f32 [tilespmem:s4], [sflag:$0x3], $0x80, s19, s29, $0xb8;
	[tilespmem:$0x1CB00] =	vst v63  }
0x59: {  	_ =	swait.ge [sflag:s5], $0x4000  }
0x5a: {  	[sflag:s5] =	ssyncset.done $0x0  }
0x5b: {  	[sflag:s5] =	ssyncadd.s32 $0xFFFFC000  }
0x5c: {  	[spmem:s14] =	stream.indirect.scatter.add.f32 [tilespmem:s6], [sflag:$0x3], $0x1, s19, s29, $0xb8;
	[tilespmem:$0x1CB00] =	vst v63  }
0x5d: {  	_ =	swait.ge [sflag:s5], $0x80  }
0x5e: {  	[sflag:s5] =	ssyncset.done $0x0  }
0x5f: {  	[sflag:s5] =	ssyncadd.s32 $0xFFFFFF80  }
0x60: {  	_ =	swait.ge [sflag:s10], $0x4000  }
0x61: {  	[sflag:s10] =	ssyncset.done $0x0  }
0x62: {  	[sflag:s10] =	ssyncadd.s32 $0xFFFFC000  }
0x63: {  	[tilespmem:s4], [sflag:$0x1] =	stream.indirect.gather [hbm4b:s17+s29], $0x80, s20, s29, $0xb8;
	[tilespmem:$0x1CB00] =	vst v63  }
0x64: {  	_ = 	snop  }
0x65: {  	[spmem:s2] =	stream.indirect.scatter.add.f32 [tilespmem:s9], [sflag:$0x3], $0x80, s0, s29, $0xb8;
	[tilespmem:$0x1CB00] =	vst v63  }
0x66: {  	_ =	swait.ge [sflag:s5], $0x4000  }
0x67: {  	[sflag:s5] =	ssyncset.done $0x0  }
0x68: {  	[sflag:s5] =	ssyncadd.s32 $0xFFFFC000  }
0x69: {  	[spmem:s14] =	stream.indirect.scatter.add.f32 [tilespmem:s6], [sflag:$0x3], $0x1, s0, s29, $0xb8;
	[tilespmem:$0x1CB00] =	vst v63  }
0x6a: {  	_ =	swait.ge [sflag:s5], $0x80  }
0x6b: {  	[sflag:s5] =	ssyncset.done $0x0  }
0x6c: {  	[sflag:s5] =	ssyncadd.s32 $0xFFFFFF80  }
0x6d: {  	_ =	swait.ge [sflag:s8], $0x4000  }
0x6e: {  	[sflag:s8] =	ssyncset.done $0x0  }
0x6f: {  	[sflag:s8] =	ssyncadd.s32 $0xFFFFC000  }
0x70: {  	[tilespmem:s9], [sflag:$0x2] =	stream.indirect.gather [hbm4b:s17+s29], $0x80, s21, s29, $0xb8;
	[tilespmem:$0x1CB00] =	vst v63  }
0x71: {  	_ = 	snop  }
0x72: {  	[spmem:s2] =	stream.indirect.scatter.add.f32 [tilespmem:s4], [sflag:$0x3], $0x80, s22, s29, $0xb8;
	[tilespmem:$0x1CB00] =	vst v63  }
0x73: {  	_ =	swait.ge [sflag:s5], $0x4000  }
0x74: {  	[sflag:s5] =	ssyncset.done $0x0  }
0x75: {  	[sflag:s5] =	ssyncadd.s32 $0xFFFFC000  }
0x76: {  	[spmem:s14] =	stream.indirect.scatter.add.f32 [tilespmem:s6], [sflag:$0x3], $0x1, s22, s29, $0xb8;
	[tilespmem:$0x1CB00] =	vst v63  }
0x77: {  	_ =	swait.ge [sflag:s5], $0x80  }
0x78: {  	[sflag:s5] =	ssyncset.done $0x0  }
0x79: {  	[sflag:s5] =	ssyncadd.s32 $0xFFFFFF80  }
0x7a: {  	_ =	swait.ge [sflag:s10], $0x4000  }
0x7b: {  	[sflag:s10] =	ssyncset.done $0x0  }
0x7c: {  	[sflag:s10] =	ssyncadd.s32 $0xFFFFC000  }
0x7d: {  	[tilespmem:s4], [sflag:$0x1] =	stream.indirect.gather [hbm4b:s17+s29], $0x80, s23, s29, $0xb8;
	[tilespmem:$0x1CB00] =	vst v63  }
0x7e: {  	_ = 	snop  }
0x7f: {  	[spmem:s2] =	stream.indirect.scatter.add.f32 [tilespmem:s9], [sflag:$0x3], $0x80, s24, s29, $0xb8;
	[tilespmem:$0x1CB00] =	vst v63  }
0x80: {  	_ =	swait.ge [sflag:s5], $0x4000  }
0x81: {  	[sflag:s5] =	ssyncset.done $0x0  }
0x82: {  	[sflag:s5] =	ssyncadd.s32 $0xFFFFC000  }
0x83: {  	[spmem:s14] =	stream.indirect.scatter.add.f32 [tilespmem:s6], [sflag:$0x3], $0x1, s24, s29, $0xb8;
	[tilespmem:$0x1CB00] =	vst v63  }
0x84: {  	_ =	swait.ge [sflag:s5], $0x80  }
0x85: {  	[sflag:s5] =	ssyncset.done $0x0  }
0x86: {  	[sflag:s5] =	ssyncadd.s32 $0xFFFFFF80  }
0x87: {  	_ =	swait.ge [sflag:s8], $0x4000  }
0x88: {  	[sflag:s8] =	ssyncset.done $0x0  }
0x89: {  	[sflag:s8] =	ssyncadd.s32 $0xFFFFC000  }
0x8a: {  	[tilespmem:s9], [sflag:$0x2] =	stream.indirect.gather [hbm4b:s17+s29], $0x80, s25, s29, $0xb8;
	[tilespmem:$0x1CB00] =	vst v63  }
0x8b: {  	_ = 	snop  }
0x8c: {  	[spmem:s2] =	stream.indirect.scatter.add.f32 [tilespmem:s4], [sflag:$0x3], $0x80, s26, s29, $0xb8;
	[tilespmem:$0x1CB00] =	vst v63  }
0x8d: {  	_ =	swait.ge [sflag:s5], $0x4000  }
0x8e: {  	[sflag:s5] =	ssyncset.done $0x0  }
0x8f: {  	[sflag:s5] =	ssyncadd.s32 $0xFFFFC000  }
0x90: {  	[spmem:s14] =	stream.indirect.scatter.add.f32 [tilespmem:s6], [sflag:$0x3], $0x1, s26, s29, $0xb8;
	[tilespmem:$0x1CB00] =	vst v63  }
0x91: {  	_ =	swait.ge [sflag:s5], $0x80  }
0x92: {  	[sflag:s5] =	ssyncset.done $0x0  }
0x93: {  	[sflag:s5] =	ssyncadd.s32 $0xFFFFFF80  }
0x94: {  	_ =	swait.ge [sflag:s10], $0x4000  }
0x95: {  	[sflag:s10] =	ssyncset.done $0x0  }
0x96: {  	[sflag:s10] =	ssyncadd.s32 $0xFFFFC000  }
0x97: {  	[spmem:s2] =	stream.indirect.scatter.add.f32 [tilespmem:s9], [sflag:$0x3], $0x80, s28, s29, $0xb8;
	[tilespmem:$0x1CB00] =	vst v63  }
0x98: {  	_ =	swait.ge [sflag:s5], $0x4000  }
0x99: {  	[sflag:s5] =	ssyncset.done $0x0  }
0x9a: {  	[sflag:s5] =	ssyncadd.s32 $0xFFFFC000  }
0x9b: {  	[spmem:s14] =	stream.indirect.scatter.add.f32 [tilespmem:s6], [sflag:$0x3], $0x1, s28, s29, $0xb8;
	[tilespmem:$0x1CB00] =	vst v63  }
0x9c: {  	_ =	swait.ge [sflag:s5], $0x80  }
0x9d: {  	[sflag:s5] =	ssyncset.done $0x0  }
0x9e: {  	[sflag:s5] =	ssyncadd.s32 $0xFFFFFF80  }
.LBB2_6:
0x9f: {  	[bflag:$0x0] =	sbarrier.arrive $0xFFFF  }
0xa0: {  	s11 =	rddreg [dreg:$0x14]  }
0xa1: {  	[tilespmem:s4], [sflag:$0x3] =	stream.linear.gather [spmem:s11], $0x4000, $0x38;
	[tilespmem:$0x1CB00] =	vst v63  }
0xa2: {  	_ =	swait.ge [sflag:s5], $0x4000  }
0xa3: {  	[sflag:s5] =	ssyncset.done $0x0  }
0xa4: {  	s18 =	rddreg [dreg:$0x6];
	[sflag:s5] =	ssyncadd.s32 $0xFFFFC000  }
0xa5: {  	[hbm4b:s18+s3] =	stream.linear.scatter [tilespmem:s4], [sflag:$0x3], $0x4000, $0x38;
	[tilespmem:$0x1CB00] =	vst v63  }
0xa6: {  	_ =	swait.ge [sflag:s5], $0x4000  }
0xa7: {  	[sflag:s5] =	ssyncset.done $0x0  }
0xa8: {  	s16 =	rddreg [dreg:$0x15];
	[sflag:s5] =	ssyncadd.s32 $0xFFFFC000  }
0xa9: {  	[tilespmem:s6], [sflag:$0x3] =	stream.linear.gather [spmem:s16], $0x80, $0x38;
	[tilespmem:$0x1CB00] =	vst v63  }
0xaa: {  	_ =	swait.ge [sflag:s5], $0x80  }
0xab: {  	[sflag:s5] =	ssyncset.done $0x0  }
0xac: {  	s18 =	rddreg [dreg:$0xb];
	[sflag:s5] =	ssyncadd.s32 $0xFFFFFF80  }
0xad: {  	[hbm4b:s18+s3] =	stream.linear.scatter [tilespmem:s6], [sflag:$0x3], $0x80, $0x38;
	[tilespmem:$0x1CB00] =	vst v63  }
0xae: {  	_ =	swait.ge [sflag:s5], $0x80  }
0xaf: {  	[sflag:s5] =	ssyncset.done $0x0  }
0xb0: {  	s16 =	rddreg [dreg:$0x16];
	[sflag:s5] =	ssyncadd.s32 $0xFFFFFF80  }
0xb1: {  	[tilespmem:s4], [sflag:$0x3] =	stream.linear.gather [spmem:s16], $0x4000, $0x38;
	[tilespmem:$0x1CB00] =	vst v63  }
0xb2: {  	_ =	swait.ge [sflag:s5], $0x4000  }
0xb3: {  	[sflag:s5] =	ssyncset.done $0x0  }
0xb4: {  	s18 =	rddreg [dreg:$0x7];
	[sflag:s5] =	ssyncadd.s32 $0xFFFFC000  }
0xb5: {  	[hbm4b:s18+s3] =	stream.linear.scatter [tilespmem:s4], [sflag:$0x3], $0x4000, $0x38;
	[tilespmem:$0x1CB00] =	vst v63  }
0xb6: {  	_ =	swait.ge [sflag:s5], $0x4000  }
0xb7: {  	[sflag:s5] =	ssyncset.done $0x0  }
0xb8: {  	s16 =	rddreg [dreg:$0x17];
	[sflag:s5] =	ssyncadd.s32 $0xFFFFC000  }
0xb9: {  	[tilespmem:s6], [sflag:$0x3] =	stream.linear.gather [spmem:s16], $0x80, $0x38;
	[tilespmem:$0x1CB00] =	vst v63  }
0xba: {  	_ =	swait.ge [sflag:s5], $0x80  }
0xbb: {  	[sflag:s5] =	ssyncset.done $0x0  }
0xbc: {  	s18 =	rddreg [dreg:$0xc];
	[sflag:s5] =	ssyncadd.s32 $0xFFFFFF80  }
0xbd: {  	[hbm4b:s18+s3] =	stream.linear.scatter [tilespmem:s6], [sflag:$0x3], $0x80, $0x38;
	[tilespmem:$0x1CB00] =	vst v63  }
0xbe: {  	_ =	swait.ge [sflag:s5], $0x80  }
0xbf: {  	[sflag:s5] =	ssyncset.done $0x0  }
0xc0: {  	s16 =	rddreg [dreg:$0x18];
	[sflag:s5] =	ssyncadd.s32 $0xFFFFFF80  }
0xc1: {  	[tilespmem:s4], [sflag:$0x3] =	stream.linear.gather [spmem:s16], $0x4000, $0x38;
	[tilespmem:$0x1CB00] =	vst v63  }
0xc2: {  	_ =	swait.ge [sflag:s5], $0x4000  }
0xc3: {  	[sflag:s5] =	ssyncset.done $0x0  }
0xc4: {  	s18 =	rddreg [dreg:$0x8];
	[sflag:s5] =	ssyncadd.s32 $0xFFFFC000  }
0xc5: {  	[hbm4b:s18+s3] =	stream.linear.scatter [tilespmem:s4], [sflag:$0x3], $0x4000, $0x38;
	[tilespmem:$0x1CB00] =	vst v63  }
0xc6: {  	_ =	swait.ge [sflag:s5], $0x4000  }
0xc7: {  	[sflag:s5] =	ssyncset.done $0x0  }
0xc8: {  	s16 =	rddreg [dreg:$0x19];
	[sflag:s5] =	ssyncadd.s32 $0xFFFFC000  }
0xc9: {  	[tilespmem:s6], [sflag:$0x3] =	stream.linear.gather [spmem:s16], $0x80, $0x38;
	[tilespmem:$0x1CB00] =	vst v63  }
0xca: {  	_ =	swait.ge [sflag:s5], $0x80  }
0xcb: {  	[sflag:s5] =	ssyncset.done $0x0  }
0xcc: {  	s18 =	rddreg [dreg:$0xd];
	[sflag:s5] =	ssyncadd.s32 $0xFFFFFF80  }
0xcd: {  	[hbm4b:s18+s3] =	stream.linear.scatter [tilespmem:s6], [sflag:$0x3], $0x80, $0x38;
	[tilespmem:$0x1CB00] =	vst v63  }
0xce: {  	_ =	swait.ge [sflag:s5], $0x80  }
0xcf: {  	[sflag:s5] =	ssyncset.done $0x0  }
0xd0: {  	s16 =	rddreg [dreg:$0x1a];
	[sflag:s5] =	ssyncadd.s32 $0xFFFFFF80  }
0xd1: {  	[tilespmem:s4], [sflag:$0x3] =	stream.linear.gather [spmem:s16], $0x4000, $0x38;
	[tilespmem:$0x1CB00] =	vst v63  }
0xd2: {  	_ =	swait.ge [sflag:s5], $0x4000  }
0xd3: {  	[sflag:s5] =	ssyncset.done $0x0  }
0xd4: {  	s18 =	rddreg [dreg:$0x9];
	[sflag:s5] =	ssyncadd.s32 $0xFFFFC000  }
0xd5: {  	[hbm4b:s18+s3] =	stream.linear.scatter [tilespmem:s4], [sflag:$0x3], $0x4000, $0x38;
	[tilespmem:$0x1CB00] =	vst v63  }
0xd6: {  	_ =	swait.ge [sflag:s5], $0x4000  }
0xd7: {  	[sflag:s5] =	ssyncset.done $0x0  }
0xd8: {  	s18 =	rddreg [dreg:$0x1b];
	[sflag:s5] =	ssyncadd.s32 $0xFFFFC000  }
0xd9: {  	[tilespmem:s6], [sflag:$0x3] =	stream.linear.gather [spmem:s18], $0x80, $0x38;
	[tilespmem:$0x1CB00] =	vst v63  }
0xda: {  	_ =	swait.ge [sflag:s5], $0x80  }
0xdb: {  	[sflag:s5] =	ssyncset.done $0x0  }
0xdc: {  	s16 =	rddreg [dreg:$0xe];
	[sflag:s5] =	ssyncadd.s32 $0xFFFFFF80  }
0xdd: {  	[hbm4b:s16+s3] =	stream.linear.scatter [tilespmem:s6], [sflag:$0x3], $0x80, $0x38;
	[tilespmem:$0x1CB00] =	vst v63  }
0xde: {  	_ =	swait.ge [sflag:s5], $0x80  }
0xdf: {  	[sflag:s5] =	ssyncset.done $0x0  }
0xe0: {  	s30 =	rddreg [dreg:$0x1c];
	[sflag:s5] =	ssyncadd.s32 $0xFFFFFF80  }
0xe1: {  	[tilespmem:s4], [sflag:$0x3] =	stream.linear.gather [spmem:s30], $0x4000, $0x38;
	[tilespmem:$0x1CB00] =	vst v63  }
0xe2: {  	_ =	swait.ge [sflag:s5], $0x4000  }
0xe3: {  	[sflag:s5] =	ssyncset.done $0x0  }
0xe4: {  	s16 =	rddreg [dreg:$0xa];
	[sflag:s5] =	ssyncadd.s32 $0xFFFFC000  }
0xe5: {  	[hbm4b:s16+s3] =	stream.linear.scatter [tilespmem:s4], [sflag:$0x3], $0x4000, $0x38;
	[tilespmem:$0x1CB00] =	vst v63  }
0xe6: {  	_ =	swait.ge [sflag:s5], $0x4000  }
0xe7: {  	[sflag:s5] =	ssyncset.done $0x0  }
0xe8: {  	s31 =	rddreg [dreg:$0x1d];
	[sflag:s5] =	ssyncadd.s32 $0xFFFFC000  }
0xe9: {  	[tilespmem:s6], [sflag:$0x3] =	stream.linear.gather [spmem:s31], $0x80, $0x38;
	[tilespmem:$0x1CB00] =	vst v63  }
0xea: {  	_ =	swait.ge [sflag:s5], $0x80  }
0xeb: {  	[sflag:s5] =	ssyncset.done $0x0  }
0xec: {  	s16 =	rddreg [dreg:$0xf];
	[sflag:s5] =	ssyncadd.s32 $0xFFFFFF80  }
0xed: {  	[hbm4b:s16+s3] =	stream.linear.scatter [tilespmem:s6], [sflag:$0x3], $0x80, $0x38;
	[tilespmem:$0x1CB00] =	vst v63  }
0xee: {  	_ =	swait.ge [sflag:s5], $0x80  }
0xef: {  	s16 =	sld [smem:$0x7FD];
	_ =	sdelay $0x2  }
0xf0: {  	s11 =	rddreg [dreg:$0x1f];
	s16 =	sadd.s32 $0x1, s16  }
0xf1: {  	p1 =	sne.s32 s16, s11  }
.Ltmp1:
0xf2: {  	_ = 	snop;
	(pc) =	sbr.rel @!p1 .LBB2_7-.Ltmp1, $3  }
0xf3: {  	_ =	sdelay $0x1  }
0xf4: {  	[sflag:s5] =	ssyncset.done $0x0;
	[smem:$0x7FD] =	sst s16  }
0xf5: {  	[sflag:s5] =	ssyncadd.s32 $0xFFFFFF80;
	s16 =	rddreg [dreg:$0x16]  }
.LBB2_1:
0xf6: {  	s11 =	rddreg [dreg:$0x12]  }
0xf7: {  	[tilespmem:s4], [sflag:$0x3] =	stream.linear.gather [hbm4b:s11+s3], $0x4000, $0x38;
	[tilespmem:$0x1CB00] =	vst v63  }
0xf8: {  	_ =	swait.ge [sflag:s5], $0x4000  }
0xf9: {  	[sflag:s5] =	ssyncset.done $0x0  }
0xfa: {  	[sflag:s5] =	ssyncadd.s32 $0xFFFFC000  }
0xfb: {  	s11 =	rddreg [dreg:$0x1]  }
0xfc: {  	[tilespmem:s6], [sflag:$0x3] =	stream.linear.gather [hbm4b:s11+s3], $0x80, $0x38;
	[tilespmem:$0x1CB00] =	vst v63  }
0xfd: {  	_ =	swait.ge [sflag:s5], $0x80  }
0xfe: {  	[sflag:s5] =	ssyncset.done $0x0  }
0xff: {  	s11 =	rddreg [dreg:$0x14];
	[sflag:s5] =	ssyncadd.s32 $0xFFFFFF80  }
0x100: {  	[spmem:s11] =	stream.linear.scatter [tilespmem:s4], [sflag:$0x3], $0x4000, $0x38;
	[tilespmem:$0x1CB00] =	vst v63  }
0x101: {  	_ =	swait.ge [sflag:s5], $0x4000  }
0x102: {  	[sflag:s5] =	ssyncset.done $0x0  }
0x103: {  	s11 =	rddreg [dreg:$0x15];
	[sflag:s5] =	ssyncadd.s32 $0xFFFFC000  }
0x104: {  	[spmem:s11] =	stream.linear.scatter [tilespmem:s6], [sflag:$0x3], $0x80, $0x38;
	[tilespmem:$0x1CB00] =	vst v63  }
0x105: {  	_ =	swait.ge [sflag:s5], $0x80  }
0x106: {  	[sflag:s5] =	ssyncset.done $0x0  }
0x107: {  	[sflag:s5] =	ssyncadd.s32 $0xFFFFFF80  }
0x108: {  	[spmem:s16] =	stream.linear.scatter [tilespmem:s4], [sflag:$0x3], $0x4000, $0x38;
	[tilespmem:$0x1CB00] =	vst v63  }
0x109: {  	_ =	swait.ge [sflag:s5], $0x4000  }
0x10a: {  	[sflag:s5] =	ssyncset.done $0x0  }
0x10b: {  	s16 =	rddreg [dreg:$0x17];
	[sflag:s5] =	ssyncadd.s32 $0xFFFFC000  }
0x10c: {  	[spmem:s16] =	stream.linear.scatter [tilespmem:s6], [sflag:$0x3], $0x80, $0x38;
	[tilespmem:$0x1CB00] =	vst v63  }
0x10d: {  	_ =	swait.ge [sflag:s5], $0x80  }
0x10e: {  	[sflag:s5] =	ssyncset.done $0x0  }
0x10f: {  	s16 =	rddreg [dreg:$0x18];
	[sflag:s5] =	ssyncadd.s32 $0xFFFFFF80  }
0x110: {  	[spmem:s16] =	stream.linear.scatter [tilespmem:s4], [sflag:$0x3], $0x4000, $0x38;
	[tilespmem:$0x1CB00] =	vst v63  }
0x111: {  	_ =	swait.ge [sflag:s5], $0x4000  }
0x112: {  	[sflag:s5] =	ssyncset.done $0x0  }
0x113: {  	s16 =	rddreg [dreg:$0x19];
	[sflag:s5] =	ssyncadd.s32 $0xFFFFC000  }
0x114: {  	[spmem:s16] =	stream.linear.scatter [tilespmem:s6], [sflag:$0x3], $0x80, $0x38;
	[tilespmem:$0x1CB00] =	vst v63  }
0x115: {  	_ =	swait.ge [sflag:s5], $0x80  }
0x116: {  	[sflag:s5] =	ssyncset.done $0x0  }
0x117: {  	s16 =	rddreg [dreg:$0x1a];
	[sflag:s5] =	ssyncadd.s32 $0xFFFFFF80  }
0x118: {  	[spmem:s16] =	stream.linear.scatter [tilespmem:s4], [sflag:$0x3], $0x4000, $0x38;
	[tilespmem:$0x1CB00] =	vst v63  }
0x119: {  	_ =	swait.ge [sflag:s5], $0x4000  }
0x11a: {  	[sflag:s5] =	ssyncset.done $0x0  }
0x11b: {  	[sflag:s5] =	ssyncadd.s32 $0xFFFFC000  }
0x11c: {  	[spmem:s18] =	stream.linear.scatter [tilespmem:s6], [sflag:$0x3], $0x80, $0x38;
	[tilespmem:$0x1CB00] =	vst v63  }
0x11d: {  	_ =	swait.ge [sflag:s5], $0x80  }
0x11e: {  	[sflag:s5] =	ssyncset.done $0x0  }
0x11f: {  	[sflag:s5] =	ssyncadd.s32 $0xFFFFFF80  }
0x120: {  	[spmem:s30] =	stream.linear.scatter [tilespmem:s4], [sflag:$0x3], $0x4000, $0x38;
	[tilespmem:$0x1CB00] =	vst v63  }
0x121: {  	_ =	swait.ge [sflag:s5], $0x4000  }
0x122: {  	[sflag:s5] =	ssyncset.done $0x0  }
0x123: {  	[sflag:s5] =	ssyncadd.s32 $0xFFFFC000  }
0x124: {  	[spmem:s31] =	stream.linear.scatter [tilespmem:s6], [sflag:$0x3], $0x80, $0x38;
	[tilespmem:$0x1CB00] =	vst v63  }
0x125: {  	_ =	swait.ge [sflag:s5], $0x80  }
0x126: {  	[sflag:s5] =	ssyncset.done $0x0  }
0x127: {  	s18 =	rddreg [dreg:$0x13];
	[sflag:s5] =	ssyncadd.s32 $0xFFFFFF80  }
0x128: {  	[tilespmem:s6], [sflag:$0x3] =	stream.linear.gather [hbm4b:s18+s3], $0x80, $0x38;
	[tilespmem:$0x1CB00] =	vst v63  }
0x129: {  	_ =	swait.ge [sflag:s5], $0x80  }
.Ltmp2:
0x12a: {  	[sflag:s5] =	ssyncset.done $0x0;
	(pc) =	sbr.rel @!p0 .LBB2_2-.Ltmp2, $4  }
0x12b: {  	[sflag:s5] =	ssyncadd.s32 $0xFFFFFF80  }
0x12c: {  	[bflag:$0x0] =	sbarrier.arrive $0xFFFF  }
0x12d: {  	s31 =	rddreg [dreg:$0x10]  }
0x12e: {  	p1 =	por $0x1, $0x1;
	s30 =	simm.s32 $0x0;
	s18 =	rddreg [dreg:$0x1e]  }
.LBB2_5:
0x12f: {  	s11 =	sor.u32 s18, s30;
	s16 =	rddreg [dreg:$0x11]  }
0x130: {  	s16 =	sadd.s32 s16, s11  }
0x131: {  	[tilespmem:s3], [sflag:$0x3] =	stream.linear.gather [hbm4b:s16+s3], $0x400, $0x38;
	[tilespmem:$0x1CB00] =	vst v63  }
0x132: {  	_ =	swait.ge [sflag:s5], $0x400  }
0x133: {  	[sflag:s5] =	ssyncset.done $0x0  }
0x134: {  	s11 =	sadd.s32 s31, s11;
	[sflag:s5] =	ssyncadd.s32 $0xFFFFFC00  }
0x135: {  	[tilespmem:s7], [sflag:$0x3] =	stream.linear.gather [hbm4b:s11+s3], $0x400, $0x38;
	[tilespmem:$0x1CB00] =	vst v63  }
0x136: {  	_ =	swait.ge [sflag:s5], $0x400  }
0x137: {  	[sflag:s5] =	ssyncset.done $0x0  }
0x138: {  	s30 =	simm.s32 $0x80;
	[sflag:s5] =	ssyncadd.s32 $0xFFFFFC00  }
0x139: {  	[tilespmem:s4], [sflag:$0x1] =	stream.indirect.gather [hbm4b:s17+s30], $0x80, s3, s30, $0xb8;
	[tilespmem:$0x1CB00] =	vst v63  }
0x13a: {  	_ =	swait.ge [sflag:s8], $0x4000  }
0x13b: {  	[sflag:s8] =	ssyncset.done $0x0  }
0x13c: {  	[sflag:s8] =	ssyncadd.s32 $0xFFFFC000  }
0x13d: {  	[tilespmem:s9], [sflag:$0x2] =	stream.indirect.gather [hbm4b:s17+s30], $0x80, s30, s30, $0xb8;
	[tilespmem:$0x1CB00] =	vst v63  }
0x13e: {  	_ = 	snop  }
0x13f: {  	[spmem:s2] =	stream.indirect.scatter.add.f32 [tilespmem:s4], [sflag:$0x3], $0x80, s7, s30, $0xb8;
	[tilespmem:$0x1CB00] =	vst v63  }
0x140: {  	_ =	swait.ge [sflag:s5], $0x4000  }
0x141: {  	[sflag:s5] =	ssyncset.done $0x0  }
0x142: {  	[sflag:s5] =	ssyncadd.s32 $0xFFFFC000  }
0x143: {  	[spmem:s14] =	stream.indirect.scatter.add.f32 [tilespmem:s6], [sflag:$0x3], $0x1, s7, s30, $0xb8;
	[tilespmem:$0x1CB00] =	vst v63  }
0x144: {  	_ =	swait.ge [sflag:s5], $0x80  }
0x145: {  	[sflag:s5] =	ssyncset.done $0x0  }
0x146: {  	[sflag:s5] =	ssyncadd.s32 $0xFFFFFF80  }
0x147: {  	_ =	swait.ge [sflag:s10], $0x4000  }
0x148: {  	[sflag:s10] =	ssyncset.done $0x0  }
0x149: {  	[sflag:s10] =	ssyncadd.s32 $0xFFFFC000  }
0x14a: {  	[tilespmem:s4], [sflag:$0x1] =	stream.indirect.gather [hbm4b:s17+s30], $0x80, s12, s30, $0xb8;
	[tilespmem:$0x1CB00] =	vst v63  }
0x14b: {  	_ = 	snop  }
0x14c: {  	[spmem:s2] =	stream.indirect.scatter.add.f32 [tilespmem:s9], [sflag:$0x3], $0x80, s13, s30, $0xb8;
	[tilespmem:$0x1CB00] =	vst v63  }
0x14d: {  	_ =	swait.ge [sflag:s5], $0x4000  }
0x14e: {  	[sflag:s5] =	ssyncset.done $0x0  }
0x14f: {  	[sflag:s5] =	ssyncadd.s32 $0xFFFFC000  }
0x150: {  	[spmem:s14] =	stream.indirect.scatter.add.f32 [tilespmem:s6], [sflag:$0x3], $0x1, s13, s30, $0xb8;
	[tilespmem:$0x1CB00] =	vst v63  }
0x151: {  	_ =	swait.ge [sflag:s5], $0x80  }
0x152: {  	[sflag:s5] =	ssyncset.done $0x0  }
0x153: {  	[sflag:s5] =	ssyncadd.s32 $0xFFFFFF80  }
0x154: {  	_ =	swait.ge [sflag:s8], $0x4000  }
0x155: {  	[sflag:s8] =	ssyncset.done $0x0  }
0x156: {  	[sflag:s8] =	ssyncadd.s32 $0xFFFFC000  }
0x157: {  	[tilespmem:s9], [sflag:$0x2] =	stream.indirect.gather [hbm4b:s17+s30], $0x80, s15, s30, $0xb8;
	[tilespmem:$0x1CB00] =	vst v63  }
0x158: {  	_ = 	snop  }
0x159: {  	[spmem:s2] =	stream.indirect.scatter.add.f32 [tilespmem:s4], [sflag:$0x3], $0x80, s19, s30, $0xb8;
	[tilespmem:$0x1CB00] =	vst v63  }
0x15a: {  	_ =	swait.ge [sflag:s5], $0x4000  }
0x15b: {  	[sflag:s5] =	ssyncset.done $0x0  }
0x15c: {  	[sflag:s5] =	ssyncadd.s32 $0xFFFFC000  }
0x15d: {  	[spmem:s14] =	stream.indirect.scatter.add.f32 [tilespmem:s6], [sflag:$0x3], $0x1, s19, s30, $0xb8;
	[tilespmem:$0x1CB00] =	vst v63  }
0x15e: {  	_ =	swait.ge [sflag:s5], $0x80  }
0x15f: {  	[sflag:s5] =	ssyncset.done $0x0  }
0x160: {  	[sflag:s5] =	ssyncadd.s32 $0xFFFFFF80  }
0x161: {  	_ =	swait.ge [sflag:s10], $0x4000  }
0x162: {  	[sflag:s10] =	ssyncset.done $0x0  }
0x163: {  	[sflag:s10] =	ssyncadd.s32 $0xFFFFC000  }
0x164: {  	[tilespmem:s4], [sflag:$0x1] =	stream.indirect.gather [hbm4b:s17+s30], $0x80, s20, s30, $0xb8;
	[tilespmem:$0x1CB00] =	vst v63  }
0x165: {  	_ = 	snop  }
0x166: {  	[spmem:s2] =	stream.indirect.scatter.add.f32 [tilespmem:s9], [sflag:$0x3], $0x80, s0, s30, $0xb8;
	[tilespmem:$0x1CB00] =	vst v63  }
0x167: {  	_ =	swait.ge [sflag:s5], $0x4000  }
0x168: {  	[sflag:s5] =	ssyncset.done $0x0  }
0x169: {  	[sflag:s5] =	ssyncadd.s32 $0xFFFFC000  }
0x16a: {  	[spmem:s14] =	stream.indirect.scatter.add.f32 [tilespmem:s6], [sflag:$0x3], $0x1, s0, s30, $0xb8;
	[tilespmem:$0x1CB00] =	vst v63  }
0x16b: {  	_ =	swait.ge [sflag:s5], $0x80  }
0x16c: {  	[sflag:s5] =	ssyncset.done $0x0  }
0x16d: {  	[sflag:s5] =	ssyncadd.s32 $0xFFFFFF80  }
0x16e: {  	_ =	swait.ge [sflag:s8], $0x4000  }
0x16f: {  	[sflag:s8] =	ssyncset.done $0x0  }
0x170: {  	[sflag:s8] =	ssyncadd.s32 $0xFFFFC000  }
0x171: {  	[tilespmem:s9], [sflag:$0x2] =	stream.indirect.gather [hbm4b:s17+s30], $0x80, s21, s30, $0xb8;
	[tilespmem:$0x1CB00] =	vst v63  }
0x172: {  	_ = 	snop  }
0x173: {  	[spmem:s2] =	stream.indirect.scatter.add.f32 [tilespmem:s4], [sflag:$0x3], $0x80, s22, s30, $0xb8;
	[tilespmem:$0x1CB00] =	vst v63  }
0x174: {  	_ =	swait.ge [sflag:s5], $0x4000  }
0x175: {  	[sflag:s5] =	ssyncset.done $0x0  }
0x176: {  	[sflag:s5] =	ssyncadd.s32 $0xFFFFC000  }
0x177: {  	[spmem:s14] =	stream.indirect.scatter.add.f32 [tilespmem:s6], [sflag:$0x3], $0x1, s22, s30, $0xb8;
	[tilespmem:$0x1CB00] =	vst v63  }
0x178: {  	_ =	swait.ge [sflag:s5], $0x80  }
0x179: {  	[sflag:s5] =	ssyncset.done $0x0  }
0x17a: {  	[sflag:s5] =	ssyncadd.s32 $0xFFFFFF80  }
0x17b: {  	_ =	swait.ge [sflag:s10], $0x4000  }
0x17c: {  	[sflag:s10] =	ssyncset.done $0x0  }
0x17d: {  	[sflag:s10] =	ssyncadd.s32 $0xFFFFC000  }
0x17e: {  	[tilespmem:s4], [sflag:$0x1] =	stream.indirect.gather [hbm4b:s17+s30], $0x80, s23, s30, $0xb8;
	[tilespmem:$0x1CB00] =	vst v63  }
0x17f: {  	_ = 	snop  }
0x180: {  	[spmem:s2] =	stream.indirect.scatter.add.f32 [tilespmem:s9], [sflag:$0x3], $0x80, s24, s30, $0xb8;
	[tilespmem:$0x1CB00] =	vst v63  }
0x181: {  	_ =	swait.ge [sflag:s5], $0x4000  }
0x182: {  	[sflag:s5] =	ssyncset.done $0x0  }
0x183: {  	[sflag:s5] =	ssyncadd.s32 $0xFFFFC000  }
0x184: {  	[spmem:s14] =	stream.indirect.scatter.add.f32 [tilespmem:s6], [sflag:$0x3], $0x1, s24, s30, $0xb8;
	[tilespmem:$0x1CB00] =	vst v63  }
0x185: {  	_ =	swait.ge [sflag:s5], $0x80  }
0x186: {  	[sflag:s5] =	ssyncset.done $0x0  }
0x187: {  	[sflag:s5] =	ssyncadd.s32 $0xFFFFFF80  }
0x188: {  	_ =	swait.ge [sflag:s8], $0x4000  }
0x189: {  	[sflag:s8] =	ssyncset.done $0x0  }
0x18a: {  	[sflag:s8] =	ssyncadd.s32 $0xFFFFC000  }
0x18b: {  	[tilespmem:s9], [sflag:$0x2] =	stream.indirect.gather [hbm4b:s17+s30], $0x80, s25, s30, $0xb8;
	[tilespmem:$0x1CB00] =	vst v63  }
0x18c: {  	_ = 	snop  }
0x18d: {  	[spmem:s2] =	stream.indirect.scatter.add.f32 [tilespmem:s4], [sflag:$0x3], $0x80, s26, s30, $0xb8;
	[tilespmem:$0x1CB00] =	vst v63  }
0x18e: {  	_ =	swait.ge [sflag:s5], $0x4000  }
0x18f: {  	[sflag:s5] =	ssyncset.done $0x0  }
0x190: {  	[sflag:s5] =	ssyncadd.s32 $0xFFFFC000  }
0x191: {  	[spmem:s14] =	stream.indirect.scatter.add.f32 [tilespmem:s6], [sflag:$0x3], $0x1, s26, s30, $0xb8;
	[tilespmem:$0x1CB00] =	vst v63  }
0x192: {  	_ =	swait.ge [sflag:s5], $0x80  }
0x193: {  	[sflag:s5] =	ssyncset.done $0x0  }
0x194: {  	[sflag:s5] =	ssyncadd.s32 $0xFFFFFF80  }
0x195: {  	_ =	swait.ge [sflag:s10], $0x4000  }
0x196: {  	[sflag:s10] =	ssyncset.done $0x0  }
0x197: {  	[sflag:s10] =	ssyncadd.s32 $0xFFFFC000  }
0x198: {  	[spmem:s2] =	stream.indirect.scatter.add.f32 [tilespmem:s9], [sflag:$0x3], $0x80, s28, s30, $0xb8;
	[tilespmem:$0x1CB00] =	vst v63  }
0x199: {  	_ =	swait.ge [sflag:s5], $0x4000  }
0x19a: {  	p2 =	por p1, p1;
	[sflag:s5] =	ssyncset.done $0x0  }
.Ltmp3:
0x19b: {  	[sflag:s5] =	ssyncadd.s32 $0xFFFFC000;
	(pc) =	sbr.rel @p2 .LBB2_5-.Ltmp3, $4  }
0x19c: {  	[spmem:s14] =	stream.indirect.scatter.add.f32 [tilespmem:s6], [sflag:$0x3], $0x1, s28, s30, $0xb8;
	[tilespmem:$0x1CB00] =	vst v63  }
0x19d: {  	_ =	swait.ge [sflag:s5], $0x80  }
0x19e: {  	[sflag:s5] =	ssyncset.done $0x0  }
0x19f: {  	p1 =	por $0x0, $0x0;
	[sflag:s5] =	ssyncadd.s32 $0xFFFFFF80  }
.Ltmp4:
0x1a0: {  	_ = 	snop;
	(pc) =	sbr.rel .LBB2_6-.Ltmp4, $1  }
0x1a1: {  	_ =	sdelay $0x3  }
.LBB2_2:
0x1a2: {  	s16 =	sadd.s32 $0x0, s1  }
0x1a3: {  	[tilespmem:s3], [sflag:$0x3] =	stream.linear.gather [hbm4b:s16+s3], $0x400, $0x38;
	[tilespmem:$0x1CB00] =	vst v63  }
0x1a4: {  	_ =	swait.ge [sflag:s5], $0x400  }
0x1a5: {  	s18 =	rddreg [dreg:$0x5];
	[sflag:s5] =	ssyncset.done $0x0  }
0x1a6: {  	[sflag:s5] =	ssyncadd.s32 $0xFFFFFC00;
	s16 =	sadd.s32 $0x0, s18  }
0x1a7: {  	[tilespmem:s7], [sflag:$0x3] =	stream.linear.gather [hbm4b:s16+s3], $0x400, $0x38;
	[tilespmem:$0x1CB00] =	vst v63  }
0x1a8: {  	_ =	swait.ge [sflag:s5], $0x400  }
0x1a9: {  	[sflag:s5] =	ssyncset.done $0x0  }
0x1aa: {  	[sflag:s5] =	ssyncadd.s32 $0xFFFFFC00  }
0x1ab: {  	[tilespmem:s4], [sflag:$0x1] =	stream.indirect.gather [hbm4b:s17+s29], $0x80, s3, s29, $0xb8;
	[tilespmem:$0x1CB00] =	vst v63  }
0x1ac: {  	_ =	swait.ge [sflag:s8], $0x4000  }
0x1ad: {  	[sflag:s8] =	ssyncset.done $0x0  }
0x1ae: {  	[sflag:s8] =	ssyncadd.s32 $0xFFFFC000  }
0x1af: {  	[tilespmem:s9], [sflag:$0x2] =	stream.indirect.gather [hbm4b:s17+s29], $0x80, s29, s29, $0xb8;
	[tilespmem:$0x1CB00] =	vst v63  }
0x1b0: {  	_ = 	snop  }
0x1b1: {  	[spmem:s2] =	stream.indirect.scatter.add.f32 [tilespmem:s4], [sflag:$0x3], $0x80, s7, s29, $0xb8;
	[tilespmem:$0x1CB00] =	vst v63  }
0x1b2: {  	_ =	swait.ge [sflag:s5], $0x4000  }
0x1b3: {  	[sflag:s5] =	ssyncset.done $0x0  }
0x1b4: {  	[sflag:s5] =	ssyncadd.s32 $0xFFFFC000  }
0x1b5: {  	[spmem:s14] =	stream.indirect.scatter.add.f32 [tilespmem:s6], [sflag:$0x3], $0x1, s7, s29, $0xb8;
	[tilespmem:$0x1CB00] =	vst v63  }
0x1b6: {  	_ =	swait.ge [sflag:s5], $0x80  }
0x1b7: {  	[sflag:s5] =	ssyncset.done $0x0  }
0x1b8: {  	[sflag:s5] =	ssyncadd.s32 $0xFFFFFF80  }
0x1b9: {  	_ =	swait.ge [sflag:s10], $0x4000  }
0x1ba: {  	[sflag:s10] =	ssyncset.done $0x0  }
0x1bb: {  	[sflag:s10] =	ssyncadd.s32 $0xFFFFC000  }
0x1bc: {  	[tilespmem:s4], [sflag:$0x1] =	stream.indirect.gather [hbm4b:s17+s29], $0x80, s12, s29, $0xb8;
	[tilespmem:$0x1CB00] =	vst v63  }
0x1bd: {  	_ = 	snop  }
0x1be: {  	[spmem:s2] =	stream.indirect.scatter.add.f32 [tilespmem:s9], [sflag:$0x3], $0x80, s13, s29, $0xb8;
	[tilespmem:$0x1CB00] =	vst v63  }
0x1bf: {  	_ =	swait.ge [sflag:s5], $0x4000  }
0x1c0: {  	[sflag:s5] =	ssyncset.done $0x0  }
0x1c1: {  	[sflag:s5] =	ssyncadd.s32 $0xFFFFC000  }
0x1c2: {  	[spmem:s14] =	stream.indirect.scatter.add.f32 [tilespmem:s6], [sflag:$0x3], $0x1, s13, s29, $0xb8;
	[tilespmem:$0x1CB00] =	vst v63  }
0x1c3: {  	_ =	swait.ge [sflag:s5], $0x80  }
0x1c4: {  	[sflag:s5] =	ssyncset.done $0x0  }
0x1c5: {  	[sflag:s5] =	ssyncadd.s32 $0xFFFFFF80  }
0x1c6: {  	_ =	swait.ge [sflag:s8], $0x4000  }
0x1c7: {  	[sflag:s8] =	ssyncset.done $0x0  }
0x1c8: {  	[sflag:s8] =	ssyncadd.s32 $0xFFFFC000  }
0x1c9: {  	[tilespmem:s9], [sflag:$0x2] =	stream.indirect.gather [hbm4b:s17+s29], $0x80, s15, s29, $0xb8;
	[tilespmem:$0x1CB00] =	vst v63  }
0x1ca: {  	_ = 	snop  }
0x1cb: {  	[spmem:s2] =	stream.indirect.scatter.add.f32 [tilespmem:s4], [sflag:$0x3], $0x80, s19, s29, $0xb8;
	[tilespmem:$0x1CB00] =	vst v63  }
0x1cc: {  	_ =	swait.ge [sflag:s5], $0x4000  }
0x1cd: {  	[sflag:s5] =	ssyncset.done $0x0  }
0x1ce: {  	[sflag:s5] =	ssyncadd.s32 $0xFFFFC000  }
0x1cf: {  	[spmem:s14] =	stream.indirect.scatter.add.f32 [tilespmem:s6], [sflag:$0x3], $0x1, s19, s29, $0xb8;
	[tilespmem:$0x1CB00] =	vst v63  }
0x1d0: {  	_ =	swait.ge [sflag:s5], $0x80  }
0x1d1: {  	[sflag:s5] =	ssyncset.done $0x0  }
0x1d2: {  	[sflag:s5] =	ssyncadd.s32 $0xFFFFFF80  }
0x1d3: {  	_ =	swait.ge [sflag:s10], $0x4000  }
0x1d4: {  	[sflag:s10] =	ssyncset.done $0x0  }
0x1d5: {  	[sflag:s10] =	ssyncadd.s32 $0xFFFFC000  }
0x1d6: {  	[tilespmem:s4], [sflag:$0x1] =	stream.indirect.gather [hbm4b:s17+s29], $0x80, s20, s29, $0xb8;
	[tilespmem:$0x1CB00] =	vst v63  }
0x1d7: {  	_ = 	snop  }
0x1d8: {  	[spmem:s2] =	stream.indirect.scatter.add.f32 [tilespmem:s9], [sflag:$0x3], $0x80, s0, s29, $0xb8;
	[tilespmem:$0x1CB00] =	vst v63  }
0x1d9: {  	_ =	swait.ge [sflag:s5], $0x4000  }
0x1da: {  	[sflag:s5] =	ssyncset.done $0x0  }
0x1db: {  	[sflag:s5] =	ssyncadd.s32 $0xFFFFC000  }
0x1dc: {  	[spmem:s14] =	stream.indirect.scatter.add.f32 [tilespmem:s6], [sflag:$0x3], $0x1, s0, s29, $0xb8;
	[tilespmem:$0x1CB00] =	vst v63  }
0x1dd: {  	_ =	swait.ge [sflag:s5], $0x80  }
0x1de: {  	[sflag:s5] =	ssyncset.done $0x0  }
0x1df: {  	[sflag:s5] =	ssyncadd.s32 $0xFFFFFF80  }
0x1e0: {  	_ =	swait.ge [sflag:s8], $0x4000  }
0x1e1: {  	[sflag:s8] =	ssyncset.done $0x0  }
0x1e2: {  	[sflag:s8] =	ssyncadd.s32 $0xFFFFC000  }
0x1e3: {  	[tilespmem:s9], [sflag:$0x2] =	stream.indirect.gather [hbm4b:s17+s29], $0x80, s21, s29, $0xb8;
	[tilespmem:$0x1CB00] =	vst v63  }
0x1e4: {  	_ = 	snop  }
0x1e5: {  	[spmem:s2] =	stream.indirect.scatter.add.f32 [tilespmem:s4], [sflag:$0x3], $0x80, s22, s29, $0xb8;
	[tilespmem:$0x1CB00] =	vst v63  }
0x1e6: {  	_ =	swait.ge [sflag:s5], $0x4000  }
0x1e7: {  	[sflag:s5] =	ssyncset.done $0x0  }
0x1e8: {  	[sflag:s5] =	ssyncadd.s32 $0xFFFFC000  }
0x1e9: {  	[spmem:s14] =	stream.indirect.scatter.add.f32 [tilespmem:s6], [sflag:$0x3], $0x1, s22, s29, $0xb8;
	[tilespmem:$0x1CB00] =	vst v63  }
0x1ea: {  	_ =	swait.ge [sflag:s5], $0x80  }
0x1eb: {  	[sflag:s5] =	ssyncset.done $0x0  }
0x1ec: {  	[sflag:s5] =	ssyncadd.s32 $0xFFFFFF80  }
0x1ed: {  	_ =	swait.ge [sflag:s10], $0x4000  }
0x1ee: {  	[sflag:s10] =	ssyncset.done $0x0  }
0x1ef: {  	[sflag:s10] =	ssyncadd.s32 $0xFFFFC000  }
0x1f0: {  	[tilespmem:s4], [sflag:$0x1] =	stream.indirect.gather [hbm4b:s17+s29], $0x80, s23, s29, $0xb8;
	[tilespmem:$0x1CB00] =	vst v63  }
0x1f1: {  	_ = 	snop  }
0x1f2: {  	[spmem:s2] =	stream.indirect.scatter.add.f32 [tilespmem:s9], [sflag:$0x3], $0x80, s24, s29, $0xb8;
	[tilespmem:$0x1CB00] =	vst v63  }
0x1f3: {  	_ =	swait.ge [sflag:s5], $0x4000  }
0x1f4: {  	[sflag:s5] =	ssyncset.done $0x0  }
0x1f5: {  	[sflag:s5] =	ssyncadd.s32 $0xFFFFC000  }
0x1f6: {  	[spmem:s14] =	stream.indirect.scatter.add.f32 [tilespmem:s6], [sflag:$0x3], $0x1, s24, s29, $0xb8;
	[tilespmem:$0x1CB00] =	vst v63  }
0x1f7: {  	_ =	swait.ge [sflag:s5], $0x80  }
0x1f8: {  	[sflag:s5] =	ssyncset.done $0x0  }
0x1f9: {  	[sflag:s5] =	ssyncadd.s32 $0xFFFFFF80  }
0x1fa: {  	_ =	swait.ge [sflag:s8], $0x4000  }
0x1fb: {  	[sflag:s8] =	ssyncset.done $0x0  }
0x1fc: {  	[sflag:s8] =	ssyncadd.s32 $0xFFFFC000  }
0x1fd: {  	[tilespmem:s9], [sflag:$0x2] =	stream.indirect.gather [hbm4b:s17+s29], $0x80, s25, s29, $0xb8;
	[tilespmem:$0x1CB00] =	vst v63  }
0x1fe: {  	_ = 	snop  }
0x1ff: {  	[spmem:s2] =	stream.indirect.scatter.add.f32 [tilespmem:s4], [sflag:$0x3], $0x80, s26, s29, $0xb8;
	[tilespmem:$0x1CB00] =	vst v63  }
0x200: {  	_ =	swait.ge [sflag:s5], $0x4000  }
0x201: {  	[sflag:s5] =	ssyncset.done $0x0  }
0x202: {  	[sflag:s5] =	ssyncadd.s32 $0xFFFFC000  }
0x203: {  	[spmem:s14] =	stream.indirect.scatter.add.f32 [tilespmem:s6], [sflag:$0x3], $0x1, s26, s29, $0xb8;
	[tilespmem:$0x1CB00] =	vst v63  }
0x204: {  	_ =	swait.ge [sflag:s5], $0x80  }
0x205: {  	[sflag:s5] =	ssyncset.done $0x0  }
0x206: {  	[sflag:s5] =	ssyncadd.s32 $0xFFFFFF80  }
0x207: {  	_ =	swait.ge [sflag:s10], $0x4000  }
0x208: {  	[sflag:s10] =	ssyncset.done $0x0  }
0x209: {  	[sflag:s10] =	ssyncadd.s32 $0xFFFFC000  }
0x20a: {  	[spmem:s2] =	stream.indirect.scatter.add.f32 [tilespmem:s9], [sflag:$0x3], $0x80, s28, s29, $0xb8;
	[tilespmem:$0x1CB00] =	vst v63  }
0x20b: {  	_ =	swait.ge [sflag:s5], $0x4000  }
0x20c: {  	[sflag:s5] =	ssyncset.done $0x0  }
0x20d: {  	[sflag:s5] =	ssyncadd.s32 $0xFFFFC000  }
0x20e: {  	[spmem:s14] =	stream.indirect.scatter.add.f32 [tilespmem:s6], [sflag:$0x3], $0x1, s28, s29, $0xb8;
	[tilespmem:$0x1CB00] =	vst v63  }
0x20f: {  	_ =	swait.ge [sflag:s5], $0x80  }
0x210: {  	s31 =	simm.s32 $0x80;
	s30 =	simm.s32 $0x100;
	[sflag:s5] =	ssyncset.done $0x0  }
.LBB2_3:
0x211: {  	s18 =	sadd.s32 s31, s1;
	[sflag:s5] =	ssyncadd.s32 $0xFFFFFF80  }
0x212: {  	[tilespmem:s3], [sflag:$0x3] =	stream.linear.gather [hbm4b:s18+s3], $0x400, $0x38;
	[tilespmem:$0x1CB00] =	vst v63  }
0x213: {  	_ =	swait.ge [sflag:s5], $0x400  }
0x214: {  	s18 =	rddreg [dreg:$0x5];
	[sflag:s5] =	ssyncset.done $0x0  }
0x215: {  	[sflag:s5] =	ssyncadd.s32 $0xFFFFFC00;
	s18 =	sadd.s32 s31, s18  }
0x216: {  	[tilespmem:s7], [sflag:$0x3] =	stream.linear.gather [hbm4b:s18+s3], $0x400, $0x38;
	[tilespmem:$0x1CB00] =	vst v63  }
0x217: {  	_ =	swait.ge [sflag:s5], $0x400  }
0x218: {  	[sflag:s5] =	ssyncset.done $0x0  }
0x219: {  	[sflag:s5] =	ssyncadd.s32 $0xFFFFFC00  }
0x21a: {  	[tilespmem:s4], [sflag:$0x1] =	stream.indirect.gather [hbm4b:s17+s29], $0x80, s3, s29, $0xb8;
	[tilespmem:$0x1CB00] =	vst v63  }
0x21b: {  	_ =	swait.ge [sflag:s8], $0x4000  }
0x21c: {  	[sflag:s8] =	ssyncset.done $0x0  }
0x21d: {  	[sflag:s8] =	ssyncadd.s32 $0xFFFFC000  }
0x21e: {  	[tilespmem:s9], [sflag:$0x2] =	stream.indirect.gather [hbm4b:s17+s29], $0x80, s29, s29, $0xb8;
	[tilespmem:$0x1CB00] =	vst v63  }
0x21f: {  	_ = 	snop  }
0x220: {  	[spmem:s2] =	stream.indirect.scatter.add.f32 [tilespmem:s4], [sflag:$0x3], $0x80, s7, s29, $0xb8;
	[tilespmem:$0x1CB00] =	vst v63  }
0x221: {  	_ =	swait.ge [sflag:s5], $0x4000  }
0x222: {  	[sflag:s5] =	ssyncset.done $0x0  }
0x223: {  	[sflag:s5] =	ssyncadd.s32 $0xFFFFC000  }
0x224: {  	[spmem:s14] =	stream.indirect.scatter.add.f32 [tilespmem:s6], [sflag:$0x3], $0x1, s7, s29, $0xb8;
	[tilespmem:$0x1CB00] =	vst v63  }
0x225: {  	_ =	swait.ge [sflag:s5], $0x80  }
0x226: {  	[sflag:s5] =	ssyncset.done $0x0  }
0x227: {  	[sflag:s5] =	ssyncadd.s32 $0xFFFFFF80  }
0x228: {  	_ =	swait.ge [sflag:s10], $0x4000  }
0x229: {  	[sflag:s10] =	ssyncset.done $0x0  }
0x22a: {  	[sflag:s10] =	ssyncadd.s32 $0xFFFFC000  }
0x22b: {  	[tilespmem:s4], [sflag:$0x1] =	stream.indirect.gather [hbm4b:s17+s29], $0x80, s12, s29, $0xb8;
	[tilespmem:$0x1CB00] =	vst v63  }
0x22c: {  	_ = 	snop  }
0x22d: {  	[spmem:s2] =	stream.indirect.scatter.add.f32 [tilespmem:s9], [sflag:$0x3], $0x80, s13, s29, $0xb8;
	[tilespmem:$0x1CB00] =	vst v63  }
0x22e: {  	_ =	swait.ge [sflag:s5], $0x4000  }
0x22f: {  	[sflag:s5] =	ssyncset.done $0x0  }
0x230: {  	[sflag:s5] =	ssyncadd.s32 $0xFFFFC000  }
0x231: {  	[spmem:s14] =	stream.indirect.scatter.add.f32 [tilespmem:s6], [sflag:$0x3], $0x1, s13, s29, $0xb8;
	[tilespmem:$0x1CB00] =	vst v63  }
0x232: {  	_ =	swait.ge [sflag:s5], $0x80  }
0x233: {  	[sflag:s5] =	ssyncset.done $0x0  }
0x234: {  	[sflag:s5] =	ssyncadd.s32 $0xFFFFFF80  }
0x235: {  	_ =	swait.ge [sflag:s8], $0x4000  }
0x236: {  	[sflag:s8] =	ssyncset.done $0x0  }
0x237: {  	[sflag:s8] =	ssyncadd.s32 $0xFFFFC000  }
0x238: {  	[tilespmem:s9], [sflag:$0x2] =	stream.indirect.gather [hbm4b:s17+s29], $0x80, s15, s29, $0xb8;
	[tilespmem:$0x1CB00] =	vst v63  }
0x239: {  	_ = 	snop  }
0x23a: {  	[spmem:s2] =	stream.indirect.scatter.add.f32 [tilespmem:s4], [sflag:$0x3], $0x80, s19, s29, $0xb8;
	[tilespmem:$0x1CB00] =	vst v63  }
0x23b: {  	_ =	swait.ge [sflag:s5], $0x4000  }
0x23c: {  	[sflag:s5] =	ssyncset.done $0x0  }
0x23d: {  	[sflag:s5] =	ssyncadd.s32 $0xFFFFC000  }
0x23e: {  	[spmem:s14] =	stream.indirect.scatter.add.f32 [tilespmem:s6], [sflag:$0x3], $0x1, s19, s29, $0xb8;
	[tilespmem:$0x1CB00] =	vst v63  }
0x23f: {  	_ =	swait.ge [sflag:s5], $0x80  }
0x240: {  	[sflag:s5] =	ssyncset.done $0x0  }
0x241: {  	[sflag:s5] =	ssyncadd.s32 $0xFFFFFF80  }
0x242: {  	_ =	swait.ge [sflag:s10], $0x4000  }
0x243: {  	[sflag:s10] =	ssyncset.done $0x0  }
0x244: {  	[sflag:s10] =	ssyncadd.s32 $0xFFFFC000  }
0x245: {  	[tilespmem:s4], [sflag:$0x1] =	stream.indirect.gather [hbm4b:s17+s29], $0x80, s20, s29, $0xb8;
	[tilespmem:$0x1CB00] =	vst v63  }
0x246: {  	_ = 	snop  }
0x247: {  	[spmem:s2] =	stream.indirect.scatter.add.f32 [tilespmem:s9], [sflag:$0x3], $0x80, s0, s29, $0xb8;
	[tilespmem:$0x1CB00] =	vst v63  }
0x248: {  	_ =	swait.ge [sflag:s5], $0x4000  }
0x249: {  	[sflag:s5] =	ssyncset.done $0x0  }
0x24a: {  	[sflag:s5] =	ssyncadd.s32 $0xFFFFC000  }
0x24b: {  	[spmem:s14] =	stream.indirect.scatter.add.f32 [tilespmem:s6], [sflag:$0x3], $0x1, s0, s29, $0xb8;
	[tilespmem:$0x1CB00] =	vst v63  }
0x24c: {  	_ =	swait.ge [sflag:s5], $0x80  }
0x24d: {  	[sflag:s5] =	ssyncset.done $0x0  }
0x24e: {  	[sflag:s5] =	ssyncadd.s32 $0xFFFFFF80  }
0x24f: {  	_ =	swait.ge [sflag:s8], $0x4000  }
0x250: {  	[sflag:s8] =	ssyncset.done $0x0  }
0x251: {  	[sflag:s8] =	ssyncadd.s32 $0xFFFFC000  }
0x252: {  	[tilespmem:s9], [sflag:$0x2] =	stream.indirect.gather [hbm4b:s17+s29], $0x80, s21, s29, $0xb8;
	[tilespmem:$0x1CB00] =	vst v63  }
0x253: {  	_ = 	snop  }
0x254: {  	[spmem:s2] =	stream.indirect.scatter.add.f32 [tilespmem:s4], [sflag:$0x3], $0x80, s22, s29, $0xb8;
	[tilespmem:$0x1CB00] =	vst v63  }
0x255: {  	_ =	swait.ge [sflag:s5], $0x4000  }
0x256: {  	[sflag:s5] =	ssyncset.done $0x0  }
0x257: {  	[sflag:s5] =	ssyncadd.s32 $0xFFFFC000  }
0x258: {  	[spmem:s14] =	stream.indirect.scatter.add.f32 [tilespmem:s6], [sflag:$0x3], $0x1, s22, s29, $0xb8;
	[tilespmem:$0x1CB00] =	vst v63  }
0x259: {  	_ =	swait.ge [sflag:s5], $0x80  }
0x25a: {  	[sflag:s5] =	ssyncset.done $0x0  }
0x25b: {  	[sflag:s5] =	ssyncadd.s32 $0xFFFFFF80  }
0x25c: {  	_ =	swait.ge [sflag:s10], $0x4000  }
0x25d: {  	[sflag:s10] =	ssyncset.done $0x0  }
0x25e: {  	[sflag:s10] =	ssyncadd.s32 $0xFFFFC000  }
0x25f: {  	[tilespmem:s4], [sflag:$0x1] =	stream.indirect.gather [hbm4b:s17+s29], $0x80, s23, s29, $0xb8;
	[tilespmem:$0x1CB00] =	vst v63  }
0x260: {  	_ = 	snop  }
0x261: {  	[spmem:s2] =	stream.indirect.scatter.add.f32 [tilespmem:s9], [sflag:$0x3], $0x80, s24, s29, $0xb8;
	[tilespmem:$0x1CB00] =	vst v63  }
0x262: {  	_ =	swait.ge [sflag:s5], $0x4000  }
0x263: {  	[sflag:s5] =	ssyncset.done $0x0  }
0x264: {  	[sflag:s5] =	ssyncadd.s32 $0xFFFFC000  }
0x265: {  	[spmem:s14] =	stream.indirect.scatter.add.f32 [tilespmem:s6], [sflag:$0x3], $0x1, s24, s29, $0xb8;
	[tilespmem:$0x1CB00] =	vst v63  }
0x266: {  	_ =	swait.ge [sflag:s5], $0x80  }
0x267: {  	[sflag:s5] =	ssyncset.done $0x0  }
0x268: {  	[sflag:s5] =	ssyncadd.s32 $0xFFFFFF80  }
0x269: {  	_ =	swait.ge [sflag:s8], $0x4000  }
0x26a: {  	[sflag:s8] =	ssyncset.done $0x0  }
0x26b: {  	[sflag:s8] =	ssyncadd.s32 $0xFFFFC000  }
0x26c: {  	[tilespmem:s9], [sflag:$0x2] =	stream.indirect.gather [hbm4b:s17+s29], $0x80, s25, s29, $0xb8;
	[tilespmem:$0x1CB00] =	vst v63  }
0x26d: {  	_ = 	snop  }
0x26e: {  	[spmem:s2] =	stream.indirect.scatter.add.f32 [tilespmem:s4], [sflag:$0x3], $0x80, s26, s29, $0xb8;
	[tilespmem:$0x1CB00] =	vst v63  }
0x26f: {  	_ =	swait.ge [sflag:s5], $0x4000  }
0x270: {  	[sflag:s5] =	ssyncset.done $0x0  }
0x271: {  	[sflag:s5] =	ssyncadd.s32 $0xFFFFC000  }
0x272: {  	[spmem:s14] =	stream.indirect.scatter.add.f32 [tilespmem:s6], [sflag:$0x3], $0x1, s26, s29, $0xb8;
	[tilespmem:$0x1CB00] =	vst v63  }
0x273: {  	_ =	swait.ge [sflag:s5], $0x80  }
0x274: {  	[sflag:s5] =	ssyncset.done $0x0  }
0x275: {  	[sflag:s5] =	ssyncadd.s32 $0xFFFFFF80  }
0x276: {  	_ =	swait.ge [sflag:s10], $0x4000  }
0x277: {  	[sflag:s10] =	ssyncset.done $0x0  }
0x278: {  	[sflag:s10] =	ssyncadd.s32 $0xFFFFC000  }
0x279: {  	[spmem:s2] =	stream.indirect.scatter.add.f32 [tilespmem:s9], [sflag:$0x3], $0x80, s28, s29, $0xb8;
	[tilespmem:$0x1CB00] =	vst v63  }
0x27a: {  	p1 =	seq.s32 s30, $0x880;
	_ =	swait.ge [sflag:s5], $0x4000  }
.Ltmp5:
0x27b: {  	[sflag:s5] =	ssyncset.done $0x0;
	(pc) =	sbr.rel @!p1 .LBB2_3-.Ltmp5, $4  }
0x27c: {  	[sflag:s5] =	ssyncadd.s32 $0xFFFFC000  }
0x27d: {  	[spmem:s14] =	stream.indirect.scatter.add.f32 [tilespmem:s6], [sflag:$0x3], $0x1, s28, s29, $0xb8;
	[tilespmem:$0x1CB00] =	vst v63  }
0x27e: {  	s11 =	smov.u32 s30;
	s16 =	sadd.s32 $0x80, s30;
	_ =	swait.ge [sflag:s5], $0x80  }
0x27f: {  	s30 =	smov.u32 s16;
	s31 =	smov.u32 s11;
	[sflag:s5] =	ssyncset.done $0x0  }
.Ltmp6:
0x280: {  	_ = 	snop;
	(pc) =	sbr.rel .LBB2_4-.Ltmp6, $1  }
0x281: {  	_ =	sdelay $0x3  }
.LBB2_7:
0x282: {  	_ =	sfence.sel $0x180000  }
0x283: {  	[bflag:$0x0] =	sbarrier.arrive $0xFFFF  }
0x284: {  	_ =	strace $0x90000047  }
0x285: {  	s0 =	stileid.u32;
	[bflag:$0x2] =	sbarrier.arrive $0xFFFF  }
0x286: {  	p0 =	sne.s32 s0, $0x0;
	s0 =	rddreg [dreg:$0x4]  }
0x287: {  	s0 =	sadd.s32 @!p0 $0x100000, s0  }
0x288: {  	[sflag:s0] =	ssyncadd.tile.s32 @!p0 $0x1;
	_ =	shalt  }
.Lfunc_end2:
_tile_overlayer_lowered:
.L_overlay_start_2:
0x289: {  	(tag) =	ssettag $0x2  }
0x28a: {  	s0 =	rddreg [dreg:$0x0];
	s2 =	stileid.u32  }
0x28b: {  	s1 =	rddreg [dreg:$0x1];
	p0 =	sne.s32 s2, $0x0  }
0x28c: {  	s3 =	rddreg [dreg:$0x2];
	[bflag:$0x3] =	sbarrier.arrive $0xFFFF;
	s2 =	simm.s32 @!p0 $0x1C03  }
0x28d: {  	[timem:s3], [sflag:s2] =	dma.local @!p0 [hbm:s0], s1  }
0x28e: {  	s0 =	simm.s32 @!p0 $0x3  }
0x28f: {  	_ =	swait.ge @!p0 [sflag:s0], s1  }
0x290: {  	s1 =	ssub.s32 @!p0 $0x0, s1;
	[sflag:s0] =	ssyncset.done @!p0 $0x0  }
0x291: {  	[sflag:s0] =	ssyncadd.s32 @!p0 s1  }
0x292: {  	[bflag:$0x3] =	sbarrier.arrive $0xFFFF  }
0x293: {  	_ =	shalt  }

</sc_bundles>
